<compile_context>
chip_gen: v7x
topology: tpu7x:2x2x1
jax: 0.10.2.dev20260603
libtpu: 0.0.44.dev20260713+nightly
codegen_flags: <defaults>
</compile_context>

<pallas_src>
import functools

import jax
import jax.numpy as jnp
from jax import lax
from jax.experimental import pallas as pl
from jax.experimental.pallas import tpu as pltpu
from jax.experimental.pallas import tpu_sc as plsc

_VOCAB = 1000000
_D = 32
_NC = 2
_NS = 16
_NW = _NC * _NS
_BB = 128


@functools.lru_cache(maxsize=None)
def _build(batch: int, hist: int):
    nv = batch // _BB
    n_units = hist * nv
    upw = n_units // _NW
    nbuf = 4
    nt = upw // nbuf
    assert upw * _NW == n_units and nt * nbuf == upw
    mesh = plsc.VectorSubcoreMesh(
        core_axis_name="c", subcore_axis_name="s", num_cores=_NC, num_subcores=_NS
    )

    @functools.partial(
        pl.kernel,
        out_type=jax.ShapeDtypeStruct((hist, _D // 8, nv, 8 * _BB), jnp.float32),
        mesh=mesh,
        compiler_params=pltpu.CompilerParams(
            use_tc_tiling_on_sc=False, needs_layout_passes=False
        ),
        scratch_types=[
            pltpu.VMEM((upw * _BB,), jnp.int32),
            *([pltpu.VMEM((_BB, _D), jnp.float32)] * 4),
            *([pltpu.VMEM((_D * _BB,), jnp.float32)] * 4),
            *([pltpu.SemaphoreType.DMA] * 8),
        ],
    )
    def gather_kernel(table, idx, out,
                      idx_all, gat_v0, gat_v1, gat_v2, gat_v3,
                      tr_v0, tr_v1, tr_v2, tr_v3,
                      g0, g1, g2, g3, s0, s1, s2, s3):
        gat_v = (gat_v0, gat_v1, gat_v2, gat_v3)
        tr_v = (tr_v0, tr_v1, tr_v2, tr_v3)
        gsem = (g0, g1, g2, g3)
        ssem = (s0, s1, s2, s3)
        wid = lax.axis_index("s") * _NC + lax.axis_index("c")
        u0 = wid * upw
        row16 = jax.lax.iota(jnp.int32, 16)
        cpat = [lax.rem(row16 + k, 16) for k in range(16)]
        wpat = [cpat[k] * _BB + row16 for k in range(16)]

        def fire(u, b):
            lu = u - u0
            pltpu.async_copy(
                table.at[idx_all.at[pl.ds(lu * _BB, _BB)]], gat_v[b], gsem[b]
            )

        def process(u, b):
            h = u // nv
            v = lax.rem(u, nv)
            pltpu.make_async_copy(
                table.at[pl.ds(0, _BB)], gat_v[b], gsem[b]
            ).wait()
            @plsc.parallel_loop(0, (_BB // 16) * (_D // 16), unroll=4)
            def _transpose(bi):
                r0 = lax.rem(bi, _BB // 16) * 16
                c0 = (bi // (_BB // 16)) * 16
                rvec = row16 + r0
                off = c0 * _BB + r0
                for k in range(16):
                    val = plsc.load_gather(gat_v[b], [rvec, cpat[k] + c0])
                    plsc.store_scatter(tr_v[b], [wpat[k] + off], val)
            for tt in range(_D // 8):
                pltpu.async_copy(
                    tr_v[b].at[pl.ds(1024 * tt, 1024)], out.at[h, tt, v], ssem[b]
                )

        def drain_stores(b):
            pltpu.make_async_copy(
                table.at[pl.ds(0, _BB)], gat_v[b], ssem[b]
            ).wait()

        pltpu.sync_copy(idx.at[pl.ds(u0 * _BB, upw * _BB)], idx_all)

        for b in range(nbuf):
            fire(u0 + b, b)

        @pl.loop(0, nt)
        def _steady(t):
            for b in range(nbuf):
                u = u0 + nbuf * t + b

                @pl.when(t >= 1)
                def _():
                    drain_stores(b)

                process(u, b)

                @pl.when(t < nt - 1)
                def _():
                    fire(u + nbuf, b)

        for b in range(nbuf):
            drain_stores(b)

    return gather_kernel


def kernel(src, table):
    batch, hist = src.shape
    srcf = src.T.reshape(-1).astype(jnp.int32)
    x = _build(batch, hist)(table, srcf)
    x = x.reshape(hist, _D // 8, batch // _BB, 8, _BB)
    return x.transpose((2, 4, 0, 1, 3)).reshape(batch, hist, _D)

# --- scband reference (transcript-rebuilt; emitter-appended) ---
"""Pipeline reference for scband-embedding-10204842295813 (READ-ONLY COPY).

The authoritative reference and input builder live on the scoring server;
editing this copy changes nothing except your own understanding.
"""

import jax, jax.numpy as jnp
import numpy as np

VOCAB = 1000000
EMBED_DIM = 32
BATCH = 16384
HIST = 50

def setup_inputs(seed: int = 0) -> dict:
    key = jax.random.key(seed)
    k_idx, k_tab = jax.random.split(key)
    src = jax.random.randint(k_idx, (BATCH, HIST), 0, VOCAB, dtype=jnp.int64 if jax.config.jax_enable_x64 else jnp.int32)
    table = jax.random.normal(k_tab, (VOCAB, EMBED_DIM), dtype=jnp.float32)
    return {"src": src, "table": table}

def reference(src, table):
    # nn.Embedding forward: gather rows of the embedding table
    word_emb = jnp.take(table, src, axis=0)
    return word_emb

if __name__ == "__main__":
    import jax
    _d = setup_inputs()
    print(jax.jit(kernel)(*tuple(_d.values())))

</pallas_src>

<mosaic_0001>
#map = affine_map<(d0, d1) -> (0, 0)>
#map1 = affine_map<(d0, d1) -> (0)>
#map2 = affine_map<(d0, d1) -> (0, 0, 0, 0)>
module attributes {stable_mosaic.version = 14 : i64} {
  func.func @gather_kernel(%arg0: i32, %arg1: i32, %arg2: memref<1000000x32xf32, #tpu.memory_space<hbm>>, %arg3: memref<819200xi32, #tpu.memory_space<hbm>>, %arg4: memref<50x4x128x1024xf32, #tpu.memory_space<hbm>>, %arg5: memref<25600xi32, #tpu.memory_space<vmem>>, %arg6: memref<128x32xf32, #tpu.memory_space<vmem>>, %arg7: memref<128x32xf32, #tpu.memory_space<vmem>>, %arg8: memref<128x32xf32, #tpu.memory_space<vmem>>, %arg9: memref<128x32xf32, #tpu.memory_space<vmem>>, %arg10: memref<4096xf32, #tpu.memory_space<vmem>>, %arg11: memref<4096xf32, #tpu.memory_space<vmem>>, %arg12: memref<4096xf32, #tpu.memory_space<vmem>>, %arg13: memref<4096xf32, #tpu.memory_space<vmem>>, %arg14: memref<!tpu.dma_semaphore, #tpu.memory_space<semaphore_mem>>, %arg15: memref<!tpu.dma_semaphore, #tpu.memory_space<semaphore_mem>>, %arg16: memref<!tpu.dma_semaphore, #tpu.memory_space<semaphore_mem>>, %arg17: memref<!tpu.dma_semaphore, #tpu.memory_space<semaphore_mem>>, %arg18: memref<!tpu.dma_semaphore, #tpu.memory_space<semaphore_mem>>, %arg19: memref<!tpu.dma_semaphore, #tpu.memory_space<semaphore_mem>>, %arg20: memref<!tpu.dma_semaphore, #tpu.memory_space<semaphore_mem>>, %arg21: memref<!tpu.dma_semaphore, #tpu.memory_space<semaphore_mem>>) attributes {dimension_semantics = [#tpu.dimension_semantics<core_parallel>, #tpu.dimension_semantics<subcore_parallel>], iteration_bounds = array<i64: 2, 16>, scalar_prefetch = 0 : i64, scratch_operands = 17 : i64, tpu.core_type = #tpu.core_type<sc_vector_subcore>, window_params = [{transform_indices = #map}, {transform_indices = #map1}, {transform_indices = #map2}]} {
    %mul3A = arith.constant 2 : i32
    %mul3A_0 = arith.muli %arg1, %mul3A : i32
    %add3A = arith.addi %mul3A_0, %arg0 : i32
    %mul3A_1 = arith.constant 200 : i32
    %mul3A_2 = arith.muli %add3A, %mul3A_1 : i32
    %iota3A = tpu.iota {dimensions = array<i32: 0>} : vector<16xi32>
    %add3A_3 = arith.constant 0 : i32
    %add3A_4 = vector.broadcast %add3A_3 : i32 to vector<16xi32>
    %add3A_5 = arith.addi %iota3A, %add3A_4 : vector<16xi32>
    %rem3A = arith.constant 16 : i32
    %rem3A_6 = vector.broadcast %rem3A : i32 to vector<16xi32>
    %rem3A_7 = arith.remsi %add3A_5, %rem3A_6 : vector<16xi32>
    %add3A_8 = arith.constant 1 : i32
    %add3A_9 = vector.broadcast %add3A_8 : i32 to vector<16xi32>
    %add3A_10 = arith.addi %iota3A, %add3A_9 : vector<16xi32>
    %rem3A_11 = arith.constant 16 : i32
    %rem3A_12 = vector.broadcast %rem3A_11 : i32 to vector<16xi32>
    %rem3A_13 = arith.remsi %add3A_10, %rem3A_12 : vector<16xi32>
    %add3A_14 = arith.constant 2 : i32
    %add3A_15 = vector.broadcast %add3A_14 : i32 to vector<16xi32>
    %add3A_16 = arith.addi %iota3A, %add3A_15 : vector<16xi32>
    %rem3A_17 = arith.constant 16 : i32
    %rem3A_18 = vector.broadcast %rem3A_17 : i32 to vector<16xi32>
    %rem3A_19 = arith.remsi %add3A_16, %rem3A_18 : vector<16xi32>
    %add3A_20 = arith.constant 3 : i32
    %add3A_21 = vector.broadcast %add3A_20 : i32 to vector<16xi32>
    %add3A_22 = arith.addi %iota3A, %add3A_21 : vector<16xi32>
    %rem3A_23 = arith.constant 16 : i32
    %rem3A_24 = vector.broadcast %rem3A_23 : i32 to vector<16xi32>
    %rem3A_25 = arith.remsi %add3A_22, %rem3A_24 : vector<16xi32>
    %add3A_26 = arith.constant 4 : i32
    %add3A_27 = vector.broadcast %add3A_26 : i32 to vector<16xi32>
    %add3A_28 = arith.addi %iota3A, %add3A_27 : vector<16xi32>
    %rem3A_29 = arith.constant 16 : i32
    %rem3A_30 = vector.broadcast %rem3A_29 : i32 to vector<16xi32>
    %rem3A_31 = arith.remsi %add3A_28, %rem3A_30 : vector<16xi32>
    %add3A_32 = arith.constant 5 : i32
    %add3A_33 = vector.broadcast %add3A_32 : i32 to vector<16xi32>
    %add3A_34 = arith.addi %iota3A, %add3A_33 : vector<16xi32>
    %rem3A_35 = arith.constant 16 : i32
    %rem3A_36 = vector.broadcast %rem3A_35 : i32 to vector<16xi32>
    %rem3A_37 = arith.remsi %add3A_34, %rem3A_36 : vector<16xi32>
    %add3A_38 = arith.constant 6 : i32
    %add3A_39 = vector.broadcast %add3A_38 : i32 to vector<16xi32>
    %add3A_40 = arith.addi %iota3A, %add3A_39 : vector<16xi32>
    %rem3A_41 = arith.constant 16 : i32
    %rem3A_42 = vector.broadcast %rem3A_41 : i32 to vector<16xi32>
    %rem3A_43 = arith.remsi %add3A_40, %rem3A_42 : vector<16xi32>
    %add3A_44 = arith.constant 7 : i32
    %add3A_45 = vector.broadcast %add3A_44 : i32 to vector<16xi32>
    %add3A_46 = arith.addi %iota3A, %add3A_45 : vector<16xi32>
    %rem3A_47 = arith.constant 16 : i32
    %rem3A_48 = vector.broadcast %rem3A_47 : i32 to vector<16xi32>
    %rem3A_49 = arith.remsi %add3A_46, %rem3A_48 : vector<16xi32>
    %add3A_50 = arith.constant 8 : i32
    %add3A_51 = vector.broadcast %add3A_50 : i32 to vector<16xi32>
    %add3A_52 = arith.addi %iota3A, %add3A_51 : vector<16xi32>
    %rem3A_53 = arith.constant 16 : i32
    %rem3A_54 = vector.broadcast %rem3A_53 : i32 to vector<16xi32>
    %rem3A_55 = arith.remsi %add3A_52, %rem3A_54 : vector<16xi32>
    %add3A_56 = arith.constant 9 : i32
    %add3A_57 = vector.broadcast %add3A_56 : i32 to vector<16xi32>
    %add3A_58 = arith.addi %iota3A, %add3A_57 : vector<16xi32>
    %rem3A_59 = arith.constant 16 : i32
    %rem3A_60 = vector.broadcast %rem3A_59 : i32 to vector<16xi32>
    %rem3A_61 = arith.remsi %add3A_58, %rem3A_60 : vector<16xi32>
    %add3A_62 = arith.constant 10 : i32
    %add3A_63 = vector.broadcast %add3A_62 : i32 to vector<16xi32>
    %add3A_64 = arith.addi %iota3A, %add3A_63 : vector<16xi32>
    %rem3A_65 = arith.constant 16 : i32
    %rem3A_66 = vector.broadcast %rem3A_65 : i32 to vector<16xi32>
    %rem3A_67 = arith.remsi %add3A_64, %rem3A_66 : vector<16xi32>
    %add3A_68 = arith.constant 11 : i32
    %add3A_69 = vector.broadcast %add3A_68 : i32 to vector<16xi32>
    %add3A_70 = arith.addi %iota3A, %add3A_69 : vector<16xi32>
    %rem3A_71 = arith.constant 16 : i32
    %rem3A_72 = vector.broadcast %rem3A_71 : i32 to vector<16xi32>
    %rem3A_73 = arith.remsi %add3A_70, %rem3A_72 : vector<16xi32>
    %add3A_74 = arith.constant 12 : i32
    %add3A_75 = vector.broadcast %add3A_74 : i32 to vector<16xi32>
    %add3A_76 = arith.addi %iota3A, %add3A_75 : vector<16xi32>
    %rem3A_77 = arith.constant 16 : i32
    %rem3A_78 = vector.broadcast %rem3A_77 : i32 to vector<16xi32>
    %rem3A_79 = arith.remsi %add3A_76, %rem3A_78 : vector<16xi32>
    %add3A_80 = arith.constant 13 : i32
    %add3A_81 = vector.broadcast %add3A_80 : i32 to vector<16xi32>
    %add3A_82 = arith.addi %iota3A, %add3A_81 : vector<16xi32>
    %rem3A_83 = arith.constant 16 : i32
    %rem3A_84 = vector.broadcast %rem3A_83 : i32 to vector<16xi32>
    %rem3A_85 = arith.remsi %add3A_82, %rem3A_84 : vector<16xi32>
    %add3A_86 = arith.constant 14 : i32
    %add3A_87 = vector.broadcast %add3A_86 : i32 to vector<16xi32>
    %add3A_88 = arith.addi %iota3A, %add3A_87 : vector<16xi32>
    %rem3A_89 = arith.constant 16 : i32
    %rem3A_90 = vector.broadcast %rem3A_89 : i32 to vector<16xi32>
    %rem3A_91 = arith.remsi %add3A_88, %rem3A_90 : vector<16xi32>
    %add3A_92 = arith.constant 15 : i32
    %add3A_93 = vector.broadcast %add3A_92 : i32 to vector<16xi32>
    %add3A_94 = arith.addi %iota3A, %add3A_93 : vector<16xi32>
    %rem3A_95 = arith.constant 16 : i32
    %rem3A_96 = vector.broadcast %rem3A_95 : i32 to vector<16xi32>
    %rem3A_97 = arith.remsi %add3A_94, %rem3A_96 : vector<16xi32>
    %mul3A_98 = arith.constant 128 : i32
    %mul3A_99 = vector.broadcast %mul3A_98 : i32 to vector<16xi32>
    %mul3A_100 = arith.muli %rem3A_7, %mul3A_99 : vector<16xi32>
    %add3A_101 = arith.addi %mul3A_100, %iota3A : vector<16xi32>
    %mul3A_102 = arith.constant 128 : i32
    %mul3A_103 = vector.broadcast %mul3A_102 : i32 to vector<16xi32>
    %mul3A_104 = arith.muli %rem3A_13, %mul3A_103 : vector<16xi32>
    %add3A_105 = arith.addi %mul3A_104, %iota3A : vector<16xi32>
    %mul3A_106 = arith.constant 128 : i32
    %mul3A_107 = vector.broadcast %mul3A_106 : i32 to vector<16xi32>
    %mul3A_108 = arith.muli %rem3A_19, %mul3A_107 : vector<16xi32>
    %add3A_109 = arith.addi %mul3A_108, %iota3A : vector<16xi32>
    %mul3A_110 = arith.constant 128 : i32
    %mul3A_111 = vector.broadcast %mul3A_110 : i32 to vector<16xi32>
    %mul3A_112 = arith.muli %rem3A_25, %mul3A_111 : vector<16xi32>
    %add3A_113 = arith.addi %mul3A_112, %iota3A : vector<16xi32>
    %mul3A_114 = arith.constant 128 : i32
    %mul3A_115 = vector.broadcast %mul3A_114 : i32 to vector<16xi32>
    %mul3A_116 = arith.muli %rem3A_31, %mul3A_115 : vector<16xi32>
    %add3A_117 = arith.addi %mul3A_116, %iota3A : vector<16xi32>
    %mul3A_118 = arith.constant 128 : i32
    %mul3A_119 = vector.broadcast %mul3A_118 : i32 to vector<16xi32>
    %mul3A_120 = arith.muli %rem3A_37, %mul3A_119 : vector<16xi32>
    %add3A_121 = arith.addi %mul3A_120, %iota3A : vector<16xi32>
    %mul3A_122 = arith.constant 128 : i32
    %mul3A_123 = vector.broadcast %mul3A_122 : i32 to vector<16xi32>
    %mul3A_124 = arith.muli %rem3A_43, %mul3A_123 : vector<16xi32>
    %add3A_125 = arith.addi %mul3A_124, %iota3A : vector<16xi32>
    %mul3A_126 = arith.constant 128 : i32
    %mul3A_127 = vector.broadcast %mul3A_126 : i32 to vector<16xi32>
    %mul3A_128 = arith.muli %rem3A_49, %mul3A_127 : vector<16xi32>
    %add3A_129 = arith.addi %mul3A_128, %iota3A : vector<16xi32>
    %mul3A_130 = arith.constant 128 : i32
    %mul3A_131 = vector.broadcast %mul3A_130 : i32 to vector<16xi32>
    %mul3A_132 = arith.muli %rem3A_55, %mul3A_131 : vector<16xi32>
    %add3A_133 = arith.addi %mul3A_132, %iota3A : vector<16xi32>
    %mul3A_134 = arith.constant 128 : i32
    %mul3A_135 = vector.broadcast %mul3A_134 : i32 to vector<16xi32>
    %mul3A_136 = arith.muli %rem3A_61, %mul3A_135 : vector<16xi32>
    %add3A_137 = arith.addi %mul3A_136, %iota3A : vector<16xi32>
    %mul3A_138 = arith.constant 128 : i32
    %mul3A_139 = vector.broadcast %mul3A_138 : i32 to vector<16xi32>
    %mul3A_140 = arith.muli %rem3A_67, %mul3A_139 : vector<16xi32>
    %add3A_141 = arith.addi %mul3A_140, %iota3A : vector<16xi32>
    %mul3A_142 = arith.constant 128 : i32
    %mul3A_143 = vector.broadcast %mul3A_142 : i32 to vector<16xi32>
    %mul3A_144 = arith.muli %rem3A_73, %mul3A_143 : vector<16xi32>
    %add3A_145 = arith.addi %mul3A_144, %iota3A : vector<16xi32>
    %mul3A_146 = arith.constant 128 : i32
    %mul3A_147 = vector.broadcast %mul3A_146 : i32 to vector<16xi32>
    %mul3A_148 = arith.muli %rem3A_79, %mul3A_147 : vector<16xi32>
    %add3A_149 = arith.addi %mul3A_148, %iota3A : vector<16xi32>
    %mul3A_150 = arith.constant 128 : i32
    %mul3A_151 = vector.broadcast %mul3A_150 : i32 to vector<16xi32>
    %mul3A_152 = arith.muli %rem3A_85, %mul3A_151 : vector<16xi32>
    %add3A_153 = arith.addi %mul3A_152, %iota3A : vector<16xi32>
    %mul3A_154 = arith.constant 128 : i32
    %mul3A_155 = vector.broadcast %mul3A_154 : i32 to vector<16xi32>
    %mul3A_156 = arith.muli %rem3A_91, %mul3A_155 : vector<16xi32>
    %add3A_157 = arith.addi %mul3A_156, %iota3A : vector<16xi32>
    %mul3A_158 = arith.constant 128 : i32
    %mul3A_159 = vector.broadcast %mul3A_158 : i32 to vector<16xi32>
    %mul3A_160 = arith.muli %rem3A_97, %mul3A_159 : vector<16xi32>
    %add3A_161 = arith.addi %mul3A_160, %iota3A : vector<16xi32>
    %mul3A_162 = arith.constant 128 : i32
    %mul3A_163 = arith.muli %mul3A_2, %mul3A_162 : i32
    "tpu.region"() ({
      %run_scoped3A = tpu.sem_alloc : memref<!tpu.dma_semaphore, #tpu.memory_space<semaphore_mem>>
      %dma_start3A_225 = tpu.memref_slice %arg3[%mul3A_163] : memref<819200xi32, #tpu.memory_space<hbm>> -> memref<25600xi32, #tpu.memory_space<hbm>>
      %dma_start3A_226 = tpu.memref_slice %arg3[%mul3A_163] : memref<819200xi32, #tpu.memory_space<hbm>> -> memref<25600xi32, #tpu.memory_space<hbm>>
      tpu.enqueue_dma source(%dma_start3A_226 : memref<25600xi32, #tpu.memory_space<hbm>>) target(%arg5 : memref<25600xi32, #tpu.memory_space<vmem>>) target_semaphore(%run_scoped3A : memref<!tpu.dma_semaphore, #tpu.memory_space<semaphore_mem>>)
      %dma_wait3A_227 = tpu.memref_slice %arg3[%mul3A_163] : memref<819200xi32, #tpu.memory_space<hbm>> -> memref<25600xi32, #tpu.memory_space<hbm>>
      %dma_wait3A_228 = tpu.memref_slice %arg3[%mul3A_163] : memref<819200xi32, #tpu.memory_space<hbm>> -> memref<25600xi32, #tpu.memory_space<hbm>>
      tpu.wait_dma2 semaphore(%run_scoped3A : memref<!tpu.dma_semaphore, #tpu.memory_space<semaphore_mem>>) src(%dma_wait3A_228 : memref<25600xi32, #tpu.memory_space<hbm>>) dst(%arg5 : memref<25600xi32, #tpu.memory_space<vmem>>)
      tpu.yield
    }) : () -> ()
    %add3A_164 = arith.constant 0 : i32
    %add3A_165 = arith.addi %mul3A_2, %add3A_164 : i32
    %sub3A = arith.subi %add3A_165, %mul3A_2 : i32
    %mul3A_166 = arith.constant 128 : i32
    %mul3A_167 = arith.muli %sub3A, %mul3A_166 : i32
    %dma_start3A = tpu.memref_slice %arg5[%mul3A_167] : memref<25600xi32, #tpu.memory_space<vmem>> -> memref<128xi32, #tpu.memory_space<vmem>>
    %dma_start3A_168 = arith.constant 0 : i32
    %dma_start3A_169 = arith.constant 0 : i32
    %dma_start3A_170 = tpu.memref_slice %arg2[%dma_start3A_168, %dma_start3A_169] : memref<1000000x32xf32, #tpu.memory_space<hbm>> -> memref<1000000x32xf32, #tpu.memory_space<hbm>>
    tpu.enqueue_indirect_dma source(%dma_start3A_170 : memref<1000000x32xf32, #tpu.memory_space<hbm>>) target(%arg6 : memref<128x32xf32, #tpu.memory_space<vmem>>) offsets(%dma_start3A : memref<128xi32, #tpu.memory_space<vmem>>) semaphore(%arg14 : memref<!tpu.dma_semaphore, #tpu.memory_space<semaphore_mem>>)
    %add3A_171 = arith.constant 1 : i32
    %add3A_172 = arith.addi %mul3A_2, %add3A_171 : i32
    %sub3A_173 = arith.subi %add3A_172, %mul3A_2 : i32
    %mul3A_174 = arith.constant 128 : i32
    %mul3A_175 = arith.muli %sub3A_173, %mul3A_174 : i32
    %dma_start3A_176 = tpu.memref_slice %arg5[%mul3A_175] : memref<25600xi32, #tpu.memory_space<vmem>> -> memref<128xi32, #tpu.memory_space<vmem>>
    %dma_start3A_177 = arith.constant 0 : i32
    %dma_start3A_178 = arith.constant 0 : i32
    %dma_start3A_179 = tpu.memref_slice %arg2[%dma_start3A_177, %dma_start3A_178] : memref<1000000x32xf32, #tpu.memory_space<hbm>> -> memref<1000000x32xf32, #tpu.memory_space<hbm>>
    tpu.enqueue_indirect_dma source(%dma_start3A_179 : memref<1000000x32xf32, #tpu.memory_space<hbm>>) target(%arg7 : memref<128x32xf32, #tpu.memory_space<vmem>>) offsets(%dma_start3A_176 : memref<128xi32, #tpu.memory_space<vmem>>) semaphore(%arg15 : memref<!tpu.dma_semaphore, #tpu.memory_space<semaphore_mem>>)
    %add3A_180 = arith.constant 2 : i32
    %add3A_181 = arith.addi %mul3A_2, %add3A_180 : i32
    %sub3A_182 = arith.subi %add3A_181, %mul3A_2 : i32
    %mul3A_183 = arith.constant 128 : i32
    %mul3A_184 = arith.muli %sub3A_182, %mul3A_183 : i32
    %dma_start3A_185 = tpu.memref_slice %arg5[%mul3A_184] : memref<25600xi32, #tpu.memory_space<vmem>> -> memref<128xi32, #tpu.memory_space<vmem>>
    %dma_start3A_186 = arith.constant 0 : i32
    %dma_start3A_187 = arith.constant 0 : i32
    %dma_start3A_188 = tpu.memref_slice %arg2[%dma_start3A_186, %dma_start3A_187] : memref<1000000x32xf32, #tpu.memory_space<hbm>> -> memref<1000000x32xf32, #tpu.memory_space<hbm>>
    tpu.enqueue_indirect_dma source(%dma_start3A_188 : memref<1000000x32xf32, #tpu.memory_space<hbm>>) target(%arg8 : memref<128x32xf32, #tpu.memory_space<vmem>>) offsets(%dma_start3A_185 : memref<128xi32, #tpu.memory_space<vmem>>) semaphore(%arg16 : memref<!tpu.dma_semaphore, #tpu.memory_space<semaphore_mem>>)
    %add3A_189 = arith.constant 3 : i32
    %add3A_190 = arith.addi %mul3A_2, %add3A_189 : i32
    %sub3A_191 = arith.subi %add3A_190, %mul3A_2 : i32
    %mul3A_192 = arith.constant 128 : i32
    %mul3A_193 = arith.muli %sub3A_191, %mul3A_192 : i32
    %dma_start3A_194 = tpu.memref_slice %arg5[%mul3A_193] : memref<25600xi32, #tpu.memory_space<vmem>> -> memref<128xi32, #tpu.memory_space<vmem>>
    %dma_start3A_195 = arith.constant 0 : i32
    %dma_start3A_196 = arith.constant 0 : i32
    %dma_start3A_197 = tpu.memref_slice %arg2[%dma_start3A_195, %dma_start3A_196] : memref<1000000x32xf32, #tpu.memory_space<hbm>> -> memref<1000000x32xf32, #tpu.memory_space<hbm>>
    tpu.enqueue_indirect_dma source(%dma_start3A_197 : memref<1000000x32xf32, #tpu.memory_space<hbm>>) target(%arg9 : memref<128x32xf32, #tpu.memory_space<vmem>>) offsets(%dma_start3A_194 : memref<128xi32, #tpu.memory_space<vmem>>) semaphore(%arg17 : memref<!tpu.dma_semaphore, #tpu.memory_space<semaphore_mem>>)
    %scan3A = arith.constant 0 : i32
    %scan3A_198 = arith.constant 50 : i32
    %scan3A_199 = arith.addi %scan3A, %scan3A_198 : i32
    %scan3A_200 = arith.constant 1 : i32
    scf.for %scan3A_225 = %scan3A to %scan3A_199 step %scan3A_200  : i32 {
      %mul3A_226 = arith.constant 1 : i32
      %mul3A_227 = arith.muli %scan3A_225, %mul3A_226 : i32
      %add3A_228 = arith.constant 0 : i32
      %add3A_229 = arith.addi %add3A_228, %mul3A_227 : i32
      %mul3A_230 = arith.constant 4 : i32
      %mul3A_231 = arith.muli %mul3A_230, %add3A_229 : i32
      %add3A_232 = arith.addi %mul3A_2, %mul3A_231 : i32
      %add3A_233 = arith.constant 0 : i32
      %add3A_234 = arith.addi %add3A_232, %add3A_233 : i32
      %ge3A = arith.constant 1 : i32
      %ge3A_235 = arith.cmpi sge, %add3A_229, %ge3A : i32
      %convert_element_type3A = arith.extui %ge3A_235 : i1 to i32
      %cond3A = arith.constant 0 : i32
      %cond3A_236 = arith.cmpi ne, %convert_element_type3A, %cond3A : i32
      scf.if %cond3A_236 {
        %dma_wait3A_595 = arith.constant 0 : i32
        %dma_wait3A_596 = arith.constant 0 : i32
        %dma_wait3A_597 = tpu.memref_slice %arg2[%dma_wait3A_595, %dma_wait3A_596] : memref<1000000x32xf32, #tpu.memory_space<hbm>> -> memref<128x32xf32, #tpu.memory_space<hbm>>
        %dma_wait3A_598 = arith.constant 0 : i32
        %dma_wait3A_599 = arith.constant 0 : i32
        %dma_wait3A_600 = tpu.memref_slice %arg2[%dma_wait3A_598, %dma_wait3A_599] : memref<1000000x32xf32, #tpu.memory_space<hbm>> -> memref<128x32xf32, #tpu.memory_space<hbm>>
        tpu.wait_dma2 semaphore(%arg18 : memref<!tpu.dma_semaphore, #tpu.memory_space<semaphore_mem>>) src(%dma_wait3A_600 : memref<128x32xf32, #tpu.memory_space<hbm>>) dst(%arg6 : memref<128x32xf32, #tpu.memory_space<vmem>>)
      } else {
      }
      %jit3A = arith.constant 128 : i32
      %div3A = arith.divsi %add3A_234, %jit3A : i32
      %sign3A = arith.constant 0 : i32
      %sign3A_237 = arith.cmpi sgt, %add3A_234, %sign3A : i32
      %sign3A_238 = arith.extui %sign3A_237 : i1 to i32
      %sign3A_239 = arith.constant 0 : i32
      %sign3A_240 = arith.cmpi slt, %add3A_234, %sign3A_239 : i32
      %sign3A_241 = arith.extui %sign3A_240 : i1 to i32
      %sign3A_242 = arith.subi %sign3A_238, %sign3A_241 : i32
      %sign3A_243 = arith.constant 0 : i32
      %sign3A_244 = arith.cmpi sgt, %jit3A, %sign3A_243 : i32
      %sign3A_245 = arith.extui %sign3A_244 : i1 to i32
      %sign3A_246 = arith.constant 0 : i32
      %sign3A_247 = arith.cmpi slt, %jit3A, %sign3A_246 : i32
      %sign3A_248 = arith.extui %sign3A_247 : i1 to i32
      %sign3A_249 = arith.subi %sign3A_245, %sign3A_248 : i32
      %ne3A = arith.cmpi ne, %sign3A_242, %sign3A_249 : i32
      %rem3A_250 = arith.remsi %add3A_234, %jit3A : i32
      %ne3A_251 = arith.constant 0 : i32
      %ne3A_252 = arith.cmpi ne, %rem3A_250, %ne3A_251 : i32
      %and3A = arith.andi %ne3A, %ne3A_252 : i1
      %sub3A_253 = arith.constant 1 : i32
      %sub3A_254 = arith.subi %div3A, %sub3A_253 : i32
      %select_n3A = arith.select %and3A, %sub3A_254, %div3A : i32
      %rem3A_255 = arith.constant 128 : i32
      %rem3A_256 = arith.remsi %add3A_234, %rem3A_255 : i32
      %dma_wait3A_257 = arith.constant 0 : i32
      %dma_wait3A_258 = arith.constant 0 : i32
      %dma_wait3A_259 = tpu.memref_slice %arg2[%dma_wait3A_257, %dma_wait3A_258] : memref<1000000x32xf32, #tpu.memory_space<hbm>> -> memref<128x32xf32, #tpu.memory_space<hbm>>
      %dma_wait3A_260 = arith.constant 0 : i32
      %dma_wait3A_261 = arith.constant 0 : i32
      %dma_wait3A_262 = tpu.memref_slice %arg2[%dma_wait3A_260, %dma_wait3A_261] : memref<1000000x32xf32, #tpu.memory_space<hbm>> -> memref<128x32xf32, #tpu.memory_space<hbm>>
      tpu.wait_dma2 semaphore(%arg14 : memref<!tpu.dma_semaphore, #tpu.memory_space<semaphore_mem>>) src(%dma_wait3A_262 : memref<128x32xf32, #tpu.memory_space<hbm>>) dst(%arg6 : memref<128x32xf32, #tpu.memory_space<vmem>>)
      %parallel_loop3A = arith.constant 0 : i32
      %parallel_loop3A_263 = arith.constant 16 : i32
      %parallel_loop3A_264 = arith.constant 1 : i32
      scf.for %parallel_loop3A_595 = %parallel_loop3A to %parallel_loop3A_263 step %parallel_loop3A_264  : i32 {
        %parallel_loop3A_596 = arith.constant 8 : i32
        %parallel_loop3A_597 = arith.remsi %parallel_loop3A_595, %parallel_loop3A_596 : i32
        %parallel_loop3A_598 = arith.constant 16 : i32
        %parallel_loop3A_599 = arith.muli %parallel_loop3A_597, %parallel_loop3A_598 : i32
        %parallel_loop3A_600 = arith.constant 8 : i32
        %parallel_loop3A_601 = arith.divsi %parallel_loop3A_595, %parallel_loop3A_600 : i32
        %parallel_loop3A_602 = arith.constant 0 : i32
        %parallel_loop3A_603 = arith.cmpi sgt, %parallel_loop3A_595, %parallel_loop3A_602 : i32
        %parallel_loop3A_604 = arith.extui %parallel_loop3A_603 : i1 to i32
        %parallel_loop3A_605 = arith.constant 0 : i32
        %parallel_loop3A_606 = arith.cmpi slt, %parallel_loop3A_595, %parallel_loop3A_605 : i32
        %parallel_loop3A_607 = arith.extui %parallel_loop3A_606 : i1 to i32
        %parallel_loop3A_608 = arith.subi %parallel_loop3A_604, %parallel_loop3A_607 : i32
        %parallel_loop3A_609 = arith.constant 0 : i32
        %parallel_loop3A_610 = arith.cmpi sgt, %parallel_loop3A_600, %parallel_loop3A_609 : i32
        %parallel_loop3A_611 = arith.extui %parallel_loop3A_610 : i1 to i32
        %parallel_loop3A_612 = arith.constant 0 : i32
        %parallel_loop3A_613 = arith.cmpi slt, %parallel_loop3A_600, %parallel_loop3A_612 : i32
        %parallel_loop3A_614 = arith.extui %parallel_loop3A_613 : i1 to i32
        %parallel_loop3A_615 = arith.subi %parallel_loop3A_611, %parallel_loop3A_614 : i32
        %parallel_loop3A_616 = arith.cmpi ne, %parallel_loop3A_608, %parallel_loop3A_615 : i32
        %parallel_loop3A_617 = arith.remsi %parallel_loop3A_595, %parallel_loop3A_600 : i32
        %parallel_loop3A_618 = arith.constant 0 : i32
        %parallel_loop3A_619 = arith.cmpi ne, %parallel_loop3A_617, %parallel_loop3A_618 : i32
        %parallel_loop3A_620 = arith.andi %parallel_loop3A_616, %parallel_loop3A_619 : i1
        %parallel_loop3A_621 = arith.constant 1 : i32
        %parallel_loop3A_622 = arith.subi %parallel_loop3A_601, %parallel_loop3A_621 : i32
        %parallel_loop3A_623 = arith.select %parallel_loop3A_620, %parallel_loop3A_622, %parallel_loop3A_601 : i32
        %parallel_loop3A_624 = arith.constant 16 : i32
        %parallel_loop3A_625 = arith.muli %parallel_loop3A_623, %parallel_loop3A_624 : i32
        %parallel_loop3A_626 = vector.broadcast %parallel_loop3A_599 : i32 to vector<16xi32>
        %parallel_loop3A_627 = arith.addi %iota3A, %parallel_loop3A_626 : vector<16xi32>
        %parallel_loop3A_628 = arith.constant 128 : i32
        %parallel_loop3A_629 = arith.muli %parallel_loop3A_625, %parallel_loop3A_628 : i32
        %parallel_loop3A_630 = arith.addi %parallel_loop3A_629, %parallel_loop3A_599 : i32
        %parallel_loop3A_631 = vector.broadcast %parallel_loop3A_625 : i32 to vector<16xi32>
        %parallel_loop3A_632 = arith.addi %rem3A_7, %parallel_loop3A_631 : vector<16xi32>
        %parallel_loop3A_633 = tpu.vector_load_idx %arg6[%parallel_loop3A_627, %parallel_loop3A_632] : memref<128x32xf32, #tpu.memory_space<vmem>>[vector<16xi32>, vector<16xi32>], vector<16xf32>,
        %parallel_loop3A_634 = vector.broadcast %parallel_loop3A_630 : i32 to vector<16xi32>
        %parallel_loop3A_635 = arith.addi %add3A_101, %parallel_loop3A_634 : vector<16xi32>
        tpu.vector_store_idx %arg10[%parallel_loop3A_635], %parallel_loop3A_633 : memref<4096xf32, #tpu.memory_space<vmem>>[vector<16xi32>], vector<16xf32>,
        %parallel_loop3A_636 = vector.broadcast %parallel_loop3A_625 : i32 to vector<16xi32>
        %parallel_loop3A_637 = arith.addi %rem3A_13, %parallel_loop3A_636 : vector<16xi32>
        %parallel_loop3A_638 = tpu.vector_load_idx %arg6[%parallel_loop3A_627, %parallel_loop3A_637] : memref<128x32xf32, #tpu.memory_space<vmem>>[vector<16xi32>, vector<16xi32>], vector<16xf32>,
        %parallel_loop3A_639 = vector.broadcast %parallel_loop3A_630 : i32 to vector<16xi32>
        %parallel_loop3A_640 = arith.addi %add3A_105, %parallel_loop3A_639 : vector<16xi32>
        tpu.vector_store_idx %arg10[%parallel_loop3A_640], %parallel_loop3A_638 : memref<4096xf32, #tpu.memory_space<vmem>>[vector<16xi32>], vector<16xf32>,
        %parallel_loop3A_641 = vector.broadcast %parallel_loop3A_625 : i32 to vector<16xi32>
        %parallel_loop3A_642 = arith.addi %rem3A_19, %parallel_loop3A_641 : vector<16xi32>
        %parallel_loop3A_643 = tpu.vector_load_idx %arg6[%parallel_loop3A_627, %parallel_loop3A_642] : memref<128x32xf32, #tpu.memory_space<vmem>>[vector<16xi32>, vector<16xi32>], vector<16xf32>,
        %parallel_loop3A_644 = vector.broadcast %parallel_loop3A_630 : i32 to vector<16xi32>
        %parallel_loop3A_645 = arith.addi %add3A_109, %parallel_loop3A_644 : vector<16xi32>
        tpu.vector_store_idx %arg10[%parallel_loop3A_645], %parallel_loop3A_643 : memref<4096xf32, #tpu.memory_space<vmem>>[vector<16xi32>], vector<16xf32>,
        %parallel_loop3A_646 = vector.broadcast %parallel_loop3A_625 : i32 to vector<16xi32>
        %parallel_loop3A_647 = arith.addi %rem3A_25, %parallel_loop3A_646 : vector<16xi32>
        %parallel_loop3A_648 = tpu.vector_load_idx %arg6[%parallel_loop3A_627, %parallel_loop3A_647] : memref<128x32xf32, #tpu.memory_space<vmem>>[vector<16xi32>, vector<16xi32>], vector<16xf32>,
        %parallel_loop3A_649 = vector.broadcast %parallel_loop3A_630 : i32 to vector<16xi32>
        %parallel_loop3A_650 = arith.addi %add3A_113, %parallel_loop3A_649 : vector<16xi32>
        tpu.vector_store_idx %arg10[%parallel_loop3A_650], %parallel_loop3A_648 : memref<4096xf32, #tpu.memory_space<vmem>>[vector<16xi32>], vector<16xf32>,
        %parallel_loop3A_651 = vector.broadcast %parallel_loop3A_625 : i32 to vector<16xi32>
        %parallel_loop3A_652 = arith.addi %rem3A_31, %parallel_loop3A_651 : vector<16xi32>
        %parallel_loop3A_653 = tpu.vector_load_idx %arg6[%parallel_loop3A_627, %parallel_loop3A_652] : memref<128x32xf32, #tpu.memory_space<vmem>>[vector<16xi32>, vector<16xi32>], vector<16xf32>,
        %parallel_loop3A_654 = vector.broadcast %parallel_loop3A_630 : i32 to vector<16xi32>
        %parallel_loop3A_655 = arith.addi %add3A_117, %parallel_loop3A_654 : vector<16xi32>
        tpu.vector_store_idx %arg10[%parallel_loop3A_655], %parallel_loop3A_653 : memref<4096xf32, #tpu.memory_space<vmem>>[vector<16xi32>], vector<16xf32>,
        %parallel_loop3A_656 = vector.broadcast %parallel_loop3A_625 : i32 to vector<16xi32>
        %parallel_loop3A_657 = arith.addi %rem3A_37, %parallel_loop3A_656 : vector<16xi32>
        %parallel_loop3A_658 = tpu.vector_load_idx %arg6[%parallel_loop3A_627, %parallel_loop3A_657] : memref<128x32xf32, #tpu.memory_space<vmem>>[vector<16xi32>, vector<16xi32>], vector<16xf32>,
        %parallel_loop3A_659 = vector.broadcast %parallel_loop3A_630 : i32 to vector<16xi32>
        %parallel_loop3A_660 = arith.addi %add3A_121, %parallel_loop3A_659 : vector<16xi32>
        tpu.vector_store_idx %arg10[%parallel_loop3A_660], %parallel_loop3A_658 : memref<4096xf32, #tpu.memory_space<vmem>>[vector<16xi32>], vector<16xf32>,
        %parallel_loop3A_661 = vector.broadcast %parallel_loop3A_625 : i32 to vector<16xi32>
        %parallel_loop3A_662 = arith.addi %rem3A_43, %parallel_loop3A_661 : vector<16xi32>
        %parallel_loop3A_663 = tpu.vector_load_idx %arg6[%parallel_loop3A_627, %parallel_loop3A_662] : memref<128x32xf32, #tpu.memory_space<vmem>>[vector<16xi32>, vector<16xi32>], vector<16xf32>,
        %parallel_loop3A_664 = vector.broadcast %parallel_loop3A_630 : i32 to vector<16xi32>
        %parallel_loop3A_665 = arith.addi %add3A_125, %parallel_loop3A_664 : vector<16xi32>
        tpu.vector_store_idx %arg10[%parallel_loop3A_665], %parallel_loop3A_663 : memref<4096xf32, #tpu.memory_space<vmem>>[vector<16xi32>], vector<16xf32>,
        %parallel_loop3A_666 = vector.broadcast %parallel_loop3A_625 : i32 to vector<16xi32>
        %parallel_loop3A_667 = arith.addi %rem3A_49, %parallel_loop3A_666 : vector<16xi32>
        %parallel_loop3A_668 = tpu.vector_load_idx %arg6[%parallel_loop3A_627, %parallel_loop3A_667] : memref<128x32xf32, #tpu.memory_space<vmem>>[vector<16xi32>, vector<16xi32>], vector<16xf32>,
        %parallel_loop3A_669 = vector.broadcast %parallel_loop3A_630 : i32 to vector<16xi32>
        %parallel_loop3A_670 = arith.addi %add3A_129, %parallel_loop3A_669 : vector<16xi32>
        tpu.vector_store_idx %arg10[%parallel_loop3A_670], %parallel_loop3A_668 : memref<4096xf32, #tpu.memory_space<vmem>>[vector<16xi32>], vector<16xf32>,
        %parallel_loop3A_671 = vector.broadcast %parallel_loop3A_625 : i32 to vector<16xi32>
        %parallel_loop3A_672 = arith.addi %rem3A_55, %parallel_loop3A_671 : vector<16xi32>
        %parallel_loop3A_673 = tpu.vector_load_idx %arg6[%parallel_loop3A_627, %parallel_loop3A_672] : memref<128x32xf32, #tpu.memory_space<vmem>>[vector<16xi32>, vector<16xi32>], vector<16xf32>,
        %parallel_loop3A_674 = vector.broadcast %parallel_loop3A_630 : i32 to vector<16xi32>
        %parallel_loop3A_675 = arith.addi %add3A_133, %parallel_loop3A_674 : vector<16xi32>
        tpu.vector_store_idx %arg10[%parallel_loop3A_675], %parallel_loop3A_673 : memref<4096xf32, #tpu.memory_space<vmem>>[vector<16xi32>], vector<16xf32>,
        %parallel_loop3A_676 = vector.broadcast %parallel_loop3A_625 : i32 to vector<16xi32>
        %parallel_loop3A_677 = arith.addi %rem3A_61, %parallel_loop3A_676 : vector<16xi32>
        %parallel_loop3A_678 = tpu.vector_load_idx %arg6[%parallel_loop3A_627, %parallel_loop3A_677] : memref<128x32xf32, #tpu.memory_space<vmem>>[vector<16xi32>, vector<16xi32>], vector<16xf32>,
        %parallel_loop3A_679 = vector.broadcast %parallel_loop3A_630 : i32 to vector<16xi32>
        %parallel_loop3A_680 = arith.addi %add3A_137, %parallel_loop3A_679 : vector<16xi32>
        tpu.vector_store_idx %arg10[%parallel_loop3A_680], %parallel_loop3A_678 : memref<4096xf32, #tpu.memory_space<vmem>>[vector<16xi32>], vector<16xf32>,
        %parallel_loop3A_681 = vector.broadcast %parallel_loop3A_625 : i32 to vector<16xi32>
        %parallel_loop3A_682 = arith.addi %rem3A_67, %parallel_loop3A_681 : vector<16xi32>
        %parallel_loop3A_683 = tpu.vector_load_idx %arg6[%parallel_loop3A_627, %parallel_loop3A_682] : memref<128x32xf32, #tpu.memory_space<vmem>>[vector<16xi32>, vector<16xi32>], vector<16xf32>,
        %parallel_loop3A_684 = vector.broadcast %parallel_loop3A_630 : i32 to vector<16xi32>
        %parallel_loop3A_685 = arith.addi %add3A_141, %parallel_loop3A_684 : vector<16xi32>
        tpu.vector_store_idx %arg10[%parallel_loop3A_685], %parallel_loop3A_683 : memref<4096xf32, #tpu.memory_space<vmem>>[vector<16xi32>], vector<16xf32>,
        %parallel_loop3A_686 = vector.broadcast %parallel_loop3A_625 : i32 to vector<16xi32>
        %parallel_loop3A_687 = arith.addi %rem3A_73, %parallel_loop3A_686 : vector<16xi32>
        %parallel_loop3A_688 = tpu.vector_load_idx %arg6[%parallel_loop3A_627, %parallel_loop3A_687] : memref<128x32xf32, #tpu.memory_space<vmem>>[vector<16xi32>, vector<16xi32>], vector<16xf32>,
        %parallel_loop3A_689 = vector.broadcast %parallel_loop3A_630 : i32 to vector<16xi32>
        %parallel_loop3A_690 = arith.addi %add3A_145, %parallel_loop3A_689 : vector<16xi32>
        tpu.vector_store_idx %arg10[%parallel_loop3A_690], %parallel_loop3A_688 : memref<4096xf32, #tpu.memory_space<vmem>>[vector<16xi32>], vector<16xf32>,
        %parallel_loop3A_691 = vector.broadcast %parallel_loop3A_625 : i32 to vector<16xi32>
        %parallel_loop3A_692 = arith.addi %rem3A_79, %parallel_loop3A_691 : vector<16xi32>
        %parallel_loop3A_693 = tpu.vector_load_idx %arg6[%parallel_loop3A_627, %parallel_loop3A_692] : memref<128x32xf32, #tpu.memory_space<vmem>>[vector<16xi32>, vector<16xi32>], vector<16xf32>,
        %parallel_loop3A_694 = vector.broadcast %parallel_loop3A_630 : i32 to vector<16xi32>
        %parallel_loop3A_695 = arith.addi %add3A_149, %parallel_loop3A_694 : vector<16xi32>
        tpu.vector_store_idx %arg10[%parallel_loop3A_695], %parallel_loop3A_693 : memref<4096xf32, #tpu.memory_space<vmem>>[vector<16xi32>], vector<16xf32>,
        %parallel_loop3A_696 = vector.broadcast %parallel_loop3A_625 : i32 to vector<16xi32>
        %parallel_loop3A_697 = arith.addi %rem3A_85, %parallel_loop3A_696 : vector<16xi32>
        %parallel_loop3A_698 = tpu.vector_load_idx %arg6[%parallel_loop3A_627, %parallel_loop3A_697] : memref<128x32xf32, #tpu.memory_space<vmem>>[vector<16xi32>, vector<16xi32>], vector<16xf32>,
        %parallel_loop3A_699 = vector.broadcast %parallel_loop3A_630 : i32 to vector<16xi32>
        %parallel_loop3A_700 = arith.addi %add3A_153, %parallel_loop3A_699 : vector<16xi32>
        tpu.vector_store_idx %arg10[%parallel_loop3A_700], %parallel_loop3A_698 : memref<4096xf32, #tpu.memory_space<vmem>>[vector<16xi32>], vector<16xf32>,
        %parallel_loop3A_701 = vector.broadcast %parallel_loop3A_625 : i32 to vector<16xi32>
        %parallel_loop3A_702 = arith.addi %rem3A_91, %parallel_loop3A_701 : vector<16xi32>
        %parallel_loop3A_703 = tpu.vector_load_idx %arg6[%parallel_loop3A_627, %parallel_loop3A_702] : memref<128x32xf32, #tpu.memory_space<vmem>>[vector<16xi32>, vector<16xi32>], vector<16xf32>,
        %parallel_loop3A_704 = vector.broadcast %parallel_loop3A_630 : i32 to vector<16xi32>
        %parallel_loop3A_705 = arith.addi %add3A_157, %parallel_loop3A_704 : vector<16xi32>
        tpu.vector_store_idx %arg10[%parallel_loop3A_705], %parallel_loop3A_703 : memref<4096xf32, #tpu.memory_space<vmem>>[vector<16xi32>], vector<16xf32>,
        %parallel_loop3A_706 = vector.broadcast %parallel_loop3A_625 : i32 to vector<16xi32>
        %parallel_loop3A_707 = arith.addi %rem3A_97, %parallel_loop3A_706 : vector<16xi32>
        %parallel_loop3A_708 = tpu.vector_load_idx %arg6[%parallel_loop3A_627, %parallel_loop3A_707] : memref<128x32xf32, #tpu.memory_space<vmem>>[vector<16xi32>, vector<16xi32>], vector<16xf32>,
        %parallel_loop3A_709 = vector.broadcast %parallel_loop3A_630 : i32 to vector<16xi32>
        %parallel_loop3A_710 = arith.addi %add3A_161, %parallel_loop3A_709 : vector<16xi32>
        tpu.vector_store_idx %arg10[%parallel_loop3A_710], %parallel_loop3A_708 : memref<4096xf32, #tpu.memory_space<vmem>>[vector<16xi32>], vector<16xf32>,
      } {sc.loop_unroll_factor = 4 : i64, sc.parallel_access}
      %dma_start3A_265 = arith.constant 0 : i32
      %dma_start3A_266 = arith.constant 0 : i32
      %dma_start3A_267 = tpu.memref_slice %arg10[%dma_start3A_266] : memref<4096xf32, #tpu.memory_space<vmem>> -> memref<1024xf32, #tpu.memory_space<vmem>>
      %dma_start3A_268 = arith.constant 0 : i32
      %dma_start3A_269 = tpu.memref_slice %arg4[%select_n3A, %dma_start3A_265, %rem3A_256, %dma_start3A_268] : memref<50x4x128x1024xf32, #tpu.memory_space<hbm>> -> memref<1x1x1x1024xf32, #tpu.memory_space<hbm>>
      %dma_start3A_270 = tpu.memref_squeeze %dma_start3A_269 : memref<1x1x1x1024xf32, #tpu.memory_space<hbm>> -> memref<1024xf32, #tpu.memory_space<hbm>>
      %dma_start3A_271 = arith.constant 0 : i32
      %dma_start3A_272 = tpu.memref_slice %arg4[%select_n3A, %dma_start3A_265, %rem3A_256, %dma_start3A_271] : memref<50x4x128x1024xf32, #tpu.memory_space<hbm>> -> memref<1x1x1x1024xf32, #tpu.memory_space<hbm>>
      %dma_start3A_273 = tpu.memref_squeeze %dma_start3A_272 : memref<1x1x1x1024xf32, #tpu.memory_space<hbm>> -> memref<1024xf32, #tpu.memory_space<hbm>>
      %dma_start3A_274 = arith.constant 0 : i32
      %dma_start3A_275 = tpu.memref_slice %arg10[%dma_start3A_274] : memref<4096xf32, #tpu.memory_space<vmem>> -> memref<1024xf32, #tpu.memory_space<vmem>>
      tpu.enqueue_dma source(%dma_start3A_275 : memref<1024xf32, #tpu.memory_space<vmem>>) target(%dma_start3A_273 : memref<1024xf32, #tpu.memory_space<hbm>>) target_semaphore(%arg18 : memref<!tpu.dma_semaphore, #tpu.memory_space<semaphore_mem>>)
      %dma_start3A_276 = arith.constant 1 : i32
      %dma_start3A_277 = arith.constant 1024 : i32
      %dma_start3A_278 = tpu.memref_slice %arg10[%dma_start3A_277] : memref<4096xf32, #tpu.memory_space<vmem>> -> memref<1024xf32, #tpu.memory_space<vmem>>
      %dma_start3A_279 = arith.constant 0 : i32
      %dma_start3A_280 = tpu.memref_slice %arg4[%select_n3A, %dma_start3A_276, %rem3A_256, %dma_start3A_279] : memref<50x4x128x1024xf32, #tpu.memory_space<hbm>> -> memref<1x1x1x1024xf32, #tpu.memory_space<hbm>>
      %dma_start3A_281 = tpu.memref_squeeze %dma_start3A_280 : memref<1x1x1x1024xf32, #tpu.memory_space<hbm>> -> memref<1024xf32, #tpu.memory_space<hbm>>
      %dma_start3A_282 = arith.constant 0 : i32
      %dma_start3A_283 = tpu.memref_slice %arg4[%select_n3A, %dma_start3A_276, %rem3A_256, %dma_start3A_282] : memref<50x4x128x1024xf32, #tpu.memory_space<hbm>> -> memref<1x1x1x1024xf32, #tpu.memory_space<hbm>>
      %dma_start3A_284 = tpu.memref_squeeze %dma_start3A_283 : memref<1x1x1x1024xf32, #tpu.memory_space<hbm>> -> memref<1024xf32, #tpu.memory_space<hbm>>
      %dma_start3A_285 = arith.constant 1024 : i32
      %dma_start3A_286 = tpu.memref_slice %arg10[%dma_start3A_285] : memref<4096xf32, #tpu.memory_space<vmem>> -> memref<1024xf32, #tpu.memory_space<vmem>>
      tpu.enqueue_dma source(%dma_start3A_286 : memref<1024xf32, #tpu.memory_space<vmem>>) target(%dma_start3A_284 : memref<1024xf32, #tpu.memory_space<hbm>>) target_semaphore(%arg18 : memref<!tpu.dma_semaphore, #tpu.memory_space<semaphore_mem>>)
      %dma_start3A_287 = arith.constant 2 : i32
      %dma_start3A_288 = arith.constant 2048 : i32
      %dma_start3A_289 = tpu.memref_slice %arg10[%dma_start3A_288] : memref<4096xf32, #tpu.memory_space<vmem>> -> memref<1024xf32, #tpu.memory_space<vmem>>
      %dma_start3A_290 = arith.constant 0 : i32
      %dma_start3A_291 = tpu.memref_slice %arg4[%select_n3A, %dma_start3A_287, %rem3A_256, %dma_start3A_290] : memref<50x4x128x1024xf32, #tpu.memory_space<hbm>> -> memref<1x1x1x1024xf32, #tpu.memory_space<hbm>>
      %dma_start3A_292 = tpu.memref_squeeze %dma_start3A_291 : memref<1x1x1x1024xf32, #tpu.memory_space<hbm>> -> memref<1024xf32, #tpu.memory_space<hbm>>
      %dma_start3A_293 = arith.constant 0 : i32
      %dma_start3A_294 = tpu.memref_slice %arg4[%select_n3A, %dma_start3A_287, %rem3A_256, %dma_start3A_293] : memref<50x4x128x1024xf32, #tpu.memory_space<hbm>> -> memref<1x1x1x1024xf32, #tpu.memory_space<hbm>>
      %dma_start3A_295 = tpu.memref_squeeze %dma_start3A_294 : memref<1x1x1x1024xf32, #tpu.memory_space<hbm>> -> memref<1024xf32, #tpu.memory_space<hbm>>
      %dma_start3A_296 = arith.constant 2048 : i32
      %dma_start3A_297 = tpu.memref_slice %arg10[%dma_start3A_296] : memref<4096xf32, #tpu.memory_space<vmem>> -> memref<1024xf32, #tpu.memory_space<vmem>>
      tpu.enqueue_dma source(%dma_start3A_297 : memref<1024xf32, #tpu.memory_space<vmem>>) target(%dma_start3A_295 : memref<1024xf32, #tpu.memory_space<hbm>>) target_semaphore(%arg18 : memref<!tpu.dma_semaphore, #tpu.memory_space<semaphore_mem>>)
      %dma_start3A_298 = arith.constant 3 : i32
      %dma_start3A_299 = arith.constant 3072 : i32
      %dma_start3A_300 = tpu.memref_slice %arg10[%dma_start3A_299] : memref<4096xf32, #tpu.memory_space<vmem>> -> memref<1024xf32, #tpu.memory_space<vmem>>
      %dma_start3A_301 = arith.constant 0 : i32
      %dma_start3A_302 = tpu.memref_slice %arg4[%select_n3A, %dma_start3A_298, %rem3A_256, %dma_start3A_301] : memref<50x4x128x1024xf32, #tpu.memory_space<hbm>> -> memref<1x1x1x1024xf32, #tpu.memory_space<hbm>>
      %dma_start3A_303 = tpu.memref_squeeze %dma_start3A_302 : memref<1x1x1x1024xf32, #tpu.memory_space<hbm>> -> memref<1024xf32, #tpu.memory_space<hbm>>
      %dma_start3A_304 = arith.constant 0 : i32
      %dma_start3A_305 = tpu.memref_slice %arg4[%select_n3A, %dma_start3A_298, %rem3A_256, %dma_start3A_304] : memref<50x4x128x1024xf32, #tpu.memory_space<hbm>> -> memref<1x1x1x1024xf32, #tpu.memory_space<hbm>>
      %dma_start3A_306 = tpu.memref_squeeze %dma_start3A_305 : memref<1x1x1x1024xf32, #tpu.memory_space<hbm>> -> memref<1024xf32, #tpu.memory_space<hbm>>
      %dma_start3A_307 = arith.constant 3072 : i32
      %dma_start3A_308 = tpu.memref_slice %arg10[%dma_start3A_307] : memref<4096xf32, #tpu.memory_space<vmem>> -> memref<1024xf32, #tpu.memory_space<vmem>>
      tpu.enqueue_dma source(%dma_start3A_308 : memref<1024xf32, #tpu.memory_space<vmem>>) target(%dma_start3A_306 : memref<1024xf32, #tpu.memory_space<hbm>>) target_semaphore(%arg18 : memref<!tpu.dma_semaphore, #tpu.memory_space<semaphore_mem>>)
      %lt3A = arith.constant 49 : i32
      %lt3A_309 = arith.cmpi slt, %add3A_229, %lt3A : i32
      %convert_element_type3A_310 = arith.extui %lt3A_309 : i1 to i32
      %cond3A_311 = arith.constant 0 : i32
      %cond3A_312 = arith.cmpi ne, %convert_element_type3A_310, %cond3A_311 : i32
      scf.if %cond3A_312 {
        %add3A_595 = arith.constant 4 : i32
        %add3A_596 = arith.addi %add3A_234, %add3A_595 : i32
        %sub3A_597 = arith.subi %add3A_596, %mul3A_2 : i32
        %mul3A_598 = arith.constant 128 : i32
        %mul3A_599 = arith.muli %sub3A_597, %mul3A_598 : i32
        %dma_start3A_600 = tpu.memref_slice %arg5[%mul3A_599] : memref<25600xi32, #tpu.memory_space<vmem>> -> memref<128xi32, #tpu.memory_space<vmem>>
        %dma_start3A_601 = arith.constant 0 : i32
        %dma_start3A_602 = arith.constant 0 : i32
        %dma_start3A_603 = tpu.memref_slice %arg2[%dma_start3A_601, %dma_start3A_602] : memref<1000000x32xf32, #tpu.memory_space<hbm>> -> memref<1000000x32xf32, #tpu.memory_space<hbm>>
        tpu.enqueue_indirect_dma source(%dma_start3A_603 : memref<1000000x32xf32, #tpu.memory_space<hbm>>) target(%arg6 : memref<128x32xf32, #tpu.memory_space<vmem>>) offsets(%dma_start3A_600 : memref<128xi32, #tpu.memory_space<vmem>>) semaphore(%arg14 : memref<!tpu.dma_semaphore, #tpu.memory_space<semaphore_mem>>)
      } else {
      }
      %mul3A_313 = arith.constant 4 : i32
      %mul3A_314 = arith.muli %mul3A_313, %add3A_229 : i32
      %add3A_315 = arith.addi %mul3A_2, %mul3A_314 : i32
      %add3A_316 = arith.constant 1 : i32
      %add3A_317 = arith.addi %add3A_315, %add3A_316 : i32
      %ge3A_318 = arith.constant 1 : i32
      %ge3A_319 = arith.cmpi sge, %add3A_229, %ge3A_318 : i32
      %convert_element_type3A_320 = arith.extui %ge3A_319 : i1 to i32
      %cond3A_321 = arith.constant 0 : i32
      %cond3A_322 = arith.cmpi ne, %convert_element_type3A_320, %cond3A_321 : i32
      scf.if %cond3A_322 {
        %dma_wait3A_595 = arith.constant 0 : i32
        %dma_wait3A_596 = arith.constant 0 : i32
        %dma_wait3A_597 = tpu.memref_slice %arg2[%dma_wait3A_595, %dma_wait3A_596] : memref<1000000x32xf32, #tpu.memory_space<hbm>> -> memref<128x32xf32, #tpu.memory_space<hbm>>
        %dma_wait3A_598 = arith.constant 0 : i32
        %dma_wait3A_599 = arith.constant 0 : i32
        %dma_wait3A_600 = tpu.memref_slice %arg2[%dma_wait3A_598, %dma_wait3A_599] : memref<1000000x32xf32, #tpu.memory_space<hbm>> -> memref<128x32xf32, #tpu.memory_space<hbm>>
        tpu.wait_dma2 semaphore(%arg19 : memref<!tpu.dma_semaphore, #tpu.memory_space<semaphore_mem>>) src(%dma_wait3A_600 : memref<128x32xf32, #tpu.memory_space<hbm>>) dst(%arg7 : memref<128x32xf32, #tpu.memory_space<vmem>>)
      } else {
      }
      %jit3A_323 = arith.constant 128 : i32
      %div3A_324 = arith.divsi %add3A_317, %jit3A_323 : i32
      %sign3A_325 = arith.constant 0 : i32
      %sign3A_326 = arith.cmpi sgt, %add3A_317, %sign3A_325 : i32
      %sign3A_327 = arith.extui %sign3A_326 : i1 to i32
      %sign3A_328 = arith.constant 0 : i32
      %sign3A_329 = arith.cmpi slt, %add3A_317, %sign3A_328 : i32
      %sign3A_330 = arith.extui %sign3A_329 : i1 to i32
      %sign3A_331 = arith.subi %sign3A_327, %sign3A_330 : i32
      %sign3A_332 = arith.constant 0 : i32
      %sign3A_333 = arith.cmpi sgt, %jit3A_323, %sign3A_332 : i32
      %sign3A_334 = arith.extui %sign3A_333 : i1 to i32
      %sign3A_335 = arith.constant 0 : i32
      %sign3A_336 = arith.cmpi slt, %jit3A_323, %sign3A_335 : i32
      %sign3A_337 = arith.extui %sign3A_336 : i1 to i32
      %sign3A_338 = arith.subi %sign3A_334, %sign3A_337 : i32
      %ne3A_339 = arith.cmpi ne, %sign3A_331, %sign3A_338 : i32
      %rem3A_340 = arith.remsi %add3A_317, %jit3A_323 : i32
      %ne3A_341 = arith.constant 0 : i32
      %ne3A_342 = arith.cmpi ne, %rem3A_340, %ne3A_341 : i32
      %and3A_343 = arith.andi %ne3A_339, %ne3A_342 : i1
      %sub3A_344 = arith.constant 1 : i32
      %sub3A_345 = arith.subi %div3A_324, %sub3A_344 : i32
      %select_n3A_346 = arith.select %and3A_343, %sub3A_345, %div3A_324 : i32
      %rem3A_347 = arith.constant 128 : i32
      %rem3A_348 = arith.remsi %add3A_317, %rem3A_347 : i32
      %dma_wait3A_349 = arith.constant 0 : i32
      %dma_wait3A_350 = arith.constant 0 : i32
      %dma_wait3A_351 = tpu.memref_slice %arg2[%dma_wait3A_349, %dma_wait3A_350] : memref<1000000x32xf32, #tpu.memory_space<hbm>> -> memref<128x32xf32, #tpu.memory_space<hbm>>
      %dma_wait3A_352 = arith.constant 0 : i32
      %dma_wait3A_353 = arith.constant 0 : i32
      %dma_wait3A_354 = tpu.memref_slice %arg2[%dma_wait3A_352, %dma_wait3A_353] : memref<1000000x32xf32, #tpu.memory_space<hbm>> -> memref<128x32xf32, #tpu.memory_space<hbm>>
      tpu.wait_dma2 semaphore(%arg15 : memref<!tpu.dma_semaphore, #tpu.memory_space<semaphore_mem>>) src(%dma_wait3A_354 : memref<128x32xf32, #tpu.memory_space<hbm>>) dst(%arg7 : memref<128x32xf32, #tpu.memory_space<vmem>>)
      %parallel_loop3A_355 = arith.constant 0 : i32
      %parallel_loop3A_356 = arith.constant 16 : i32
      %parallel_loop3A_357 = arith.constant 1 : i32
      scf.for %parallel_loop3A_595 = %parallel_loop3A_355 to %parallel_loop3A_356 step %parallel_loop3A_357  : i32 {
        %parallel_loop3A_596 = arith.constant 8 : i32
        %parallel_loop3A_597 = arith.remsi %parallel_loop3A_595, %parallel_loop3A_596 : i32
        %parallel_loop3A_598 = arith.constant 16 : i32
        %parallel_loop3A_599 = arith.muli %parallel_loop3A_597, %parallel_loop3A_598 : i32
        %parallel_loop3A_600 = arith.constant 8 : i32
        %parallel_loop3A_601 = arith.divsi %parallel_loop3A_595, %parallel_loop3A_600 : i32
        %parallel_loop3A_602 = arith.constant 0 : i32
        %parallel_loop3A_603 = arith.cmpi sgt, %parallel_loop3A_595, %parallel_loop3A_602 : i32
        %parallel_loop3A_604 = arith.extui %parallel_loop3A_603 : i1 to i32
        %parallel_loop3A_605 = arith.constant 0 : i32
        %parallel_loop3A_606 = arith.cmpi slt, %parallel_loop3A_595, %parallel_loop3A_605 : i32
        %parallel_loop3A_607 = arith.extui %parallel_loop3A_606 : i1 to i32
        %parallel_loop3A_608 = arith.subi %parallel_loop3A_604, %parallel_loop3A_607 : i32
        %parallel_loop3A_609 = arith.constant 0 : i32
        %parallel_loop3A_610 = arith.cmpi sgt, %parallel_loop3A_600, %parallel_loop3A_609 : i32
        %parallel_loop3A_611 = arith.extui %parallel_loop3A_610 : i1 to i32
        %parallel_loop3A_612 = arith.constant 0 : i32
        %parallel_loop3A_613 = arith.cmpi slt, %parallel_loop3A_600, %parallel_loop3A_612 : i32
        %parallel_loop3A_614 = arith.extui %parallel_loop3A_613 : i1 to i32
        %parallel_loop3A_615 = arith.subi %parallel_loop3A_611, %parallel_loop3A_614 : i32
        %parallel_loop3A_616 = arith.cmpi ne, %parallel_loop3A_608, %parallel_loop3A_615 : i32
        %parallel_loop3A_617 = arith.remsi %parallel_loop3A_595, %parallel_loop3A_600 : i32
        %parallel_loop3A_618 = arith.constant 0 : i32
        %parallel_loop3A_619 = arith.cmpi ne, %parallel_loop3A_617, %parallel_loop3A_618 : i32
        %parallel_loop3A_620 = arith.andi %parallel_loop3A_616, %parallel_loop3A_619 : i1
        %parallel_loop3A_621 = arith.constant 1 : i32
        %parallel_loop3A_622 = arith.subi %parallel_loop3A_601, %parallel_loop3A_621 : i32
        %parallel_loop3A_623 = arith.select %parallel_loop3A_620, %parallel_loop3A_622, %parallel_loop3A_601 : i32
        %parallel_loop3A_624 = arith.constant 16 : i32
        %parallel_loop3A_625 = arith.muli %parallel_loop3A_623, %parallel_loop3A_624 : i32
        %parallel_loop3A_626 = vector.broadcast %parallel_loop3A_599 : i32 to vector<16xi32>
        %parallel_loop3A_627 = arith.addi %iota3A, %parallel_loop3A_626 : vector<16xi32>
        %parallel_loop3A_628 = arith.constant 128 : i32
        %parallel_loop3A_629 = arith.muli %parallel_loop3A_625, %parallel_loop3A_628 : i32
        %parallel_loop3A_630 = arith.addi %parallel_loop3A_629, %parallel_loop3A_599 : i32
        %parallel_loop3A_631 = vector.broadcast %parallel_loop3A_625 : i32 to vector<16xi32>
        %parallel_loop3A_632 = arith.addi %rem3A_7, %parallel_loop3A_631 : vector<16xi32>
        %parallel_loop3A_633 = tpu.vector_load_idx %arg7[%parallel_loop3A_627, %parallel_loop3A_632] : memref<128x32xf32, #tpu.memory_space<vmem>>[vector<16xi32>, vector<16xi32>], vector<16xf32>,
        %parallel_loop3A_634 = vector.broadcast %parallel_loop3A_630 : i32 to vector<16xi32>
        %parallel_loop3A_635 = arith.addi %add3A_101, %parallel_loop3A_634 : vector<16xi32>
        tpu.vector_store_idx %arg11[%parallel_loop3A_635], %parallel_loop3A_633 : memref<4096xf32, #tpu.memory_space<vmem>>[vector<16xi32>], vector<16xf32>,
        %parallel_loop3A_636 = vector.broadcast %parallel_loop3A_625 : i32 to vector<16xi32>
        %parallel_loop3A_637 = arith.addi %rem3A_13, %parallel_loop3A_636 : vector<16xi32>
        %parallel_loop3A_638 = tpu.vector_load_idx %arg7[%parallel_loop3A_627, %parallel_loop3A_637] : memref<128x32xf32, #tpu.memory_space<vmem>>[vector<16xi32>, vector<16xi32>], vector<16xf32>,
        %parallel_loop3A_639 = vector.broadcast %parallel_loop3A_630 : i32 to vector<16xi32>
        %parallel_loop3A_640 = arith.addi %add3A_105, %parallel_loop3A_639 : vector<16xi32>
        tpu.vector_store_idx %arg11[%parallel_loop3A_640], %parallel_loop3A_638 : memref<4096xf32, #tpu.memory_space<vmem>>[vector<16xi32>], vector<16xf32>,
        %parallel_loop3A_641 = vector.broadcast %parallel_loop3A_625 : i32 to vector<16xi32>
        %parallel_loop3A_642 = arith.addi %rem3A_19, %parallel_loop3A_641 : vector<16xi32>
        %parallel_loop3A_643 = tpu.vector_load_idx %arg7[%parallel_loop3A_627, %parallel_loop3A_642] : memref<128x32xf32, #tpu.memory_space<vmem>>[vector<16xi32>, vector<16xi32>], vector<16xf32>,
        %parallel_loop3A_644 = vector.broadcast %parallel_loop3A_630 : i32 to vector<16xi32>
        %parallel_loop3A_645 = arith.addi %add3A_109, %parallel_loop3A_644 : vector<16xi32>
        tpu.vector_store_idx %arg11[%parallel_loop3A_645], %parallel_loop3A_643 : memref<4096xf32, #tpu.memory_space<vmem>>[vector<16xi32>], vector<16xf32>,
        %parallel_loop3A_646 = vector.broadcast %parallel_loop3A_625 : i32 to vector<16xi32>
        %parallel_loop3A_647 = arith.addi %rem3A_25, %parallel_loop3A_646 : vector<16xi32>
        %parallel_loop3A_648 = tpu.vector_load_idx %arg7[%parallel_loop3A_627, %parallel_loop3A_647] : memref<128x32xf32, #tpu.memory_space<vmem>>[vector<16xi32>, vector<16xi32>], vector<16xf32>,
        %parallel_loop3A_649 = vector.broadcast %parallel_loop3A_630 : i32 to vector<16xi32>
        %parallel_loop3A_650 = arith.addi %add3A_113, %parallel_loop3A_649 : vector<16xi32>
        tpu.vector_store_idx %arg11[%parallel_loop3A_650], %parallel_loop3A_648 : memref<4096xf32, #tpu.memory_space<vmem>>[vector<16xi32>], vector<16xf32>,
        %parallel_loop3A_651 = vector.broadcast %parallel_loop3A_625 : i32 to vector<16xi32>
        %parallel_loop3A_652 = arith.addi %rem3A_31, %parallel_loop3A_651 : vector<16xi32>
        %parallel_loop3A_653 = tpu.vector_load_idx %arg7[%parallel_loop3A_627, %parallel_loop3A_652] : memref<128x32xf32, #tpu.memory_space<vmem>>[vector<16xi32>, vector<16xi32>], vector<16xf32>,
        %parallel_loop3A_654 = vector.broadcast %parallel_loop3A_630 : i32 to vector<16xi32>
        %parallel_loop3A_655 = arith.addi %add3A_117, %parallel_loop3A_654 : vector<16xi32>
        tpu.vector_store_idx %arg11[%parallel_loop3A_655], %parallel_loop3A_653 : memref<4096xf32, #tpu.memory_space<vmem>>[vector<16xi32>], vector<16xf32>,
        %parallel_loop3A_656 = vector.broadcast %parallel_loop3A_625 : i32 to vector<16xi32>
        %parallel_loop3A_657 = arith.addi %rem3A_37, %parallel_loop3A_656 : vector<16xi32>
        %parallel_loop3A_658 = tpu.vector_load_idx %arg7[%parallel_loop3A_627, %parallel_loop3A_657] : memref<128x32xf32, #tpu.memory_space<vmem>>[vector<16xi32>, vector<16xi32>], vector<16xf32>,
        %parallel_loop3A_659 = vector.broadcast %parallel_loop3A_630 : i32 to vector<16xi32>
        %parallel_loop3A_660 = arith.addi %add3A_121, %parallel_loop3A_659 : vector<16xi32>
        tpu.vector_store_idx %arg11[%parallel_loop3A_660], %parallel_loop3A_658 : memref<4096xf32, #tpu.memory_space<vmem>>[vector<16xi32>], vector<16xf32>,
        %parallel_loop3A_661 = vector.broadcast %parallel_loop3A_625 : i32 to vector<16xi32>
        %parallel_loop3A_662 = arith.addi %rem3A_43, %parallel_loop3A_661 : vector<16xi32>
        %parallel_loop3A_663 = tpu.vector_load_idx %arg7[%parallel_loop3A_627, %parallel_loop3A_662] : memref<128x32xf32, #tpu.memory_space<vmem>>[vector<16xi32>, vector<16xi32>], vector<16xf32>,
        %parallel_loop3A_664 = vector.broadcast %parallel_loop3A_630 : i32 to vector<16xi32>
        %parallel_loop3A_665 = arith.addi %add3A_125, %parallel_loop3A_664 : vector<16xi32>
        tpu.vector_store_idx %arg11[%parallel_loop3A_665], %parallel_loop3A_663 : memref<4096xf32, #tpu.memory_space<vmem>>[vector<16xi32>], vector<16xf32>,
        %parallel_loop3A_666 = vector.broadcast %parallel_loop3A_625 : i32 to vector<16xi32>
        %parallel_loop3A_667 = arith.addi %rem3A_49, %parallel_loop3A_666 : vector<16xi32>
        %parallel_loop3A_668 = tpu.vector_load_idx %arg7[%parallel_loop3A_627, %parallel_loop3A_667] : memref<128x32xf32, #tpu.memory_space<vmem>>[vector<16xi32>, vector<16xi32>], vector<16xf32>,
        %parallel_loop3A_669 = vector.broadcast %parallel_loop3A_630 : i32 to vector<16xi32>
        %parallel_loop3A_670 = arith.addi %add3A_129, %parallel_loop3A_669 : vector<16xi32>
        tpu.vector_store_idx %arg11[%parallel_loop3A_670], %parallel_loop3A_668 : memref<4096xf32, #tpu.memory_space<vmem>>[vector<16xi32>], vector<16xf32>,
        %parallel_loop3A_671 = vector.broadcast %parallel_loop3A_625 : i32 to vector<16xi32>
        %parallel_loop3A_672 = arith.addi %rem3A_55, %parallel_loop3A_671 : vector<16xi32>
        %parallel_loop3A_673 = tpu.vector_load_idx %arg7[%parallel_loop3A_627, %parallel_loop3A_672] : memref<128x32xf32, #tpu.memory_space<vmem>>[vector<16xi32>, vector<16xi32>], vector<16xf32>,
        %parallel_loop3A_674 = vector.broadcast %parallel_loop3A_630 : i32 to vector<16xi32>
        %parallel_loop3A_675 = arith.addi %add3A_133, %parallel_loop3A_674 : vector<16xi32>
        tpu.vector_store_idx %arg11[%parallel_loop3A_675], %parallel_loop3A_673 : memref<4096xf32, #tpu.memory_space<vmem>>[vector<16xi32>], vector<16xf32>,
        %parallel_loop3A_676 = vector.broadcast %parallel_loop3A_625 : i32 to vector<16xi32>
        %parallel_loop3A_677 = arith.addi %rem3A_61, %parallel_loop3A_676 : vector<16xi32>
        %parallel_loop3A_678 = tpu.vector_load_idx %arg7[%parallel_loop3A_627, %parallel_loop3A_677] : memref<128x32xf32, #tpu.memory_space<vmem>>[vector<16xi32>, vector<16xi32>], vector<16xf32>,
        %parallel_loop3A_679 = vector.broadcast %parallel_loop3A_630 : i32 to vector<16xi32>
        %parallel_loop3A_680 = arith.addi %add3A_137, %parallel_loop3A_679 : vector<16xi32>
        tpu.vector_store_idx %arg11[%parallel_loop3A_680], %parallel_loop3A_678 : memref<4096xf32, #tpu.memory_space<vmem>>[vector<16xi32>], vector<16xf32>,
        %parallel_loop3A_681 = vector.broadcast %parallel_loop3A_625 : i32 to vector<16xi32>
        %parallel_loop3A_682 = arith.addi %rem3A_67, %parallel_loop3A_681 : vector<16xi32>
        %parallel_loop3A_683 = tpu.vector_load_idx %arg7[%parallel_loop3A_627, %parallel_loop3A_682] : memref<128x32xf32, #tpu.memory_space<vmem>>[vector<16xi32>, vector<16xi32>], vector<16xf32>,
        %parallel_loop3A_684 = vector.broadcast %parallel_loop3A_630 : i32 to vector<16xi32>
        %parallel_loop3A_685 = arith.addi %add3A_141, %parallel_loop3A_684 : vector<16xi32>
        tpu.vector_store_idx %arg11[%parallel_loop3A_685], %parallel_loop3A_683 : memref<4096xf32, #tpu.memory_space<vmem>>[vector<16xi32>], vector<16xf32>,
        %parallel_loop3A_686 = vector.broadcast %parallel_loop3A_625 : i32 to vector<16xi32>
        %parallel_loop3A_687 = arith.addi %rem3A_73, %parallel_loop3A_686 : vector<16xi32>
        %parallel_loop3A_688 = tpu.vector_load_idx %arg7[%parallel_loop3A_627, %parallel_loop3A_687] : memref<128x32xf32, #tpu.memory_space<vmem>>[vector<16xi32>, vector<16xi32>], vector<16xf32>,
        %parallel_loop3A_689 = vector.broadcast %parallel_loop3A_630 : i32 to vector<16xi32>
        %parallel_loop3A_690 = arith.addi %add3A_145, %parallel_loop3A_689 : vector<16xi32>
        tpu.vector_store_idx %arg11[%parallel_loop3A_690], %parallel_loop3A_688 : memref<4096xf32, #tpu.memory_space<vmem>>[vector<16xi32>], vector<16xf32>,
        %parallel_loop3A_691 = vector.broadcast %parallel_loop3A_625 : i32 to vector<16xi32>
        %parallel_loop3A_692 = arith.addi %rem3A_79, %parallel_loop3A_691 : vector<16xi32>
        %parallel_loop3A_693 = tpu.vector_load_idx %arg7[%parallel_loop3A_627, %parallel_loop3A_692] : memref<128x32xf32, #tpu.memory_space<vmem>>[vector<16xi32>, vector<16xi32>], vector<16xf32>,
        %parallel_loop3A_694 = vector.broadcast %parallel_loop3A_630 : i32 to vector<16xi32>
        %parallel_loop3A_695 = arith.addi %add3A_149, %parallel_loop3A_694 : vector<16xi32>
        tpu.vector_store_idx %arg11[%parallel_loop3A_695], %parallel_loop3A_693 : memref<4096xf32, #tpu.memory_space<vmem>>[vector<16xi32>], vector<16xf32>,
        %parallel_loop3A_696 = vector.broadcast %parallel_loop3A_625 : i32 to vector<16xi32>
        %parallel_loop3A_697 = arith.addi %rem3A_85, %parallel_loop3A_696 : vector<16xi32>
        %parallel_loop3A_698 = tpu.vector_load_idx %arg7[%parallel_loop3A_627, %parallel_loop3A_697] : memref<128x32xf32, #tpu.memory_space<vmem>>[vector<16xi32>, vector<16xi32>], vector<16xf32>,
        %parallel_loop3A_699 = vector.broadcast %parallel_loop3A_630 : i32 to vector<16xi32>
        %parallel_loop3A_700 = arith.addi %add3A_153, %parallel_loop3A_699 : vector<16xi32>
        tpu.vector_store_idx %arg11[%parallel_loop3A_700], %parallel_loop3A_698 : memref<4096xf32, #tpu.memory_space<vmem>>[vector<16xi32>], vector<16xf32>,
        %parallel_loop3A_701 = vector.broadcast %parallel_loop3A_625 : i32 to vector<16xi32>
        %parallel_loop3A_702 = arith.addi %rem3A_91, %parallel_loop3A_701 : vector<16xi32>
        %parallel_loop3A_703 = tpu.vector_load_idx %arg7[%parallel_loop3A_627, %parallel_loop3A_702] : memref<128x32xf32, #tpu.memory_space<vmem>>[vector<16xi32>, vector<16xi32>], vector<16xf32>,
        %parallel_loop3A_704 = vector.broadcast %parallel_loop3A_630 : i32 to vector<16xi32>
        %parallel_loop3A_705 = arith.addi %add3A_157, %parallel_loop3A_704 : vector<16xi32>
        tpu.vector_store_idx %arg11[%parallel_loop3A_705], %parallel_loop3A_703 : memref<4096xf32, #tpu.memory_space<vmem>>[vector<16xi32>], vector<16xf32>,
        %parallel_loop3A_706 = vector.broadcast %parallel_loop3A_625 : i32 to vector<16xi32>
        %parallel_loop3A_707 = arith.addi %rem3A_97, %parallel_loop3A_706 : vector<16xi32>
        %parallel_loop3A_708 = tpu.vector_load_idx %arg7[%parallel_loop3A_627, %parallel_loop3A_707] : memref<128x32xf32, #tpu.memory_space<vmem>>[vector<16xi32>, vector<16xi32>], vector<16xf32>,
        %parallel_loop3A_709 = vector.broadcast %parallel_loop3A_630 : i32 to vector<16xi32>
        %parallel_loop3A_710 = arith.addi %add3A_161, %parallel_loop3A_709 : vector<16xi32>
        tpu.vector_store_idx %arg11[%parallel_loop3A_710], %parallel_loop3A_708 : memref<4096xf32, #tpu.memory_space<vmem>>[vector<16xi32>], vector<16xf32>,
      } {sc.loop_unroll_factor = 4 : i64, sc.parallel_access}
      %dma_start3A_358 = arith.constant 0 : i32
      %dma_start3A_359 = arith.constant 0 : i32
      %dma_start3A_360 = tpu.memref_slice %arg11[%dma_start3A_359] : memref<4096xf32, #tpu.memory_space<vmem>> -> memref<1024xf32, #tpu.memory_space<vmem>>
      %dma_start3A_361 = arith.constant 0 : i32
      %dma_start3A_362 = tpu.memref_slice %arg4[%select_n3A_346, %dma_start3A_358, %rem3A_348, %dma_start3A_361] : memref<50x4x128x1024xf32, #tpu.memory_space<hbm>> -> memref<1x1x1x1024xf32, #tpu.memory_space<hbm>>
      %dma_start3A_363 = tpu.memref_squeeze %dma_start3A_362 : memref<1x1x1x1024xf32, #tpu.memory_space<hbm>> -> memref<1024xf32, #tpu.memory_space<hbm>>
      %dma_start3A_364 = arith.constant 0 : i32
      %dma_start3A_365 = tpu.memref_slice %arg4[%select_n3A_346, %dma_start3A_358, %rem3A_348, %dma_start3A_364] : memref<50x4x128x1024xf32, #tpu.memory_space<hbm>> -> memref<1x1x1x1024xf32, #tpu.memory_space<hbm>>
      %dma_start3A_366 = tpu.memref_squeeze %dma_start3A_365 : memref<1x1x1x1024xf32, #tpu.memory_space<hbm>> -> memref<1024xf32, #tpu.memory_space<hbm>>
      %dma_start3A_367 = arith.constant 0 : i32
      %dma_start3A_368 = tpu.memref_slice %arg11[%dma_start3A_367] : memref<4096xf32, #tpu.memory_space<vmem>> -> memref<1024xf32, #tpu.memory_space<vmem>>
      tpu.enqueue_dma source(%dma_start3A_368 : memref<1024xf32, #tpu.memory_space<vmem>>) target(%dma_start3A_366 : memref<1024xf32, #tpu.memory_space<hbm>>) target_semaphore(%arg19 : memref<!tpu.dma_semaphore, #tpu.memory_space<semaphore_mem>>)
      %dma_start3A_369 = arith.constant 1 : i32
      %dma_start3A_370 = arith.constant 1024 : i32
      %dma_start3A_371 = tpu.memref_slice %arg11[%dma_start3A_370] : memref<4096xf32, #tpu.memory_space<vmem>> -> memref<1024xf32, #tpu.memory_space<vmem>>
      %dma_start3A_372 = arith.constant 0 : i32
      %dma_start3A_373 = tpu.memref_slice %arg4[%select_n3A_346, %dma_start3A_369, %rem3A_348, %dma_start3A_372] : memref<50x4x128x1024xf32, #tpu.memory_space<hbm>> -> memref<1x1x1x1024xf32, #tpu.memory_space<hbm>>
      %dma_start3A_374 = tpu.memref_squeeze %dma_start3A_373 : memref<1x1x1x1024xf32, #tpu.memory_space<hbm>> -> memref<1024xf32, #tpu.memory_space<hbm>>
      %dma_start3A_375 = arith.constant 0 : i32
      %dma_start3A_376 = tpu.memref_slice %arg4[%select_n3A_346, %dma_start3A_369, %rem3A_348, %dma_start3A_375] : memref<50x4x128x1024xf32, #tpu.memory_space<hbm>> -> memref<1x1x1x1024xf32, #tpu.memory_space<hbm>>
      %dma_start3A_377 = tpu.memref_squeeze %dma_start3A_376 : memref<1x1x1x1024xf32, #tpu.memory_space<hbm>> -> memref<1024xf32, #tpu.memory_space<hbm>>
      %dma_start3A_378 = arith.constant 1024 : i32
      %dma_start3A_379 = tpu.memref_slice %arg11[%dma_start3A_378] : memref<4096xf32, #tpu.memory_space<vmem>> -> memref<1024xf32, #tpu.memory_space<vmem>>
      tpu.enqueue_dma source(%dma_start3A_379 : memref<1024xf32, #tpu.memory_space<vmem>>) target(%dma_start3A_377 : memref<1024xf32, #tpu.memory_space<hbm>>) target_semaphore(%arg19 : memref<!tpu.dma_semaphore, #tpu.memory_space<semaphore_mem>>)
      %dma_start3A_380 = arith.constant 2 : i32
      %dma_start3A_381 = arith.constant 2048 : i32
      %dma_start3A_382 = tpu.memref_slice %arg11[%dma_start3A_381] : memref<4096xf32, #tpu.memory_space<vmem>> -> memref<1024xf32, #tpu.memory_space<vmem>>
      %dma_start3A_383 = arith.constant 0 : i32
      %dma_start3A_384 = tpu.memref_slice %arg4[%select_n3A_346, %dma_start3A_380, %rem3A_348, %dma_start3A_383] : memref<50x4x128x1024xf32, #tpu.memory_space<hbm>> -> memref<1x1x1x1024xf32, #tpu.memory_space<hbm>>
      %dma_start3A_385 = tpu.memref_squeeze %dma_start3A_384 : memref<1x1x1x1024xf32, #tpu.memory_space<hbm>> -> memref<1024xf32, #tpu.memory_space<hbm>>
      %dma_start3A_386 = arith.constant 0 : i32
      %dma_start3A_387 = tpu.memref_slice %arg4[%select_n3A_346, %dma_start3A_380, %rem3A_348, %dma_start3A_386] : memref<50x4x128x1024xf32, #tpu.memory_space<hbm>> -> memref<1x1x1x1024xf32, #tpu.memory_space<hbm>>
      %dma_start3A_388 = tpu.memref_squeeze %dma_start3A_387 : memref<1x1x1x1024xf32, #tpu.memory_space<hbm>> -> memref<1024xf32, #tpu.memory_space<hbm>>
      %dma_start3A_389 = arith.constant 2048 : i32
      %dma_start3A_390 = tpu.memref_slice %arg11[%dma_start3A_389] : memref<4096xf32, #tpu.memory_space<vmem>> -> memref<1024xf32, #tpu.memory_space<vmem>>
      tpu.enqueue_dma source(%dma_start3A_390 : memref<1024xf32, #tpu.memory_space<vmem>>) target(%dma_start3A_388 : memref<1024xf32, #tpu.memory_space<hbm>>) target_semaphore(%arg19 : memref<!tpu.dma_semaphore, #tpu.memory_space<semaphore_mem>>)
      %dma_start3A_391 = arith.constant 3 : i32
      %dma_start3A_392 = arith.constant 3072 : i32
      %dma_start3A_393 = tpu.memref_slice %arg11[%dma_start3A_392] : memref<4096xf32, #tpu.memory_space<vmem>> -> memref<1024xf32, #tpu.memory_space<vmem>>
      %dma_start3A_394 = arith.constant 0 : i32
      %dma_start3A_395 = tpu.memref_slice %arg4[%select_n3A_346, %dma_start3A_391, %rem3A_348, %dma_start3A_394] : memref<50x4x128x1024xf32, #tpu.memory_space<hbm>> -> memref<1x1x1x1024xf32, #tpu.memory_space<hbm>>
      %dma_start3A_396 = tpu.memref_squeeze %dma_start3A_395 : memref<1x1x1x1024xf32, #tpu.memory_space<hbm>> -> memref<1024xf32, #tpu.memory_space<hbm>>
      %dma_start3A_397 = arith.constant 0 : i32
      %dma_start3A_398 = tpu.memref_slice %arg4[%select_n3A_346, %dma_start3A_391, %rem3A_348, %dma_start3A_397] : memref<50x4x128x1024xf32, #tpu.memory_space<hbm>> -> memref<1x1x1x1024xf32, #tpu.memory_space<hbm>>
      %dma_start3A_399 = tpu.memref_squeeze %dma_start3A_398 : memref<1x1x1x1024xf32, #tpu.memory_space<hbm>> -> memref<1024xf32, #tpu.memory_space<hbm>>
      %dma_start3A_400 = arith.constant 3072 : i32
      %dma_start3A_401 = tpu.memref_slice %arg11[%dma_start3A_400] : memref<4096xf32, #tpu.memory_space<vmem>> -> memref<1024xf32, #tpu.memory_space<vmem>>
      tpu.enqueue_dma source(%dma_start3A_401 : memref<1024xf32, #tpu.memory_space<vmem>>) target(%dma_start3A_399 : memref<1024xf32, #tpu.memory_space<hbm>>) target_semaphore(%arg19 : memref<!tpu.dma_semaphore, #tpu.memory_space<semaphore_mem>>)
      %lt3A_402 = arith.constant 49 : i32
      %lt3A_403 = arith.cmpi slt, %add3A_229, %lt3A_402 : i32
      %convert_element_type3A_404 = arith.extui %lt3A_403 : i1 to i32
      %cond3A_405 = arith.constant 0 : i32
      %cond3A_406 = arith.cmpi ne, %convert_element_type3A_404, %cond3A_405 : i32
      scf.if %cond3A_406 {
        %add3A_595 = arith.constant 4 : i32
        %add3A_596 = arith.addi %add3A_317, %add3A_595 : i32
        %sub3A_597 = arith.subi %add3A_596, %mul3A_2 : i32
        %mul3A_598 = arith.constant 128 : i32
        %mul3A_599 = arith.muli %sub3A_597, %mul3A_598 : i32
        %dma_start3A_600 = tpu.memref_slice %arg5[%mul3A_599] : memref<25600xi32, #tpu.memory_space<vmem>> -> memref<128xi32, #tpu.memory_space<vmem>>
        %dma_start3A_601 = arith.constant 0 : i32
        %dma_start3A_602 = arith.constant 0 : i32
        %dma_start3A_603 = tpu.memref_slice %arg2[%dma_start3A_601, %dma_start3A_602] : memref<1000000x32xf32, #tpu.memory_space<hbm>> -> memref<1000000x32xf32, #tpu.memory_space<hbm>>
        tpu.enqueue_indirect_dma source(%dma_start3A_603 : memref<1000000x32xf32, #tpu.memory_space<hbm>>) target(%arg7 : memref<128x32xf32, #tpu.memory_space<vmem>>) offsets(%dma_start3A_600 : memref<128xi32, #tpu.memory_space<vmem>>) semaphore(%arg15 : memref<!tpu.dma_semaphore, #tpu.memory_space<semaphore_mem>>)
      } else {
      }
      %mul3A_407 = arith.constant 4 : i32
      %mul3A_408 = arith.muli %mul3A_407, %add3A_229 : i32
      %add3A_409 = arith.addi %mul3A_2, %mul3A_408 : i32
      %add3A_410 = arith.constant 2 : i32
      %add3A_411 = arith.addi %add3A_409, %add3A_410 : i32
      %ge3A_412 = arith.constant 1 : i32
      %ge3A_413 = arith.cmpi sge, %add3A_229, %ge3A_412 : i32
      %convert_element_type3A_414 = arith.extui %ge3A_413 : i1 to i32
      %cond3A_415 = arith.constant 0 : i32
      %cond3A_416 = arith.cmpi ne, %convert_element_type3A_414, %cond3A_415 : i32
      scf.if %cond3A_416 {
        %dma_wait3A_595 = arith.constant 0 : i32
        %dma_wait3A_596 = arith.constant 0 : i32
        %dma_wait3A_597 = tpu.memref_slice %arg2[%dma_wait3A_595, %dma_wait3A_596] : memref<1000000x32xf32, #tpu.memory_space<hbm>> -> memref<128x32xf32, #tpu.memory_space<hbm>>
        %dma_wait3A_598 = arith.constant 0 : i32
        %dma_wait3A_599 = arith.constant 0 : i32
        %dma_wait3A_600 = tpu.memref_slice %arg2[%dma_wait3A_598, %dma_wait3A_599] : memref<1000000x32xf32, #tpu.memory_space<hbm>> -> memref<128x32xf32, #tpu.memory_space<hbm>>
        tpu.wait_dma2 semaphore(%arg20 : memref<!tpu.dma_semaphore, #tpu.memory_space<semaphore_mem>>) src(%dma_wait3A_600 : memref<128x32xf32, #tpu.memory_space<hbm>>) dst(%arg8 : memref<128x32xf32, #tpu.memory_space<vmem>>)
      } else {
      }
      %jit3A_417 = arith.constant 128 : i32
      %div3A_418 = arith.divsi %add3A_411, %jit3A_417 : i32
      %sign3A_419 = arith.constant 0 : i32
      %sign3A_420 = arith.cmpi sgt, %add3A_411, %sign3A_419 : i32
      %sign3A_421 = arith.extui %sign3A_420 : i1 to i32
      %sign3A_422 = arith.constant 0 : i32
      %sign3A_423 = arith.cmpi slt, %add3A_411, %sign3A_422 : i32
      %sign3A_424 = arith.extui %sign3A_423 : i1 to i32
      %sign3A_425 = arith.subi %sign3A_421, %sign3A_424 : i32
      %sign3A_426 = arith.constant 0 : i32
      %sign3A_427 = arith.cmpi sgt, %jit3A_417, %sign3A_426 : i32
      %sign3A_428 = arith.extui %sign3A_427 : i1 to i32
      %sign3A_429 = arith.constant 0 : i32
      %sign3A_430 = arith.cmpi slt, %jit3A_417, %sign3A_429 : i32
      %sign3A_431 = arith.extui %sign3A_430 : i1 to i32
      %sign3A_432 = arith.subi %sign3A_428, %sign3A_431 : i32
      %ne3A_433 = arith.cmpi ne, %sign3A_425, %sign3A_432 : i32
      %rem3A_434 = arith.remsi %add3A_411, %jit3A_417 : i32
      %ne3A_435 = arith.constant 0 : i32
      %ne3A_436 = arith.cmpi ne, %rem3A_434, %ne3A_435 : i32
      %and3A_437 = arith.andi %ne3A_433, %ne3A_436 : i1
      %sub3A_438 = arith.constant 1 : i32
      %sub3A_439 = arith.subi %div3A_418, %sub3A_438 : i32
      %select_n3A_440 = arith.select %and3A_437, %sub3A_439, %div3A_418 : i32
      %rem3A_441 = arith.constant 128 : i32
      %rem3A_442 = arith.remsi %add3A_411, %rem3A_441 : i32
      %dma_wait3A_443 = arith.constant 0 : i32
      %dma_wait3A_444 = arith.constant 0 : i32
      %dma_wait3A_445 = tpu.memref_slice %arg2[%dma_wait3A_443, %dma_wait3A_444] : memref<1000000x32xf32, #tpu.memory_space<hbm>> -> memref<128x32xf32, #tpu.memory_space<hbm>>
      %dma_wait3A_446 = arith.constant 0 : i32
      %dma_wait3A_447 = arith.constant 0 : i32
      %dma_wait3A_448 = tpu.memref_slice %arg2[%dma_wait3A_446, %dma_wait3A_447] : memref<1000000x32xf32, #tpu.memory_space<hbm>> -> memref<128x32xf32, #tpu.memory_space<hbm>>
      tpu.wait_dma2 semaphore(%arg16 : memref<!tpu.dma_semaphore, #tpu.memory_space<semaphore_mem>>) src(%dma_wait3A_448 : memref<128x32xf32, #tpu.memory_space<hbm>>) dst(%arg8 : memref<128x32xf32, #tpu.memory_space<vmem>>)
      %parallel_loop3A_449 = arith.constant 0 : i32
      %parallel_loop3A_450 = arith.constant 16 : i32
      %parallel_loop3A_451 = arith.constant 1 : i32
      scf.for %parallel_loop3A_595 = %parallel_loop3A_449 to %parallel_loop3A_450 step %parallel_loop3A_451  : i32 {
        %parallel_loop3A_596 = arith.constant 8 : i32
        %parallel_loop3A_597 = arith.remsi %parallel_loop3A_595, %parallel_loop3A_596 : i32
        %parallel_loop3A_598 = arith.constant 16 : i32
        %parallel_loop3A_599 = arith.muli %parallel_loop3A_597, %parallel_loop3A_598 : i32
        %parallel_loop3A_600 = arith.constant 8 : i32
        %parallel_loop3A_601 = arith.divsi %parallel_loop3A_595, %parallel_loop3A_600 : i32
        %parallel_loop3A_602 = arith.constant 0 : i32
        %parallel_loop3A_603 = arith.cmpi sgt, %parallel_loop3A_595, %parallel_loop3A_602 : i32
        %parallel_loop3A_604 = arith.extui %parallel_loop3A_603 : i1 to i32
        %parallel_loop3A_605 = arith.constant 0 : i32
        %parallel_loop3A_606 = arith.cmpi slt, %parallel_loop3A_595, %parallel_loop3A_605 : i32
        %parallel_loop3A_607 = arith.extui %parallel_loop3A_606 : i1 to i32
        %parallel_loop3A_608 = arith.subi %parallel_loop3A_604, %parallel_loop3A_607 : i32
        %parallel_loop3A_609 = arith.constant 0 : i32
        %parallel_loop3A_610 = arith.cmpi sgt, %parallel_loop3A_600, %parallel_loop3A_609 : i32
        %parallel_loop3A_611 = arith.extui %parallel_loop3A_610 : i1 to i32
        %parallel_loop3A_612 = arith.constant 0 : i32
        %parallel_loop3A_613 = arith.cmpi slt, %parallel_loop3A_600, %parallel_loop3A_612 : i32
        %parallel_loop3A_614 = arith.extui %parallel_loop3A_613 : i1 to i32
        %parallel_loop3A_615 = arith.subi %parallel_loop3A_611, %parallel_loop3A_614 : i32
        %parallel_loop3A_616 = arith.cmpi ne, %parallel_loop3A_608, %parallel_loop3A_615 : i32
        %parallel_loop3A_617 = arith.remsi %parallel_loop3A_595, %parallel_loop3A_600 : i32
        %parallel_loop3A_618 = arith.constant 0 : i32
        %parallel_loop3A_619 = arith.cmpi ne, %parallel_loop3A_617, %parallel_loop3A_618 : i32
        %parallel_loop3A_620 = arith.andi %parallel_loop3A_616, %parallel_loop3A_619 : i1
        %parallel_loop3A_621 = arith.constant 1 : i32
        %parallel_loop3A_622 = arith.subi %parallel_loop3A_601, %parallel_loop3A_621 : i32
        %parallel_loop3A_623 = arith.select %parallel_loop3A_620, %parallel_loop3A_622, %parallel_loop3A_601 : i32
        %parallel_loop3A_624 = arith.constant 16 : i32
        %parallel_loop3A_625 = arith.muli %parallel_loop3A_623, %parallel_loop3A_624 : i32
        %parallel_loop3A_626 = vector.broadcast %parallel_loop3A_599 : i32 to vector<16xi32>
        %parallel_loop3A_627 = arith.addi %iota3A, %parallel_loop3A_626 : vector<16xi32>
        %parallel_loop3A_628 = arith.constant 128 : i32
        %parallel_loop3A_629 = arith.muli %parallel_loop3A_625, %parallel_loop3A_628 : i32
        %parallel_loop3A_630 = arith.addi %parallel_loop3A_629, %parallel_loop3A_599 : i32
        %parallel_loop3A_631 = vector.broadcast %parallel_loop3A_625 : i32 to vector<16xi32>
        %parallel_loop3A_632 = arith.addi %rem3A_7, %parallel_loop3A_631 : vector<16xi32>
        %parallel_loop3A_633 = tpu.vector_load_idx %arg8[%parallel_loop3A_627, %parallel_loop3A_632] : memref<128x32xf32, #tpu.memory_space<vmem>>[vector<16xi32>, vector<16xi32>], vector<16xf32>,
        %parallel_loop3A_634 = vector.broadcast %parallel_loop3A_630 : i32 to vector<16xi32>
        %parallel_loop3A_635 = arith.addi %add3A_101, %parallel_loop3A_634 : vector<16xi32>
        tpu.vector_store_idx %arg12[%parallel_loop3A_635], %parallel_loop3A_633 : memref<4096xf32, #tpu.memory_space<vmem>>[vector<16xi32>], vector<16xf32>,
        %parallel_loop3A_636 = vector.broadcast %parallel_loop3A_625 : i32 to vector<16xi32>
        %parallel_loop3A_637 = arith.addi %rem3A_13, %parallel_loop3A_636 : vector<16xi32>
        %parallel_loop3A_638 = tpu.vector_load_idx %arg8[%parallel_loop3A_627, %parallel_loop3A_637] : memref<128x32xf32, #tpu.memory_space<vmem>>[vector<16xi32>, vector<16xi32>], vector<16xf32>,
        %parallel_loop3A_639 = vector.broadcast %parallel_loop3A_630 : i32 to vector<16xi32>
        %parallel_loop3A_640 = arith.addi %add3A_105, %parallel_loop3A_639 : vector<16xi32>
        tpu.vector_store_idx %arg12[%parallel_loop3A_640], %parallel_loop3A_638 : memref<4096xf32, #tpu.memory_space<vmem>>[vector<16xi32>], vector<16xf32>,
        %parallel_loop3A_641 = vector.broadcast %parallel_loop3A_625 : i32 to vector<16xi32>
        %parallel_loop3A_642 = arith.addi %rem3A_19, %parallel_loop3A_641 : vector<16xi32>
        %parallel_loop3A_643 = tpu.vector_load_idx %arg8[%parallel_loop3A_627, %parallel_loop3A_642] : memref<128x32xf32, #tpu.memory_space<vmem>>[vector<16xi32>, vector<16xi32>], vector<16xf32>,
        %parallel_loop3A_644 = vector.broadcast %parallel_loop3A_630 : i32 to vector<16xi32>
        %parallel_loop3A_645 = arith.addi %add3A_109, %parallel_loop3A_644 : vector<16xi32>
        tpu.vector_store_idx %arg12[%parallel_loop3A_645], %parallel_loop3A_643 : memref<4096xf32, #tpu.memory_space<vmem>>[vector<16xi32>], vector<16xf32>,
        %parallel_loop3A_646 = vector.broadcast %parallel_loop3A_625 : i32 to vector<16xi32>
        %parallel_loop3A_647 = arith.addi %rem3A_25, %parallel_loop3A_646 : vector<16xi32>
        %parallel_loop3A_648 = tpu.vector_load_idx %arg8[%parallel_loop3A_627, %parallel_loop3A_647] : memref<128x32xf32, #tpu.memory_space<vmem>>[vector<16xi32>, vector<16xi32>], vector<16xf32>,
        %parallel_loop3A_649 = vector.broadcast %parallel_loop3A_630 : i32 to vector<16xi32>
        %parallel_loop3A_650 = arith.addi %add3A_113, %parallel_loop3A_649 : vector<16xi32>
        tpu.vector_store_idx %arg12[%parallel_loop3A_650], %parallel_loop3A_648 : memref<4096xf32, #tpu.memory_space<vmem>>[vector<16xi32>], vector<16xf32>,
        %parallel_loop3A_651 = vector.broadcast %parallel_loop3A_625 : i32 to vector<16xi32>
        %parallel_loop3A_652 = arith.addi %rem3A_31, %parallel_loop3A_651 : vector<16xi32>
        %parallel_loop3A_653 = tpu.vector_load_idx %arg8[%parallel_loop3A_627, %parallel_loop3A_652] : memref<128x32xf32, #tpu.memory_space<vmem>>[vector<16xi32>, vector<16xi32>], vector<16xf32>,
        %parallel_loop3A_654 = vector.broadcast %parallel_loop3A_630 : i32 to vector<16xi32>
        %parallel_loop3A_655 = arith.addi %add3A_117, %parallel_loop3A_654 : vector<16xi32>
        tpu.vector_store_idx %arg12[%parallel_loop3A_655], %parallel_loop3A_653 : memref<4096xf32, #tpu.memory_space<vmem>>[vector<16xi32>], vector<16xf32>,
        %parallel_loop3A_656 = vector.broadcast %parallel_loop3A_625 : i32 to vector<16xi32>
        %parallel_loop3A_657 = arith.addi %rem3A_37, %parallel_loop3A_656 : vector<16xi32>
        %parallel_loop3A_658 = tpu.vector_load_idx %arg8[%parallel_loop3A_627, %parallel_loop3A_657] : memref<128x32xf32, #tpu.memory_space<vmem>>[vector<16xi32>, vector<16xi32>], vector<16xf32>,
        %parallel_loop3A_659 = vector.broadcast %parallel_loop3A_630 : i32 to vector<16xi32>
        %parallel_loop3A_660 = arith.addi %add3A_121, %parallel_loop3A_659 : vector<16xi32>
        tpu.vector_store_idx %arg12[%parallel_loop3A_660], %parallel_loop3A_658 : memref<4096xf32, #tpu.memory_space<vmem>>[vector<16xi32>], vector<16xf32>,
        %parallel_loop3A_661 = vector.broadcast %parallel_loop3A_625 : i32 to vector<16xi32>
        %parallel_loop3A_662 = arith.addi %rem3A_43, %parallel_loop3A_661 : vector<16xi32>
        %parallel_loop3A_663 = tpu.vector_load_idx %arg8[%parallel_loop3A_627, %parallel_loop3A_662] : memref<128x32xf32, #tpu.memory_space<vmem>>[vector<16xi32>, vector<16xi32>], vector<16xf32>,
        %parallel_loop3A_664 = vector.broadcast %parallel_loop3A_630 : i32 to vector<16xi32>
        %parallel_loop3A_665 = arith.addi %add3A_125, %parallel_loop3A_664 : vector<16xi32>
        tpu.vector_store_idx %arg12[%parallel_loop3A_665], %parallel_loop3A_663 : memref<4096xf32, #tpu.memory_space<vmem>>[vector<16xi32>], vector<16xf32>,
        %parallel_loop3A_666 = vector.broadcast %parallel_loop3A_625 : i32 to vector<16xi32>
        %parallel_loop3A_667 = arith.addi %rem3A_49, %parallel_loop3A_666 : vector<16xi32>
        %parallel_loop3A_668 = tpu.vector_load_idx %arg8[%parallel_loop3A_627, %parallel_loop3A_667] : memref<128x32xf32, #tpu.memory_space<vmem>>[vector<16xi32>, vector<16xi32>], vector<16xf32>,
        %parallel_loop3A_669 = vector.broadcast %parallel_loop3A_630 : i32 to vector<16xi32>
        %parallel_loop3A_670 = arith.addi %add3A_129, %parallel_loop3A_669 : vector<16xi32>
        tpu.vector_store_idx %arg12[%parallel_loop3A_670], %parallel_loop3A_668 : memref<4096xf32, #tpu.memory_space<vmem>>[vector<16xi32>], vector<16xf32>,
        %parallel_loop3A_671 = vector.broadcast %parallel_loop3A_625 : i32 to vector<16xi32>
        %parallel_loop3A_672 = arith.addi %rem3A_55, %parallel_loop3A_671 : vector<16xi32>
        %parallel_loop3A_673 = tpu.vector_load_idx %arg8[%parallel_loop3A_627, %parallel_loop3A_672] : memref<128x32xf32, #tpu.memory_space<vmem>>[vector<16xi32>, vector<16xi32>], vector<16xf32>,
        %parallel_loop3A_674 = vector.broadcast %parallel_loop3A_630 : i32 to vector<16xi32>
        %parallel_loop3A_675 = arith.addi %add3A_133, %parallel_loop3A_674 : vector<16xi32>
        tpu.vector_store_idx %arg12[%parallel_loop3A_675], %parallel_loop3A_673 : memref<4096xf32, #tpu.memory_space<vmem>>[vector<16xi32>], vector<16xf32>,
        %parallel_loop3A_676 = vector.broadcast %parallel_loop3A_625 : i32 to vector<16xi32>
        %parallel_loop3A_677 = arith.addi %rem3A_61, %parallel_loop3A_676 : vector<16xi32>
        %parallel_loop3A_678 = tpu.vector_load_idx %arg8[%parallel_loop3A_627, %parallel_loop3A_677] : memref<128x32xf32, #tpu.memory_space<vmem>>[vector<16xi32>, vector<16xi32>], vector<16xf32>,
        %parallel_loop3A_679 = vector.broadcast %parallel_loop3A_630 : i32 to vector<16xi32>
        %parallel_loop3A_680 = arith.addi %add3A_137, %parallel_loop3A_679 : vector<16xi32>
        tpu.vector_store_idx %arg12[%parallel_loop3A_680], %parallel_loop3A_678 : memref<4096xf32, #tpu.memory_space<vmem>>[vector<16xi32>], vector<16xf32>,
        %parallel_loop3A_681 = vector.broadcast %parallel_loop3A_625 : i32 to vector<16xi32>
        %parallel_loop3A_682 = arith.addi %rem3A_67, %parallel_loop3A_681 : vector<16xi32>
        %parallel_loop3A_683 = tpu.vector_load_idx %arg8[%parallel_loop3A_627, %parallel_loop3A_682] : memref<128x32xf32, #tpu.memory_space<vmem>>[vector<16xi32>, vector<16xi32>], vector<16xf32>,
        %parallel_loop3A_684 = vector.broadcast %parallel_loop3A_630 : i32 to vector<16xi32>
        %parallel_loop3A_685 = arith.addi %add3A_141, %parallel_loop3A_684 : vector<16xi32>
        tpu.vector_store_idx %arg12[%parallel_loop3A_685], %parallel_loop3A_683 : memref<4096xf32, #tpu.memory_space<vmem>>[vector<16xi32>], vector<16xf32>,
        %parallel_loop3A_686 = vector.broadcast %parallel_loop3A_625 : i32 to vector<16xi32>
        %parallel_loop3A_687 = arith.addi %rem3A_73, %parallel_loop3A_686 : vector<16xi32>
        %parallel_loop3A_688 = tpu.vector_load_idx %arg8[%parallel_loop3A_627, %parallel_loop3A_687] : memref<128x32xf32, #tpu.memory_space<vmem>>[vector<16xi32>, vector<16xi32>], vector<16xf32>,
        %parallel_loop3A_689 = vector.broadcast %parallel_loop3A_630 : i32 to vector<16xi32>
        %parallel_loop3A_690 = arith.addi %add3A_145, %parallel_loop3A_689 : vector<16xi32>
        tpu.vector_store_idx %arg12[%parallel_loop3A_690], %parallel_loop3A_688 : memref<4096xf32, #tpu.memory_space<vmem>>[vector<16xi32>], vector<16xf32>,
        %parallel_loop3A_691 = vector.broadcast %parallel_loop3A_625 : i32 to vector<16xi32>
        %parallel_loop3A_692 = arith.addi %rem3A_79, %parallel_loop3A_691 : vector<16xi32>
        %parallel_loop3A_693 = tpu.vector_load_idx %arg8[%parallel_loop3A_627, %parallel_loop3A_692] : memref<128x32xf32, #tpu.memory_space<vmem>>[vector<16xi32>, vector<16xi32>], vector<16xf32>,
        %parallel_loop3A_694 = vector.broadcast %parallel_loop3A_630 : i32 to vector<16xi32>
        %parallel_loop3A_695 = arith.addi %add3A_149, %parallel_loop3A_694 : vector<16xi32>
        tpu.vector_store_idx %arg12[%parallel_loop3A_695], %parallel_loop3A_693 : memref<4096xf32, #tpu.memory_space<vmem>>[vector<16xi32>], vector<16xf32>,
        %parallel_loop3A_696 = vector.broadcast %parallel_loop3A_625 : i32 to vector<16xi32>
        %parallel_loop3A_697 = arith.addi %rem3A_85, %parallel_loop3A_696 : vector<16xi32>
        %parallel_loop3A_698 = tpu.vector_load_idx %arg8[%parallel_loop3A_627, %parallel_loop3A_697] : memref<128x32xf32, #tpu.memory_space<vmem>>[vector<16xi32>, vector<16xi32>], vector<16xf32>,
        %parallel_loop3A_699 = vector.broadcast %parallel_loop3A_630 : i32 to vector<16xi32>
        %parallel_loop3A_700 = arith.addi %add3A_153, %parallel_loop3A_699 : vector<16xi32>
        tpu.vector_store_idx %arg12[%parallel_loop3A_700], %parallel_loop3A_698 : memref<4096xf32, #tpu.memory_space<vmem>>[vector<16xi32>], vector<16xf32>,
        %parallel_loop3A_701 = vector.broadcast %parallel_loop3A_625 : i32 to vector<16xi32>
        %parallel_loop3A_702 = arith.addi %rem3A_91, %parallel_loop3A_701 : vector<16xi32>
        %parallel_loop3A_703 = tpu.vector_load_idx %arg8[%parallel_loop3A_627, %parallel_loop3A_702] : memref<128x32xf32, #tpu.memory_space<vmem>>[vector<16xi32>, vector<16xi32>], vector<16xf32>,
        %parallel_loop3A_704 = vector.broadcast %parallel_loop3A_630 : i32 to vector<16xi32>
        %parallel_loop3A_705 = arith.addi %add3A_157, %parallel_loop3A_704 : vector<16xi32>
        tpu.vector_store_idx %arg12[%parallel_loop3A_705], %parallel_loop3A_703 : memref<4096xf32, #tpu.memory_space<vmem>>[vector<16xi32>], vector<16xf32>,
        %parallel_loop3A_706 = vector.broadcast %parallel_loop3A_625 : i32 to vector<16xi32>
        %parallel_loop3A_707 = arith.addi %rem3A_97, %parallel_loop3A_706 : vector<16xi32>
        %parallel_loop3A_708 = tpu.vector_load_idx %arg8[%parallel_loop3A_627, %parallel_loop3A_707] : memref<128x32xf32, #tpu.memory_space<vmem>>[vector<16xi32>, vector<16xi32>], vector<16xf32>,
        %parallel_loop3A_709 = vector.broadcast %parallel_loop3A_630 : i32 to vector<16xi32>
        %parallel_loop3A_710 = arith.addi %add3A_161, %parallel_loop3A_709 : vector<16xi32>
        tpu.vector_store_idx %arg12[%parallel_loop3A_710], %parallel_loop3A_708 : memref<4096xf32, #tpu.memory_space<vmem>>[vector<16xi32>], vector<16xf32>,
      } {sc.loop_unroll_factor = 4 : i64, sc.parallel_access}
      %dma_start3A_452 = arith.constant 0 : i32
      %dma_start3A_453 = arith.constant 0 : i32
      %dma_start3A_454 = tpu.memref_slice %arg12[%dma_start3A_453] : memref<4096xf32, #tpu.memory_space<vmem>> -> memref<1024xf32, #tpu.memory_space<vmem>>
      %dma_start3A_455 = arith.constant 0 : i32
      %dma_start3A_456 = tpu.memref_slice %arg4[%select_n3A_440, %dma_start3A_452, %rem3A_442, %dma_start3A_455] : memref<50x4x128x1024xf32, #tpu.memory_space<hbm>> -> memref<1x1x1x1024xf32, #tpu.memory_space<hbm>>
      %dma_start3A_457 = tpu.memref_squeeze %dma_start3A_456 : memref<1x1x1x1024xf32, #tpu.memory_space<hbm>> -> memref<1024xf32, #tpu.memory_space<hbm>>
      %dma_start3A_458 = arith.constant 0 : i32
      %dma_start3A_459 = tpu.memref_slice %arg4[%select_n3A_440, %dma_start3A_452, %rem3A_442, %dma_start3A_458] : memref<50x4x128x1024xf32, #tpu.memory_space<hbm>> -> memref<1x1x1x1024xf32, #tpu.memory_space<hbm>>
      %dma_start3A_460 = tpu.memref_squeeze %dma_start3A_459 : memref<1x1x1x1024xf32, #tpu.memory_space<hbm>> -> memref<1024xf32, #tpu.memory_space<hbm>>
      %dma_start3A_461 = arith.constant 0 : i32
      %dma_start3A_462 = tpu.memref_slice %arg12[%dma_start3A_461] : memref<4096xf32, #tpu.memory_space<vmem>> -> memref<1024xf32, #tpu.memory_space<vmem>>
      tpu.enqueue_dma source(%dma_start3A_462 : memref<1024xf32, #tpu.memory_space<vmem>>) target(%dma_start3A_460 : memref<1024xf32, #tpu.memory_space<hbm>>) target_semaphore(%arg20 : memref<!tpu.dma_semaphore, #tpu.memory_space<semaphore_mem>>)
      %dma_start3A_463 = arith.constant 1 : i32
      %dma_start3A_464 = arith.constant 1024 : i32
      %dma_start3A_465 = tpu.memref_slice %arg12[%dma_start3A_464] : memref<4096xf32, #tpu.memory_space<vmem>> -> memref<1024xf32, #tpu.memory_space<vmem>>
      %dma_start3A_466 = arith.constant 0 : i32
      %dma_start3A_467 = tpu.memref_slice %arg4[%select_n3A_440, %dma_start3A_463, %rem3A_442, %dma_start3A_466] : memref<50x4x128x1024xf32, #tpu.memory_space<hbm>> -> memref<1x1x1x1024xf32, #tpu.memory_space<hbm>>
      %dma_start3A_468 = tpu.memref_squeeze %dma_start3A_467 : memref<1x1x1x1024xf32, #tpu.memory_space<hbm>> -> memref<1024xf32, #tpu.memory_space<hbm>>
      %dma_start3A_469 = arith.constant 0 : i32
      %dma_start3A_470 = tpu.memref_slice %arg4[%select_n3A_440, %dma_start3A_463, %rem3A_442, %dma_start3A_469] : memref<50x4x128x1024xf32, #tpu.memory_space<hbm>> -> memref<1x1x1x1024xf32, #tpu.memory_space<hbm>>
      %dma_start3A_471 = tpu.memref_squeeze %dma_start3A_470 : memref<1x1x1x1024xf32, #tpu.memory_space<hbm>> -> memref<1024xf32, #tpu.memory_space<hbm>>
      %dma_start3A_472 = arith.constant 1024 : i32
      %dma_start3A_473 = tpu.memref_slice %arg12[%dma_start3A_472] : memref<4096xf32, #tpu.memory_space<vmem>> -> memref<1024xf32, #tpu.memory_space<vmem>>
      tpu.enqueue_dma source(%dma_start3A_473 : memref<1024xf32, #tpu.memory_space<vmem>>) target(%dma_start3A_471 : memref<1024xf32, #tpu.memory_space<hbm>>) target_semaphore(%arg20 : memref<!tpu.dma_semaphore, #tpu.memory_space<semaphore_mem>>)
      %dma_start3A_474 = arith.constant 2 : i32
      %dma_start3A_475 = arith.constant 2048 : i32
      %dma_start3A_476 = tpu.memref_slice %arg12[%dma_start3A_475] : memref<4096xf32, #tpu.memory_space<vmem>> -> memref<1024xf32, #tpu.memory_space<vmem>>
      %dma_start3A_477 = arith.constant 0 : i32
      %dma_start3A_478 = tpu.memref_slice %arg4[%select_n3A_440, %dma_start3A_474, %rem3A_442, %dma_start3A_477] : memref<50x4x128x1024xf32, #tpu.memory_space<hbm>> -> memref<1x1x1x1024xf32, #tpu.memory_space<hbm>>
      %dma_start3A_479 = tpu.memref_squeeze %dma_start3A_478 : memref<1x1x1x1024xf32, #tpu.memory_space<hbm>> -> memref<1024xf32, #tpu.memory_space<hbm>>
      %dma_start3A_480 = arith.constant 0 : i32
      %dma_start3A_481 = tpu.memref_slice %arg4[%select_n3A_440, %dma_start3A_474, %rem3A_442, %dma_start3A_480] : memref<50x4x128x1024xf32, #tpu.memory_space<hbm>> -> memref<1x1x1x1024xf32, #tpu.memory_space<hbm>>
      %dma_start3A_482 = tpu.memref_squeeze %dma_start3A_481 : memref<1x1x1x1024xf32, #tpu.memory_space<hbm>> -> memref<1024xf32, #tpu.memory_space<hbm>>
      %dma_start3A_483 = arith.constant 2048 : i32
      %dma_start3A_484 = tpu.memref_slice %arg12[%dma_start3A_483] : memref<4096xf32, #tpu.memory_space<vmem>> -> memref<1024xf32, #tpu.memory_space<vmem>>
      tpu.enqueue_dma source(%dma_start3A_484 : memref<1024xf32, #tpu.memory_space<vmem>>) target(%dma_start3A_482 : memref<1024xf32, #tpu.memory_space<hbm>>) target_semaphore(%arg20 : memref<!tpu.dma_semaphore, #tpu.memory_space<semaphore_mem>>)
      %dma_start3A_485 = arith.constant 3 : i32
      %dma_start3A_486 = arith.constant 3072 : i32
      %dma_start3A_487 = tpu.memref_slice %arg12[%dma_start3A_486] : memref<4096xf32, #tpu.memory_space<vmem>> -> memref<1024xf32, #tpu.memory_space<vmem>>
      %dma_start3A_488 = arith.constant 0 : i32
      %dma_start3A_489 = tpu.memref_slice %arg4[%select_n3A_440, %dma_start3A_485, %rem3A_442, %dma_start3A_488] : memref<50x4x128x1024xf32, #tpu.memory_space<hbm>> -> memref<1x1x1x1024xf32, #tpu.memory_space<hbm>>
      %dma_start3A_490 = tpu.memref_squeeze %dma_start3A_489 : memref<1x1x1x1024xf32, #tpu.memory_space<hbm>> -> memref<1024xf32, #tpu.memory_space<hbm>>
      %dma_start3A_491 = arith.constant 0 : i32
      %dma_start3A_492 = tpu.memref_slice %arg4[%select_n3A_440, %dma_start3A_485, %rem3A_442, %dma_start3A_491] : memref<50x4x128x1024xf32, #tpu.memory_space<hbm>> -> memref<1x1x1x1024xf32, #tpu.memory_space<hbm>>
      %dma_start3A_493 = tpu.memref_squeeze %dma_start3A_492 : memref<1x1x1x1024xf32, #tpu.memory_space<hbm>> -> memref<1024xf32, #tpu.memory_space<hbm>>
      %dma_start3A_494 = arith.constant 3072 : i32
      %dma_start3A_495 = tpu.memref_slice %arg12[%dma_start3A_494] : memref<4096xf32, #tpu.memory_space<vmem>> -> memref<1024xf32, #tpu.memory_space<vmem>>
      tpu.enqueue_dma source(%dma_start3A_495 : memref<1024xf32, #tpu.memory_space<vmem>>) target(%dma_start3A_493 : memref<1024xf32, #tpu.memory_space<hbm>>) target_semaphore(%arg20 : memref<!tpu.dma_semaphore, #tpu.memory_space<semaphore_mem>>)
      %lt3A_496 = arith.constant 49 : i32
      %lt3A_497 = arith.cmpi slt, %add3A_229, %lt3A_496 : i32
      %convert_element_type3A_498 = arith.extui %lt3A_497 : i1 to i32
      %cond3A_499 = arith.constant 0 : i32
      %cond3A_500 = arith.cmpi ne, %convert_element_type3A_498, %cond3A_499 : i32
      scf.if %cond3A_500 {
        %add3A_595 = arith.constant 4 : i32
        %add3A_596 = arith.addi %add3A_411, %add3A_595 : i32
        %sub3A_597 = arith.subi %add3A_596, %mul3A_2 : i32
        %mul3A_598 = arith.constant 128 : i32
        %mul3A_599 = arith.muli %sub3A_597, %mul3A_598 : i32
        %dma_start3A_600 = tpu.memref_slice %arg5[%mul3A_599] : memref<25600xi32, #tpu.memory_space<vmem>> -> memref<128xi32, #tpu.memory_space<vmem>>
        %dma_start3A_601 = arith.constant 0 : i32
        %dma_start3A_602 = arith.constant 0 : i32
        %dma_start3A_603 = tpu.memref_slice %arg2[%dma_start3A_601, %dma_start3A_602] : memref<1000000x32xf32, #tpu.memory_space<hbm>> -> memref<1000000x32xf32, #tpu.memory_space<hbm>>
        tpu.enqueue_indirect_dma source(%dma_start3A_603 : memref<1000000x32xf32, #tpu.memory_space<hbm>>) target(%arg8 : memref<128x32xf32, #tpu.memory_space<vmem>>) offsets(%dma_start3A_600 : memref<128xi32, #tpu.memory_space<vmem>>) semaphore(%arg16 : memref<!tpu.dma_semaphore, #tpu.memory_space<semaphore_mem>>)
      } else {
      }
      %mul3A_501 = arith.constant 4 : i32
      %mul3A_502 = arith.muli %mul3A_501, %add3A_229 : i32
      %add3A_503 = arith.addi %mul3A_2, %mul3A_502 : i32
      %add3A_504 = arith.constant 3 : i32
      %add3A_505 = arith.addi %add3A_503, %add3A_504 : i32
      %ge3A_506 = arith.constant 1 : i32
      %ge3A_507 = arith.cmpi sge, %add3A_229, %ge3A_506 : i32
      %convert_element_type3A_508 = arith.extui %ge3A_507 : i1 to i32
      %cond3A_509 = arith.constant 0 : i32
      %cond3A_510 = arith.cmpi ne, %convert_element_type3A_508, %cond3A_509 : i32
      scf.if %cond3A_510 {
        %dma_wait3A_595 = arith.constant 0 : i32
        %dma_wait3A_596 = arith.constant 0 : i32
        %dma_wait3A_597 = tpu.memref_slice %arg2[%dma_wait3A_595, %dma_wait3A_596] : memref<1000000x32xf32, #tpu.memory_space<hbm>> -> memref<128x32xf32, #tpu.memory_space<hbm>>
        %dma_wait3A_598 = arith.constant 0 : i32
        %dma_wait3A_599 = arith.constant 0 : i32
        %dma_wait3A_600 = tpu.memref_slice %arg2[%dma_wait3A_598, %dma_wait3A_599] : memref<1000000x32xf32, #tpu.memory_space<hbm>> -> memref<128x32xf32, #tpu.memory_space<hbm>>
        tpu.wait_dma2 semaphore(%arg21 : memref<!tpu.dma_semaphore, #tpu.memory_space<semaphore_mem>>) src(%dma_wait3A_600 : memref<128x32xf32, #tpu.memory_space<hbm>>) dst(%arg9 : memref<128x32xf32, #tpu.memory_space<vmem>>)
      } else {
      }
      %jit3A_511 = arith.constant 128 : i32
      %div3A_512 = arith.divsi %add3A_505, %jit3A_511 : i32
      %sign3A_513 = arith.constant 0 : i32
      %sign3A_514 = arith.cmpi sgt, %add3A_505, %sign3A_513 : i32
      %sign3A_515 = arith.extui %sign3A_514 : i1 to i32
      %sign3A_516 = arith.constant 0 : i32
      %sign3A_517 = arith.cmpi slt, %add3A_505, %sign3A_516 : i32
      %sign3A_518 = arith.extui %sign3A_517 : i1 to i32
      %sign3A_519 = arith.subi %sign3A_515, %sign3A_518 : i32
      %sign3A_520 = arith.constant 0 : i32
      %sign3A_521 = arith.cmpi sgt, %jit3A_511, %sign3A_520 : i32
      %sign3A_522 = arith.extui %sign3A_521 : i1 to i32
      %sign3A_523 = arith.constant 0 : i32
      %sign3A_524 = arith.cmpi slt, %jit3A_511, %sign3A_523 : i32
      %sign3A_525 = arith.extui %sign3A_524 : i1 to i32
      %sign3A_526 = arith.subi %sign3A_522, %sign3A_525 : i32
      %ne3A_527 = arith.cmpi ne, %sign3A_519, %sign3A_526 : i32
      %rem3A_528 = arith.remsi %add3A_505, %jit3A_511 : i32
      %ne3A_529 = arith.constant 0 : i32
      %ne3A_530 = arith.cmpi ne, %rem3A_528, %ne3A_529 : i32
      %and3A_531 = arith.andi %ne3A_527, %ne3A_530 : i1
      %sub3A_532 = arith.constant 1 : i32
      %sub3A_533 = arith.subi %div3A_512, %sub3A_532 : i32
      %select_n3A_534 = arith.select %and3A_531, %sub3A_533, %div3A_512 : i32
      %rem3A_535 = arith.constant 128 : i32
      %rem3A_536 = arith.remsi %add3A_505, %rem3A_535 : i32
      %dma_wait3A_537 = arith.constant 0 : i32
      %dma_wait3A_538 = arith.constant 0 : i32
      %dma_wait3A_539 = tpu.memref_slice %arg2[%dma_wait3A_537, %dma_wait3A_538] : memref<1000000x32xf32, #tpu.memory_space<hbm>> -> memref<128x32xf32, #tpu.memory_space<hbm>>
      %dma_wait3A_540 = arith.constant 0 : i32
      %dma_wait3A_541 = arith.constant 0 : i32
      %dma_wait3A_542 = tpu.memref_slice %arg2[%dma_wait3A_540, %dma_wait3A_541] : memref<1000000x32xf32, #tpu.memory_space<hbm>> -> memref<128x32xf32, #tpu.memory_space<hbm>>
      tpu.wait_dma2 semaphore(%arg17 : memref<!tpu.dma_semaphore, #tpu.memory_space<semaphore_mem>>) src(%dma_wait3A_542 : memref<128x32xf32, #tpu.memory_space<hbm>>) dst(%arg9 : memref<128x32xf32, #tpu.memory_space<vmem>>)
      %parallel_loop3A_543 = arith.constant 0 : i32
      %parallel_loop3A_544 = arith.constant 16 : i32
      %parallel_loop3A_545 = arith.constant 1 : i32
      scf.for %parallel_loop3A_595 = %parallel_loop3A_543 to %parallel_loop3A_544 step %parallel_loop3A_545  : i32 {
        %parallel_loop3A_596 = arith.constant 8 : i32
        %parallel_loop3A_597 = arith.remsi %parallel_loop3A_595, %parallel_loop3A_596 : i32
        %parallel_loop3A_598 = arith.constant 16 : i32
        %parallel_loop3A_599 = arith.muli %parallel_loop3A_597, %parallel_loop3A_598 : i32
        %parallel_loop3A_600 = arith.constant 8 : i32
        %parallel_loop3A_601 = arith.divsi %parallel_loop3A_595, %parallel_loop3A_600 : i32
        %parallel_loop3A_602 = arith.constant 0 : i32
        %parallel_loop3A_603 = arith.cmpi sgt, %parallel_loop3A_595, %parallel_loop3A_602 : i32
        %parallel_loop3A_604 = arith.extui %parallel_loop3A_603 : i1 to i32
        %parallel_loop3A_605 = arith.constant 0 : i32
        %parallel_loop3A_606 = arith.cmpi slt, %parallel_loop3A_595, %parallel_loop3A_605 : i32
        %parallel_loop3A_607 = arith.extui %parallel_loop3A_606 : i1 to i32
        %parallel_loop3A_608 = arith.subi %parallel_loop3A_604, %parallel_loop3A_607 : i32
        %parallel_loop3A_609 = arith.constant 0 : i32
        %parallel_loop3A_610 = arith.cmpi sgt, %parallel_loop3A_600, %parallel_loop3A_609 : i32
        %parallel_loop3A_611 = arith.extui %parallel_loop3A_610 : i1 to i32
        %parallel_loop3A_612 = arith.constant 0 : i32
        %parallel_loop3A_613 = arith.cmpi slt, %parallel_loop3A_600, %parallel_loop3A_612 : i32
        %parallel_loop3A_614 = arith.extui %parallel_loop3A_613 : i1 to i32
        %parallel_loop3A_615 = arith.subi %parallel_loop3A_611, %parallel_loop3A_614 : i32
        %parallel_loop3A_616 = arith.cmpi ne, %parallel_loop3A_608, %parallel_loop3A_615 : i32
        %parallel_loop3A_617 = arith.remsi %parallel_loop3A_595, %parallel_loop3A_600 : i32
        %parallel_loop3A_618 = arith.constant 0 : i32
        %parallel_loop3A_619 = arith.cmpi ne, %parallel_loop3A_617, %parallel_loop3A_618 : i32
        %parallel_loop3A_620 = arith.andi %parallel_loop3A_616, %parallel_loop3A_619 : i1
        %parallel_loop3A_621 = arith.constant 1 : i32
        %parallel_loop3A_622 = arith.subi %parallel_loop3A_601, %parallel_loop3A_621 : i32
        %parallel_loop3A_623 = arith.select %parallel_loop3A_620, %parallel_loop3A_622, %parallel_loop3A_601 : i32
        %parallel_loop3A_624 = arith.constant 16 : i32
        %parallel_loop3A_625 = arith.muli %parallel_loop3A_623, %parallel_loop3A_624 : i32
        %parallel_loop3A_626 = vector.broadcast %parallel_loop3A_599 : i32 to vector<16xi32>
        %parallel_loop3A_627 = arith.addi %iota3A, %parallel_loop3A_626 : vector<16xi32>
        %parallel_loop3A_628 = arith.constant 128 : i32
        %parallel_loop3A_629 = arith.muli %parallel_loop3A_625, %parallel_loop3A_628 : i32
        %parallel_loop3A_630 = arith.addi %parallel_loop3A_629, %parallel_loop3A_599 : i32
        %parallel_loop3A_631 = vector.broadcast %parallel_loop3A_625 : i32 to vector<16xi32>
        %parallel_loop3A_632 = arith.addi %rem3A_7, %parallel_loop3A_631 : vector<16xi32>
        %parallel_loop3A_633 = tpu.vector_load_idx %arg9[%parallel_loop3A_627, %parallel_loop3A_632] : memref<128x32xf32, #tpu.memory_space<vmem>>[vector<16xi32>, vector<16xi32>], vector<16xf32>,
        %parallel_loop3A_634 = vector.broadcast %parallel_loop3A_630 : i32 to vector<16xi32>
        %parallel_loop3A_635 = arith.addi %add3A_101, %parallel_loop3A_634 : vector<16xi32>
        tpu.vector_store_idx %arg13[%parallel_loop3A_635], %parallel_loop3A_633 : memref<4096xf32, #tpu.memory_space<vmem>>[vector<16xi32>], vector<16xf32>,
        %parallel_loop3A_636 = vector.broadcast %parallel_loop3A_625 : i32 to vector<16xi32>
        %parallel_loop3A_637 = arith.addi %rem3A_13, %parallel_loop3A_636 : vector<16xi32>
        %parallel_loop3A_638 = tpu.vector_load_idx %arg9[%parallel_loop3A_627, %parallel_loop3A_637] : memref<128x32xf32, #tpu.memory_space<vmem>>[vector<16xi32>, vector<16xi32>], vector<16xf32>,
        %parallel_loop3A_639 = vector.broadcast %parallel_loop3A_630 : i32 to vector<16xi32>
        %parallel_loop3A_640 = arith.addi %add3A_105, %parallel_loop3A_639 : vector<16xi32>
        tpu.vector_store_idx %arg13[%parallel_loop3A_640], %parallel_loop3A_638 : memref<4096xf32, #tpu.memory_space<vmem>>[vector<16xi32>], vector<16xf32>,
        %parallel_loop3A_641 = vector.broadcast %parallel_loop3A_625 : i32 to vector<16xi32>
        %parallel_loop3A_642 = arith.addi %rem3A_19, %parallel_loop3A_641 : vector<16xi32>
        %parallel_loop3A_643 = tpu.vector_load_idx %arg9[%parallel_loop3A_627, %parallel_loop3A_642] : memref<128x32xf32, #tpu.memory_space<vmem>>[vector<16xi32>, vector<16xi32>], vector<16xf32>,
        %parallel_loop3A_644 = vector.broadcast %parallel_loop3A_630 : i32 to vector<16xi32>
        %parallel_loop3A_645 = arith.addi %add3A_109, %parallel_loop3A_644 : vector<16xi32>
        tpu.vector_store_idx %arg13[%parallel_loop3A_645], %parallel_loop3A_643 : memref<4096xf32, #tpu.memory_space<vmem>>[vector<16xi32>], vector<16xf32>,
        %parallel_loop3A_646 = vector.broadcast %parallel_loop3A_625 : i32 to vector<16xi32>
        %parallel_loop3A_647 = arith.addi %rem3A_25, %parallel_loop3A_646 : vector<16xi32>
        %parallel_loop3A_648 = tpu.vector_load_idx %arg9[%parallel_loop3A_627, %parallel_loop3A_647] : memref<128x32xf32, #tpu.memory_space<vmem>>[vector<16xi32>, vector<16xi32>], vector<16xf32>,
        %parallel_loop3A_649 = vector.broadcast %parallel_loop3A_630 : i32 to vector<16xi32>
        %parallel_loop3A_650 = arith.addi %add3A_113, %parallel_loop3A_649 : vector<16xi32>
        tpu.vector_store_idx %arg13[%parallel_loop3A_650], %parallel_loop3A_648 : memref<4096xf32, #tpu.memory_space<vmem>>[vector<16xi32>], vector<16xf32>,
        %parallel_loop3A_651 = vector.broadcast %parallel_loop3A_625 : i32 to vector<16xi32>
        %parallel_loop3A_652 = arith.addi %rem3A_31, %parallel_loop3A_651 : vector<16xi32>
        %parallel_loop3A_653 = tpu.vector_load_idx %arg9[%parallel_loop3A_627, %parallel_loop3A_652] : memref<128x32xf32, #tpu.memory_space<vmem>>[vector<16xi32>, vector<16xi32>], vector<16xf32>,
        %parallel_loop3A_654 = vector.broadcast %parallel_loop3A_630 : i32 to vector<16xi32>
        %parallel_loop3A_655 = arith.addi %add3A_117, %parallel_loop3A_654 : vector<16xi32>
        tpu.vector_store_idx %arg13[%parallel_loop3A_655], %parallel_loop3A_653 : memref<4096xf32, #tpu.memory_space<vmem>>[vector<16xi32>], vector<16xf32>,
        %parallel_loop3A_656 = vector.broadcast %parallel_loop3A_625 : i32 to vector<16xi32>
        %parallel_loop3A_657 = arith.addi %rem3A_37, %parallel_loop3A_656 : vector<16xi32>
        %parallel_loop3A_658 = tpu.vector_load_idx %arg9[%parallel_loop3A_627, %parallel_loop3A_657] : memref<128x32xf32, #tpu.memory_space<vmem>>[vector<16xi32>, vector<16xi32>], vector<16xf32>,
        %parallel_loop3A_659 = vector.broadcast %parallel_loop3A_630 : i32 to vector<16xi32>
        %parallel_loop3A_660 = arith.addi %add3A_121, %parallel_loop3A_659 : vector<16xi32>
        tpu.vector_store_idx %arg13[%parallel_loop3A_660], %parallel_loop3A_658 : memref<4096xf32, #tpu.memory_space<vmem>>[vector<16xi32>], vector<16xf32>,
        %parallel_loop3A_661 = vector.broadcast %parallel_loop3A_625 : i32 to vector<16xi32>
        %parallel_loop3A_662 = arith.addi %rem3A_43, %parallel_loop3A_661 : vector<16xi32>
        %parallel_loop3A_663 = tpu.vector_load_idx %arg9[%parallel_loop3A_627, %parallel_loop3A_662] : memref<128x32xf32, #tpu.memory_space<vmem>>[vector<16xi32>, vector<16xi32>], vector<16xf32>,
        %parallel_loop3A_664 = vector.broadcast %parallel_loop3A_630 : i32 to vector<16xi32>
        %parallel_loop3A_665 = arith.addi %add3A_125, %parallel_loop3A_664 : vector<16xi32>
        tpu.vector_store_idx %arg13[%parallel_loop3A_665], %parallel_loop3A_663 : memref<4096xf32, #tpu.memory_space<vmem>>[vector<16xi32>], vector<16xf32>,
        %parallel_loop3A_666 = vector.broadcast %parallel_loop3A_625 : i32 to vector<16xi32>
        %parallel_loop3A_667 = arith.addi %rem3A_49, %parallel_loop3A_666 : vector<16xi32>
        %parallel_loop3A_668 = tpu.vector_load_idx %arg9[%parallel_loop3A_627, %parallel_loop3A_667] : memref<128x32xf32, #tpu.memory_space<vmem>>[vector<16xi32>, vector<16xi32>], vector<16xf32>,
        %parallel_loop3A_669 = vector.broadcast %parallel_loop3A_630 : i32 to vector<16xi32>
        %parallel_loop3A_670 = arith.addi %add3A_129, %parallel_loop3A_669 : vector<16xi32>
        tpu.vector_store_idx %arg13[%parallel_loop3A_670], %parallel_loop3A_668 : memref<4096xf32, #tpu.memory_space<vmem>>[vector<16xi32>], vector<16xf32>,
        %parallel_loop3A_671 = vector.broadcast %parallel_loop3A_625 : i32 to vector<16xi32>
        %parallel_loop3A_672 = arith.addi %rem3A_55, %parallel_loop3A_671 : vector<16xi32>
        %parallel_loop3A_673 = tpu.vector_load_idx %arg9[%parallel_loop3A_627, %parallel_loop3A_672] : memref<128x32xf32, #tpu.memory_space<vmem>>[vector<16xi32>, vector<16xi32>], vector<16xf32>,
        %parallel_loop3A_674 = vector.broadcast %parallel_loop3A_630 : i32 to vector<16xi32>
        %parallel_loop3A_675 = arith.addi %add3A_133, %parallel_loop3A_674 : vector<16xi32>
        tpu.vector_store_idx %arg13[%parallel_loop3A_675], %parallel_loop3A_673 : memref<4096xf32, #tpu.memory_space<vmem>>[vector<16xi32>], vector<16xf32>,
        %parallel_loop3A_676 = vector.broadcast %parallel_loop3A_625 : i32 to vector<16xi32>
        %parallel_loop3A_677 = arith.addi %rem3A_61, %parallel_loop3A_676 : vector<16xi32>
        %parallel_loop3A_678 = tpu.vector_load_idx %arg9[%parallel_loop3A_627, %parallel_loop3A_677] : memref<128x32xf32, #tpu.memory_space<vmem>>[vector<16xi32>, vector<16xi32>], vector<16xf32>,
        %parallel_loop3A_679 = vector.broadcast %parallel_loop3A_630 : i32 to vector<16xi32>
        %parallel_loop3A_680 = arith.addi %add3A_137, %parallel_loop3A_679 : vector<16xi32>
        tpu.vector_store_idx %arg13[%parallel_loop3A_680], %parallel_loop3A_678 : memref<4096xf32, #tpu.memory_space<vmem>>[vector<16xi32>], vector<16xf32>,
        %parallel_loop3A_681 = vector.broadcast %parallel_loop3A_625 : i32 to vector<16xi32>
        %parallel_loop3A_682 = arith.addi %rem3A_67, %parallel_loop3A_681 : vector<16xi32>
        %parallel_loop3A_683 = tpu.vector_load_idx %arg9[%parallel_loop3A_627, %parallel_loop3A_682] : memref<128x32xf32, #tpu.memory_space<vmem>>[vector<16xi32>, vector<16xi32>], vector<16xf32>,
        %parallel_loop3A_684 = vector.broadcast %parallel_loop3A_630 : i32 to vector<16xi32>
        %parallel_loop3A_685 = arith.addi %add3A_141, %parallel_loop3A_684 : vector<16xi32>
        tpu.vector_store_idx %arg13[%parallel_loop3A_685], %parallel_loop3A_683 : memref<4096xf32, #tpu.memory_space<vmem>>[vector<16xi32>], vector<16xf32>,
        %parallel_loop3A_686 = vector.broadcast %parallel_loop3A_625 : i32 to vector<16xi32>
        %parallel_loop3A_687 = arith.addi %rem3A_73, %parallel_loop3A_686 : vector<16xi32>
        %parallel_loop3A_688 = tpu.vector_load_idx %arg9[%parallel_loop3A_627, %parallel_loop3A_687] : memref<128x32xf32, #tpu.memory_space<vmem>>[vector<16xi32>, vector<16xi32>], vector<16xf32>,
        %parallel_loop3A_689 = vector.broadcast %parallel_loop3A_630 : i32 to vector<16xi32>
        %parallel_loop3A_690 = arith.addi %add3A_145, %parallel_loop3A_689 : vector<16xi32>
        tpu.vector_store_idx %arg13[%parallel_loop3A_690], %parallel_loop3A_688 : memref<4096xf32, #tpu.memory_space<vmem>>[vector<16xi32>], vector<16xf32>,
        %parallel_loop3A_691 = vector.broadcast %parallel_loop3A_625 : i32 to vector<16xi32>
        %parallel_loop3A_692 = arith.addi %rem3A_79, %parallel_loop3A_691 : vector<16xi32>
        %parallel_loop3A_693 = tpu.vector_load_idx %arg9[%parallel_loop3A_627, %parallel_loop3A_692] : memref<128x32xf32, #tpu.memory_space<vmem>>[vector<16xi32>, vector<16xi32>], vector<16xf32>,
        %parallel_loop3A_694 = vector.broadcast %parallel_loop3A_630 : i32 to vector<16xi32>
        %parallel_loop3A_695 = arith.addi %add3A_149, %parallel_loop3A_694 : vector<16xi32>
        tpu.vector_store_idx %arg13[%parallel_loop3A_695], %parallel_loop3A_693 : memref<4096xf32, #tpu.memory_space<vmem>>[vector<16xi32>], vector<16xf32>,
        %parallel_loop3A_696 = vector.broadcast %parallel_loop3A_625 : i32 to vector<16xi32>
        %parallel_loop3A_697 = arith.addi %rem3A_85, %parallel_loop3A_696 : vector<16xi32>
        %parallel_loop3A_698 = tpu.vector_load_idx %arg9[%parallel_loop3A_627, %parallel_loop3A_697] : memref<128x32xf32, #tpu.memory_space<vmem>>[vector<16xi32>, vector<16xi32>], vector<16xf32>,
        %parallel_loop3A_699 = vector.broadcast %parallel_loop3A_630 : i32 to vector<16xi32>
        %parallel_loop3A_700 = arith.addi %add3A_153, %parallel_loop3A_699 : vector<16xi32>
        tpu.vector_store_idx %arg13[%parallel_loop3A_700], %parallel_loop3A_698 : memref<4096xf32, #tpu.memory_space<vmem>>[vector<16xi32>], vector<16xf32>,
        %parallel_loop3A_701 = vector.broadcast %parallel_loop3A_625 : i32 to vector<16xi32>
        %parallel_loop3A_702 = arith.addi %rem3A_91, %parallel_loop3A_701 : vector<16xi32>
        %parallel_loop3A_703 = tpu.vector_load_idx %arg9[%parallel_loop3A_627, %parallel_loop3A_702] : memref<128x32xf32, #tpu.memory_space<vmem>>[vector<16xi32>, vector<16xi32>], vector<16xf32>,
        %parallel_loop3A_704 = vector.broadcast %parallel_loop3A_630 : i32 to vector<16xi32>
        %parallel_loop3A_705 = arith.addi %add3A_157, %parallel_loop3A_704 : vector<16xi32>
        tpu.vector_store_idx %arg13[%parallel_loop3A_705], %parallel_loop3A_703 : memref<4096xf32, #tpu.memory_space<vmem>>[vector<16xi32>], vector<16xf32>,
        %parallel_loop3A_706 = vector.broadcast %parallel_loop3A_625 : i32 to vector<16xi32>
        %parallel_loop3A_707 = arith.addi %rem3A_97, %parallel_loop3A_706 : vector<16xi32>
        %parallel_loop3A_708 = tpu.vector_load_idx %arg9[%parallel_loop3A_627, %parallel_loop3A_707] : memref<128x32xf32, #tpu.memory_space<vmem>>[vector<16xi32>, vector<16xi32>], vector<16xf32>,
        %parallel_loop3A_709 = vector.broadcast %parallel_loop3A_630 : i32 to vector<16xi32>
        %parallel_loop3A_710 = arith.addi %add3A_161, %parallel_loop3A_709 : vector<16xi32>
        tpu.vector_store_idx %arg13[%parallel_loop3A_710], %parallel_loop3A_708 : memref<4096xf32, #tpu.memory_space<vmem>>[vector<16xi32>], vector<16xf32>,
      } {sc.loop_unroll_factor = 4 : i64, sc.parallel_access}
      %dma_start3A_546 = arith.constant 0 : i32
      %dma_start3A_547 = arith.constant 0 : i32
      %dma_start3A_548 = tpu.memref_slice %arg13[%dma_start3A_547] : memref<4096xf32, #tpu.memory_space<vmem>> -> memref<1024xf32, #tpu.memory_space<vmem>>
      %dma_start3A_549 = arith.constant 0 : i32
      %dma_start3A_550 = tpu.memref_slice %arg4[%select_n3A_534, %dma_start3A_546, %rem3A_536, %dma_start3A_549] : memref<50x4x128x1024xf32, #tpu.memory_space<hbm>> -> memref<1x1x1x1024xf32, #tpu.memory_space<hbm>>
      %dma_start3A_551 = tpu.memref_squeeze %dma_start3A_550 : memref<1x1x1x1024xf32, #tpu.memory_space<hbm>> -> memref<1024xf32, #tpu.memory_space<hbm>>
      %dma_start3A_552 = arith.constant 0 : i32
      %dma_start3A_553 = tpu.memref_slice %arg4[%select_n3A_534, %dma_start3A_546, %rem3A_536, %dma_start3A_552] : memref<50x4x128x1024xf32, #tpu.memory_space<hbm>> -> memref<1x1x1x1024xf32, #tpu.memory_space<hbm>>
      %dma_start3A_554 = tpu.memref_squeeze %dma_start3A_553 : memref<1x1x1x1024xf32, #tpu.memory_space<hbm>> -> memref<1024xf32, #tpu.memory_space<hbm>>
      %dma_start3A_555 = arith.constant 0 : i32
      %dma_start3A_556 = tpu.memref_slice %arg13[%dma_start3A_555] : memref<4096xf32, #tpu.memory_space<vmem>> -> memref<1024xf32, #tpu.memory_space<vmem>>
      tpu.enqueue_dma source(%dma_start3A_556 : memref<1024xf32, #tpu.memory_space<vmem>>) target(%dma_start3A_554 : memref<1024xf32, #tpu.memory_space<hbm>>) target_semaphore(%arg21 : memref<!tpu.dma_semaphore, #tpu.memory_space<semaphore_mem>>)
      %dma_start3A_557 = arith.constant 1 : i32
      %dma_start3A_558 = arith.constant 1024 : i32
      %dma_start3A_559 = tpu.memref_slice %arg13[%dma_start3A_558] : memref<4096xf32, #tpu.memory_space<vmem>> -> memref<1024xf32, #tpu.memory_space<vmem>>
      %dma_start3A_560 = arith.constant 0 : i32
      %dma_start3A_561 = tpu.memref_slice %arg4[%select_n3A_534, %dma_start3A_557, %rem3A_536, %dma_start3A_560] : memref<50x4x128x1024xf32, #tpu.memory_space<hbm>> -> memref<1x1x1x1024xf32, #tpu.memory_space<hbm>>
      %dma_start3A_562 = tpu.memref_squeeze %dma_start3A_561 : memref<1x1x1x1024xf32, #tpu.memory_space<hbm>> -> memref<1024xf32, #tpu.memory_space<hbm>>
      %dma_start3A_563 = arith.constant 0 : i32
      %dma_start3A_564 = tpu.memref_slice %arg4[%select_n3A_534, %dma_start3A_557, %rem3A_536, %dma_start3A_563] : memref<50x4x128x1024xf32, #tpu.memory_space<hbm>> -> memref<1x1x1x1024xf32, #tpu.memory_space<hbm>>
      %dma_start3A_565 = tpu.memref_squeeze %dma_start3A_564 : memref<1x1x1x1024xf32, #tpu.memory_space<hbm>> -> memref<1024xf32, #tpu.memory_space<hbm>>
      %dma_start3A_566 = arith.constant 1024 : i32
      %dma_start3A_567 = tpu.memref_slice %arg13[%dma_start3A_566] : memref<4096xf32, #tpu.memory_space<vmem>> -> memref<1024xf32, #tpu.memory_space<vmem>>
      tpu.enqueue_dma source(%dma_start3A_567 : memref<1024xf32, #tpu.memory_space<vmem>>) target(%dma_start3A_565 : memref<1024xf32, #tpu.memory_space<hbm>>) target_semaphore(%arg21 : memref<!tpu.dma_semaphore, #tpu.memory_space<semaphore_mem>>)
      %dma_start3A_568 = arith.constant 2 : i32
      %dma_start3A_569 = arith.constant 2048 : i32
      %dma_start3A_570 = tpu.memref_slice %arg13[%dma_start3A_569] : memref<4096xf32, #tpu.memory_space<vmem>> -> memref<1024xf32, #tpu.memory_space<vmem>>
      %dma_start3A_571 = arith.constant 0 : i32
      %dma_start3A_572 = tpu.memref_slice %arg4[%select_n3A_534, %dma_start3A_568, %rem3A_536, %dma_start3A_571] : memref<50x4x128x1024xf32, #tpu.memory_space<hbm>> -> memref<1x1x1x1024xf32, #tpu.memory_space<hbm>>
      %dma_start3A_573 = tpu.memref_squeeze %dma_start3A_572 : memref<1x1x1x1024xf32, #tpu.memory_space<hbm>> -> memref<1024xf32, #tpu.memory_space<hbm>>
      %dma_start3A_574 = arith.constant 0 : i32
      %dma_start3A_575 = tpu.memref_slice %arg4[%select_n3A_534, %dma_start3A_568, %rem3A_536, %dma_start3A_574] : memref<50x4x128x1024xf32, #tpu.memory_space<hbm>> -> memref<1x1x1x1024xf32, #tpu.memory_space<hbm>>
      %dma_start3A_576 = tpu.memref_squeeze %dma_start3A_575 : memref<1x1x1x1024xf32, #tpu.memory_space<hbm>> -> memref<1024xf32, #tpu.memory_space<hbm>>
      %dma_start3A_577 = arith.constant 2048 : i32
      %dma_start3A_578 = tpu.memref_slice %arg13[%dma_start3A_577] : memref<4096xf32, #tpu.memory_space<vmem>> -> memref<1024xf32, #tpu.memory_space<vmem>>
      tpu.enqueue_dma source(%dma_start3A_578 : memref<1024xf32, #tpu.memory_space<vmem>>) target(%dma_start3A_576 : memref<1024xf32, #tpu.memory_space<hbm>>) target_semaphore(%arg21 : memref<!tpu.dma_semaphore, #tpu.memory_space<semaphore_mem>>)
      %dma_start3A_579 = arith.constant 3 : i32
      %dma_start3A_580 = arith.constant 3072 : i32
      %dma_start3A_581 = tpu.memref_slice %arg13[%dma_start3A_580] : memref<4096xf32, #tpu.memory_space<vmem>> -> memref<1024xf32, #tpu.memory_space<vmem>>
      %dma_start3A_582 = arith.constant 0 : i32
      %dma_start3A_583 = tpu.memref_slice %arg4[%select_n3A_534, %dma_start3A_579, %rem3A_536, %dma_start3A_582] : memref<50x4x128x1024xf32, #tpu.memory_space<hbm>> -> memref<1x1x1x1024xf32, #tpu.memory_space<hbm>>
      %dma_start3A_584 = tpu.memref_squeeze %dma_start3A_583 : memref<1x1x1x1024xf32, #tpu.memory_space<hbm>> -> memref<1024xf32, #tpu.memory_space<hbm>>
      %dma_start3A_585 = arith.constant 0 : i32
      %dma_start3A_586 = tpu.memref_slice %arg4[%select_n3A_534, %dma_start3A_579, %rem3A_536, %dma_start3A_585] : memref<50x4x128x1024xf32, #tpu.memory_space<hbm>> -> memref<1x1x1x1024xf32, #tpu.memory_space<hbm>>
      %dma_start3A_587 = tpu.memref_squeeze %dma_start3A_586 : memref<1x1x1x1024xf32, #tpu.memory_space<hbm>> -> memref<1024xf32, #tpu.memory_space<hbm>>
      %dma_start3A_588 = arith.constant 3072 : i32
      %dma_start3A_589 = tpu.memref_slice %arg13[%dma_start3A_588] : memref<4096xf32, #tpu.memory_space<vmem>> -> memref<1024xf32, #tpu.memory_space<vmem>>
      tpu.enqueue_dma source(%dma_start3A_589 : memref<1024xf32, #tpu.memory_space<vmem>>) target(%dma_start3A_587 : memref<1024xf32, #tpu.memory_space<hbm>>) target_semaphore(%arg21 : memref<!tpu.dma_semaphore, #tpu.memory_space<semaphore_mem>>)
      %lt3A_590 = arith.constant 49 : i32
      %lt3A_591 = arith.cmpi slt, %add3A_229, %lt3A_590 : i32
      %convert_element_type3A_592 = arith.extui %lt3A_591 : i1 to i32
      %cond3A_593 = arith.constant 0 : i32
      %cond3A_594 = arith.cmpi ne, %convert_element_type3A_592, %cond3A_593 : i32
      scf.if %cond3A_594 {
        %add3A_595 = arith.constant 4 : i32
        %add3A_596 = arith.addi %add3A_505, %add3A_595 : i32
        %sub3A_597 = arith.subi %add3A_596, %mul3A_2 : i32
        %mul3A_598 = arith.constant 128 : i32
        %mul3A_599 = arith.muli %sub3A_597, %mul3A_598 : i32
        %dma_start3A_600 = tpu.memref_slice %arg5[%mul3A_599] : memref<25600xi32, #tpu.memory_space<vmem>> -> memref<128xi32, #tpu.memory_space<vmem>>
        %dma_start3A_601 = arith.constant 0 : i32
        %dma_start3A_602 = arith.constant 0 : i32
        %dma_start3A_603 = tpu.memref_slice %arg2[%dma_start3A_601, %dma_start3A_602] : memref<1000000x32xf32, #tpu.memory_space<hbm>> -> memref<1000000x32xf32, #tpu.memory_space<hbm>>
        tpu.enqueue_indirect_dma source(%dma_start3A_603 : memref<1000000x32xf32, #tpu.memory_space<hbm>>) target(%arg9 : memref<128x32xf32, #tpu.memory_space<vmem>>) offsets(%dma_start3A_600 : memref<128xi32, #tpu.memory_space<vmem>>) semaphore(%arg17 : memref<!tpu.dma_semaphore, #tpu.memory_space<semaphore_mem>>)
      } else {
      }
    }
    %scan3A_201 = arith.constant 50 : i32
    %dma_wait3A = arith.constant 0 : i32
    %dma_wait3A_202 = arith.constant 0 : i32
    %dma_wait3A_203 = tpu.memref_slice %arg2[%dma_wait3A, %dma_wait3A_202] : memref<1000000x32xf32, #tpu.memory_space<hbm>> -> memref<128x32xf32, #tpu.memory_space<hbm>>
    %dma_wait3A_204 = arith.constant 0 : i32
    %dma_wait3A_205 = arith.constant 0 : i32
    %dma_wait3A_206 = tpu.memref_slice %arg2[%dma_wait3A_204, %dma_wait3A_205] : memref<1000000x32xf32, #tpu.memory_space<hbm>> -> memref<128x32xf32, #tpu.memory_space<hbm>>
    tpu.wait_dma2 semaphore(%arg18 : memref<!tpu.dma_semaphore, #tpu.memory_space<semaphore_mem>>) src(%dma_wait3A_206 : memref<128x32xf32, #tpu.memory_space<hbm>>) dst(%arg6 : memref<128x32xf32, #tpu.memory_space<vmem>>)
    %dma_wait3A_207 = arith.constant 0 : i32
    %dma_wait3A_208 = arith.constant 0 : i32
    %dma_wait3A_209 = tpu.memref_slice %arg2[%dma_wait3A_207, %dma_wait3A_208] : memref<1000000x32xf32, #tpu.memory_space<hbm>> -> memref<128x32xf32, #tpu.memory_space<hbm>>
    %dma_wait3A_210 = arith.constant 0 : i32
    %dma_wait3A_211 = arith.constant 0 : i32
    %dma_wait3A_212 = tpu.memref_slice %arg2[%dma_wait3A_210, %dma_wait3A_211] : memref<1000000x32xf32, #tpu.memory_space<hbm>> -> memref<128x32xf32, #tpu.memory_space<hbm>>
    tpu.wait_dma2 semaphore(%arg19 : memref<!tpu.dma_semaphore, #tpu.memory_space<semaphore_mem>>) src(%dma_wait3A_212 : memref<128x32xf32, #tpu.memory_space<hbm>>) dst(%arg7 : memref<128x32xf32, #tpu.memory_space<vmem>>)
    %dma_wait3A_213 = arith.constant 0 : i32
    %dma_wait3A_214 = arith.constant 0 : i32
    %dma_wait3A_215 = tpu.memref_slice %arg2[%dma_wait3A_213, %dma_wait3A_214] : memref<1000000x32xf32, #tpu.memory_space<hbm>> -> memref<128x32xf32, #tpu.memory_space<hbm>>
    %dma_wait3A_216 = arith.constant 0 : i32
    %dma_wait3A_217 = arith.constant 0 : i32
    %dma_wait3A_218 = tpu.memref_slice %arg2[%dma_wait3A_216, %dma_wait3A_217] : memref<1000000x32xf32, #tpu.memory_space<hbm>> -> memref<128x32xf32, #tpu.memory_space<hbm>>
    tpu.wait_dma2 semaphore(%arg20 : memref<!tpu.dma_semaphore, #tpu.memory_space<semaphore_mem>>) src(%dma_wait3A_218 : memref<128x32xf32, #tpu.memory_space<hbm>>) dst(%arg8 : memref<128x32xf32, #tpu.memory_space<vmem>>)
    %dma_wait3A_219 = arith.constant 0 : i32
    %dma_wait3A_220 = arith.constant 0 : i32
    %dma_wait3A_221 = tpu.memref_slice %arg2[%dma_wait3A_219, %dma_wait3A_220] : memref<1000000x32xf32, #tpu.memory_space<hbm>> -> memref<128x32xf32, #tpu.memory_space<hbm>>
    %dma_wait3A_222 = arith.constant 0 : i32
    %dma_wait3A_223 = arith.constant 0 : i32
    %dma_wait3A_224 = tpu.memref_slice %arg2[%dma_wait3A_222, %dma_wait3A_223] : memref<1000000x32xf32, #tpu.memory_space<hbm>> -> memref<128x32xf32, #tpu.memory_space<hbm>>
    tpu.wait_dma2 semaphore(%arg21 : memref<!tpu.dma_semaphore, #tpu.memory_space<semaphore_mem>>) src(%dma_wait3A_224 : memref<128x32xf32, #tpu.memory_space<hbm>>) dst(%arg9 : memref<128x32xf32, #tpu.memory_space<vmem>>)
    return
  }
}

</mosaic_0001>

<sc_bundles>
// kernel: kernel.3.cloned.1.call-start
scs
__scs_entry_jumppad:
0x0: {  	(pc) =	sbr.rel $0x88, $3  }
0x1: {  	(tag) =	ssettag $0x0;
	lr =	simm.s32 $0x1  }
0x2: {  	[smem:$0x3F9F] =	sst lr;
	_ =	strace $0xD0000000  }
0x3: {  	_ = 	snop  }
0x4: {  	_ = 	snop  }
0x5: {  	_ = 	snop  }
0x6: {  	_ = 	snop  }
0x7: {  	_ = 	snop  }
__scs_overlays_trampoline_lowered:
0x8: {  	[smem:$0x3FAE] =	sst s0  }
0x9: {  	[smem:$0x3FAF] =	sst s1  }
0xa: {  	[smem:$0x3FB0] =	sst s2  }
0xb: {  	[smem:$0x3FB1] =	sst s3  }
0xc: {  	[smem:$0x3FB2] =	sst s4  }
0xd: {  	[smem:$0x3FB3] =	sst s5  }
0xe: {  	[smem:$0x3FB4] =	sst s6  }
0xf: {  	[smem:$0x3FB5] =	sst s7  }
0x10: {  	[smem:$0x3FB6] =	sst s8  }
0x11: {  	[smem:$0x3FB7] =	sst s9;
	s0 =	simm.s32 @!p0 $0x0  }
0x12: {  	s1 =	sld [smem:$0x3F9D];
	s0 =	simm.s32 @p0 $0x1  }
0x13: {  	[smem:$0x3FB8] =	sst s0;
	s0 =	simm.s32 @!p1 $0x0  }
0x14: {  	s2 =	sld [smem:$0x3F9C];
	s0 =	simm.s32 @p1 $0x1  }
0x15: {  	[smem:$0x3FB9] =	sst s0;
	s0 =	simm.s32 @!p2 $0x0  }
0x16: {  	s3 =	sld [smem:$0x3FDB];
	s0 =	simm.s32 @p2 $0x1  }
0x17: {  	s4 =	simm.s32 $0x1BF5;
	[smem:$0x3FBB] =	sst s0  }
0x18: {  	s0 =	sld [smem:$0x3F9E];
	_ =	swait.ge [sflag:s4], $0x0  }
0x19: {  	s7 =	sld [smem:$0x3F9F]  }
0x1a: {  	s8 =	sadd.s32 $0xFFFFE003, lr  }
0x1b: {  	s9 =	sadd.s32 $0xFFFFFEF7, lr;
	s5 =	simm.s32 $0xFFFFFFFF;
	p2 =	slt.u32 s8, $0xFFFFF086  }
0x1c: {  	p1 =	slt.u32 s9, $0xF7A;
	s5 =	simm.s32 @!p2 $0x0  }
0x1d: {  	s5 =	simm.s32 @p1 $0x1;
	p0 =	seq.s32 s7, s2  }
0x1e: {  	s7 =	smul.u32 @!p0 $0xF7A, s2;
	p2 =	seq.s32 @!p0 s5, $0x0  }
0x1f: {  	s9 =	smul.u32 $0xF7A, s1;
	s8 =	simm.s32 @!p0 $0x1BF5;
	p2 =	por !p2, p0  }
0x20: {  	[sflag:s8] =	ssyncset.s32 @!p0 $0xFFFFF086;
	s6 =	sadd.s32 @!p0 s3, s7;
	s7 =	simm.s32 @!p0 $0x108  }
0x21: {  	s3 =	sadd.s32 s3, s9;
	s6 =	sadd.s32 @!p0 $0x88, s6;
	s7 =	simm.s32 @p2 $0x1082  }
0x22: {  	[simem:s7], [sflag:s8] =	dma.local @!p0 [hbm:s6], $0xF7A  }
0x23: {  	s9 =	sor.u32 $0xD0000000, s2;
	s6 =	simm.s32 $0x108;
	_ =	swait.ge @!p0 [sflag:s8], $0x0  }
0x24: {  	s3 =	sadd.s32 $0x88, s3;
	s6 =	simm.s32 @!p1 $0x1082;
	[sflag:s4] =	ssyncset.s32 $0xFFFFF086  }
0x25: {  	[simem:s6], [sflag:s4] =	dma.local [hbm:s3], $0xF7A  }
0x26: {  	[smem:$0x3F9F] =	sst s1;
	(tag) =	ssettag s2;
	_ =	strace s9  }
0x27: {  	s1 =	sld [smem:$0x3FAF]  }
0x28: {  	s2 =	sld [smem:$0x3FB0]  }
0x29: {  	s4 =	sld [smem:$0x3FB2]  }
0x2a: {  	p0 =	seq.s32 s5, $0x0;
	s5 =	sld [smem:$0x3FB3]  }
0x2b: {  	s6 =	sld [smem:$0x3FB4]  }
0x2c: {  	s7 =	sld [smem:$0x3FB5]  }
0x2d: {  	s3 =	simm.s32 $0x108;
	s8 =	sld [smem:$0x3FB6]  }
0x2e: {  	s3 =	simm.s32 @!p0 $0x1082;
	s9 =	sld [smem:$0x3FB7]  }
0x2f: {  	lr =	sadd.s32 s0, s3;
	s0 =	sld [smem:$0x3FAE]  }
0x30: {  	s3 =	sld [smem:$0x3FB1]  }
0x31: {  	[smem:$0x3FBA] =	sst s10  }
0x32: {  	s10 =	sld [smem:$0x3FB8];
	_ =	sdelay $0x3  }
0x33: {  	p0 =	seq.s32 s10, $0x1;
	s10 =	sld [smem:$0x3FBA];
	_ =	sdelay $0x3  }
0x34: {  	[smem:$0x3FBA] =	sst s10  }
0x35: {  	s10 =	sld [smem:$0x3FB9];
	_ =	sdelay $0x3  }
0x36: {  	p1 =	seq.s32 s10, $0x1;
	s10 =	sld [smem:$0x3FBA];
	_ =	sdelay $0x3  }
0x37: {  	[smem:$0x3FBA] =	sst s10  }
0x38: {  	s10 =	sld [smem:$0x3FBB]  }
0x39: {  	_ = 	snop;
	(pc) =	sbr.ind lr, $3  }
0x3a: {  	_ = 	snop  }
0x3b: {  	_ = 	snop  }
0x3c: {  	p2 =	seq.s32 s10, $0x1;
	s10 =	sld [smem:$0x3FBA]  }
0x3d: {  	_ =	shalt  }
0x3e: {  	_ =	shalt  }
0x3f: {  	_ =	shalt  }
0x40: {  	_ =	shalt  }
0x41: {  	_ =	shalt  }
0x42: {  	_ =	shalt  }
0x43: {  	_ =	shalt  }
0x44: {  	_ =	shalt  }
0x45: {  	_ =	shalt  }
0x46: {  	_ =	shalt  }
0x47: {  	_ =	shalt  }
0x48: {  	_ =	shalt  }
0x49: {  	_ =	shalt  }
0x4a: {  	_ =	shalt  }
0x4b: {  	_ =	shalt  }
0x4c: {  	_ =	shalt  }
0x4d: {  	_ =	shalt  }
0x4e: {  	_ =	shalt  }
0x4f: {  	_ =	shalt  }
0x50: {  	_ =	shalt  }
0x51: {  	_ =	shalt  }
0x52: {  	_ =	shalt  }
0x53: {  	_ =	shalt  }
0x54: {  	_ =	shalt  }
0x55: {  	_ =	shalt  }
0x56: {  	_ =	shalt  }
0x57: {  	_ =	shalt  }
0x58: {  	_ =	shalt  }
0x59: {  	_ =	shalt  }
0x5a: {  	_ =	shalt  }
0x5b: {  	_ =	shalt  }
0x5c: {  	_ =	shalt  }
0x5d: {  	_ =	shalt  }
0x5e: {  	_ =	shalt  }
0x5f: {  	_ =	shalt  }
0x60: {  	_ =	shalt  }
0x61: {  	_ =	shalt  }
0x62: {  	_ =	shalt  }
0x63: {  	_ =	shalt  }
0x64: {  	_ =	shalt  }
0x65: {  	_ =	shalt  }
0x66: {  	_ =	shalt  }
0x67: {  	_ =	shalt  }
0x68: {  	_ =	shalt  }
0x69: {  	_ =	shalt  }
0x6a: {  	_ =	shalt  }
0x6b: {  	_ =	shalt  }
0x6c: {  	_ =	shalt  }
0x6d: {  	_ =	shalt  }
0x6e: {  	_ =	shalt  }
0x6f: {  	_ =	shalt  }
0x70: {  	_ =	shalt  }
0x71: {  	_ =	shalt  }
0x72: {  	_ =	shalt  }
0x73: {  	_ =	shalt  }
0x74: {  	_ =	shalt  }
0x75: {  	_ =	shalt  }
0x76: {  	_ =	shalt  }
0x77: {  	_ =	shalt  }
0x78: {  	_ =	shalt  }
0x79: {  	_ =	shalt  }
0x7a: {  	_ =	shalt  }
0x7b: {  	_ =	shalt  }
0x7c: {  	_ =	shalt  }
0x7d: {  	_ =	shalt  }
0x7e: {  	_ =	shalt  }
0x7f: {  	_ =	shalt  }
0x80: {  	_ =	shalt  }
0x81: {  	_ =	shalt  }
0x82: {  	_ =	shalt  }
0x83: {  	_ =	shalt  }
0x84: {  	_ =	shalt  }
0x85: {  	_ =	shalt  }
0x86: {  	_ =	shalt  }
0x87: {  	_ =	shalt  }
.Lfunc_end0:
.L_simem_size_0:
called_computation_lowered:
.L_overlay_start_0:
0x88: {  	s2 =	sld [smem:$0x3FD9]  }
0x89: {  	s3 =	sld [smem:$0x3FFE];
	_ =	sdelay $0x1  }
0x8a: {  	s1 =	srdreg.scid  }
0x8b: {  	s0 =	sand.u32 $0x1, s1  }
0x8c: {  	s17 =	sshll.u32 s0, $0xA;
	s2 =	sadd.s32 s3, s2  }
0x8d: {  	s2 =	sadd.s32 s2, s17  }
0x8e: {  	[smem:$0x3FC6] =	sst s2  }
0x8f: {  	_ = 	snop  }
0x90: {  	s2 =	sld [smem:$0x3FD0];
	(tm) =	ssettm $0x1  }
0x91: {  	s18 =	sld [smem:$0x3FFB];
	_ =	sdelay $0x3  }
0x92: {  	_ =	strace s18  }
0x93: {  	s3 =	sld [smem:$0x3FFC];
	_ =	sdelay $0x3  }
0x94: {  	_ =	strace s3  }
0x95: {  	s3 =	sld [smem:$0x3FFD];
	_ =	sdelay $0x3  }
0x96: {  	_ =	strace s3  }
0x97: {  	_ =	strace $0x8FFFFFFF  }
0x98: {  	s19 =	sld [smem:$0x3FDB];
	_ =	sdelay $0x1  }
0x99: {  	s4 =	simm.s32 $_scs_section_size  }
0x9a: {  	s5 =	simm.s32 $_size__tile_overlayer_lowered;
	s6 =	simm.s32 $_tile_overlayer_lowered  }
0x9b: {  	s22 =	simm.s32 $0x1BFF;
	s21 =	sshll.u32 s6, $0x1;
	s3 =	sadd.s32 s4, s19  }
0x9c: {  	s7 =	simm.s32 $0x0;
	s20 =	sshll.u32 s5, $0x1;
	s5 =	sadd.s32 s21, s3  }
0x9d: {  	[timem:s7], [sflag:s22] =	dma.local [hbm:s5], s20  }
0x9e: {  	_ =	swait.ge [sflag:s22], s20  }
0x9f: {  	s4 =	ssub.s32 $0x0, s20;
	[sflag:s22] =	ssyncset.done $0x0  }
0xa0: {  	[sflag:s22] =	ssyncadd.s32 s4;
	_ =	sdelay $0x1  }
0xa1: {  	s23 =	simm.s32 $0x1B8B  }
0xa2: {  	_ =	swait.ge [sflag:s23], $0x1  }
0xa3: {  	[sflag:s23] =	ssyncset.done $0x0  }
0xa4: {  	s25 =	simm.s32 $0x1B8E;
	s24 =	sld [smem:$0x3FFE];
	[sflag:s23] =	ssyncadd.s32 $0xFFFFFFFF  }
0xa5: {  	s26 =	simm.s32 $execute0_lowered;
	[smem:$0x3FD2] =	sst s25  }
0xa6: {  	s5 =	sshll.u32 s26, $0x1;
	_ =	strace $0x80000046;
	[dreg:$0x1] =	wrdreg $0xFFFFFFFF  }
0xa7: {  	s28 =	simm.s32 $_size_execute0_lowered;
	s3 =	sadd.s32 s3, s5;
	[dreg:$0x0] =	wrdreg $0x0  }
0xa8: {  	s5 =	sshll.u32 s28, $0x1;
	[dreg:$0x2] =	wrdreg s3  }
0xa9: {  	[dreg:$0x3] =	wrdreg s5  }
0xaa: {  	[dreg:$0x4] =	wrdreg $0xC0  }
0xab: {  	_ =	task [dreg:s7], $0x5FFFF  }
0xac: {  	[dreg:$0x1] =	wrdreg $0xFFFFFFFF  }
0xad: {  	[dreg:$0x0] =	wrdreg $0x60  }
0xae: {  	[dreg:$0x2] =	wrdreg s24  }
0xaf: {  	[dreg:$0x3] =	wrdreg s2  }
0xb0: {  	[dreg:$0x4] =	wrdreg $0x9  }
0xb1: {  	_ =	task.clear_ibuf [dreg:s7], $0x5FFFF;
	_ =	strace $0x90000046  }
0xb2: {  	s29 =	simm.s32 $0x9;
	_ =	strace $0x80000048  }
0xb3: {  	_ =	swait.ge [sflag:s29], $0x1  }
0xb4: {  	[sflag:s29] =	ssyncadd.s32 $0xFFFFFFFF  }
0xb5: {  	_ =	strace $0x90000048  }
0xb6: {  	_ =	sfence  }
0xb7: {  	s30 =	sld [smem:$0x0];
	_ =	sdelay $0x2  }
0xb8: {  	s31 =	sshll.u32 s1, $0xD;
	s1 =	sshrl.u32 s1, $0x2  }
0xb9: {  	s3 =	sand.u32 $0x4000, s31;
	s1 =	sadd.s32 s1, s30  }
0xba: {  	s0 =	sor.u32 s3, s0;
	s1 =	sshll.u32 s1, $0x11  }
0xbb: {  	s0 =	sor.u32 s1, s0  }
0xbc: {  	s0 =	sadd.s32 $0x8F2B, s0  }
0xbd: {  	[sflag:s0] =	ssyncadd.remote.s32 $0x1  }
0xbe: {  	_ =	sfence.sel $0xFFFF  }
0xbf: {  	[dreg:$0x0] =	wrdreg $0xFFFFFFFF;
	(pc) =	sbr.abs _section_cstart, $3  }
0xc0: {  	[dreg:$0x1] =	wrdreg $0xFFFFFFFF  }
0xc1: {  	_ =	task.clear_ibuf [dreg:s7], $0x2FFFF;
	_ =	strace $0x9FFFFFFF  }
0xc2: {  	(tm) =	ssettm $0x7FFFFFFF  }
0xc3: {  	_ =	shalt  }
tec
execute0_lowered:
.L_overlay_start_1:
0x0: {  	(tag) =	ssettag $0x1  }
0x1: {  	v1 =	vimm.s32 $0xFEDCBA9  }
0x2: {  	v56 =	vlaneseq.u32;
	v2 =	vimm.s32 $0x87654321;
	vm14 =	vcmask $0x300  }
0x3: {  	v3 =	vimm.s32 $0xF;
	vm13 =	vcmask $0x704;
	vm12 =	vcmask $0xB08  }
0x4: {  	vm11 =	vcmask $0xF0C;
	vm10 =	vcmask $0x1310;
	vm9 =	vcmask $0x1714  }
0x5: {  	vm8 =	vcmask $0x1B18;
	vm7 =	vcmask $0x1F1C;
	vm6 =	vcmask $0x2320  }
0x6: {  	v5 =	vimm.s32 $0x8F;
	vm5 =	vcmask $0x2724;
	vm3 =	vcmask $0x2B28  }
0x7: {  	vm2 =	vcmask $0x2F2C;
	vm1 =	vcmask $0x3330;
	vm0 =	vcmask $0x3734  }
0x8: {  	v6 =	vimm.s32 $0x10FEDCBA;
	v7 =	vimm.s32 $0x98765432;
	v8 =	vimm.s32 $0x10F  }
0x9: {  	vm4 =	vcmask $0x3B38;
	v9 =	vimm.s32 $0x18F;
	v10 =	vimm.s32 $0xA9876543  }
0xa: {  	v13 =	vimm.s32 $0x28F;
	v14 =	vimm.s32 $0xCBA98765;
	v15 =	vimm.s32 $0xDCBA9876  }
0xb: {  	v27 =	vimm.s32 $0x76543210;
	v46 =	vimm.s32 $0x30F;
	v47 =	vimm.s32 $0x38F  }
0xc: {  	v34 =	vimm.s32 $0x48F;
	v55 =	vimm.s32 $0x60F;
	v1 =	vunpack.c.l.s4.s8 v1  }
0xd: {  	v2 =	vunpack.c.l.s4.s8 v2;
	v3 =	vsel vm14, $0x80, v3;
	v5 =	vsel vm14, $0x100, v5  }
0xe: {  	v6 =	vunpack.c.l.s4.s8 v6;
	v7 =	vunpack.c.l.s4.s8 v7;
	v9 =	vsel vm14, $0x200, v9  }
0xf: {  	v10 =	vunpack.c.l.s4.s8 v10;
	v13 =	vsel vm14, $0x300, v13;
	v14 =	vunpack.c.l.s4.s8 v14  }
0x10: {  	v15 =	vunpack.c.l.s4.s8 v15;
	v27 =	vunpack.c.l.s4.s8 v27;
	v48 =	vsel vm14, $0x400, v47  }
0x11: {  	v57 =	vsel vm14, $0x680, v55;
	v5 =	vsel vm13, $0x181, v5;
	v9 =	vsel vm13, $0x281, v9  }
0x12: {  	v13 =	vsel vm13, $0x381, v13;
	v17 =	vunpack.c.0.s8.s32 v1;
	v1 =	vsel vm13, $0x101, v3  }
0x13: {  	v18 =	vunpack.c.0.s8.s32 v2;
	v5 =	vsel vm12, $0x202, v5;
	v19 =	vunpack.c.0.s8.s32 v6  }
0x14: {  	v6 =	vsel vm14, $0x180, v8;
	v20 =	vunpack.c.0.s8.s32 v7;
	v22 =	vunpack.c.0.s8.s32 v10  }
0x15: {  	v10 =	vimm.s32 $0xBA987654;
	v26 =	vunpack.c.0.s8.s32 v14;
	v29 =	vunpack.c.0.s8.s32 v15  }
0x16: {  	v15 =	vimm.s32 $0xEDCBA987;
	v2 =	vsel vm12, $0x182, v1;
	v1 =	vmul.u32 $0x20, v56  }
0x17: {  	v5 =	vsel vm11, $0x283, v5;
	v6 =	vsel vm13, $0x201, v6;
	v10 =	vunpack.c.l.s4.s8 v10  }
0x18: {  	v15 =	vunpack.c.l.s4.s8 v15;
	v2 =	vsel vm11, $0x203, v2;
	v3 =	vcombine.low v18, v17  }
0x19: {  	v5 =	vsel vm10, $0x304, v5;
	v6 =	vsel vm12, $0x282, v6;
	v7 =	vcombine.low v20, v19  }
0x1a: {  	v49 =	vcombine.low v17, v18;
	v17 =	vimm.s32 $0x40F;
	v51 =	vcombine.low v19, v20  }
0x1b: {  	v4 =	vsel vm10, $0x284, v2;
	v2 =	vmul.u32 $0x81, v56;
	v5 =	vsel vm9, $0x385, v5  }
0x1c: {  	v6 =	vsel vm11, $0x303, v6;
	v24 =	vunpack.c.0.s8.s32 v10;
	v31 =	vunpack.c.0.s8.s32 v15  }
0x1d: {  	v17 =	vsel vm14, $0x480, v17;
	v4 =	vsel vm9, $0x305, v4;
	v37 =	vand.u32 $0xF, v3  }
0x1e: {  	v5 =	vsel vm8, $0x406, v5;
	v6 =	vsel vm10, $0x384, v6;
	v61 =	vand.u32 $0xF, v7  }
0x1f: {  	v17 =	vsel vm13, $0x501, v17;
	v4 =	vsel vm8, $0x386, v4;
	v5 =	vsel vm7, $0x487, v5  }
0x20: {  	v17 =	vsel vm12, $0x582, v17;
	v4 =	vsel vm7, $0x407, v4;
	v5 =	vsel vm6, $0x508, v5  }
0x21: {  	v17 =	vsel vm11, $0x603, v17;
	v4 =	vsel vm6, $0x488, v4;
	v5 =	vsel vm5, $0x589, v5  }
0x22: {  	v17 =	vsel vm10, $0x684, v17;
	v4 =	vsel vm5, $0x509, v4;
	v5 =	vsel vm3, $0x60A, v5  }
0x23: {  	v17 =	vsel vm9, $0x705, v17;
	v4 =	vsel vm3, $0x58A, v4;
	v5 =	vsel vm2, $0x68B, v5  }
0x24: {  	v17 =	vsel vm8, $0x786, v17;
	v4 =	vsel vm2, $0x60B, v4;
	v8 =	vsel vm1, $0x70C, v5  }
0x25: {  	v17 =	vsel vm7, $0x7, v17;
	v4 =	vsel vm1, $0x68C, v4;
	v7 =	vsel vm0, $0x78D, v8  }
0x26: {  	v8 =	vsel vm9, $0x405, v6;
	v17 =	vsel vm6, $0x88, v17;
	v4 =	vsel vm0, $0x70D, v4  }
0x27: {  	v6 =	vsel vm4, $0xE, v7;
	v7 =	vimm.s32 $0x210FEDCB;
	v8 =	vsel vm8, $0x486, v8  }
0x28: {  	v17 =	vsel vm5, $0x109, v17;
	v7 =	vunpack.c.l.s4.s8 v7;
	v8 =	vsel vm7, $0x507, v8  }
0x29: {  	v4 =	vsel vm4, $0x78E, v4;
	v17 =	vsel vm3, $0x18A, v17;
	v8 =	vsel vm6, $0x588, v8  }
0x2a: {  	v50 =	vsel vm2, $0x20B, v17;
	v8 =	vsel vm5, $0x609, v8;
	v21 =	vunpack.c.0.s8.s32 v7  }
0x2b: {  	v7 =	vsel vm3, $0x68A, v8;
	v8 =	vsel vm12, $0x302, v9;
	v9 =	vimm.s32 $0x3210FEDC  }
0x2c: {  	v7 =	vsel vm2, $0x70B, v7;
	v8 =	vsel vm11, $0x383, v8;
	v9 =	vunpack.c.l.s4.s8 v9  }
0x2d: {  	v11 =	vcombine.low v22, v21;
	v52 =	vcombine.low v21, v22;
	v22 =	vimm.s32 $0x50F  }
0x2e: {  	v8 =	vsel vm10, $0x404, v8;
	v12 =	vsel vm1, $0x78C, v7;
	v22 =	vsel vm14, $0x580, v22  }
0x2f: {  	v8 =	vsel vm9, $0x485, v8;
	v23 =	vunpack.c.0.s8.s32 v9;
	v5 =	vand.u32 $0xF, v11  }
0x30: {  	v9 =	vsel vm0, $0xD, v12;
	v12 =	vimm.s32 $0x20F;
	v22 =	vsel vm13, $0x601, v22  }
0x31: {  	v7 =	vsel vm8, $0x506, v8;
	v12 =	vsel vm14, $0x280, v12;
	v22 =	vsel vm12, $0x682, v22  }
0x32: {  	v8 =	vsel vm7, $0x587, v7;
	v10 =	vcombine.low v24, v23;
	v53 =	vcombine.low v23, v24  }
0x33: {  	v23 =	vimm.s32 $0x58F;
	v22 =	vsel vm11, $0x703, v22;
	v8 =	vsel vm6, $0x608, v8  }
0x34: {  	v23 =	vsel vm14, $0x600, v23;
	v22 =	vsel vm10, $0x784, v22;
	v11 =	vsel vm5, $0x689, v8  }
0x35: {  	v8 =	vsel vm4, $0x8E, v9;
	v7 =	vand.u32 $0xF, v10;
	v23 =	vsel vm13, $0x681, v23  }
0x36: {  	v22 =	vsel vm9, $0x5, v22;
	v62 =	vand.u32 $0xF, v53;
	v11 =	vsel vm3, $0x70A, v11  }
0x37: {  	v23 =	vsel vm12, $0x702, v23;
	v22 =	vsel vm8, $0x86, v22;
	v10 =	vsel vm2, $0x78B, v11  }
0x38: {  	v11 =	vsel vm13, $0x301, v12;
	v12 =	vimm.s32 $0x43210FED;
	v23 =	vsel vm11, $0x783, v23  }
0x39: {  	v22 =	vsel vm7, $0x107, v22;
	v10 =	vsel vm1, $0xC, v10;
	v11 =	vsel vm12, $0x382, v11  }
0x3a: {  	v12 =	vunpack.c.l.s4.s8 v12;
	v23 =	vsel vm10, $0x4, v23;
	v22 =	vsel vm6, $0x188, v22  }
0x3b: {  	v11 =	vsel vm11, $0x403, v11;
	v10 =	vsel vm0, $0x8D, v10;
	v23 =	vsel vm9, $0x85, v23  }
0x3c: {  	v22 =	vsel vm5, $0x209, v22;
	v11 =	vsel vm10, $0x484, v11;
	v25 =	vunpack.c.0.s8.s32 v12  }
0x3d: {  	v12 =	vsel vm12, $0x402, v13;
	v10 =	vsel vm4, $0x10E, v10;
	v23 =	vsel vm8, $0x106, v23  }
0x3e: {  	v22 =	vsel vm3, $0x28A, v22;
	v11 =	vsel vm9, $0x505, v11;
	v12 =	vsel vm11, $0x483, v12  }
0x3f: {  	v23 =	vsel vm7, $0x187, v23;
	v22 =	vsel vm2, $0x30B, v22;
	v11 =	vsel vm8, $0x586, v11  }
0x40: {  	v12 =	vsel vm10, $0x504, v12;
	v13 =	vcombine.low v26, v25;
	v23 =	vsel vm6, $0x208, v23  }
0x41: {  	v54 =	vcombine.low v25, v26;
	v11 =	vsel vm7, $0x607, v11;
	v12 =	vsel vm9, $0x585, v12  }
0x42: {  	v23 =	vsel vm5, $0x289, v23;
	v11 =	vsel vm6, $0x688, v11;
	v12 =	vsel vm8, $0x606, v12  }
0x43: {  	v0 =	vand.u32 $0xF, v13;
	v23 =	vsel vm3, $0x30A, v23;
	v11 =	vsel vm5, $0x709, v11  }
0x44: {  	v63 =	vand.u32 $0xF, v54;
	v12 =	vsel vm7, $0x687, v12;
	v14 =	vsel vm3, $0x78A, v11  }
0x45: {  	v12 =	vsel vm6, $0x708, v12;
	v13 =	vsel vm2, $0xB, v14;
	v14 =	vimm.s32 $0x543210FE  }
0x46: {  	v12 =	vsel vm5, $0x789, v12;
	v13 =	vsel vm1, $0x8C, v13;
	v14 =	vunpack.c.l.s4.s8 v14  }
0x47: {  	v19 =	vmovc v0;
	v0 =	vand.u32 $0xF, v49;
	v16 =	vsel vm3, $0xA, v12;
	v13 =	vsel vm0, $0x10D, v13  }
0x48: {  	v12 =	vsel vm4, $0x18E, v13;
	v28 =	vunpack.c.0.s8.s32 v14;
	v14 =	vimm.s32 $0x6543210F  }
0x49: {  	v13 =	vsel vm2, $0x8B, v16;
	v16 =	vimm.s32 $0xFEDCBA98;
	v14 =	vunpack.c.l.s4.s8 v14  }
0x4a: {  	v13 =	vsel vm1, $0x10C, v13;
	v16 =	vunpack.c.l.s4.s8 v16;
	v32 =	vcombine.low v29, v28  }
0x4b: {  	v33 =	vsel vm0, $0x18D, v13;
	v29 =	vcombine.low v28, v29;
	v30 =	vunpack.c.0.s8.s32 v14  }
0x4c: {  	v28 =	vimm.s32 $0x68F;
	v15 =	vunpack.c.0.s8.s32 v16;
	v14 =	vsel vm4, $0x20E, v33  }
0x4d: {  	v16 =	vunpack.c.0.s8.s32 v27;
	v28 =	vsel vm14, $0x700, v28;
	v27 =	vcombine.low v31, v30  }
0x4e: {  	v3 =	vand.u32 $0xF, v32;
	v32 =	vsel vm14, $0x380, v46;
	v28 =	vsel vm13, $0x781, v28  }
0x4f: {  	v11 =	vmovc v5;
	v5 =	vand.u32 $0xF, v27;
	v27 =	vsel vm13, $0x401, v32;
	v32 =	vsel vm13, $0x481, v48  }
0x50: {  	v15 =	vand.u32 $0xF, v15;
	v18 =	vsel vm12, $0x482, v27;
	v27 =	vsel vm12, $0x502, v32  }
0x51: {  	v31 =	vcombine.low v30, v31;
	v18 =	vsel vm11, $0x503, v18;
	v27 =	vsel vm11, $0x583, v27  }
0x52: {  	v30 =	vimm.s32 $0x70F;
	v18 =	vsel vm10, $0x584, v18;
	v27 =	vsel vm10, $0x604, v27  }
0x53: {  	v28 =	vsel vm12, $0x2, v28;
	v18 =	vsel vm9, $0x605, v18;
	v27 =	vsel vm9, $0x685, v27  }
0x54: {  	v9 =	vcombine.low v15, v16;
	v18 =	vsel vm8, $0x686, v18;
	v27 =	vsel vm8, $0x706, v27  }
0x55: {  	v15 =	vand.u32 $0xF, v51;
	v18 =	vsel vm7, $0x707, v18;
	v27 =	vsel vm7, $0x787, v27  }
0x56: {  	v30 =	vsel vm14, $0x780, v30;
	v18 =	vsel vm6, $0x788, v18;
	v27 =	vsel vm6, $0x8, v27  }
0x57: {  	v28 =	vsel vm11, $0x83, v28;
	v18 =	vsel vm5, $0x9, v18;
	v27 =	vsel vm5, $0x89, v27  }
0x58: {  	v16 =	vmovc v7;
	v7 =	vand.u32 $0xF, v52;
	v18 =	vsel vm3, $0x8A, v18;
	v27 =	vsel vm3, $0x10A, v27  }
0x59: {  	v30 =	vsel vm13, $0x1, v30;
	v18 =	vsel vm2, $0x10B, v18;
	v27 =	vsel vm2, $0x18B, v27  }
0x5a: {  	v28 =	vsel vm10, $0x104, v28;
	v18 =	vsel vm1, $0x18C, v18;
	v27 =	vsel vm1, $0x20C, v27  }
0x5b: {  	v13 =	vand.u32 $0xF, v31;
	v18 =	vsel vm0, $0x20D, v18;
	v27 =	vsel vm0, $0x28D, v27  }
0x5c: {  	v17 =	vsel vm4, $0x28E, v18;
	v18 =	vsel vm4, $0x30E, v27;
	v27 =	vsel vm1, $0x28C, v50  }
0x5d: {  	v32 =	vsel vm13, $0x701, v57;
	v30 =	vsel vm12, $0x82, v30;
	v27 =	vsel vm0, $0x30D, v27  }
0x5e: {  	v28 =	vsel vm9, $0x185, v28;
	v20 =	vsel vm4, $0x38E, v27;
	v27 =	vsel vm14, $0x500, v34  }
0x5f: {  	v32 =	vsel vm12, $0x782, v32;
	v30 =	vsel vm11, $0x103, v30;
	v27 =	vsel vm13, $0x581, v27  }
0x60: {  	v28 =	vsel vm8, $0x206, v28;
	v32 =	vsel vm11, $0x3, v32;
	v27 =	vsel vm12, $0x602, v27  }
0x61: {  	v30 =	vsel vm10, $0x184, v30;
	v28 =	vsel vm7, $0x287, v28;
	v24 =	vsel vm11, $0x683, v27  }
0x62: {  	v32 =	vsel vm10, $0x84, v32;
	v30 =	vsel vm9, $0x205, v30;
	v24 =	vsel vm10, $0x704, v24  }
0x63: {  	s0 =	rddreg [dreg:$0x0];
	s3 =	simm.s32 $0x0;
	v28 =	vsel vm6, $0x308, v28;
	v32 =	vsel vm9, $0x105, v32;
	v24 =	vsel vm9, $0x785, v24  }
0x64: {  	[smem:$0x7FF] =	sst s3;
	v30 =	vsel vm8, $0x286, v30;
	v28 =	vsel vm5, $0x389, v28;
	v24 =	vsel vm8, $0x6, v24  }
0x65: {  	s9 =	rddreg [dreg:$0x1];
	_ =	strace $0x80000047;
	[tilespmem:$0x1FF40] =	vst v37;
	v32 =	vsel vm8, $0x186, v32;
	v30 =	vsel vm7, $0x307, v30;
	v24 =	vsel vm7, $0x87, v24  }
0x66: {  	[tilespmem:$0x1FF50] =	vst v61;
	v28 =	vsel vm3, $0x40A, v28;
	v32 =	vsel vm7, $0x207, v32;
	v24 =	vsel vm6, $0x108, v24  }
0x67: {  	s1 =	srdreg.scid;
	[tilespmem:$0x1FF30] =	vst v62;
	v30 =	vsel vm6, $0x388, v30;
	v58 =	vsel vm2, $0x48B, v28;
	v24 =	vsel vm5, $0x189, v24  }
0x68: {  	s2 =	stileid.u32;
	s13 =	simm.s32 $0x6400;
	s14 =	simm.s32 $0x7400;
	[tilespmem:$0x1FFF0] =	vst v63;
	v32 =	vsel vm6, $0x288, v32;
	v30 =	vsel vm5, $0x409, v30;
	v24 =	vsel vm3, $0x20A, v24  }
0x69: {  	s16 =	simm.s32 $0x8400;
	s1 =	sand.u32 $0x1, s1;
	s4 =	sshll.u32 s2, $0x1;
	[tilespmem:$0x1FF80] =	vst v19;
	v59 =	vsel vm1, $0x50C, v58;
	v32 =	vsel vm5, $0x309, v32;
	v24 =	vsel vm2, $0x28B, v24  }
0x6a: {  	s18 =	simm.s32 $0x9400;
	s20 =	simm.s32 $0xA400;
	s5 =	sor.u32 s1, s4;
	[tilespmem:$0x1FF90] =	vst v0;
	v30 =	vsel vm3, $0x48A, v30;
	v32 =	vsel vm3, $0x38A, v32;
	v24 =	vsel vm1, $0x30C, v24  }
0x6b: {  	s25 =	simm.s32 $0xB400;
	s6 =	smul.u32 $0xC80, s5;
	[tilespmem:$0x1FFA0] =	vst v3;
	v32 =	vsel vm2, $0x40B, v32;
	v27 =	vsel vm1, $0x38C, v22;
	v24 =	vsel vm0, $0x38D, v24  }
0x6c: {  	s31 =	simm.s32 $0xC400;
	s1 =	ssub.s32 $0x2, s1;
	s29 =	smul.u32 $0xC8, s5;
	[tilespmem:$0x1FF70] =	vst v16;
	v22 =	vsel vm4, $0x40E, v24;
	v24 =	vsel vm0, $0x40D, v27;
	v27 =	vsel vm2, $0x38B, v23  }
.Ltmp0:
0x6d: {  	s8 =	sadd.s32 $0x8000, s9;
	s7 =	sshrl.u32 s1, $0x1;
	[tilespmem:$0x1FFD0] =	vst v13;
	v32 =	vsel vm1, $0x48C, v32;
	v23 =	vmovc v9;
	v9 =	vmovc v5;
	v5 =	vmov v11;
	v27 =	vsel vm1, $0x40C, v27;
	(pc) =	sbr.rel .LBB2_1-.Ltmp0, $4  }
0x6e: {  	s2 =	simm.s32 $0x0;
	s4 =	sadd.s32 $0xF42A00, s0;
	s1 =	ssub.s32 s1, s7;
	v30 =	vsel vm2, $0x50B, v30;
	v32 =	vsel vm0, $0x50D, v32;
	[tilespmem:$0x1FF60] =	vst v5;
	v27 =	vsel vm0, $0x48D, v27  }
0x6f: {  	s0 =	sadd.s32 s6, s0;
	[dreg:$0x3] =	wrdreg s29;
	s30 =	smax.u32 s1, $0x1;
	v30 =	vsel vm1, $0x58C, v30;
	v28 =	vsel vm4, $0x58E, v32;
	v32 =	vsel vm0, $0x58D, v59;
	[tilespmem:$0x1FFB0] =	vst v9  }
0x70: {  	s7 =	sadd.s32 $0x4000, s9;
	s0 =	sadd.s32 $0x600, s0;
	[dreg:$0x5] =	wrdreg s30;
	v21 =	vmovc v3;
	v60 =	vsel vm0, $0x60D, v30;
	v30 =	vsel vm4, $0x60E, v32;
	v11 =	vand.u32 $0xF, v29;
	[tilespmem:$0x1FFC0] =	vst v23  }
0x71: {  	s9 =	sadd.s32 $0xC000, s9;
	s6 =	simm.s32 $0xD400;
	[dreg:$0x4] =	wrdreg s0;
	v32 =	vsel vm4, $0x68E, v60;
	v29 =	vmovc v7;
	v24 =	vsel vm4, $0x48E, v24;
	[tilespmem:$0x1FFE0] =	vst v11;
	v26 =	vsel vm4, $0x50E, v27;
	v27 =	vmovc v0  }
.LBB2_12:
0x72: {  	s0 =	simm.s32 $0x5  }
0x73: {  	_ =	swait.ge [sflag:s0], $0x1000  }
0x74: {  	[sflag:s0] =	ssyncset.done $0x0  }
0x75: {  	s28 =	simm.s32 $0x6;
	[sflag:s0] =	ssyncadd.s32 $0xFFFFF000  }
0x76: {  	_ =	swait.ge [sflag:s28], $0x1000  }
0x77: {  	[sflag:s28] =	ssyncset.done $0x0  }
0x78: {  	s29 =	simm.s32 $0x7;
	[sflag:s28] =	ssyncadd.s32 $0xFFFFF000  }
0x79: {  	_ =	swait.ge [sflag:s29], $0x1000  }
0x7a: {  	[sflag:s29] =	ssyncset.done $0x0  }
0x7b: {  	s1 =	simm.s32 $0x8;
	[sflag:s29] =	ssyncadd.s32 $0xFFFFF000  }
0x7c: {  	_ =	swait.ge [sflag:s1], $0x1000  }
0x7d: {  	v37 =	vld [tilespmem:$0x1FF40]  }
0x7e: {  	s2 =	rddreg [dreg:$0x6];
	v61 =	vld [tilespmem:$0x1FF50]  }
0x7f: {  	s30 =	rddreg [dreg:$0x5];
	v5 =	vld [tilespmem:$0x1FF60];
	s2 =	sadd.s32 $0x1, s2  }
0x80: {  	v16 =	vld [tilespmem:$0x1FF70];
	p0 =	sne.s32 s2, s30  }
.Ltmp1:
0x81: {  	v19 =	vld [tilespmem:$0x1FF80];
	(pc) =	sbr.rel @!p0 .LBB2_13-.Ltmp1, $4  }
0x82: {  	v21 =	vld [tilespmem:$0x1FFA0]  }
0x83: {  	v9 =	vld [tilespmem:$0x1FFB0]  }
0x84: {  	[sflag:s1] =	ssyncset.done $0x0;
	v23 =	vld [tilespmem:$0x1FFC0]  }
0x85: {  	v56 =	vlaneseq.u32;
	v27 =	vld [tilespmem:$0x1FF90];
	[sflag:s1] =	ssyncadd.s32 $0xFFFFF000  }
.LBB2_1:
0x86: {  	[dreg:$0x6] =	wrdreg s2  }
0x87: {  	s0 =	rddreg [dreg:$0x4];
	s26 =	simm.s32 $0x9  }
0x88: {  	[tilespmem:s3], [sflag:$0x9] =	stream.linear.gather [hbm4b:s0+s3], $0x6400, $0x38;
	[tilespmem:$0xE400] =	vst v63  }
0x89: {  	_ =	swait.ge [sflag:s26], $0x6400  }
0x8a: {  	[sflag:s26] =	ssyncset.done $0x0  }
0x8b: {  	s29 =	simm.s32 $0x80;
	[sflag:s26] =	ssyncadd.s32 $0xFFFF9C00  }
0x8c: {  	[tilespmem:s13], [sflag:$0x1] =	stream.indirect.gather [hbm4b:s4+s29], $0x20, s3, s29, $0xb8;
	[tilespmem:$0xE400] =	vst v63  }
0x8d: {  	_ = 	snop  }
0x8e: {  	[tilespmem:s14], [sflag:$0x2] =	stream.indirect.gather [hbm4b:s4+s29], $0x20, s29, s29, $0xb8;
	[tilespmem:$0xE400] =	vst v63  }
0x8f: {  	s1 =	simm.s32 $0x100  }
0x90: {  	[tilespmem:s16], [sflag:$0x3] =	stream.indirect.gather [hbm4b:s4+s29], $0x20, s1, s29, $0xb8;
	[tilespmem:$0xE400] =	vst v63  }
0x91: {  	s30 =	simm.s32 $0x180;
	s28 =	simm.s32 $0x0  }
0x92: {  	[tilespmem:s18], [sflag:$0x4] =	stream.indirect.gather [hbm4b:s4+s29], $0x20, s30, s29, $0xb8;
	[tilespmem:$0xE400] =	vst v63  }
.LBB2_2:
0x93: {  	s0 =	simm.s32 $0x0  }
0x94: {  	s0 =	sand.u32 $0x40, s0  }
0x95: {  	p0 =	seq.s32 s28, $0x0;
	v33 =	vmov s0;
	s1 =	sor.u32 $0x20, s0  }
0x96: {  	s21 =	simm.s32 $0x0;
	s5 =	simm.s32 @!p0 $0x5;
	v33 =	vshll.u32 v33, $0x5;
	v34 =	vmov s1  }
0x97: {  	v35 =	vor.u32 s21, v56;
	_ =	swait.ge @!p0 [sflag:s5], $0x1000;
	v62 =	vor.u32 v1, v33;
	v53 =	vshll.u32 v34, $0x5  }
0x98: {  	s11 =	sor.u32 $0x30, s0;
	[sflag:s5] =	ssyncset.done @!p0 $0x0;
	v54 =	vor.u32 v62, v35;
	v38 =	vor.u32 v1, v53  }
0x99: {  	s2 =	simm.s32 $0x1;
	v36 =	vmov s11;
	[sflag:s5] =	ssyncadd.s32 @!p0 $0xFFFFF000;
	v33 =	vor.u32 v38, v35  }
0x9a: {  	v36 =	vshll.u32 v36, $0x5;
	_ =	swait.ge [sflag:s2], $0x1000  }
0x9b: {  	s10 =	simm.s32 $0x0;
	v40 =	vor.u32 v1, v36;
	[sflag:s2] =	ssyncset.done $0x0  }
0x9c: {  	s15 =	sor.u32 s0, s10;
	v36 =	vor.u32 v40, v35;
	[sflag:s2] =	ssyncadd.s32 $0xFFFFF000  }
0x9d: {  	v41 =	vor.u32 s21, v37;
	s0 =	sor.u32 $0x10, s0;
	s12 =	sor.u32 s10, s1;
	v42 =	vor.u32 s15, v2;
	v34 =	vld.idx.msk [tilespmem:v54+s13+$0x0], $0xffff  }
0x9e: {  	v39 =	vmov s0;
	v43 =	vor.u32 s12, v2;
	v44 =	vor.u32 v62, v41;
	v33 =	vld.idx.msk [tilespmem:v33+s13+$0x0], $0xffff  }
0x9f: {  	v39 =	vshll.u32 v39, $0x5;
	v45 =	vor.u32 v38, v41  }
0xa0: {  	s22 =	sor.u32 s10, s11;
	v39 =	vor.u32 v1, v39  }
0xa1: {  	v46 =	vor.u32 s22, v2;
	v35 =	vor.u32 v39, v35;
	v36 =	vld.idx.msk [tilespmem:v36+s13+$0x0], $0xffff  }
0xa2: {  	v55 =	vor.u32 v40, v41;
	[tilespmem:v42+s20+$0x0] =	vst.idx.msk $0xffff, v34  }
0xa3: {  	v57 =	vor.u32 s15, v4;
	v42 =	vld.idx.msk [tilespmem:v44+s13+$0x0], $0xffff;
	v44 =	vor.u32 s21, v61;
	[tilespmem:v43+s20+$0x0] =	vst.idx.msk $0xffff, v33  }
0xa4: {  	v47 =	vor.u32 s12, v4;
	v43 =	vld.idx.msk [tilespmem:v45+s13+$0x0], $0xffff;
	v58 =	vor.u32 v62, v44  }
0xa5: {  	s17 =	sor.u32 s10, s0;
	v48 =	vor.u32 v38, v44  }
0xa6: {  	v49 =	vor.u32 s17, v2;
	v35 =	vld.idx.msk [tilespmem:v35+s13+$0x0], $0xffff;
	[tilespmem:v46+s20+$0x0] =	vst.idx.msk $0xffff, v36  }
0xa7: {  	v59 =	vor.u32 s22, v4;
	v41 =	vor.u32 v39, v41;
	v34 =	vld.idx.msk [tilespmem:v55+s13+$0x0], $0xffff  }
0xa8: {  	v60 =	vor.u32 v40, v44;
	[tilespmem:v57+s20+$0x0] =	vst.idx.msk $0xffff, v42  }
0xa9: {  	v52 =	vor.u32 s15, v6;
	v45 =	vor.u32 s21, v5;
	v42 =	vld.idx.msk [tilespmem:v58+s13+$0x0], $0xffff;
	[tilespmem:v47+s20+$0x0] =	vst.idx.msk $0xffff, v43  }
0xaa: {  	v55 =	vor.u32 s12, v6;
	v54 =	vor.u32 v62, v45;
	v53 =	vld.idx.msk [tilespmem:v48+s13+$0x0], $0xffff  }
0xab: {  	[tilespmem:v49+s20+$0x0] =	vst.idx.msk $0xffff, v35;
	v57 =	vor.u32 v38, v45  }
0xac: {  	v41 =	vld.idx.msk [tilespmem:v41+s13+$0x0], $0xffff;
	v58 =	vor.u32 s17, v4;
	[tilespmem:v59+s20+$0x0] =	vst.idx.msk $0xffff, v34  }
0xad: {  	v44 =	vor.u32 v39, v44;
	v59 =	vor.u32 s22, v6;
	v33 =	vld.idx.msk [tilespmem:v60+s13+$0x0], $0xffff  }
0xae: {  	v60 =	vor.u32 v40, v45;
	[tilespmem:v52+s20+$0x0] =	vst.idx.msk $0xffff, v42  }
0xaf: {  	v43 =	vor.u32 s21, v16;
	v52 =	vor.u32 s15, v8;
	v42 =	vld.idx.msk [tilespmem:v54+s13+$0x0], $0xffff;
	[tilespmem:v55+s20+$0x0] =	vst.idx.msk $0xffff, v53  }
0xb0: {  	v53 =	vor.u32 v62, v43;
	v54 =	vor.u32 s12, v8;
	v35 =	vld.idx.msk [tilespmem:v57+s13+$0x0], $0xffff  }
0xb1: {  	[tilespmem:v58+s20+$0x0] =	vst.idx.msk $0xffff, v41;
	v55 =	vor.u32 v38, v43  }
0xb2: {  	v44 =	vld.idx.msk [tilespmem:v44+s13+$0x0], $0xffff;
	[tilespmem:v59+s20+$0x0] =	vst.idx.msk $0xffff, v33;
	v57 =	vor.u32 s17, v6  }
0xb3: {  	v45 =	vor.u32 v39, v45;
	v58 =	vor.u32 s22, v8;
	v33 =	vld.idx.msk [tilespmem:v60+s13+$0x0], $0xffff  }
0xb4: {  	v59 =	vor.u32 v40, v43;
	[tilespmem:v52+s20+$0x0] =	vst.idx.msk $0xffff, v42  }
0xb5: {  	v46 =	vor.u32 s21, v19;
	v60 =	vor.u32 s15, v10;
	v42 =	vld.idx.msk [tilespmem:v53+s13+$0x0], $0xffff;
	[tilespmem:v54+s20+$0x0] =	vst.idx.msk $0xffff, v35  }
0xb6: {  	v52 =	vor.u32 v62, v46;
	v53 =	vor.u32 s12, v10;
	v41 =	vld.idx.msk [tilespmem:v55+s13+$0x0], $0xffff  }
0xb7: {  	[tilespmem:v57+s20+$0x0] =	vst.idx.msk $0xffff, v44;
	v54 =	vor.u32 v38, v46  }
0xb8: {  	[tilespmem:v58+s20+$0x0] =	vst.idx.msk $0xffff, v33;
	v45 =	vld.idx.msk [tilespmem:v45+s13+$0x0], $0xffff;
	v55 =	vor.u32 s17, v8  }
0xb9: {  	v43 =	vor.u32 v39, v43;
	v57 =	vor.u32 s22, v10;
	v33 =	vld.idx.msk [tilespmem:v59+s13+$0x0], $0xffff  }
0xba: {  	v58 =	vor.u32 v40, v46;
	[tilespmem:v60+s20+$0x0] =	vst.idx.msk $0xffff, v42  }
0xbb: {  	v42 =	vor.u32 s21, v21;
	v60 =	vor.u32 s15, v12;
	v59 =	vld.idx.msk [tilespmem:v52+s13+$0x0], $0xffff;
	[tilespmem:v53+s20+$0x0] =	vst.idx.msk $0xffff, v41  }
0xbc: {  	v52 =	vor.u32 v62, v42;
	v53 =	vor.u32 s12, v12;
	v44 =	vld.idx.msk [tilespmem:v54+s13+$0x0], $0xffff  }
0xbd: {  	[tilespmem:v55+s20+$0x0] =	vst.idx.msk $0xffff, v45;
	v54 =	vor.u32 v38, v42  }
0xbe: {  	v55 =	vor.u32 s17, v10;
	[tilespmem:v57+s20+$0x0] =	vst.idx.msk $0xffff, v33;
	v43 =	vld.idx.msk [tilespmem:v43+s13+$0x0], $0xffff  }
0xbf: {  	v46 =	vor.u32 v39, v46;
	v57 =	vor.u32 s22, v12;
	v33 =	vld.idx.msk [tilespmem:v58+s13+$0x0], $0xffff  }
0xc0: {  	v58 =	vor.u32 v40, v42;
	[tilespmem:v60+s20+$0x0] =	vst.idx.msk $0xffff, v59  }
0xc1: {  	v59 =	vor.u32 s15, v14;
	v36 =	vld.idx.msk [tilespmem:v52+s13+$0x0], $0xffff;
	[tilespmem:v53+s20+$0x0] =	vst.idx.msk $0xffff, v44;
	v44 =	vor.u32 s21, v9  }
0xc2: {  	v52 =	vor.u32 s12, v14;
	v45 =	vld.idx.msk [tilespmem:v54+s13+$0x0], $0xffff;
	v60 =	vor.u32 v62, v44  }
0xc3: {  	[tilespmem:v55+s20+$0x0] =	vst.idx.msk $0xffff, v43;
	v53 =	vor.u32 v38, v44  }
0xc4: {  	[tilespmem:v57+s20+$0x0] =	vst.idx.msk $0xffff, v33;
	v46 =	vld.idx.msk [tilespmem:v46+s13+$0x0], $0xffff;
	v54 =	vor.u32 s17, v12  }
0xc5: {  	v42 =	vor.u32 v39, v42;
	v55 =	vor.u32 s22, v14;
	v33 =	vld.idx.msk [tilespmem:v58+s13+$0x0], $0xffff  }
0xc6: {  	v35 =	vor.u32 v40, v44;
	[tilespmem:v59+s20+$0x0] =	vst.idx.msk $0xffff, v36  }
0xc7: {  	v57 =	vor.u32 s15, v17;
	v58 =	vor.u32 s21, v23;
	v36 =	vld.idx.msk [tilespmem:v60+s13+$0x0], $0xffff;
	[tilespmem:v52+s20+$0x0] =	vst.idx.msk $0xffff, v45  }
0xc8: {  	v47 =	vor.u32 v62, v58;
	v59 =	vor.u32 s12, v17;
	v43 =	vld.idx.msk [tilespmem:v53+s13+$0x0], $0xffff  }
0xc9: {  	s23 =	simm.s32 $0x40;
	v51 =	vor.u32 s21, v27;
	[tilespmem:v54+s20+$0x0] =	vst.idx.msk $0xffff, v46;
	v46 =	vor.u32 v38, v58  }
0xca: {  	s24 =	sand.u32 $0x40, s23;
	v41 =	vor.u32 s22, v17;
	v60 =	vor.u32 s17, v14;
	[tilespmem:v55+s20+$0x0] =	vst.idx.msk $0xffff, v33;
	v42 =	vld.idx.msk [tilespmem:v42+s13+$0x0], $0xffff  }
0xcb: {  	s0 =	sor.u32 $0x10, s24;
	v44 =	vor.u32 v39, v44;
	v50 =	vor.u32 v40, v58;
	v45 =	vor.u32 v39, v58;
	v35 =	vld.idx.msk [tilespmem:v35+s13+$0x0], $0xffff  }
0xcc: {  	v52 =	vor.u32 s15, v18;
	v55 =	vor.u32 v62, v51;
	v58 =	vmov s0;
	[tilespmem:v57+s20+$0x0] =	vst.idx.msk $0xffff, v36  }
0xcd: {  	s1 =	simm.s32 $0x0;
	v53 =	vor.u32 s12, v18;
	v34 =	vshll.u32 v58, $0x5;
	v57 =	vmov s24;
	v47 =	vld.idx.msk [tilespmem:v47+s13+$0x0], $0xffff;
	[tilespmem:v59+s20+$0x0] =	vst.idx.msk $0xffff, v43  }
0xce: {  	s19 =	sor.u32 $0x20, s24;
	v34 =	vor.u32 v1, v34;
	v33 =	vshll.u32 v57, $0x5;
	v57 =	vor.u32 s1, v56;
	v46 =	vld.idx.msk [tilespmem:v46+s13+$0x0], $0xffff  }
0xcf: {  	s11 =	sor.u32 $0x30, s24;
	v54 =	vor.u32 v38, v51;
	[tilespmem:v60+s20+$0x0] =	vst.idx.msk $0xffff, v42;
	v60 =	vmov s19;
	v58 =	vor.u32 v34, v57  }
0xd0: {  	v59 =	vmov s11;
	[tilespmem:v41+s20+$0x0] =	vst.idx.msk $0xffff, v35;
	v44 =	vld.idx.msk [tilespmem:v44+s13+$0x0], $0xffff;
	v33 =	vor.u32 v1, v33;
	v36 =	vshll.u32 v60, $0x5  }
0xd1: {  	v60 =	vor.u32 s17, v17;
	v59 =	vshll.u32 v59, $0x5;
	v50 =	vld.idx.msk [tilespmem:v50+s13+$0x0], $0xffff;
	v49 =	vor.u32 v33, v57  }
0xd2: {  	s23 =	simm.s32 $0x0;
	v36 =	vor.u32 v1, v36;
	v35 =	vor.u32 v1, v59;
	[tilespmem:v52+s20+$0x0] =	vst.idx.msk $0xffff, v47;
	v47 =	vor.u32 s22, v18  }
0xd3: {  	s0 =	sor.u32 s23, s0;
	v43 =	vor.u32 v36, v57;
	v52 =	vld.idx.msk [tilespmem:v55+s13+$0x0], $0xffff;
	[tilespmem:v53+s20+$0x0] =	vst.idx.msk $0xffff, v46;
	v46 =	vor.u32 s15, v20  }
0xd4: {  	v42 =	vor.u32 v35, v57;
	v57 =	vor.u32 s0, v2;
	v48 =	vld.idx.msk [tilespmem:v58+s13+$0x0], $0xffff  }
0xd5: {  	v56 =	vor.u32 v40, v51;
	v58 =	vor.u32 s1, v37;
	v53 =	vld.idx.msk [tilespmem:v54+s13+$0x0], $0xffff;
	v54 =	vor.u32 s12, v20  }
0xd6: {  	s29 =	sor.u32 s24, s23;
	v55 =	vor.u32 s21, v15;
	[tilespmem:v60+s20+$0x0] =	vst.idx.msk $0xffff, v44;
	v49 =	vld.idx.msk [tilespmem:v49+s13+$0x0], $0xffff;
	v44 =	vor.u32 v34, v58  }
0xd7: {  	s10 =	sor.u32 s23, s19;
	v60 =	vor.u32 s29, v2;
	v59 =	vor.u32 v38, v55;
	v45 =	vld.idx.msk [tilespmem:v45+s13+$0x0], $0xffff;
	[tilespmem:v47+s20+$0x0] =	vst.idx.msk $0xffff, v50  }
0xd8: {  	v43 =	vld.idx.msk [tilespmem:v43+s13+$0x0], $0xffff;
	v47 =	vor.u32 s10, v2;
	v50 =	vor.u32 v33, v58;
	[tilespmem:v46+s20+$0x0] =	vst.idx.msk $0xffff, v52  }
0xd9: {  	s11 =	sor.u32 s23, s11;
	v42 =	vld.idx.msk [tilespmem:v42+s13+$0x0], $0xffff;
	v46 =	vor.u32 s17, v18;
	v52 =	vor.u32 v36, v58;
	[tilespmem:v57+s20+$0x0] =	vst.idx.msk $0xffff, v48  }
0xda: {  	v51 =	vor.u32 v39, v51;
	[tilespmem:v54+s20+$0x0] =	vst.idx.msk $0xffff, v53;
	v53 =	vor.u32 s11, v2;
	v54 =	vld.idx.msk [tilespmem:v56+s13+$0x0], $0xffff  }
0xdb: {  	v48 =	vor.u32 s22, v20;
	v56 =	vor.u32 v35, v58;
	v44 =	vld.idx.msk [tilespmem:v44+s13+$0x0], $0xffff  }
0xdc: {  	[tilespmem:v60+s20+$0x0] =	vst.idx.msk $0xffff, v49;
	v60 =	vor.u32 s12, v22;
	v49 =	vor.u32 v40, v55;
	v58 =	vor.u32 s21, v29;
	v57 =	vld.idx.msk [tilespmem:v59+s13+$0x0], $0xffff  }
0xdd: {  	v59 =	vor.u32 s0, v4;
	[tilespmem:v47+s20+$0x0] =	vst.idx.msk $0xffff, v43;
	v43 =	vld.idx.msk [tilespmem:v50+s13+$0x0], $0xffff;
	v47 =	vor.u32 s1, v61;
	v50 =	vor.u32 v38, v58  }
0xde: {  	[tilespmem:v46+s20+$0x0] =	vst.idx.msk $0xffff, v45;
	v45 =	vor.u32 s29, v4;
	v46 =	vor.u32 v34, v47;
	v52 =	vld.idx.msk [tilespmem:v52+s13+$0x0], $0xffff  }
0xdf: {  	[tilespmem:v53+s20+$0x0] =	vst.idx.msk $0xffff, v42;
	v42 =	vor.u32 s10, v4;
	v51 =	vld.idx.msk [tilespmem:v51+s13+$0x0], $0xffff  }
0xe0: {  	v53 =	vor.u32 v33, v47;
	[tilespmem:v48+s20+$0x0] =	vst.idx.msk $0xffff, v54;
	v48 =	vor.u32 s17, v20;
	v56 =	vld.idx.msk [tilespmem:v56+s13+$0x0], $0xffff  }
0xe1: {  	v54 =	vor.u32 v36, v47;
	[tilespmem:v60+s20+$0x0] =	vst.idx.msk $0xffff, v57;
	v60 =	vor.u32 s11, v4;
	v49 =	vld.idx.msk [tilespmem:v49+s13+$0x0], $0xffff  }
0xe2: {  	v57 =	vor.u32 v39, v55;
	[tilespmem:v59+s20+$0x0] =	vst.idx.msk $0xffff, v44;
	v44 =	vor.u32 s22, v22;
	v50 =	vld.idx.msk [tilespmem:v50+s13+$0x0], $0xffff  }
0xe3: {  	v47 =	vor.u32 v35, v47;
	[tilespmem:v45+s20+$0x0] =	vst.idx.msk $0xffff, v43;
	v43 =	vor.u32 s12, v24;
	v46 =	vld.idx.msk [tilespmem:v46+s13+$0x0], $0xffff  }
0xe4: {  	v45 =	vor.u32 v40, v58;
	v0 =	vld [tilespmem:$0x1FF30];
	[tilespmem:v42+s20+$0x0] =	vst.idx.msk $0xffff, v52;
	v42 =	vor.u32 s0, v6  }
0xe5: {  	v52 =	vld.idx.msk [tilespmem:v53+s13+$0x0], $0xffff;
	v53 =	vor.u32 s1, v5;
	[tilespmem:v48+s20+$0x0] =	vst.idx.msk $0xffff, v51;
	v51 =	vor.u32 s29, v6  }
0xe6: {  	[tilespmem:v60+s20+$0x0] =	vst.idx.msk $0xffff, v56;
	v41 =	vor.u32 v34, v53;
	v54 =	vld.idx.msk [tilespmem:v54+s13+$0x0], $0xffff;
	v60 =	vor.u32 s10, v6  }
0xe7: {  	[tilespmem:v44+s20+$0x0] =	vst.idx.msk $0xffff, v49;
	v44 =	vor.u32 s17, v22;
	v49 =	vor.u32 v33, v53;
	v57 =	vld.idx.msk [tilespmem:v57+s13+$0x0], $0xffff  }
0xe8: {  	v47 =	vld.idx.msk [tilespmem:v47+s13+$0x0], $0xffff;
	[tilespmem:v43+s20+$0x0] =	vst.idx.msk $0xffff, v50;
	v43 =	vor.u32 v36, v53;
	v50 =	vor.u32 s11, v6  }
0xe9: {  	v55 =	vor.u32 v62, v55;
	v45 =	vld.idx.msk [tilespmem:v45+s13+$0x0], $0xffff;
	v59 =	vor.u32 s21, v0;
	[tilespmem:v42+s20+$0x0] =	vst.idx.msk $0xffff, v46;
	v42 =	vor.u32 s22, v24  }
0xea: {  	[tilespmem:v51+s20+$0x0] =	vst.idx.msk $0xffff, v52;
	v48 =	vor.u32 v38, v59  }
0xeb: {  	v46 =	vor.u32 v35, v53;
	v41 =	vld.idx.msk [tilespmem:v41+s13+$0x0], $0xffff;
	[tilespmem:v60+s20+$0x0] =	vst.idx.msk $0xffff, v54;
	v60 =	vor.u32 s0, v8  }
0xec: {  	v56 =	vor.u32 s1, v16;
	v52 =	vor.u32 v40, v59;
	v49 =	vld.idx.msk [tilespmem:v49+s13+$0x0], $0xffff;
	[tilespmem:v44+s20+$0x0] =	vst.idx.msk $0xffff, v57;
	v57 =	vor.u32 s29, v8  }
0xed: {  	[tilespmem:v50+s20+$0x0] =	vst.idx.msk $0xffff, v47;
	v47 =	vor.u32 v34, v56;
	v43 =	vld.idx.msk [tilespmem:v43+s13+$0x0], $0xffff;
	v50 =	vor.u32 s10, v8  }
0xee: {  	v55 =	vld.idx.msk [tilespmem:v55+s13+$0x0], $0xffff;
	[tilespmem:v42+s20+$0x0] =	vst.idx.msk $0xffff, v45;
	v42 =	vor.u32 s15, v22;
	v45 =	vor.u32 v33, v56  }
0xef: {  	v51 =	vor.u32 s12, v26;
	v48 =	vld.idx.msk [tilespmem:v48+s13+$0x0], $0xffff  }
0xf0: {  	v53 =	vor.u32 s21, v63;
	v63 =	vor.u32 s11, v8;
	v46 =	vld.idx.msk [tilespmem:v46+s13+$0x0], $0xffff;
	[tilespmem:v60+s20+$0x0] =	vst.idx.msk $0xffff, v41;
	v41 =	vor.u32 v62, v58  }
0xf1: {  	v44 =	vor.u32 v38, v53;
	v52 =	vld.idx.msk [tilespmem:v52+s13+$0x0], $0xffff;
	v60 =	vor.u32 s22, v26;
	[tilespmem:v57+s20+$0x0] =	vst.idx.msk $0xffff, v49  }
0xf2: {  	v57 =	vor.u32 s0, v10;
	v47 =	vld.idx.msk [tilespmem:v47+s13+$0x0], $0xffff;
	[tilespmem:v50+s20+$0x0] =	vst.idx.msk $0xffff, v43;
	v43 =	vor.u32 v40, v53;
	v50 =	vor.u32 s1, v19  }
0xf3: {  	v45 =	vld.idx.msk [tilespmem:v45+s13+$0x0], $0xffff;
	[tilespmem:v42+s20+$0x0] =	vst.idx.msk $0xffff, v55;
	v42 =	vor.u32 s29, v10;
	v55 =	vor.u32 v34, v50  }
0xf4: {  	[tilespmem:v51+s20+$0x0] =	vst.idx.msk $0xffff, v48;
	v48 =	vor.u32 v36, v56  }
0xf5: {  	[tilespmem:v63+s20+$0x0] =	vst.idx.msk $0xffff, v46;
	v56 =	vor.u32 v35, v56;
	v41 =	vld.idx.msk [tilespmem:v41+s13+$0x0], $0xffff  }
0xf6: {  	v58 =	vor.u32 v39, v58;
	v49 =	vor.u32 s12, v28;
	v63 =	vor.u32 s15, v24;
	[tilespmem:v60+s20+$0x0] =	vst.idx.msk $0xffff, v52;
	v44 =	vld.idx.msk [tilespmem:v44+s13+$0x0], $0xffff  }
0xf7: {  	v54 =	vor.u32 v36, v50;
	v60 =	vor.u32 v33, v50;
	[tilespmem:v57+s20+$0x0] =	vst.idx.msk $0xffff, v47;
	v43 =	vld.idx.msk [tilespmem:v43+s13+$0x0], $0xffff  }
0xf8: {  	[tilespmem:v42+s20+$0x0] =	vst.idx.msk $0xffff, v45;
	v42 =	vor.u32 s22, v28;
	v45 =	vor.u32 v35, v50;
	v50 =	vld.idx.msk [tilespmem:v55+s13+$0x0], $0xffff  }
0xf9: {  	v46 =	vor.u32 s10, v10;
	v55 =	vor.u32 s21, v11;
	v48 =	vld.idx.msk [tilespmem:v48+s13+$0x0], $0xffff  }
0xfa: {  	v47 =	vor.u32 s11, v10;
	v56 =	vld.idx.msk [tilespmem:v56+s13+$0x0], $0xffff;
	v52 =	vor.u32 v40, v55  }
0xfb: {  	v58 =	vld.idx.msk [tilespmem:v58+s13+$0x0], $0xffff;
	[tilespmem:v49+s20+$0x0] =	vst.idx.msk $0xffff, v44;
	v44 =	vor.u32 s17, v24  }
0xfc: {  	[tilespmem:v63+s20+$0x0] =	vst.idx.msk $0xffff, v41;
	v49 =	vor.u32 v62, v59  }
0xfd: {  	v57 =	vor.u32 v39, v59;
	v59 =	vor.u32 s0, v12;
	[tilespmem:v42+s20+$0x0] =	vst.idx.msk $0xffff, v43  }
0xfe: {  	[tilespmem:v46+s20+$0x0] =	vst.idx.msk $0xffff, v48;
	v46 =	vld.idx.msk [tilespmem:v60+s13+$0x0], $0xffff;
	v48 =	vor.u32 s1, v21  }
0xff: {  	v63 =	vor.u32 s29, v12;
	[tilespmem:v47+s20+$0x0] =	vst.idx.msk $0xffff, v56;
	v52 =	vld.idx.msk [tilespmem:v52+s13+$0x0], $0xffff;
	v60 =	vor.u32 v34, v48  }
0x100: {  	v54 =	vld.idx.msk [tilespmem:v54+s13+$0x0], $0xffff;
	[tilespmem:v44+s20+$0x0] =	vst.idx.msk $0xffff, v58;
	v44 =	vor.u32 s10, v12;
	v47 =	vor.u32 v33, v48  }
0x101: {  	v58 =	vor.u32 s15, v26;
	v49 =	vld.idx.msk [tilespmem:v49+s13+$0x0], $0xffff  }
0x102: {  	v56 =	vor.u32 v36, v48;
	v45 =	vld.idx.msk [tilespmem:v45+s13+$0x0], $0xffff;
	[tilespmem:v59+s20+$0x0] =	vst.idx.msk $0xffff, v50;
	v50 =	vor.u32 s11, v12  }
0x103: {  	v3 =	vmov v15;
	v42 =	vor.u32 s17, v26;
	v43 =	vor.u32 v62, v53;
	v57 =	vld.idx.msk [tilespmem:v57+s13+$0x0], $0xffff  }
0x104: {  	v51 =	vor.u32 s22, v30;
	v11 =	vmov v37;
	v53 =	vor.u32 v39, v53;
	[tilespmem:v63+s20+$0x0] =	vst.idx.msk $0xffff, v46;
	v46 =	vld.idx.msk [tilespmem:v60+s13+$0x0], $0xffff  }
0x105: {  	v37 =	vor.u32 s17, v28;
	v48 =	vor.u32 v35, v48;
	[tilespmem:v44+s20+$0x0] =	vst.idx.msk $0xffff, v54;
	v44 =	vld.idx.msk [tilespmem:v47+s13+$0x0], $0xffff;
	v47 =	vor.u32 s0, v14  }
0x106: {  	v31 =	vmovc v3;
	v60 =	vor.u32 s21, v13;
	[tilespmem:v58+s20+$0x0] =	vst.idx.msk $0xffff, v49;
	v49 =	vor.u32 v38, v55;
	v54 =	vor.u32 s29, v14  }
0x107: {  	v58 =	vor.u32 s1, v9;
	[tilespmem:v50+s20+$0x0] =	vst.idx.msk $0xffff, v45;
	v50 =	vor.u32 s10, v14;
	v40 =	vor.u32 v40, v60;
	v56 =	vld.idx.msk [tilespmem:v56+s13+$0x0], $0xffff  }
0x108: {  	v63 =	vor.u32 s15, v28;
	v13 =	vmov v61;
	[tilespmem:v42+s20+$0x0] =	vst.idx.msk $0xffff, v57;
	v61 =	vor.u32 v33, v58;
	v43 =	vld.idx.msk [tilespmem:v43+s13+$0x0], $0xffff  }
0x109: {  	[tilespmem:v51+s20+$0x0] =	vst.idx.msk $0xffff, v52;
	v41 =	vor.u32 v38, v60;
	v38 =	vor.u32 v36, v58;
	v53 =	vld.idx.msk [tilespmem:v53+s13+$0x0], $0xffff  }
0x10a: {  	v15 =	vmov v5;
	v0 =	vor.u32 v62, v55;
	v57 =	vld.idx.msk [tilespmem:v48+s13+$0x0], $0xffff;
	[tilespmem:v47+s20+$0x0] =	vst.idx.msk $0xffff, v46;
	v47 =	vor.u32 s11, v14  }
0x10b: {  	v5 =	vor.u32 v39, v55;
	v3 =	vor.u32 v35, v58;
	[tilespmem:v54+s20+$0x0] =	vst.idx.msk $0xffff, v44;
	v46 =	vld.idx.msk [tilespmem:v49+s13+$0x0], $0xffff  }
0x10c: {  	v45 =	vor.u32 s15, v30;
	v42 =	vor.u32 v62, v60;
	v62 =	vor.u32 s22, v32;
	v59 =	vld.idx.msk [tilespmem:v40+s13+$0x0], $0xffff;
	[tilespmem:v50+s20+$0x0] =	vst.idx.msk $0xffff, v56  }
0x10d: {  	v55 =	vor.u32 s29, v17;
	v51 =	vor.u32 v34, v58;
	v48 =	vor.u32 s12, v30;
	v52 =	vld.idx.msk [tilespmem:v61+s13+$0x0], $0xffff;
	[tilespmem:v63+s20+$0x0] =	vst.idx.msk $0xffff, v43  }
0x10e: {  	v39 =	vor.u32 v39, v60;
	v58 =	vor.u32 s10, v17;
	v44 =	vor.u32 s12, v32;
	v56 =	vld.idx.msk [tilespmem:v38+s13+$0x0], $0xffff;
	[tilespmem:v37+s20+$0x0] =	vst.idx.msk $0xffff, v53  }
0x10f: {  	v25 =	vmovc v9;
	v49 =	vor.u32 s1, v27;
	v40 =	vor.u32 s17, v32;
	v63 =	vor.u32 s1, v23;
	v37 =	vld.idx.msk [tilespmem:v0+s13+$0x0], $0xffff;
	[tilespmem:v47+s20+$0x0] =	vst.idx.msk $0xffff, v57  }
0x110: {  	s26 =	sshll.u32 s28, $0x2;
	v54 =	vor.u32 v33, v63;
	v53 =	vor.u32 v35, v63;
	v50 =	vor.u32 v34, v63;
	v38 =	vld.idx.msk [tilespmem:v5+s13+$0x0], $0xffff;
	s30 =	rddreg [dreg:$0x3]  }
0x111: {  	s21 =	simm.s32 $0x80;
	s12 =	simm.s32 $0x4;
	v43 =	vor.u32 s15, v32;
	v57 =	vor.u32 v36, v63;
	v47 =	vor.u32 s17, v30;
	[tilespmem:v62+s20+$0x0] =	vst.idx.msk $0xffff, v59;
	v59 =	vld.idx.msk [tilespmem:v3+s13+$0x0], $0xffff;
	s15 =	sadd.s32 s30, s26  }
.LBB2_3:
0x112: {  	s5 =	sand.u32 $0x40, s21;
	v60 =	vor.u32 s29, v18;
	v51 =	vld.idx.msk [tilespmem:v51+s13+$0x0], $0xffff;
	v61 =	vor.u32 s10, v18;
	[tilespmem:v48+s20+$0x0] =	vst.idx.msk $0xffff, v46  }
0x113: {  	s12 =	sadd.s32 $0x4, s12;
	v62 =	vor.u32 v36, v49;
	v3 =	vld [tilespmem:$0x1FFF0];
	v63 =	vmov s5;
	s24 =	sor.u32 $0x30, s5;
	[tilespmem:v55+s20+$0x0] =	vst.idx.msk $0xffff, v52;
	v52 =	vor.u32 s11, v17  }
0x114: {  	v0 =	vlaneseq.u32;
	s22 =	sshrl.u32 s12, $0x3;
	s23 =	sor.u32 $0x10, s5;
	s30 =	sor.u32 $0x20, s5;
	v46 =	vshll.u32 v63, $0x5;
	v63 =	vmov s24;
	v55 =	vld.idx.msk [tilespmem:v41+s13+$0x0], $0xffff;
	[tilespmem:v58+s20+$0x0] =	vst.idx.msk $0xffff, v56  }
0x115: {  	s19 =	sshll.u32 s22, $0x4;
	v48 =	vor.u32 v33, v49;
	v41 =	vmov s23;
	v54 =	vld.idx.msk [tilespmem:v54+s13+$0x0], $0xffff;
	v56 =	vmov s30;
	[tilespmem:v45+s20+$0x0] =	vst.idx.msk $0xffff, v37  }
0x116: {  	v63 =	vshll.u32 v63, $0x5;
	v45 =	vor.u32 s19, v0;
	[tilespmem:v47+s20+$0x0] =	vst.idx.msk $0xffff, v38;
	v41 =	vshll.u32 v41, $0x5;
	v57 =	vld.idx.msk [tilespmem:v57+s13+$0x0], $0xffff  }
0x117: {  	v38 =	vor.u32 v1, v46;
	v0 =	vld [tilespmem:$0x1FF30];
	v37 =	vor.u32 v1, v41;
	v41 =	vor.u32 v1, v63  }
0x118: {  	v63 =	vshll.u32 v56, $0x5;
	v56 =	vld.idx.msk [tilespmem:v39+s13+$0x0], $0xffff;
	v46 =	vor.u32 v37, v45;
	[tilespmem:v52+s20+$0x0] =	vst.idx.msk $0xffff, v59  }
0x119: {  	v58 =	vor.u32 v38, v45;
	v42 =	vld.idx.msk [tilespmem:v42+s13+$0x0], $0xffff;
	v39 =	vor.u32 v1, v63;
	[tilespmem:v44+s20+$0x0] =	vst.idx.msk $0xffff, v55  }
0x11a: {  	v47 =	vor.u32 v39, v45;
	v52 =	vld.idx.msk [tilespmem:v53+s13+$0x0], $0xffff;
	[tilespmem:v60+s20+$0x0] =	vst.idx.msk $0xffff, v54;
	v44 =	vor.u32 s0, v17  }
0x11b: {  	v53 =	vor.u32 s11, v18;
	v48 =	vld.idx.msk [tilespmem:v48+s13+$0x0], $0xffff;
	[tilespmem:v61+s20+$0x0] =	vst.idx.msk $0xffff, v57  }
0x11c: {  	s26 =	sshll.u32 s22, $0xB;
	v45 =	vor.u32 v41, v45;
	v54 =	vor.u32 s29, v20;
	v55 =	vld.idx.msk [tilespmem:v62+s13+$0x0], $0xffff  }
0x11d: {  	s17 =	sor.u32 s26, s23;
	v59 =	vor.u32 s10, v20;
	v60 =	vor.u32 v35, v49;
	v57 =	vor.u32 s1, v31;
	v46 =	vld.idx.msk [tilespmem:v46+s13+$0x0], $0xffff;
	[tilespmem:v40+s20+$0x0] =	vst.idx.msk $0xffff, v56  }
0x11e: {  	s22 =	sor.u32 s5, s26;
	v61 =	vor.u32 v36, v57;
	v40 =	vld.idx.msk [tilespmem:v58+s13+$0x0], $0xffff;
	v56 =	vor.u32 s19, v11;
	v58 =	vor.u32 s17, v2;
	[tilespmem:v43+s20+$0x0] =	vst.idx.msk $0xffff, v42  }
0x11f: {  	s30 =	sor.u32 s26, s30;
	v42 =	vor.u32 s22, v2;
	v43 =	vor.u32 v37, v56;
	v47 =	vld.idx.msk [tilespmem:v47+s13+$0x0], $0xffff;
	[tilespmem:v44+s20+$0x0] =	vst.idx.msk $0xffff, v51  }
0x120: {  	v62 =	vor.u32 s30, v2;
	v63 =	vor.u32 v38, v56;
	[tilespmem:v53+s20+$0x0] =	vst.idx.msk $0xffff, v52;
	v50 =	vld.idx.msk [tilespmem:v50+s13+$0x0], $0xffff  }
0x121: {  	s26 =	sor.u32 s26, s24;
	v52 =	vor.u32 v39, v56;
	v45 =	vld.idx.msk [tilespmem:v45+s13+$0x0], $0xffff;
	[tilespmem:v54+s20+$0x0] =	vst.idx.msk $0xffff, v48;
	v48 =	vor.u32 s0, v18  }
0x122: {  	v49 =	vor.u32 v34, v49;
	v53 =	vor.u32 s26, v2;
	v54 =	vld.idx.msk [tilespmem:v60+s13+$0x0], $0xffff;
	v60 =	vor.u32 s17, v4;
	[tilespmem:v59+s20+$0x0] =	vst.idx.msk $0xffff, v55  }
0x123: {  	v51 =	vor.u32 v41, v56;
	v55 =	vor.u32 s11, v20;
	v59 =	vor.u32 s19, v13;
	[tilespmem:v58+s20+$0x0] =	vst.idx.msk $0xffff, v46;
	v46 =	vld.idx.msk [tilespmem:v61+s13+$0x0], $0xffff  }
0x124: {  	v56 =	vor.u32 v35, v57;
	[tilespmem:v42+s20+$0x0] =	vst.idx.msk $0xffff, v40;
	v58 =	vor.u32 s10, v22;
	v40 =	vld.idx.msk [tilespmem:v43+s13+$0x0], $0xffff;
	v43 =	vor.u32 s1, v29  }
0x125: {  	v42 =	vor.u32 v33, v57;
	v44 =	vld.idx.msk [tilespmem:v63+s13+$0x0], $0xffff;
	[tilespmem:v62+s20+$0x0] =	vst.idx.msk $0xffff, v47;
	v47 =	vor.u32 v36, v43  }
0x126: {  	v61 =	vor.u32 s22, v4;
	v62 =	vor.u32 v37, v59;
	v52 =	vld.idx.msk [tilespmem:v52+s13+$0x0], $0xffff;
	[tilespmem:v48+s20+$0x0] =	vst.idx.msk $0xffff, v50  }
0x127: {  	v48 =	vor.u32 v38, v59;
	v50 =	vor.u32 s30, v4;
	[tilespmem:v53+s20+$0x0] =	vst.idx.msk $0xffff, v45;
	v45 =	vld.idx.msk [tilespmem:v49+s13+$0x0], $0xffff  }
0x128: {  	v53 =	vor.u32 v39, v59;
	v49 =	vor.u32 s0, v20;
	v51 =	vld.idx.msk [tilespmem:v51+s13+$0x0], $0xffff;
	[tilespmem:v55+s20+$0x0] =	vst.idx.msk $0xffff, v54  }
0x129: {  	v54 =	vor.u32 s26, v4;
	v55 =	vor.u32 v34, v57;
	[tilespmem:v58+s20+$0x0] =	vst.idx.msk $0xffff, v46;
	v46 =	vld.idx.msk [tilespmem:v56+s13+$0x0], $0xffff  }
0x12a: {  	v59 =	vor.u32 v41, v59;
	[tilespmem:v60+s20+$0x0] =	vst.idx.msk $0xffff, v40;
	v40 =	vld.idx.msk [tilespmem:v47+s13+$0x0], $0xffff;
	v47 =	vor.u32 s11, v22  }
0x12b: {  	v57 =	vor.u32 s1, v0;
	v56 =	vor.u32 v35, v43;
	[tilespmem:v61+s20+$0x0] =	vst.idx.msk $0xffff, v44;
	v60 =	vor.u32 s10, v24;
	v44 =	vld.idx.msk [tilespmem:v62+s13+$0x0], $0xffff  }
0x12c: {  	v61 =	vor.u32 s19, v15;
	v62 =	vor.u32 s17, v6;
	v48 =	vld.idx.msk [tilespmem:v48+s13+$0x0], $0xffff;
	[tilespmem:v50+s20+$0x0] =	vst.idx.msk $0xffff, v52;
	v50 =	vor.u32 v36, v57  }
0x12d: {  	v63 =	vor.u32 v37, v61;
	v52 =	vor.u32 s22, v6;
	v53 =	vld.idx.msk [tilespmem:v53+s13+$0x0], $0xffff;
	[tilespmem:v49+s20+$0x0] =	vst.idx.msk $0xffff, v45  }
0x12e: {  	v0 =	vor.u32 s30, v6;
	v49 =	vor.u32 v38, v61;
	[tilespmem:v54+s20+$0x0] =	vst.idx.msk $0xffff, v51;
	v54 =	vld.idx.msk [tilespmem:v55+s13+$0x0], $0xffff  }
0x12f: {  	v45 =	vor.u32 s0, v22;
	v59 =	vld.idx.msk [tilespmem:v59+s13+$0x0], $0xffff;
	[tilespmem:v47+s20+$0x0] =	vst.idx.msk $0xffff, v46  }
0x130: {  	v55 =	vor.u32 v39, v61;
	v46 =	vor.u32 s26, v6;
	[tilespmem:v60+s20+$0x0] =	vst.idx.msk $0xffff, v40;
	v40 =	vld.idx.msk [tilespmem:v56+s13+$0x0], $0xffff  }
0x131: {  	v61 =	vor.u32 v41, v61;
	[tilespmem:v62+s20+$0x0] =	vst.idx.msk $0xffff, v44;
	v47 =	vor.u32 s11, v24;
	v44 =	vld.idx.msk [tilespmem:v50+s13+$0x0], $0xffff  }
0x132: {  	v60 =	vor.u32 s10, v26;
	v50 =	vor.u32 v35, v57;
	[tilespmem:v52+s20+$0x0] =	vst.idx.msk $0xffff, v48;
	v48 =	vld.idx.msk [tilespmem:v63+s13+$0x0], $0xffff;
	v56 =	vor.u32 s1, v3  }
0x133: {  	v62 =	vor.u32 s19, v16;
	v63 =	vor.u32 s17, v8;
	v49 =	vld.idx.msk [tilespmem:v49+s13+$0x0], $0xffff;
	[tilespmem:v0+s20+$0x0] =	vst.idx.msk $0xffff, v53;
	v0 =	vor.u32 v36, v56  }
0x134: {  	v58 =	vor.u32 v34, v43;
	v3 =	vor.u32 v37, v62;
	v42 =	vld.idx.msk [tilespmem:v42+s13+$0x0], $0xffff;
	[tilespmem:v45+s20+$0x0] =	vst.idx.msk $0xffff, v54  }
0x135: {  	v43 =	vor.u32 v33, v43;
	v53 =	vor.u32 s22, v8;
	v55 =	vld.idx.msk [tilespmem:v55+s13+$0x0], $0xffff;
	[tilespmem:v46+s20+$0x0] =	vst.idx.msk $0xffff, v59  }
0x136: {  	v45 =	vor.u32 v38, v62;
	v54 =	vor.u32 s30, v8;
	v61 =	vld.idx.msk [tilespmem:v61+s13+$0x0], $0xffff;
	[tilespmem:v47+s20+$0x0] =	vst.idx.msk $0xffff, v40  }
0x137: {  	v51 =	vor.u32 s29, v22;
	v52 =	vor.u32 v33, v57;
	[tilespmem:v60+s20+$0x0] =	vst.idx.msk $0xffff, v44;
	v44 =	vld.idx.msk [tilespmem:v50+s13+$0x0], $0xffff  }
0x138: {  	v59 =	vor.u32 v39, v62;
	v40 =	vor.u32 s26, v8;
	[tilespmem:v63+s20+$0x0] =	vst.idx.msk $0xffff, v48;
	v0 =	vld.idx.msk [tilespmem:v0+s13+$0x0], $0xffff  }
0x139: {  	v62 =	vor.u32 v41, v62;
	v47 =	vor.u32 v35, v56;
	v50 =	vor.u32 s11, v26;
	v3 =	vld.idx.msk [tilespmem:v3+s13+$0x0], $0xffff  }
0x13a: {  	v48 =	vor.u32 v34, v57;
	[tilespmem:v53+s20+$0x0] =	vst.idx.msk $0xffff, v49;
	v53 =	vor.u32 s10, v28;
	v58 =	vld.idx.msk [tilespmem:v58+s13+$0x0], $0xffff  }
0x13b: {  	v57 =	vor.u32 s19, v19;
	v60 =	vor.u32 s17, v10;
	v49 =	vor.u32 v33, v56;
	v45 =	vld.idx.msk [tilespmem:v45+s13+$0x0], $0xffff;
	[tilespmem:v54+s20+$0x0] =	vst.idx.msk $0xffff, v55  }
0x13c: {  	v5 =	vld [tilespmem:$0x1FFE0];
	v54 =	vor.u32 v34, v56;
	v55 =	vor.u32 s22, v10;
	v56 =	vor.u32 v37, v57;
	[tilespmem:v51+s20+$0x0] =	vst.idx.msk $0xffff, v42  }
0x13d: {  	v59 =	vld.idx.msk [tilespmem:v59+s13+$0x0], $0xffff;
	[tilespmem:v40+s20+$0x0] =	vst.idx.msk $0xffff, v61  }
0x13e: {  	v42 =	vor.u32 v38, v57;
	v51 =	vor.u32 s30, v10;
	v40 =	vld.idx.msk [tilespmem:v43+s13+$0x0], $0xffff;
	[tilespmem:v50+s20+$0x0] =	vst.idx.msk $0xffff, v44  }
0x13f: {  	v46 =	vor.u32 s29, v24;
	v61 =	vor.u32 v39, v57;
	[tilespmem:v53+s20+$0x0] =	vst.idx.msk $0xffff, v0;
	v44 =	vld.idx.msk [tilespmem:v62+s13+$0x0], $0xffff  }
0x140: {  	v50 =	vor.u32 s0, v24;
	[tilespmem:v60+s20+$0x0] =	vst.idx.msk $0xffff, v3;
	v3 =	vld.idx.msk [tilespmem:v47+s13+$0x0], $0xffff  }
0x141: {  	v0 =	vor.u32 s26, v10;
	[tilespmem:v55+s20+$0x0] =	vst.idx.msk $0xffff, v45;
	v45 =	vld.idx.msk [tilespmem:v56+s13+$0x0], $0xffff  }
0x142: {  	v57 =	vor.u32 v41, v57;
	v53 =	vor.u32 s11, v28;
	v47 =	vor.u32 s1, v5;
	v5 =	vld [tilespmem:$0x1FFD0]  }
0x143: {  	v55 =	vor.u32 s19, v21;
	v56 =	vor.u32 s17, v12;
	v42 =	vld.idx.msk [tilespmem:v42+s13+$0x0], $0xffff;
	[tilespmem:v51+s20+$0x0] =	vst.idx.msk $0xffff, v59;
	v51 =	vor.u32 v35, v47  }
0x144: {  	v60 =	vor.u32 v37, v55;
	v59 =	vor.u32 s22, v12;
	v61 =	vld.idx.msk [tilespmem:v61+s13+$0x0], $0xffff;
	[tilespmem:v46+s20+$0x0] =	vst.idx.msk $0xffff, v40  }
0x145: {  	v40 =	vor.u32 v38, v55;
	v46 =	vor.u32 s30, v12;
	v52 =	vld.idx.msk [tilespmem:v52+s13+$0x0], $0xffff;
	[tilespmem:v50+s20+$0x0] =	vst.idx.msk $0xffff, v58  }
0x146: {  	v43 =	vor.u32 s29, v26;
	v50 =	vor.u32 v39, v55;
	[tilespmem:v0+s20+$0x0] =	vst.idx.msk $0xffff, v44;
	v44 =	vld.idx.msk [tilespmem:v48+s13+$0x0], $0xffff  }
0x147: {  	v0 =	vor.u32 v41, v55;
	v55 =	vor.u32 s0, v26;
	v48 =	vld.idx.msk [tilespmem:v57+s13+$0x0], $0xffff;
	[tilespmem:v53+s20+$0x0] =	vst.idx.msk $0xffff, v3  }
0x148: {  	[tilespmem:v56+s20+$0x0] =	vst.idx.msk $0xffff, v45;
	v57 =	vor.u32 v33, v47;
	v3 =	vor.u32 s26, v12;
	v56 =	vld.idx.msk [tilespmem:v51+s13+$0x0], $0xffff  }
0x149: {  	v58 =	vor.u32 s1, v5;
	v53 =	vor.u32 v36, v47;
	[tilespmem:v59+s20+$0x0] =	vst.idx.msk $0xffff, v42;
	v42 =	vld.idx.msk [tilespmem:v60+s13+$0x0], $0xffff;
	v59 =	vor.u32 s11, v30  }
0x14a: {  	v63 =	vor.u32 s30, v14;
	s1 =	smov.u32 s19;
	v60 =	vor.u32 s17, v14;
	v40 =	vld.idx.msk [tilespmem:v40+s13+$0x0], $0xffff;
	[tilespmem:v46+s20+$0x0] =	vst.idx.msk $0xffff, v61;
	v46 =	vor.u32 v35, v58  }
0x14b: {  	v47 =	vor.u32 v34, v47;
	v51 =	vor.u32 s1, v25;
	v61 =	vor.u32 s22, v14;
	v50 =	vld.idx.msk [tilespmem:v50+s13+$0x0], $0xffff;
	[tilespmem:v43+s20+$0x0] =	vst.idx.msk $0xffff, v52  }
0x14c: {  	v62 =	vor.u32 s29, v28;
	v35 =	vmov v41;
	v43 =	vor.u32 v38, v51;
	v49 =	vld.idx.msk [tilespmem:v49+s13+$0x0], $0xffff;
	[tilespmem:v55+s20+$0x0] =	vst.idx.msk $0xffff, v44  }
0x14d: {  	v41 =	vor.u32 v36, v58;
	v5 =	vor.u32 v39, v51;
	[tilespmem:v3+s20+$0x0] =	vst.idx.msk $0xffff, v48;
	v7 =	vld.idx.msk [tilespmem:v54+s13+$0x0], $0xffff  }
0x14e: {  	v9 =	vor.u32 s0, v28;
	v36 =	vmov v39;
	v39 =	vor.u32 v34, v58;
	v0 =	vld.idx.msk [tilespmem:v0+s13+$0x0], $0xffff;
	[tilespmem:v59+s20+$0x0] =	vst.idx.msk $0xffff, v56  }
0x14f: {  	v45 =	vor.u32 s29, v30;
	v3 =	vor.u32 v35, v51;
	[tilespmem:v60+s20+$0x0] =	vst.idx.msk $0xffff, v42;
	v59 =	vor.u32 s26, v14;
	v60 =	vld.idx.msk [tilespmem:v46+s13+$0x0], $0xffff  }
0x150: {  	p0 =	slt.u32 s12, $0xC;
	v44 =	vor.u32 s10, v32;
	v51 =	vor.u32 v37, v51;
	[tilespmem:v61+s20+$0x0] =	vst.idx.msk $0xffff, v40;
	v46 =	vld.idx.msk [tilespmem:v53+s13+$0x0], $0xffff;
	v61 =	vor.u32 s11, v32  }
.Ltmp2:
0x151: {  	v55 =	vor.u32 s22, v17;
	v48 =	vor.u32 s10, v30;
	s10 =	smov.u32 s30;
	v42 =	vor.u32 v33, v58;
	v52 =	vld.idx.msk [tilespmem:v43+s13+$0x0], $0xffff;
	[tilespmem:v63+s20+$0x0] =	vst.idx.msk $0xffff, v50;
	(pc) =	sbr.rel @p0 .LBB2_3-.Ltmp2, $4  }
0x152: {  	v34 =	vmovc v37;
	v33 =	vmov v38;
	v58 =	vor.u32 s10, v17;
	v63 =	vor.u32 s1, v23;
	v56 =	vld.idx.msk [tilespmem:v5+s13+$0x0], $0xffff;
	[tilespmem:v62+s20+$0x0] =	vst.idx.msk $0xffff, v49  }
0x153: {  	v40 =	vor.u32 s0, v32;
	v43 =	vor.u32 s29, v32;
	v54 =	vor.u32 v33, v63;
	v37 =	vld.idx.msk [tilespmem:v57+s13+$0x0], $0xffff;
	[tilespmem:v9+s20+$0x0] =	vst.idx.msk $0xffff, v7  }
0x154: {  	s21 =	sadd.s32 $0x40, s21;
	v53 =	vor.u32 v35, v63;
	v50 =	vor.u32 v34, v63;
	[tilespmem:v59+s20+$0x0] =	vst.idx.msk $0xffff, v0;
	v38 =	vld.idx.msk [tilespmem:v47+s13+$0x0], $0xffff  }
0x155: {  	s11 =	smov.u32 s26;
	s29 =	smov.u32 s22;
	v49 =	vor.u32 s1, v27;
	v57 =	vor.u32 v36, v63;
	v47 =	vor.u32 s0, v30;
	s0 =	smov.u32 s17;
	v59 =	vld.idx.msk [tilespmem:v3+s13+$0x0], $0xffff;
	[tilespmem:v61+s20+$0x0] =	vst.idx.msk $0xffff, v60  }
0x156: {  	_ = 	snop  }
0x157: {  	v0 =	vor.u32 s11, v17;
	_ =	sdelay $0x2  }
0x158: {  	v3 =	vld.idx.msk [tilespmem:v51+s13+$0x0], $0xffff;
	v5 =	vor.u32 s0, v17;
	_ =	sdelay $0x1  }
0x159: {  	[tilespmem:v0+s20+$0x0] =	vst.idx.msk $0xffff, v59  }
0x15a: {  	v7 =	vor.u32 s11, v18;
	[tilespmem:v58+s20+$0x0] =	vst.idx.msk $0xffff, v56;
	v0 =	vld.idx.msk [tilespmem:v53+s13+$0x0], $0xffff  }
0x15b: {  	v9 =	vor.u32 s10, v18;
	v63 =	vor.u32 v35, v49;
	v59 =	vld.idx.msk [tilespmem:v57+s13+$0x0], $0xffff  }
0x15c: {  	[tilespmem:v5+s20+$0x0] =	vst.idx.msk $0xffff, v3;
	v3 =	vor.u32 v36, v49  }
0x15d: {  	[tilespmem:v55+s20+$0x0] =	vst.idx.msk $0xffff, v52;
	v5 =	vld.idx.msk [tilespmem:v50+s13+$0x0], $0xffff;
	v50 =	vor.u32 s0, v18  }
0x15e: {  	v52 =	vor.u32 s29, v18;
	v54 =	vld.idx.msk [tilespmem:v54+s13+$0x0], $0xffff  }
0x15f: {  	v62 =	vor.u32 v33, v49;
	[tilespmem:v7+s20+$0x0] =	vst.idx.msk $0xffff, v0  }
0x160: {  	v55 =	vor.u32 v34, v49;
	[tilespmem:v9+s20+$0x0] =	vst.idx.msk $0xffff, v59;
	v9 =	vor.u32 s11, v20;
	v0 =	vor.u32 s1, v31;
	v7 =	vld.idx.msk [tilespmem:v63+s13+$0x0], $0xffff  }
0x161: {  	v51 =	vor.u32 s10, v20;
	v3 =	vld.idx.msk [tilespmem:v3+s13+$0x0], $0xffff;
	v63 =	vor.u32 v35, v0  }
0x162: {  	[tilespmem:v50+s20+$0x0] =	vst.idx.msk $0xffff, v5;
	v5 =	vor.u32 v36, v0  }
0x163: {  	[tilespmem:v52+s20+$0x0] =	vst.idx.msk $0xffff, v54  }
0x164: {  	v49 =	vld.idx.msk [tilespmem:v62+s13+$0x0], $0xffff;
	v59 =	vor.u32 s29, v20  }
0x165: {  	v58 =	vor.u32 s0, v20;
	v50 =	vld.idx.msk [tilespmem:v55+s13+$0x0], $0xffff;
	v62 =	vor.u32 v34, v0;
	[tilespmem:v9+s20+$0x0] =	vst.idx.msk $0xffff, v7  }
0x166: {  	v0 =	vor.u32 v33, v0;
	[tilespmem:v51+s20+$0x0] =	vst.idx.msk $0xffff, v3;
	v9 =	vor.u32 s11, v22;
	v7 =	vld.idx.msk [tilespmem:v63+s13+$0x0], $0xffff  }
0x167: {  	v5 =	vld.idx.msk [tilespmem:v5+s13+$0x0], $0xffff;
	v63 =	vor.u32 s10, v22  }
0x168: {  	v3 =	vor.u32 s1, v29  }
0x169: {  	[tilespmem:v59+s20+$0x0] =	vst.idx.msk $0xffff, v49;
	v53 =	vor.u32 v35, v3  }
0x16a: {  	[tilespmem:v58+s20+$0x0] =	vst.idx.msk $0xffff, v50;
	v58 =	vor.u32 v36, v3  }
0x16b: {  	v0 =	vld.idx.msk [tilespmem:v0+s13+$0x0], $0xffff;
	[tilespmem:v9+s20+$0x0] =	vst.idx.msk $0xffff, v7  }
0x16c: {  	v59 =	vor.u32 s0, v22;
	v52 =	vld.idx.msk [tilespmem:v62+s13+$0x0], $0xffff;
	[tilespmem:v63+s20+$0x0] =	vst.idx.msk $0xffff, v5  }
0x16d: {  	v55 =	vor.u32 s29, v22;
	v62 =	vld [tilespmem:$0x1FF30]  }
0x16e: {  	v9 =	vor.u32 s11, v24;
	v7 =	vld.idx.msk [tilespmem:v53+s13+$0x0], $0xffff  }
0x16f: {  	v51 =	vor.u32 s10, v24;
	v49 =	vld.idx.msk [tilespmem:v58+s13+$0x0], $0xffff;
	_ =	sdelay $0x1  }
0x170: {  	[tilespmem:v59+s20+$0x0] =	vst.idx.msk $0xffff, v52  }
0x171: {  	v54 =	vor.u32 v34, v3;
	[tilespmem:v55+s20+$0x0] =	vst.idx.msk $0xffff, v0  }
0x172: {  	v3 =	vor.u32 v33, v3;
	[tilespmem:v9+s20+$0x0] =	vst.idx.msk $0xffff, v7  }
0x173: {  	v5 =	vor.u32 s1, v62;
	[tilespmem:v51+s20+$0x0] =	vst.idx.msk $0xffff, v49  }
0x174: {  	v61 =	vmov v16;
	v58 =	vor.u32 v35, v5;
	v16 =	vld [tilespmem:$0x1FFF0]  }
0x175: {  	v59 =	vor.u32 v36, v5  }
0x176: {  	v52 =	vor.u32 s0, v24;
	v0 =	vld.idx.msk [tilespmem:v54+s13+$0x0], $0xffff  }
0x177: {  	v54 =	vor.u32 s29, v24;
	v3 =	vld.idx.msk [tilespmem:v3+s13+$0x0], $0xffff;
	v63 =	vor.u32 v34, v5  }
0x178: {  	v5 =	vor.u32 v33, v5  }
0x179: {  	v49 =	vor.u32 s11, v26;
	v7 =	vor.u32 s1, v16;
	v9 =	vld.idx.msk [tilespmem:v58+s13+$0x0], $0xffff  }
0x17a: {  	v50 =	vld.idx.msk [tilespmem:v59+s13+$0x0], $0xffff;
	v58 =	vor.u32 s10, v26;
	v59 =	vor.u32 v35, v7  }
0x17b: {  	[tilespmem:v52+s20+$0x0] =	vst.idx.msk $0xffff, v0  }
0x17c: {  	[tilespmem:v54+s20+$0x0] =	vst.idx.msk $0xffff, v3;
	v52 =	vor.u32 s0, v26;
	v3 =	vld.idx.msk [tilespmem:v63+s13+$0x0], $0xffff;
	v0 =	vor.u32 v36, v7  }
0x17d: {  	v63 =	vor.u32 s29, v26;
	v5 =	vld.idx.msk [tilespmem:v5+s13+$0x0], $0xffff  }
0x17e: {  	[tilespmem:v49+s20+$0x0] =	vst.idx.msk $0xffff, v9  }
0x17f: {  	[tilespmem:v58+s20+$0x0] =	vst.idx.msk $0xffff, v50;
	v9 =	vld.idx.msk [tilespmem:v59+s13+$0x0], $0xffff  }
0x180: {  	v60 =	vmov v15;
	v56 =	vor.u32 s11, v28;
	v15 =	vld [tilespmem:$0x1FFE0]  }
0x181: {  	v58 =	vor.u32 s10, v28;
	v0 =	vld.idx.msk [tilespmem:v0+s13+$0x0], $0xffff;
	[tilespmem:v52+s20+$0x0] =	vst.idx.msk $0xffff, v3  }
0x182: {  	[tilespmem:v63+s20+$0x0] =	vst.idx.msk $0xffff, v5  }
0x183: {  	v54 =	vor.u32 v34, v7;
	[tilespmem:v48+s20+$0x0] =	vst.idx.msk $0xffff, v46  }
0x184: {  	v7 =	vor.u32 v33, v7;
	[tilespmem:v45+s20+$0x0] =	vst.idx.msk $0xffff, v37  }
0x185: {  	[tilespmem:v56+s20+$0x0] =	vst.idx.msk $0xffff, v9  }
0x186: {  	v49 =	vor.u32 s1, v15;
	[tilespmem:v58+s20+$0x0] =	vst.idx.msk $0xffff, v0  }
0x187: {  	v59 =	vor.u32 v35, v49;
	v58 =	vld [tilespmem:$0x1FFD0]  }
0x188: {  	v52 =	vor.u32 s0, v28;
	v5 =	vld.idx.msk [tilespmem:v54+s13+$0x0], $0xffff;
	v3 =	vor.u32 v36, v49  }
0x189: {  	v46 =	vor.u32 s29, v28;
	v7 =	vld.idx.msk [tilespmem:v7+s13+$0x0], $0xffff;
	v63 =	vor.u32 v34, v49  }
0x18a: {  	v37 =	vor.u32 v33, v49  }
0x18b: {  	v41 =	vld.idx.msk [tilespmem:v41+s13+$0x0], $0xffff  }
0x18c: {  	v53 =	vor.u32 s11, v30;
	v0 =	vld.idx.msk [tilespmem:v59+s13+$0x0], $0xffff;
	v9 =	vor.u32 s1, v58  }
0x18d: {  	v55 =	vor.u32 s10, v30;
	[tilespmem:v52+s20+$0x0] =	vst.idx.msk $0xffff, v5;
	v3 =	vld.idx.msk [tilespmem:v3+s13+$0x0], $0xffff;
	v54 =	vor.u32 v35, v9  }
0x18e: {  	v56 =	vor.u32 s0, v30;
	[tilespmem:v46+s20+$0x0] =	vst.idx.msk $0xffff, v7;
	v7 =	vld.idx.msk [tilespmem:v63+s13+$0x0], $0xffff;
	v5 =	vor.u32 v36, v9  }
0x18f: {  	[tilespmem:v47+s20+$0x0] =	vst.idx.msk $0xffff, v38;
	v59 =	vor.u32 s29, v30;
	v37 =	vld.idx.msk [tilespmem:v37+s13+$0x0], $0xffff;
	v63 =	vor.u32 v34, v9  }
0x190: {  	[tilespmem:v44+s20+$0x0] =	vst.idx.msk $0xffff, v41;
	v46 =	vld.idx.msk [tilespmem:v42+s13+$0x0], $0xffff;
	v9 =	vor.u32 v33, v9  }
0x191: {  	v39 =	vld.idx.msk [tilespmem:v39+s13+$0x0], $0xffff;
	[tilespmem:v53+s20+$0x0] =	vst.idx.msk $0xffff, v0  }
0x192: {  	v47 =	vor.u32 s11, v32;
	[tilespmem:v55+s20+$0x0] =	vst.idx.msk $0xffff, v3;
	v0 =	vld.idx.msk [tilespmem:v54+s13+$0x0], $0xffff  }
0x193: {  	v3 =	vor.u32 s10, v32;
	[tilespmem:v56+s20+$0x0] =	vst.idx.msk $0xffff, v7;
	v5 =	vld.idx.msk [tilespmem:v5+s13+$0x0], $0xffff  }
0x194: {  	v7 =	vor.u32 s0, v32;
	[tilespmem:v59+s20+$0x0] =	vst.idx.msk $0xffff, v37;
	v34 =	vld.idx.msk [tilespmem:v63+s13+$0x0], $0xffff  }
0x195: {  	v48 =	vor.u32 s29, v32;
	[tilespmem:v43+s20+$0x0] =	vst.idx.msk $0xffff, v46;
	v9 =	vld.idx.msk [tilespmem:v9+s13+$0x0], $0xffff  }
0x196: {  	s2 =	sshll.u32 s15, $0xC;
	s5 =	sshll.u32 s15, $0xA;
	[tilespmem:v40+s20+$0x0] =	vst.idx.msk $0xffff, v39  }
0x197: {  	s1 =	sand.u32 $0x1F000, s5;
	s0 =	sand.u32 $0x7FF80000, s2;
	[tilespmem:v47+s20+$0x0] =	vst.idx.msk $0xffff, v0  }
0x198: {  	s0 =	sor.u32 s1, s0;
	[tilespmem:v3+s20+$0x0] =	vst.idx.msk $0xffff, v5  }
0x199: {  	s10 =	rddreg [dreg:$0x1];
	s29 =	sshrl.u32 s0, $0x3;
	[tilespmem:v7+s20+$0x0] =	vst.idx.msk $0xffff, v34  }
0x19a: {  	s12 =	simm.s32 $0xA800;
	s17 =	simm.s32 $0xAC00;
	s0 =	sadd.s32 s10, s29;
	[tilespmem:v48+s20+$0x0] =	vst.idx.msk $0xffff, v9  }
0x19b: {  	[hbm4b:s0+s3] =	stream.linear.scatter [tilespmem:s20], [sflag:$0x5], $0x400, $0x38;
	[tilespmem:$0xE400] =	vst v63  }
0x19c: {  	s21 =	simm.s32 $0xB000;
	p0 =	seq.s32 s28, $0x31;
	s11 =	sadd.s32 s29, s7  }
0x19d: {  	[hbm4b:s11+s3] =	stream.linear.scatter [tilespmem:s12], [sflag:$0x5], $0x400, $0x38;
	[tilespmem:$0xE400] =	vst v63  }
0x19e: {  	p1 =	seq.s32 @!p0 s28, $0x0;
	s15 =	sadd.s32 s29, s8;
	s0 =	sshll.u32 @!p0 s28, $0xB  }
0x19f: {  	[hbm4b:s15+s3] =	stream.linear.scatter [tilespmem:s17], [sflag:$0x5], $0x400, $0x38;
	[tilespmem:$0xE400] =	vst v63  }
0x1a0: {  	p1 =	por p0, !p1;
	s19 =	sadd.s32 s29, s9;
	s1 =	sshra.s32 @!p0 s0, $0x2  }
0x1a1: {  	[hbm4b:s19+s3] =	stream.linear.scatter [tilespmem:s21], [sflag:$0x5], $0x400, $0x38;
	[tilespmem:$0xE400] =	vst v63  }
0x1a2: {  	s5 =	simm.s32 @!p0 $0x80;
	s10 =	simm.s32 @!p0 $0x6400;
	s0 =	sadd.s32 @!p0 $0x200, s1  }
0x1a3: {  	[tilespmem:s10], [sflag:$0x1] =	stream.indirect.gather @!p0 [hbm4b:s4+s5], $0x20, s0, s5, $0xb8;
	[tilespmem:$0xE400] =	vst v63  }
0x1a4: {  	s0 =	simm.s32 @p1 $0x6  }
0x1a5: {  	_ =	swait.ge @p1 [sflag:s0], $0x1000  }
0x1a6: {  	s22 =	simm.s32 $0x0;
	[sflag:s0] =	ssyncset.done @p1 $0x0  }
0x1a7: {  	[sflag:s0] =	ssyncadd.s32 @p1 $0xFFFFF000;
	s0 =	sand.u32 $0x40, s22  }
0x1a8: {  	v0 =	vmov s0;
	s23 =	sor.u32 $0x20, s0  }
0x1a9: {  	v27 =	vmovc v21;
	s26 =	simm.s32 $0x0;
	v21 =	vlaneseq.u32;
	v0 =	vshll.u32 v0, $0x5;
	v3 =	vmov s23  }
0x1aa: {  	v5 =	vor.u32 s26, v21;
	v37 =	vor.u32 v1, v0;
	v0 =	vshll.u32 v3, $0x5  }
0x1ab: {  	v3 =	vor.u32 v37, v5;
	v38 =	vor.u32 v1, v0  }
0x1ac: {  	s2 =	simm.s32 $0x2;
	s24 =	sor.u32 $0x30, s0;
	v0 =	vor.u32 v38, v5  }
0x1ad: {  	_ =	swait.ge [sflag:s2], $0x1000;
	v7 =	vmov s24  }
0x1ae: {  	s30 =	simm.s32 $0x0;
	[sflag:s2] =	ssyncset.done $0x0;
	v7 =	vshll.u32 v7, $0x5  }
0x1af: {  	s12 =	sor.u32 s0, s30;
	[sflag:s2] =	ssyncadd.s32 $0xFFFFF000;
	v40 =	vor.u32 v1, v7  }
0x1b0: {  	v9 =	vor.u32 s26, v11;
	s0 =	sor.u32 $0x10, s0;
	s5 =	sor.u32 s30, s23;
	v49 =	vor.u32 s12, v2;
	v7 =	vor.u32 v40, v5;
	v3 =	vld.idx.msk [tilespmem:v3+s14+$0x0], $0xffff  }
0x1b1: {  	v50 =	vmov s0;
	v51 =	vor.u32 s5, v2;
	v52 =	vor.u32 v37, v9;
	v0 =	vld.idx.msk [tilespmem:v0+s14+$0x0], $0xffff  }
0x1b2: {  	v34 =	vshll.u32 v50, $0x5;
	v53 =	vor.u32 v38, v9  }
0x1b3: {  	v39 =	vor.u32 v1, v34  }
0x1b4: {  	s23 =	sor.u32 s30, s24;
	v5 =	vor.u32 v39, v5  }
0x1b5: {  	v54 =	vor.u32 s23, v2;
	v7 =	vld.idx.msk [tilespmem:v7+s14+$0x0], $0xffff;
	[tilespmem:v49+s25+$0x0] =	vst.idx.msk $0xffff, v3  }
0x1b6: {  	v55 =	vor.u32 s26, v13;
	v3 =	vor.u32 v40, v9;
	v33 =	vld.idx.msk [tilespmem:v52+s14+$0x0], $0xffff;
	[tilespmem:v51+s25+$0x0] =	vst.idx.msk $0xffff, v0;
	v0 =	vor.u32 s12, v4  }
0x1b7: {  	v59 =	vor.u32 s5, v4;
	v56 =	vor.u32 v37, v55;
	v35 =	vld.idx.msk [tilespmem:v53+s14+$0x0], $0xffff  }
0x1b8: {  	s22 =	sor.u32 s30, s0;
	v63 =	vor.u32 v38, v55  }
0x1b9: {  	v48 =	vor.u32 s22, v2;
	v5 =	vld.idx.msk [tilespmem:v5+s14+$0x0], $0xffff  }
0x1ba: {  	v9 =	vor.u32 v39, v9;
	[tilespmem:v54+s25+$0x0] =	vst.idx.msk $0xffff, v7  }
0x1bb: {  	v7 =	vor.u32 s23, v4;
	v3 =	vld.idx.msk [tilespmem:v3+s14+$0x0], $0xffff;
	[tilespmem:v0+s25+$0x0] =	vst.idx.msk $0xffff, v33  }
0x1bc: {  	v50 =	vor.u32 s12, v6;
	v49 =	vor.u32 s26, v60;
	v0 =	vor.u32 v40, v55;
	v33 =	vld.idx.msk [tilespmem:v56+s14+$0x0], $0xffff;
	[tilespmem:v59+s25+$0x0] =	vst.idx.msk $0xffff, v35  }
0x1bd: {  	v52 =	vor.u32 v37, v49;
	v53 =	vor.u32 s5, v6;
	v51 =	vld.idx.msk [tilespmem:v63+s14+$0x0], $0xffff  }
0x1be: {  	[tilespmem:v48+s25+$0x0] =	vst.idx.msk $0xffff, v5;
	v5 =	vor.u32 v38, v49  }
0x1bf: {  	v54 =	vor.u32 s22, v4;
	v9 =	vld.idx.msk [tilespmem:v9+s14+$0x0], $0xffff  }
0x1c0: {  	[tilespmem:v7+s25+$0x0] =	vst.idx.msk $0xffff, v3  }
0x1c1: {  	v36 =	vor.u32 v39, v55;
	v3 =	vor.u32 s23, v6;
	v0 =	vld.idx.msk [tilespmem:v0+s14+$0x0], $0xffff;
	[tilespmem:v50+s25+$0x0] =	vst.idx.msk $0xffff, v33  }
0x1c2: {  	v55 =	vor.u32 s12, v8;
	v35 =	vor.u32 s26, v61;
	v7 =	vor.u32 v40, v49;
	v33 =	vld.idx.msk [tilespmem:v52+s14+$0x0], $0xffff;
	[tilespmem:v53+s25+$0x0] =	vst.idx.msk $0xffff, v51  }
0x1c3: {  	v59 =	vor.u32 s5, v8;
	v56 =	vor.u32 v37, v35;
	v5 =	vld.idx.msk [tilespmem:v5+s14+$0x0], $0xffff  }
0x1c4: {  	[tilespmem:v54+s25+$0x0] =	vst.idx.msk $0xffff, v9;
	v9 =	vor.u32 v38, v35;
	_ =	sdelay $0x1  }
0x1c5: {  	v63 =	vor.u32 s22, v6;
	v36 =	vld.idx.msk [tilespmem:v36+s14+$0x0], $0xffff;
	[tilespmem:v3+s25+$0x0] =	vst.idx.msk $0xffff, v0  }
0x1c6: {  	v34 =	vor.u32 v39, v49;
	v3 =	vor.u32 s23, v8;
	v0 =	vld.idx.msk [tilespmem:v7+s14+$0x0], $0xffff;
	[tilespmem:v55+s25+$0x0] =	vst.idx.msk $0xffff, v33  }
0x1c7: {  	v48 =	vor.u32 s26, v19;
	v7 =	vor.u32 v40, v35;
	v33 =	vld.idx.msk [tilespmem:v56+s14+$0x0], $0xffff;
	[tilespmem:v59+s25+$0x0] =	vst.idx.msk $0xffff, v5;
	v5 =	vor.u32 s12, v10  }
0x1c8: {  	v49 =	vor.u32 v37, v48;
	v50 =	vor.u32 s5, v10;
	v9 =	vld.idx.msk [tilespmem:v9+s14+$0x0], $0xffff  }
0x1c9: {  	v51 =	vor.u32 v38, v48  }
0x1ca: {  	[tilespmem:v63+s25+$0x0] =	vst.idx.msk $0xffff, v36  }
0x1cb: {  	v52 =	vor.u32 s22, v8;
	v34 =	vld.idx.msk [tilespmem:v34+s14+$0x0], $0xffff;
	[tilespmem:v3+s25+$0x0] =	vst.idx.msk $0xffff, v0  }
0x1cc: {  	v35 =	vor.u32 v39, v35;
	v3 =	vor.u32 s23, v10;
	v0 =	vld.idx.msk [tilespmem:v7+s14+$0x0], $0xffff;
	[tilespmem:v5+s25+$0x0] =	vst.idx.msk $0xffff, v33  }
0x1cd: {  	v53 =	vor.u32 s26, v27;
	v5 =	vor.u32 v40, v48;
	v7 =	vld.idx.msk [tilespmem:v49+s14+$0x0], $0xffff;
	[tilespmem:v50+s25+$0x0] =	vst.idx.msk $0xffff, v9;
	v9 =	vor.u32 s12, v12  }
0x1ce: {  	v54 =	vor.u32 v37, v53;
	v56 =	vor.u32 s5, v12;
	v36 =	vld.idx.msk [tilespmem:v51+s14+$0x0], $0xffff;
	_ =	sdelay $0x1  }
0x1cf: {  	v59 =	vor.u32 v38, v53;
	[tilespmem:v52+s25+$0x0] =	vst.idx.msk $0xffff, v34  }
0x1d0: {  	v35 =	vld.idx.msk [tilespmem:v35+s14+$0x0], $0xffff;
	[tilespmem:v3+s25+$0x0] =	vst.idx.msk $0xffff, v0  }
0x1d1: {  	v63 =	vor.u32 s22, v10;
	v0 =	vld.idx.msk [tilespmem:v5+s14+$0x0], $0xffff;
	[tilespmem:v9+s25+$0x0] =	vst.idx.msk $0xffff, v7  }
0x1d2: {  	v41 =	vor.u32 v39, v48;
	v3 =	vor.u32 s23, v12;
	v7 =	vld.idx.msk [tilespmem:v54+s14+$0x0], $0xffff;
	[tilespmem:v56+s25+$0x0] =	vst.idx.msk $0xffff, v36  }
0x1d3: {  	v5 =	vor.u32 v40, v53;
	v9 =	vor.u32 s12, v14;
	v23 =	vld [tilespmem:$0x1FFB0]  }
0x1d4: {  	v49 =	vor.u32 s5, v14;
	v34 =	vld.idx.msk [tilespmem:v59+s14+$0x0], $0xffff;
	_ =	sdelay $0x1  }
0x1d5: {  	[tilespmem:v63+s25+$0x0] =	vst.idx.msk $0xffff, v35  }
0x1d6: {  	v51 =	vor.u32 s22, v12;
	v41 =	vld.idx.msk [tilespmem:v41+s14+$0x0], $0xffff;
	[tilespmem:v3+s25+$0x0] =	vst.idx.msk $0xffff, v0  }
0x1d7: {  	v3 =	vor.u32 s23, v14;
	v0 =	vld.idx.msk [tilespmem:v5+s14+$0x0], $0xffff;
	[tilespmem:v9+s25+$0x0] =	vst.idx.msk $0xffff, v7  }
0x1d8: {  	v36 =	vor.u32 s26, v23;
	[tilespmem:v49+s25+$0x0] =	vst.idx.msk $0xffff, v34  }
0x1d9: {  	v48 =	vor.u32 v37, v36;
	v56 =	vld [tilespmem:$0x1FFC0]  }
0x1da: {  	v50 =	vor.u32 v38, v36  }
0x1db: {  	[tilespmem:v51+s25+$0x0] =	vst.idx.msk $0xffff, v41  }
0x1dc: {  	v33 =	vor.u32 v39, v53;
	[tilespmem:v3+s25+$0x0] =	vst.idx.msk $0xffff, v0  }
0x1dd: {  	s15 =	simm.s32 $0x40;
	v0 =	vld [tilespmem:$0x1FF90]  }
0x1de: {  	s17 =	sand.u32 $0x40, s15;
	v9 =	vor.u32 s12, v17;
	v5 =	vor.u32 v40, v36;
	v7 =	vld.idx.msk [tilespmem:v48+s14+$0x0], $0xffff;
	v52 =	vor.u32 s26, v56  }
0x1df: {  	s30 =	sor.u32 $0x10, s17;
	v54 =	vor.u32 s5, v17;
	v35 =	vld.idx.msk [tilespmem:v50+s14+$0x0], $0xffff;
	v53 =	vor.u32 v37, v52  }
0x1e0: {  	v51 =	vmov s30;
	v59 =	vor.u32 v38, v52  }
0x1e1: {  	v63 =	vor.u32 s22, v14;
	v33 =	vld.idx.msk [tilespmem:v33+s14+$0x0], $0xffff;
	v34 =	vshll.u32 v51, $0x5  }
0x1e2: {  	v46 =	vor.u32 s12, v18;
	v36 =	vor.u32 v39, v36;
	v34 =	vor.u32 v1, v34  }
0x1e3: {  	s19 =	sor.u32 $0x30, s17;
	v47 =	vor.u32 s5, v18;
	v5 =	vld.idx.msk [tilespmem:v5+s14+$0x0], $0xffff;
	v45 =	vor.u32 v40, v52;
	[tilespmem:v9+s25+$0x0] =	vst.idx.msk $0xffff, v7;
	v7 =	vor.u32 s23, v17  }
0x1e4: {  	v3 =	vor.u32 v39, v52;
	v52 =	vmov s19;
	v0 =	vor.u32 s26, v0;
	[tilespmem:v54+s25+$0x0] =	vst.idx.msk $0xffff, v35;
	v42 =	vld.idx.msk [tilespmem:v53+s14+$0x0], $0xffff  }
0x1e5: {  	s21 =	sor.u32 $0x20, s17;
	s0 =	simm.s32 $0x0;
	v48 =	vor.u32 v38, v0;
	v49 =	vor.u32 v37, v0;
	v9 =	vmov s17;
	v41 =	vld.idx.msk [tilespmem:v59+s14+$0x0], $0xffff  }
0x1e6: {  	[tilespmem:v63+s25+$0x0] =	vst.idx.msk $0xffff, v33;
	v54 =	vor.u32 s0, v21;
	v9 =	vshll.u32 v9, $0x5;
	v53 =	vmov s21  }
0x1e7: {  	v50 =	vld.idx.msk [tilespmem:v36+s14+$0x0], $0xffff;
	v33 =	vor.u32 v1, v9;
	v9 =	vor.u32 v34, v54;
	v59 =	vshll.u32 v53, $0x5  }
0x1e8: {  	v63 =	vor.u32 v33, v54;
	v36 =	vor.u32 v1, v59;
	[tilespmem:v7+s25+$0x0] =	vst.idx.msk $0xffff, v5;
	v5 =	vor.u32 s22, v17  }
0x1e9: {  	v51 =	vor.u32 v36, v54;
	v7 =	vshll.u32 v52, $0x5;
	v45 =	vld.idx.msk [tilespmem:v45+s14+$0x0], $0xffff;
	[tilespmem:v46+s25+$0x0] =	vst.idx.msk $0xffff, v42;
	v42 =	vor.u32 s23, v18  }
0x1ea: {  	s24 =	simm.s32 $0x0;
	v35 =	vor.u32 v1, v7;
	[tilespmem:v47+s25+$0x0] =	vst.idx.msk $0xffff, v41;
	v41 =	vor.u32 s12, v20;
	v7 =	vld.idx.msk [tilespmem:v49+s14+$0x0], $0xffff  }
0x1eb: {  	v57 =	vmov v31;
	s10 =	sor.u32 s24, s30;
	v47 =	vor.u32 s5, v20;
	v44 =	vor.u32 v35, v54;
	v46 =	vld.idx.msk [tilespmem:v48+s14+$0x0], $0xffff  }
0x1ec: {  	s15 =	sor.u32 s17, s24;
	v59 =	vor.u32 v40, v0;
	v52 =	vor.u32 s10, v2;
	v9 =	vld.idx.msk [tilespmem:v9+s14+$0x0], $0xffff;
	v48 =	vor.u32 s26, v57  }
0x1ed: {  	s11 =	sor.u32 s24, s21;
	v53 =	vor.u32 s0, v11;
	v43 =	vld.idx.msk [tilespmem:v63+s14+$0x0], $0xffff;
	v54 =	vor.u32 v38, v48;
	[tilespmem:v5+s25+$0x0] =	vst.idx.msk $0xffff, v50;
	v5 =	vor.u32 s15, v2  }
0x1ee: {  	v63 =	vor.u32 v34, v53;
	v51 =	vld.idx.msk [tilespmem:v51+s14+$0x0], $0xffff;
	[tilespmem:v42+s25+$0x0] =	vst.idx.msk $0xffff, v45;
	v42 =	vor.u32 s11, v2  }
0x1ef: {  	s21 =	sor.u32 s24, s19;
	v45 =	vor.u32 v33, v53;
	v3 =	vld.idx.msk [tilespmem:v3+s14+$0x0], $0xffff;
	[tilespmem:v41+s25+$0x0] =	vst.idx.msk $0xffff, v7;
	v7 =	vor.u32 s22, v18  }
0x1f0: {  	v41 =	vor.u32 v36, v53;
	v44 =	vld.idx.msk [tilespmem:v44+s14+$0x0], $0xffff;
	[tilespmem:v47+s25+$0x0] =	vst.idx.msk $0xffff, v46;
	v46 =	vor.u32 s21, v2  }
0x1f1: {  	v0 =	vor.u32 v39, v0;
	v59 =	vld.idx.msk [tilespmem:v59+s14+$0x0], $0xffff;
	[tilespmem:v52+s25+$0x0] =	vst.idx.msk $0xffff, v9;
	v9 =	vor.u32 s23, v20  }
0x1f2: {  	v31 =	vmov v29;
	v49 =	vor.u32 v35, v53;
	v52 =	vld.idx.msk [tilespmem:v54+s14+$0x0], $0xffff;
	[tilespmem:v5+s25+$0x0] =	vst.idx.msk $0xffff, v43;
	v5 =	vor.u32 s5, v22  }
0x1f3: {  	v53 =	vor.u32 s26, v31;
	v50 =	vld.idx.msk [tilespmem:v63+s14+$0x0], $0xffff;
	v63 =	vor.u32 s10, v4;
	v43 =	vor.u32 v40, v48;
	[tilespmem:v42+s25+$0x0] =	vst.idx.msk $0xffff, v51  }
0x1f4: {  	v42 =	vld.idx.msk [tilespmem:v45+s14+$0x0], $0xffff;
	v45 =	vor.u32 s0, v13;
	v51 =	vor.u32 v38, v53;
	[tilespmem:v7+s25+$0x0] =	vst.idx.msk $0xffff, v3;
	v3 =	vor.u32 s15, v4  }
0x1f5: {  	v7 =	vor.u32 v34, v45;
	v41 =	vld.idx.msk [tilespmem:v41+s14+$0x0], $0xffff;
	[tilespmem:v46+s25+$0x0] =	vst.idx.msk $0xffff, v44;
	v44 =	vor.u32 s11, v4  }
0x1f6: {  	v46 =	vor.u32 v33, v45;
	[tilespmem:v9+s25+$0x0] =	vst.idx.msk $0xffff, v59;
	v9 =	vor.u32 s22, v20;
	v0 =	vld.idx.msk [tilespmem:v0+s14+$0x0], $0xffff  }
0x1f7: {  	v59 =	vor.u32 v36, v45;
	v49 =	vld.idx.msk [tilespmem:v49+s14+$0x0], $0xffff;
	[tilespmem:v5+s25+$0x0] =	vst.idx.msk $0xffff, v52;
	v5 =	vor.u32 s21, v4  }
0x1f8: {  	[tilespmem:v63+s25+$0x0] =	vst.idx.msk $0xffff, v50;
	v63 =	vor.u32 s23, v22;
	v52 =	vor.u32 v39, v48;
	v43 =	vld.idx.msk [tilespmem:v43+s14+$0x0], $0xffff  }
0x1f9: {  	v45 =	vor.u32 v35, v45;
	v51 =	vld.idx.msk [tilespmem:v51+s14+$0x0], $0xffff;
	[tilespmem:v3+s25+$0x0] =	vst.idx.msk $0xffff, v42;
	v3 =	vor.u32 s5, v24  }
0x1fa: {  	v54 =	vor.u32 s26, v62;
	v42 =	vor.u32 v40, v53;
	v7 =	vld.idx.msk [tilespmem:v7+s14+$0x0], $0xffff;
	[tilespmem:v44+s25+$0x0] =	vst.idx.msk $0xffff, v41;
	v41 =	vor.u32 s10, v6  }
0x1fb: {  	v44 =	vld.idx.msk [tilespmem:v46+s14+$0x0], $0xffff;
	v46 =	vor.u32 s0, v60;
	[tilespmem:v9+s25+$0x0] =	vst.idx.msk $0xffff, v0;
	v0 =	vor.u32 v38, v54;
	v9 =	vor.u32 s15, v6  }
0x1fc: {  	v55 =	vmov v19;
	v47 =	vld.idx.msk [tilespmem:v59+s14+$0x0], $0xffff;
	[tilespmem:v5+s25+$0x0] =	vst.idx.msk $0xffff, v49;
	v5 =	vor.u32 v34, v46;
	v49 =	vor.u32 s11, v6  }
0x1fd: {  	v19 =	vmov v60;
	v59 =	vor.u32 s22, v22;
	v60 =	vor.u32 v33, v46;
	[tilespmem:v63+s25+$0x0] =	vst.idx.msk $0xffff, v43;
	v52 =	vld.idx.msk [tilespmem:v52+s14+$0x0], $0xffff  }
0x1fe: {  	v63 =	vor.u32 s21, v6;
	v45 =	vld.idx.msk [tilespmem:v45+s14+$0x0], $0xffff;
	[tilespmem:v3+s25+$0x0] =	vst.idx.msk $0xffff, v51;
	v3 =	vor.u32 v36, v46  }
0x1ff: {  	v48 =	vor.u32 v37, v48;
	v42 =	vld.idx.msk [tilespmem:v42+s14+$0x0], $0xffff;
	[tilespmem:v41+s25+$0x0] =	vst.idx.msk $0xffff, v7;
	v7 =	vor.u32 s23, v24  }
0x200: {  	v41 =	vor.u32 v35, v46;
	v0 =	vld.idx.msk [tilespmem:v0+s14+$0x0], $0xffff;
	[tilespmem:v9+s25+$0x0] =	vst.idx.msk $0xffff, v44;
	v9 =	vor.u32 s5, v26  }
0x201: {  	v46 =	vor.u32 s26, v16;
	v44 =	vor.u32 v40, v54;
	v5 =	vld.idx.msk [tilespmem:v5+s14+$0x0], $0xffff;
	[tilespmem:v49+s25+$0x0] =	vst.idx.msk $0xffff, v47;
	v47 =	vor.u32 s10, v8  }
0x202: {  	v50 =	vor.u32 s0, v61;
	v43 =	vor.u32 v38, v46;
	v49 =	vld.idx.msk [tilespmem:v60+s14+$0x0], $0xffff;
	[tilespmem:v59+s25+$0x0] =	vst.idx.msk $0xffff, v52;
	v59 =	vor.u32 s15, v8  }
0x203: {  	v25 =	vmov v61;
	v61 =	vor.u32 s11, v8;
	v60 =	vor.u32 v34, v50;
	[tilespmem:v63+s25+$0x0] =	vst.idx.msk $0xffff, v45;
	v3 =	vld.idx.msk [tilespmem:v3+s14+$0x0], $0xffff  }
0x204: {  	v48 =	vld.idx.msk [tilespmem:v48+s14+$0x0], $0xffff;
	v63 =	vor.u32 v33, v50;
	[tilespmem:v7+s25+$0x0] =	vst.idx.msk $0xffff, v42;
	v7 =	vor.u32 s12, v22  }
0x205: {  	[tilespmem:v9+s25+$0x0] =	vst.idx.msk $0xffff, v0;
	v0 =	vor.u32 v36, v50;
	v9 =	vld.idx.msk [tilespmem:v41+s14+$0x0], $0xffff;
	v41 =	vor.u32 s21, v8  }
0x206: {  	v44 =	vld.idx.msk [tilespmem:v44+s14+$0x0], $0xffff;
	v50 =	vor.u32 v35, v50;
	[tilespmem:v47+s25+$0x0] =	vst.idx.msk $0xffff, v5  }
0x207: {  	v43 =	vld.idx.msk [tilespmem:v43+s14+$0x0], $0xffff;
	v5 =	vor.u32 v37, v53;
	v47 =	vor.u32 s23, v26;
	[tilespmem:v59+s25+$0x0] =	vst.idx.msk $0xffff, v49  }
0x208: {  	v53 =	vor.u32 v39, v53;
	v49 =	vor.u32 s5, v28;
	v45 =	vld.idx.msk [tilespmem:v60+s14+$0x0], $0xffff;
	[tilespmem:v61+s25+$0x0] =	vst.idx.msk $0xffff, v3  }
0x209: {  	v51 =	vor.u32 s0, v55;
	v59 =	vor.u32 s10, v10;
	v42 =	vld.idx.msk [tilespmem:v63+s14+$0x0], $0xffff;
	v3 =	vor.u32 v40, v46;
	[tilespmem:v7+s25+$0x0] =	vst.idx.msk $0xffff, v48  }
0x20a: {  	v60 =	vor.u32 v34, v51;
	v7 =	vor.u32 s15, v10;
	v0 =	vld.idx.msk [tilespmem:v0+s14+$0x0], $0xffff;
	[tilespmem:v41+s25+$0x0] =	vst.idx.msk $0xffff, v9  }
0x20b: {  	v61 =	vor.u32 v33, v51;
	v9 =	vor.u32 s11, v10;
	v50 =	vld.idx.msk [tilespmem:v50+s14+$0x0], $0xffff  }
0x20c: {  	v41 =	vor.u32 s12, v24;
	[tilespmem:v47+s25+$0x0] =	vst.idx.msk $0xffff, v44;
	v5 =	vld.idx.msk [tilespmem:v5+s14+$0x0], $0xffff;
	v47 =	vor.u32 v36, v51  }
0x20d: {  	v53 =	vld.idx.msk [tilespmem:v53+s14+$0x0], $0xffff;
	[tilespmem:v49+s25+$0x0] =	vst.idx.msk $0xffff, v43;
	v43 =	vor.u32 s22, v24;
	v49 =	vor.u32 v37, v54  }
0x20e: {  	v52 =	vor.u32 v39, v54;
	[tilespmem:v59+s25+$0x0] =	vst.idx.msk $0xffff, v45;
	v59 =	vor.u32 s21, v10;
	v3 =	vld.idx.msk [tilespmem:v3+s14+$0x0], $0xffff  }
0x20f: {  	[tilespmem:v7+s25+$0x0] =	vst.idx.msk $0xffff, v42;
	v7 =	vor.u32 s23, v28;
	v42 =	vor.u32 v35, v51;
	v48 =	vld.idx.msk [tilespmem:v60+s14+$0x0], $0xffff;
	v51 =	vor.u32 s26, v15  }
0x210: {  	v60 =	vor.u32 s10, v12;
	[tilespmem:v9+s25+$0x0] =	vst.idx.msk $0xffff, v0;
	v0 =	vld.idx.msk [tilespmem:v61+s14+$0x0], $0xffff;
	v9 =	vor.u32 s0, v27;
	v44 =	vor.u32 v40, v51  }
0x211: {  	v61 =	vor.u32 v34, v9;
	[tilespmem:v41+s25+$0x0] =	vst.idx.msk $0xffff, v5;
	v5 =	vor.u32 s15, v12;
	v47 =	vld.idx.msk [tilespmem:v47+s14+$0x0], $0xffff  }
0x212: {  	v45 =	vor.u32 v33, v9;
	[tilespmem:v43+s25+$0x0] =	vst.idx.msk $0xffff, v53;
	v43 =	vor.u32 s11, v12;
	v49 =	vld.idx.msk [tilespmem:v49+s14+$0x0], $0xffff  }
0x213: {  	v53 =	vor.u32 s12, v26;
	[tilespmem:v59+s25+$0x0] =	vst.idx.msk $0xffff, v50;
	v59 =	vor.u32 v36, v9;
	v52 =	vld.idx.msk [tilespmem:v52+s14+$0x0], $0xffff  }
0x214: {  	[tilespmem:v7+s25+$0x0] =	vst.idx.msk $0xffff, v3;
	v3 =	vor.u32 s22, v26;
	v7 =	vor.u32 v37, v46;
	v42 =	vld.idx.msk [tilespmem:v42+s14+$0x0], $0xffff  }
0x215: {  	[tilespmem:v60+s25+$0x0] =	vst.idx.msk $0xffff, v48;
	v60 =	vor.u32 s21, v12;
	v46 =	vor.u32 v39, v46;
	v44 =	vld.idx.msk [tilespmem:v44+s14+$0x0], $0xffff  }
0x216: {  	v9 =	vor.u32 v35, v9;
	[tilespmem:v5+s25+$0x0] =	vst.idx.msk $0xffff, v0;
	v5 =	vld.idx.msk [tilespmem:v61+s14+$0x0], $0xffff;
	v61 =	vor.u32 s23, v30  }
0x217: {  	v54 =	vor.u32 s26, v58;
	[tilespmem:v43+s25+$0x0] =	vst.idx.msk $0xffff, v47;
	v47 =	vor.u32 v38, v51;
	v43 =	vld.idx.msk [tilespmem:v45+s14+$0x0], $0xffff;
	v45 =	vor.u32 s10, v14  }
0x218: {  	v40 =	vor.u32 v40, v54;
	[tilespmem:v53+s25+$0x0] =	vst.idx.msk $0xffff, v49;
	v49 =	vor.u32 s15, v14;
	v50 =	vld.idx.msk [tilespmem:v59+s14+$0x0], $0xffff  }
0x219: {  	v48 =	vor.u32 s11, v14;
	[tilespmem:v3+s25+$0x0] =	vst.idx.msk $0xffff, v52;
	v7 =	vld.idx.msk [tilespmem:v7+s14+$0x0], $0xffff  }
0x21a: {  	v21 =	vmov v31;
	v31 =	vmov v57;
	v3 =	vor.u32 s12, v28;
	[tilespmem:v60+s25+$0x0] =	vst.idx.msk $0xffff, v42;
	v57 =	vld.idx.msk [tilespmem:v46+s14+$0x0], $0xffff  }
0x21b: {  	v13 =	vmov v58;
	v58 =	vor.u32 s22, v28;
	v9 =	vld.idx.msk [tilespmem:v9+s14+$0x0], $0xffff;
	[tilespmem:v61+s25+$0x0] =	vst.idx.msk $0xffff, v44  }
0x21c: {  	v46 =	vld.idx.msk [tilespmem:v47+s14+$0x0], $0xffff;
	[tilespmem:v45+s25+$0x0] =	vst.idx.msk $0xffff, v5;
	v5 =	vor.u32 s21, v14  }
0x21d: {  	v0 =	vor.u32 v37, v51;
	v47 =	vor.u32 s23, v32;
	v61 =	vld.idx.msk [tilespmem:v40+s14+$0x0], $0xffff;
	[tilespmem:v49+s25+$0x0] =	vst.idx.msk $0xffff, v43  }
0x21e: {  	[tilespmem:v48+s25+$0x0] =	vst.idx.msk $0xffff, v50  }
0x21f: {  	v53 =	vor.u32 s0, v23;
	[tilespmem:v3+s25+$0x0] =	vst.idx.msk $0xffff, v7  }
0x220: {  	v52 =	vor.u32 v33, v53;
	[tilespmem:v58+s25+$0x0] =	vst.idx.msk $0xffff, v57  }
0x221: {  	v41 =	vor.u32 v38, v54;
	v38 =	vor.u32 v36, v53;
	[tilespmem:v5+s25+$0x0] =	vst.idx.msk $0xffff, v9  }
0x222: {  	v59 =	vor.u32 v39, v51;
	v42 =	vor.u32 v37, v54;
	v37 =	vld.idx.msk [tilespmem:v0+s14+$0x0], $0xffff;
	[tilespmem:v47+s25+$0x0] =	vst.idx.msk $0xffff, v61  }
0x223: {  	v63 =	vmov v55;
	v55 =	vor.u32 s15, v17;
	v60 =	vor.u32 v35, v53;
	v0 =	vld [tilespmem:$0x1FF90]  }
0x224: {  	v39 =	vor.u32 v39, v54;
	v51 =	vor.u32 v34, v53;
	v44 =	vor.u32 s5, v32  }
0x225: {  	v45 =	vor.u32 s12, v30;
	v40 =	vor.u32 s22, v32;
	v52 =	vld.idx.msk [tilespmem:v52+s14+$0x0], $0xffff;
	v3 =	vor.u32 s0, v56  }
0x226: {  	v11 =	vmovc v15;
	v15 =	vmovc v56;
	v48 =	vor.u32 s5, v30;
	v43 =	vor.u32 s12, v32;
	v56 =	vld.idx.msk [tilespmem:v38+s14+$0x0], $0xffff;
	v54 =	vor.u32 v33, v3  }
0x227: {  	v29 =	vmovc v23;
	v58 =	vor.u32 s11, v17;
	v57 =	vor.u32 v36, v3;
	v53 =	vor.u32 v35, v3;
	v38 =	vld.idx.msk [tilespmem:v59+s14+$0x0], $0xffff  }
0x228: {  	v23 =	vmovc v16;
	s5 =	simm.s32 $0x4;
	s12 =	simm.s32 $0x80;
	v50 =	vor.u32 v34, v3;
	v47 =	vor.u32 s22, v30;
	v59 =	vld.idx.msk [tilespmem:v60+s14+$0x0], $0xffff;
	v16 =	vmovc v0;
	v49 =	vor.u32 s0, v0  }
.LBB2_5:
0x229: {  	_ =	sdelay $0x1  }
0x22a: {  	s19 =	sand.u32 $0x40, s12;
	v0 =	vor.u32 s15, v18;
	v3 =	vld.idx.msk [tilespmem:v51+s14+$0x0], $0xffff;
	[tilespmem:v48+s25+$0x0] =	vst.idx.msk $0xffff, v46;
	v48 =	vor.u32 s21, v17  }
0x22b: {  	s5 =	sadd.s32 $0x4, s5;
	v5 =	vor.u32 s11, v18;
	v7 =	vor.u32 v36, v49;
	v9 =	vmov s19;
	s26 =	sor.u32 $0x10, s19;
	s30 =	sor.u32 $0x30, s19;
	[tilespmem:v55+s25+$0x0] =	vst.idx.msk $0xffff, v52;
	v51 =	vld.idx.msk [tilespmem:v41+s14+$0x0], $0xffff  }
0x22c: {  	s22 =	sshrl.u32 s5, $0x3;
	v9 =	vshll.u32 v9, $0x5;
	v61 =	vmov s26;
	v60 =	vmov s30;
	v54 =	vld.idx.msk [tilespmem:v54+s14+$0x0], $0xffff;
	[tilespmem:v58+s25+$0x0] =	vst.idx.msk $0xffff, v56  }
0x22d: {  	s24 =	sshll.u32 s22, $0x4;
	v46 =	vor.u32 v33, v49;
	v41 =	vshll.u32 v61, $0x5;
	v58 =	vlaneseq.u32;
	[tilespmem:v47+s25+$0x0] =	vst.idx.msk $0xffff, v38;
	v56 =	vld.idx.msk [tilespmem:v57+s14+$0x0], $0xffff  }
0x22e: {  	s2 =	sor.u32 $0x20, s19;
	v52 =	vshll.u32 v60, $0x5;
	[tilespmem:v45+s25+$0x0] =	vst.idx.msk $0xffff, v37;
	v60 =	vor.u32 s24, v58;
	v37 =	vor.u32 v1, v41;
	v57 =	vld.idx.msk [tilespmem:v39+s14+$0x0], $0xffff  }
0x22f: {  	v61 =	vmov s2;
	v38 =	vor.u32 v1, v9;
	v42 =	vld.idx.msk [tilespmem:v42+s14+$0x0], $0xffff;
	v9 =	vor.u32 v37, v60;
	[tilespmem:v48+s25+$0x0] =	vst.idx.msk $0xffff, v59  }
0x230: {  	v41 =	vor.u32 v1, v52;
	v61 =	vshll.u32 v61, $0x5;
	v58 =	vor.u32 v38, v60;
	v59 =	vld [tilespmem:$0x1FF40];
	[tilespmem:v44+s25+$0x0] =	vst.idx.msk $0xffff, v51  }
0x231: {  	v39 =	vor.u32 v1, v61;
	v45 =	vor.u32 v41, v60;
	v48 =	vld.idx.msk [tilespmem:v53+s14+$0x0], $0xffff;
	[tilespmem:v0+s25+$0x0] =	vst.idx.msk $0xffff, v54  }
0x232: {  	v47 =	vor.u32 v39, v60;
	v0 =	vor.u32 s10, v17;
	v60 =	vld.idx.msk [tilespmem:v46+s14+$0x0], $0xffff;
	[tilespmem:v5+s25+$0x0] =	vst.idx.msk $0xffff, v56  }
0x233: {  	v5 =	vor.u32 s21, v18;
	v7 =	vld.idx.msk [tilespmem:v7+s14+$0x0], $0xffff  }
0x234: {  	s17 =	sshll.u32 s22, $0xB;
	v61 =	vor.u32 s15, v20;
	v9 =	vld.idx.msk [tilespmem:v9+s14+$0x0], $0xffff  }
0x235: {  	s22 =	sor.u32 s17, s26;
	v51 =	vor.u32 s0, v31;
	v53 =	vor.u32 s11, v20;
	v54 =	vor.u32 v35, v49;
	[tilespmem:v40+s25+$0x0] =	vst.idx.msk $0xffff, v57;
	v40 =	vld.idx.msk [tilespmem:v58+s14+$0x0], $0xffff  }
0x236: {  	s23 =	sor.u32 s19, s17;
	v55 =	vor.u32 s22, v2;
	v56 =	vor.u32 v36, v51;
	[tilespmem:v43+s25+$0x0] =	vst.idx.msk $0xffff, v42;
	v58 =	vld [tilespmem:$0x1FF50];
	v52 =	vor.u32 s24, v59  }
0x237: {  	s2 =	sor.u32 s17, s2;
	v42 =	vor.u32 s23, v2;
	v47 =	vld.idx.msk [tilespmem:v47+s14+$0x0], $0xffff;
	v43 =	vor.u32 v37, v52;
	[tilespmem:v0+s25+$0x0] =	vst.idx.msk $0xffff, v3  }
0x238: {  	v44 =	vor.u32 s10, v18;
	v57 =	vor.u32 s2, v2;
	v0 =	vor.u32 v38, v52;
	v50 =	vld.idx.msk [tilespmem:v50+s14+$0x0], $0xffff;
	[tilespmem:v5+s25+$0x0] =	vst.idx.msk $0xffff, v48  }
0x239: {  	s30 =	sor.u32 s17, s30;
	v3 =	vor.u32 v41, v52;
	v5 =	vor.u32 v39, v52;
	[tilespmem:v61+s25+$0x0] =	vst.idx.msk $0xffff, v60;
	v45 =	vld.idx.msk [tilespmem:v45+s14+$0x0], $0xffff  }
0x23a: {  	v60 =	vor.u32 s30, v2;
	v61 =	vor.u32 v34, v49;
	[tilespmem:v53+s25+$0x0] =	vst.idx.msk $0xffff, v7;
	v7 =	vld.idx.msk [tilespmem:v54+s14+$0x0], $0xffff  }
0x23b: {  	v49 =	vor.u32 s21, v20;
	v52 =	vor.u32 v35, v51;
	[tilespmem:v55+s25+$0x0] =	vst.idx.msk $0xffff, v9;
	v9 =	vld.idx.msk [tilespmem:v56+s14+$0x0], $0xffff  }
0x23c: {  	[tilespmem:v42+s25+$0x0] =	vst.idx.msk $0xffff, v40;
	v42 =	vor.u32 v33, v51;
	v53 =	vor.u32 s11, v22;
	v40 =	vld.idx.msk [tilespmem:v43+s14+$0x0], $0xffff;
	v43 =	vor.u32 s0, v21  }
0x23d: {  	v54 =	vor.u32 s24, v58;
	v55 =	vor.u32 s22, v4;
	[tilespmem:v57+s25+$0x0] =	vst.idx.msk $0xffff, v47;
	v0 =	vld.idx.msk [tilespmem:v0+s14+$0x0], $0xffff;
	v47 =	vor.u32 v36, v43  }
0x23e: {  	v56 =	vor.u32 s23, v4;
	v57 =	vor.u32 v37, v54;
	v5 =	vld.idx.msk [tilespmem:v5+s14+$0x0], $0xffff;
	[tilespmem:v44+s25+$0x0] =	vst.idx.msk $0xffff, v50  }
0x23f: {  	v59 =	vor.u32 v38, v54;
	v50 =	vor.u32 s2, v4;
	[tilespmem:v60+s25+$0x0] =	vst.idx.msk $0xffff, v45;
	v45 =	vld.idx.msk [tilespmem:v61+s14+$0x0], $0xffff  }
0x240: {  	v60 =	vor.u32 s10, v20;
	v61 =	vor.u32 v39, v54;
	v3 =	vld.idx.msk [tilespmem:v3+s14+$0x0], $0xffff;
	[tilespmem:v49+s25+$0x0] =	vst.idx.msk $0xffff, v7  }
0x241: {  	v7 =	vor.u32 s30, v4;
	v49 =	vor.u32 v34, v51;
	[tilespmem:v53+s25+$0x0] =	vst.idx.msk $0xffff, v9;
	v9 =	vld.idx.msk [tilespmem:v52+s14+$0x0], $0xffff  }
0x242: {  	v54 =	vor.u32 v41, v54;
	[tilespmem:v55+s25+$0x0] =	vst.idx.msk $0xffff, v40;
	v40 =	vld.idx.msk [tilespmem:v47+s14+$0x0], $0xffff;
	v47 =	vor.u32 s21, v22  }
0x243: {  	v51 =	vor.u32 v35, v43;
	v52 =	vor.u32 s0, v62;
	[tilespmem:v56+s25+$0x0] =	vst.idx.msk $0xffff, v0;
	v55 =	vor.u32 s11, v24;
	v0 =	vld.idx.msk [tilespmem:v57+s14+$0x0], $0xffff  }
0x244: {  	v56 =	vor.u32 s24, v19;
	v44 =	vld.idx.msk [tilespmem:v59+s14+$0x0], $0xffff;
	v57 =	vor.u32 s22, v6;
	[tilespmem:v50+s25+$0x0] =	vst.idx.msk $0xffff, v5;
	v5 =	vor.u32 v36, v52  }
0x245: {  	v50 =	vor.u32 s23, v6;
	v62 =	vor.u32 v37, v56;
	v48 =	vld.idx.msk [tilespmem:v61+s14+$0x0], $0xffff;
	[tilespmem:v60+s25+$0x0] =	vst.idx.msk $0xffff, v45  }
0x246: {  	v60 =	vor.u32 v38, v56;
	v61 =	vor.u32 s2, v6;
	[tilespmem:v7+s25+$0x0] =	vst.idx.msk $0xffff, v3;
	v7 =	vld.idx.msk [tilespmem:v49+s14+$0x0], $0xffff  }
0x247: {  	v45 =	vor.u32 s10, v22;
	v49 =	vor.u32 v39, v56;
	v54 =	vld.idx.msk [tilespmem:v54+s14+$0x0], $0xffff;
	[tilespmem:v47+s25+$0x0] =	vst.idx.msk $0xffff, v9  }
0x248: {  	v53 =	vor.u32 v34, v43;
	v9 =	vor.u32 s30, v6;
	[tilespmem:v55+s25+$0x0] =	vst.idx.msk $0xffff, v40;
	v40 =	vld.idx.msk [tilespmem:v51+s14+$0x0], $0xffff  }
0x249: {  	v56 =	vor.u32 v41, v56;
	[tilespmem:v57+s25+$0x0] =	vst.idx.msk $0xffff, v0;
	v0 =	vld.idx.msk [tilespmem:v5+s14+$0x0], $0xffff;
	v5 =	vor.u32 s21, v24  }
0x24a: {  	v47 =	vor.u32 v35, v52;
	[tilespmem:v50+s25+$0x0] =	vst.idx.msk $0xffff, v44;
	v55 =	vor.u32 s11, v26;
	v44 =	vld.idx.msk [tilespmem:v62+s14+$0x0], $0xffff;
	v51 =	vor.u32 s0, v23  }
0x24b: {  	v58 =	vor.u32 s22, v8;
	v57 =	vor.u32 s24, v25;
	v46 =	vld.idx.msk [tilespmem:v60+s14+$0x0], $0xffff;
	[tilespmem:v61+s25+$0x0] =	vst.idx.msk $0xffff, v48;
	v48 =	vor.u32 v36, v51  }
0x24c: {  	v59 =	vor.u32 s23, v8;
	v60 =	vor.u32 v37, v57;
	v49 =	vld.idx.msk [tilespmem:v49+s14+$0x0], $0xffff;
	[tilespmem:v45+s25+$0x0] =	vst.idx.msk $0xffff, v7  }
0x24d: {  	v62 =	vor.u32 s2, v8;
	v7 =	vor.u32 v38, v57;
	[tilespmem:v9+s25+$0x0] =	vst.idx.msk $0xffff, v54;
	v9 =	vld.idx.msk [tilespmem:v42+s14+$0x0], $0xffff  }
0x24e: {  	v43 =	vor.u32 v33, v43;
	v3 =	vor.u32 s15, v22;
	v56 =	vld.idx.msk [tilespmem:v56+s14+$0x0], $0xffff;
	[tilespmem:v5+s25+$0x0] =	vst.idx.msk $0xffff, v40  }
0x24f: {  	v54 =	vor.u32 v39, v57;
	v5 =	vor.u32 s30, v8;
	[tilespmem:v55+s25+$0x0] =	vst.idx.msk $0xffff, v0;
	v0 =	vld.idx.msk [tilespmem:v47+s14+$0x0], $0xffff  }
0x250: {  	v50 =	vor.u32 v33, v52;
	[tilespmem:v58+s25+$0x0] =	vst.idx.msk $0xffff, v44;
	v47 =	vld.idx.msk [tilespmem:v48+s14+$0x0], $0xffff;
	v48 =	vor.u32 s21, v26  }
0x251: {  	v57 =	vor.u32 v41, v57;
	[tilespmem:v59+s25+$0x0] =	vst.idx.msk $0xffff, v46;
	v55 =	vor.u32 s11, v28;
	v46 =	vld.idx.msk [tilespmem:v60+s14+$0x0], $0xffff  }
0x252: {  	v40 =	vor.u32 v35, v51;
	v58 =	vor.u32 s24, v63;
	v7 =	vld.idx.msk [tilespmem:v7+s14+$0x0], $0xffff;
	v60 =	vor.u32 s22, v10;
	[tilespmem:v62+s25+$0x0] =	vst.idx.msk $0xffff, v49  }
0x253: {  	v61 =	vor.u32 s23, v10;
	v62 =	vor.u32 v37, v58;
	v53 =	vld.idx.msk [tilespmem:v53+s14+$0x0], $0xffff;
	[tilespmem:v3+s25+$0x0] =	vst.idx.msk $0xffff, v9  }
0x254: {  	v42 =	vor.u32 s15, v24;
	v54 =	vld.idx.msk [tilespmem:v54+s14+$0x0], $0xffff;
	v3 =	vor.u32 v38, v58;
	v9 =	vor.u32 s2, v10;
	[tilespmem:v5+s25+$0x0] =	vst.idx.msk $0xffff, v56  }
0x255: {  	v44 =	vor.u32 v34, v52;
	v5 =	vld.idx.msk [tilespmem:v43+s14+$0x0], $0xffff;
	v56 =	vor.u32 v39, v58;
	[tilespmem:v48+s25+$0x0] =	vst.idx.msk $0xffff, v0  }
0x256: {  	v52 =	vor.u32 v33, v51;
	v48 =	vor.u32 s10, v24;
	[tilespmem:v55+s25+$0x0] =	vst.idx.msk $0xffff, v47;
	v0 =	vld.idx.msk [tilespmem:v57+s14+$0x0], $0xffff  }
0x257: {  	v49 =	vor.u32 v34, v51;
	[tilespmem:v60+s25+$0x0] =	vst.idx.msk $0xffff, v46;
	v46 =	vor.u32 s30, v10;
	v40 =	vld.idx.msk [tilespmem:v40+s14+$0x0], $0xffff  }
0x258: {  	v45 =	vor.u32 s0, v11;
	v58 =	vor.u32 v41, v58;
	[tilespmem:v61+s25+$0x0] =	vst.idx.msk $0xffff, v7;
	v47 =	vor.u32 s21, v28;
	v7 =	vld.idx.msk [tilespmem:v62+s14+$0x0], $0xffff  }
0x259: {  	v51 =	vor.u32 s24, v27;
	v60 =	vor.u32 s22, v12;
	v3 =	vld.idx.msk [tilespmem:v3+s14+$0x0], $0xffff;
	[tilespmem:v9+s25+$0x0] =	vst.idx.msk $0xffff, v54;
	v9 =	vor.u32 v35, v45  }
0x25a: {  	v61 =	vor.u32 s23, v12;
	v62 =	vor.u32 v37, v51;
	v56 =	vld.idx.msk [tilespmem:v56+s14+$0x0], $0xffff;
	[tilespmem:v42+s25+$0x0] =	vst.idx.msk $0xffff, v5  }
0x25b: {  	v5 =	vor.u32 v38, v51;
	v42 =	vor.u32 s2, v12;
	v50 =	vld.idx.msk [tilespmem:v50+s14+$0x0], $0xffff;
	[tilespmem:v48+s25+$0x0] =	vst.idx.msk $0xffff, v53  }
0x25c: {  	v43 =	vor.u32 s15, v26;
	v48 =	vor.u32 v39, v51;
	[tilespmem:v46+s25+$0x0] =	vst.idx.msk $0xffff, v0;
	v44 =	vld.idx.msk [tilespmem:v44+s14+$0x0], $0xffff  }
0x25d: {  	v0 =	vor.u32 v41, v51;
	v51 =	vor.u32 s10, v26;
	v46 =	vld.idx.msk [tilespmem:v58+s14+$0x0], $0xffff;
	[tilespmem:v47+s25+$0x0] =	vst.idx.msk $0xffff, v40  }
0x25e: {  	[tilespmem:v60+s25+$0x0] =	vst.idx.msk $0xffff, v7;
	v7 =	vor.u32 s30, v12;
	v9 =	vld.idx.msk [tilespmem:v9+s14+$0x0], $0xffff  }
0x25f: {  	v54 =	vor.u32 s21, v30;
	v53 =	vor.u32 v33, v45;
	[tilespmem:v61+s25+$0x0] =	vst.idx.msk $0xffff, v3;
	v3 =	vld.idx.msk [tilespmem:v62+s14+$0x0], $0xffff  }
0x260: {  	v55 =	vor.u32 s22, v14;
	v40 =	vor.u32 v36, v45;
	v47 =	vor.u32 s0, v13;
	s0 =	smov.u32 s24;
	v5 =	vld.idx.msk [tilespmem:v5+s14+$0x0], $0xffff;
	[tilespmem:v42+s25+$0x0] =	vst.idx.msk $0xffff, v56  }
0x261: {  	v57 =	vor.u32 s23, v14;
	v56 =	vor.u32 v35, v47;
	v42 =	vor.u32 s0, v29;
	v48 =	vld.idx.msk [tilespmem:v48+s14+$0x0], $0xffff;
	[tilespmem:v43+s25+$0x0] =	vst.idx.msk $0xffff, v50  }
0x262: {  	v59 =	vor.u32 s15, v28;
	v43 =	vor.u32 v38, v42;
	v50 =	vor.u32 s2, v14;
	v58 =	vld.idx.msk [tilespmem:v52+s14+$0x0], $0xffff;
	[tilespmem:v51+s25+$0x0] =	vst.idx.msk $0xffff, v44  }
0x263: {  	v60 =	vor.u32 v34, v45;
	v61 =	vor.u32 v39, v42;
	[tilespmem:v7+s25+$0x0] =	vst.idx.msk $0xffff, v46;
	v49 =	vld.idx.msk [tilespmem:v49+s14+$0x0], $0xffff  }
0x264: {  	v35 =	vmov v41;
	v41 =	vor.u32 v36, v47;
	v0 =	vld.idx.msk [tilespmem:v0+s14+$0x0], $0xffff;
	[tilespmem:v54+s25+$0x0] =	vst.idx.msk $0xffff, v9  }
0x265: {  	v62 =	vor.u32 s10, v28;
	v36 =	vmov v39;
	v39 =	vor.u32 v34, v47;
	v46 =	vld.idx.msk [tilespmem:v40+s14+$0x0], $0xffff;
	[tilespmem:v55+s25+$0x0] =	vst.idx.msk $0xffff, v3  }
0x266: {  	v51 =	vor.u32 v37, v42;
	v3 =	vor.u32 s30, v14;
	v9 =	vld.idx.msk [tilespmem:v56+s14+$0x0], $0xffff;
	[tilespmem:v57+s25+$0x0] =	vst.idx.msk $0xffff, v5  }
0x267: {  	p2 =	slt.u32 s5, $0xC;
	v7 =	vor.u32 v35, v42;
	v5 =	vor.u32 s21, v32;
	v52 =	vld.idx.msk [tilespmem:v43+s14+$0x0], $0xffff;
	[tilespmem:v50+s25+$0x0] =	vst.idx.msk $0xffff, v48  }
.Ltmp3:
0x268: {  	v45 =	vor.u32 s15, v30;
	v44 =	vor.u32 s11, v32;
	v42 =	vor.u32 v33, v47;
	v56 =	vld.idx.msk [tilespmem:v61+s14+$0x0], $0xffff;
	[tilespmem:v59+s25+$0x0] =	vst.idx.msk $0xffff, v58;
	(pc) =	sbr.rel @p2 .LBB2_5-.Ltmp3, $4  }
0x269: {  	v34 =	vmovc v37;
	v33 =	vmovc v38;
	v40 =	vor.u32 s10, v32;
	v47 =	vor.u32 s0, v15;
	v55 =	vor.u32 s23, v17;
	v37 =	vld.idx.msk [tilespmem:v53+s14+$0x0], $0xffff  }
0x26a: {  	v54 =	vor.u32 v33, v47;
	v57 =	vor.u32 v36, v47;
	v48 =	vor.u32 s11, v30;
	s11 =	smov.u32 s2;
	[tilespmem:v62+s25+$0x0] =	vst.idx.msk $0xffff, v49;
	v62 =	vld [tilespmem:$0x1FF30]  }
0x26b: {  	s12 =	sadd.s32 $0x40, s12;
	v43 =	vor.u32 s15, v32;
	v50 =	vor.u32 v34, v47;
	v58 =	vor.u32 s11, v17;
	[tilespmem:v3+s25+$0x0] =	vst.idx.msk $0xffff, v0;
	v38 =	vld.idx.msk [tilespmem:v60+s14+$0x0], $0xffff  }
0x26c: {  	s21 =	smov.u32 s30;
	s15 =	smov.u32 s23;
	v53 =	vor.u32 v35, v47;
	v49 =	vor.u32 s0, v16;
	v47 =	vor.u32 s10, v30;
	s10 =	smov.u32 s22;
	v59 =	vld.idx.msk [tilespmem:v7+s14+$0x0], $0xffff;
	[tilespmem:v5+s25+$0x0] =	vst.idx.msk $0xffff, v9  }
0x26d: {  	_ =	sdelay $0x1  }
0x26e: {  	v0 =	vor.u32 s21, v17;
	_ =	sdelay $0x1  }
0x26f: {  	v3 =	vld.idx.msk [tilespmem:v51+s14+$0x0], $0xffff;
	v5 =	vor.u32 s10, v17;
	_ =	sdelay $0x2  }
0x270: {  	[tilespmem:v0+s25+$0x0] =	vst.idx.msk $0xffff, v59  }
0x271: {  	[tilespmem:v58+s25+$0x0] =	vst.idx.msk $0xffff, v56;
	v7 =	vor.u32 s21, v18;
	v0 =	vld.idx.msk [tilespmem:v53+s14+$0x0], $0xffff  }
0x272: {  	v9 =	vor.u32 s11, v18;
	v61 =	vor.u32 v35, v49;
	v60 =	vld.idx.msk [tilespmem:v57+s14+$0x0], $0xffff;
	[tilespmem:v5+s25+$0x0] =	vst.idx.msk $0xffff, v3  }
0x273: {  	[tilespmem:v55+s25+$0x0] =	vst.idx.msk $0xffff, v52;
	v63 =	vor.u32 s10, v18;
	v3 =	vor.u32 v36, v49;
	v5 =	vld.idx.msk [tilespmem:v50+s14+$0x0], $0xffff  }
0x274: {  	v58 =	vor.u32 v34, v49;
	v57 =	vor.u32 s15, v18;
	v54 =	vld.idx.msk [tilespmem:v54+s14+$0x0], $0xffff  }
0x275: {  	v59 =	vor.u32 v33, v49  }
0x276: {  	[tilespmem:v7+s25+$0x0] =	vst.idx.msk $0xffff, v0  }
0x277: {  	[tilespmem:v9+s25+$0x0] =	vst.idx.msk $0xffff, v60;
	v9 =	vor.u32 s21, v20;
	v0 =	vor.u32 s0, v31;
	v7 =	vld.idx.msk [tilespmem:v61+s14+$0x0], $0xffff  }
0x278: {  	v60 =	vor.u32 s11, v20;
	v3 =	vld.idx.msk [tilespmem:v3+s14+$0x0], $0xffff;
	[tilespmem:v63+s25+$0x0] =	vst.idx.msk $0xffff, v5;
	v61 =	vor.u32 v35, v0  }
0x279: {  	[tilespmem:v57+s25+$0x0] =	vst.idx.msk $0xffff, v54;
	v63 =	vor.u32 s10, v20;
	v5 =	vor.u32 v36, v0;
	v50 =	vld.idx.msk [tilespmem:v58+s14+$0x0], $0xffff  }
0x27a: {  	v57 =	vor.u32 s15, v20;
	v49 =	vld.idx.msk [tilespmem:v59+s14+$0x0], $0xffff;
	v58 =	vor.u32 v34, v0  }
0x27b: {  	v0 =	vor.u32 v33, v0  }
0x27c: {  	[tilespmem:v9+s25+$0x0] =	vst.idx.msk $0xffff, v7  }
0x27d: {  	[tilespmem:v60+s25+$0x0] =	vst.idx.msk $0xffff, v3;
	v3 =	vor.u32 s0, v21;
	v9 =	vor.u32 s21, v22;
	v7 =	vld.idx.msk [tilespmem:v61+s14+$0x0], $0xffff  }
0x27e: {  	v59 =	vor.u32 s11, v22;
	v60 =	vor.u32 v35, v3;
	v5 =	vld.idx.msk [tilespmem:v5+s14+$0x0], $0xffff;
	[tilespmem:v63+s25+$0x0] =	vst.idx.msk $0xffff, v50  }
0x27f: {  	[tilespmem:v57+s25+$0x0] =	vst.idx.msk $0xffff, v49;
	v63 =	vor.u32 s10, v22;
	v61 =	vor.u32 v36, v3;
	v52 =	vld.idx.msk [tilespmem:v58+s14+$0x0], $0xffff  }
0x280: {  	v57 =	vor.u32 v34, v3;
	v0 =	vld.idx.msk [tilespmem:v0+s14+$0x0], $0xffff;
	v58 =	vor.u32 s15, v22  }
0x281: {  	v3 =	vor.u32 v33, v3  }
0x282: {  	[tilespmem:v9+s25+$0x0] =	vst.idx.msk $0xffff, v7  }
0x283: {  	[tilespmem:v59+s25+$0x0] =	vst.idx.msk $0xffff, v5;
	v5 =	vor.u32 s0, v62;
	v9 =	vor.u32 s21, v24;
	v7 =	vld.idx.msk [tilespmem:v60+s14+$0x0], $0xffff  }
0x284: {  	v59 =	vor.u32 s11, v24;
	v49 =	vld.idx.msk [tilespmem:v61+s14+$0x0], $0xffff;
	[tilespmem:v63+s25+$0x0] =	vst.idx.msk $0xffff, v52;
	v60 =	vor.u32 v35, v5  }
0x285: {  	v61 =	vor.u32 v36, v5;
	[tilespmem:v58+s25+$0x0] =	vst.idx.msk $0xffff, v0;
	v63 =	vor.u32 s10, v24;
	v0 =	vld.idx.msk [tilespmem:v57+s14+$0x0], $0xffff  }
0x286: {  	v58 =	vor.u32 v34, v5;
	v57 =	vor.u32 s15, v24;
	v3 =	vld.idx.msk [tilespmem:v3+s14+$0x0], $0xffff  }
0x287: {  	v5 =	vor.u32 v33, v5  }
0x288: {  	[tilespmem:v9+s25+$0x0] =	vst.idx.msk $0xffff, v7  }
0x289: {  	[tilespmem:v59+s25+$0x0] =	vst.idx.msk $0xffff, v49;
	v59 =	vor.u32 s21, v26;
	v7 =	vor.u32 s0, v23;
	v9 =	vld.idx.msk [tilespmem:v60+s14+$0x0], $0xffff  }
0x28a: {  	v50 =	vld.idx.msk [tilespmem:v61+s14+$0x0], $0xffff;
	[tilespmem:v63+s25+$0x0] =	vst.idx.msk $0xffff, v0;
	v60 =	vor.u32 s11, v26;
	v61 =	vor.u32 v35, v7  }
0x28b: {  	v52 =	vor.u32 s10, v26;
	[tilespmem:v57+s25+$0x0] =	vst.idx.msk $0xffff, v3;
	v0 =	vor.u32 v36, v7;
	v3 =	vld.idx.msk [tilespmem:v58+s14+$0x0], $0xffff  }
0x28c: {  	v57 =	vor.u32 s15, v26;
	v63 =	vor.u32 v34, v7;
	v5 =	vld.idx.msk [tilespmem:v5+s14+$0x0], $0xffff  }
0x28d: {  	v7 =	vor.u32 v33, v7  }
0x28e: {  	[tilespmem:v59+s25+$0x0] =	vst.idx.msk $0xffff, v9  }
0x28f: {  	v58 =	vor.u32 s0, v11;
	[tilespmem:v60+s25+$0x0] =	vst.idx.msk $0xffff, v50;
	v59 =	vor.u32 s21, v28;
	v9 =	vld.idx.msk [tilespmem:v61+s14+$0x0], $0xffff  }
0x290: {  	v60 =	vor.u32 s11, v28;
	[tilespmem:v52+s25+$0x0] =	vst.idx.msk $0xffff, v3;
	v0 =	vld.idx.msk [tilespmem:v0+s14+$0x0], $0xffff;
	v61 =	vor.u32 v35, v58  }
0x291: {  	v3 =	vor.u32 v36, v58;
	[tilespmem:v57+s25+$0x0] =	vst.idx.msk $0xffff, v5;
	v5 =	vld.idx.msk [tilespmem:v63+s14+$0x0], $0xffff;
	v63 =	vor.u32 s10, v28  }
0x292: {  	[tilespmem:v48+s25+$0x0] =	vst.idx.msk $0xffff, v46;
	v54 =	vor.u32 s15, v28;
	v55 =	vor.u32 v34, v58;
	v7 =	vld.idx.msk [tilespmem:v7+s14+$0x0], $0xffff  }
0x293: {  	[tilespmem:v45+s25+$0x0] =	vst.idx.msk $0xffff, v37;
	v56 =	vor.u32 v33, v58  }
0x294: {  	v41 =	vld.idx.msk [tilespmem:v41+s14+$0x0], $0xffff;
	[tilespmem:v59+s25+$0x0] =	vst.idx.msk $0xffff, v9  }
0x295: {  	v57 =	vor.u32 s21, v30;
	[tilespmem:v60+s25+$0x0] =	vst.idx.msk $0xffff, v0;
	v9 =	vor.u32 s0, v13;
	v0 =	vld.idx.msk [tilespmem:v61+s14+$0x0], $0xffff  }
0x296: {  	v59 =	vor.u32 s11, v30;
	[tilespmem:v63+s25+$0x0] =	vst.idx.msk $0xffff, v5;
	v58 =	vor.u32 v35, v9;
	v3 =	vld.idx.msk [tilespmem:v3+s14+$0x0], $0xffff  }
0x297: {  	[tilespmem:v54+s25+$0x0] =	vst.idx.msk $0xffff, v7;
	v60 =	vor.u32 s10, v30;
	v5 =	vor.u32 v36, v9;
	v7 =	vld.idx.msk [tilespmem:v55+s14+$0x0], $0xffff  }
0x298: {  	[tilespmem:v47+s25+$0x0] =	vst.idx.msk $0xffff, v38;
	v61 =	vor.u32 s15, v30;
	v63 =	vor.u32 v34, v9;
	v37 =	vld.idx.msk [tilespmem:v56+s14+$0x0], $0xffff  }
0x299: {  	v39 =	vld.idx.msk [tilespmem:v39+s14+$0x0], $0xffff;
	[tilespmem:v44+s25+$0x0] =	vst.idx.msk $0xffff, v41;
	v9 =	vor.u32 v33, v9  }
0x29a: {  	v44 =	vld.idx.msk [tilespmem:v42+s14+$0x0], $0xffff;
	[tilespmem:v57+s25+$0x0] =	vst.idx.msk $0xffff, v0  }
0x29b: {  	v46 =	vor.u32 s21, v32;
	[tilespmem:v59+s25+$0x0] =	vst.idx.msk $0xffff, v3;
	v0 =	vld.idx.msk [tilespmem:v58+s14+$0x0], $0xffff  }
0x29c: {  	v3 =	vor.u32 s11, v32;
	[tilespmem:v60+s25+$0x0] =	vst.idx.msk $0xffff, v7;
	v5 =	vld.idx.msk [tilespmem:v5+s14+$0x0], $0xffff  }
0x29d: {  	v7 =	vor.u32 s10, v32;
	[tilespmem:v61+s25+$0x0] =	vst.idx.msk $0xffff, v37;
	v34 =	vld.idx.msk [tilespmem:v63+s14+$0x0], $0xffff  }
0x29e: {  	v47 =	vor.u32 s15, v32;
	[tilespmem:v40+s25+$0x0] =	vst.idx.msk $0xffff, v39;
	v9 =	vld.idx.msk [tilespmem:v9+s14+$0x0], $0xffff  }
0x29f: {  	[tilespmem:v43+s25+$0x0] =	vst.idx.msk $0xffff, v44  }
0x2a0: {  	[tilespmem:v46+s25+$0x0] =	vst.idx.msk $0xffff, v0  }
0x2a1: {  	[tilespmem:v3+s25+$0x0] =	vst.idx.msk $0xffff, v5  }
0x2a2: {  	s22 =	sor.u32 $0x80, s29;
	s2 =	rddreg [dreg:$0x1];
	[tilespmem:v7+s25+$0x0] =	vst.idx.msk $0xffff, v34  }
0x2a3: {  	s2 =	sadd.s32 s2, s22;
	[tilespmem:v47+s25+$0x0] =	vst.idx.msk $0xffff, v9  }
0x2a4: {  	[hbm4b:s2+s3] =	stream.linear.scatter [tilespmem:s25], [sflag:$0x6], $0x400, $0x38;
	[tilespmem:$0xE400] =	vst v63  }
0x2a5: {  	s5 =	simm.s32 $0xB800;
	s23 =	sadd.s32 s22, s7  }
0x2a6: {  	[hbm4b:s23+s3] =	stream.linear.scatter [tilespmem:s5], [sflag:$0x6], $0x400, $0x38;
	[tilespmem:$0xE400] =	vst v63  }
0x2a7: {  	s26 =	simm.s32 $0xBC00;
	s24 =	sadd.s32 s22, s8  }
0x2a8: {  	[hbm4b:s24+s3] =	stream.linear.scatter [tilespmem:s26], [sflag:$0x6], $0x400, $0x38;
	[tilespmem:$0xE400] =	vst v63  }
0x2a9: {  	s30 =	simm.s32 $0xC000;
	s0 =	sadd.s32 s22, s9  }
0x2aa: {  	[hbm4b:s0+s3] =	stream.linear.scatter [tilespmem:s30], [sflag:$0x6], $0x400, $0x38;
	[tilespmem:$0xE400] =	vst v63  }
0x2ab: {  	s2 =	simm.s32 @!p0 $0x80;
	s5 =	simm.s32 @!p0 $0x7400;
	s0 =	sadd.s32 @!p0 $0x280, s1  }
0x2ac: {  	[tilespmem:s5], [sflag:$0x2] =	stream.indirect.gather @!p0 [hbm4b:s4+s2], $0x20, s0, s2, $0xb8;
	[tilespmem:$0xE400] =	vst v63  }
0x2ad: {  	s0 =	simm.s32 @p1 $0x7  }
0x2ae: {  	_ =	swait.ge @p1 [sflag:s0], $0x1000  }
0x2af: {  	s5 =	simm.s32 $0x0;
	[sflag:s0] =	ssyncset.done @p1 $0x0  }
0x2b0: {  	[sflag:s0] =	ssyncadd.s32 @p1 $0xFFFFF000;
	s0 =	sand.u32 $0x40, s5  }
0x2b1: {  	v0 =	vmov s0  }
0x2b2: {  	v50 =	vlaneseq.u32;
	s26 =	simm.s32 $0x0;
	s10 =	sor.u32 $0x20, s0;
	v0 =	vshll.u32 v0, $0x5  }
0x2b3: {  	v5 =	vor.u32 s26, v50;
	v3 =	vmov s10;
	v37 =	vor.u32 v1, v0  }
0x2b4: {  	v0 =	vshll.u32 v3, $0x5;
	v3 =	vor.u32 v37, v5  }
0x2b5: {  	s15 =	simm.s32 $0x3  }
0x2b6: {  	_ =	swait.ge [sflag:s15], $0x1000  }
0x2b7: {  	s17 =	simm.s32 $0x0;
	[sflag:s15] =	ssyncset.done $0x0;
	v53 =	vld [tilespmem:$0x1FF40];
	v38 =	vor.u32 v1, v0  }
0x2b8: {  	s11 =	sor.u32 $0x30, s0;
	s12 =	sor.u32 s0, s17;
	[sflag:s15] =	ssyncadd.s32 $0xFFFFF000;
	v0 =	vor.u32 v38, v5  }
0x2b9: {  	v7 =	vmov s11;
	v48 =	vor.u32 s12, v2;
	v3 =	vld.idx.msk [tilespmem:v3+s16+$0x0], $0xffff  }
0x2ba: {  	v7 =	vshll.u32 v7, $0x5  }
0x2bb: {  	v40 =	vor.u32 v1, v7  }
0x2bc: {  	s5 =	sor.u32 s17, s10;
	v7 =	vor.u32 v40, v5;
	v9 =	vor.u32 s26, v53  }
0x2bd: {  	s0 =	sor.u32 $0x10, s0;
	v51 =	vor.u32 s5, v2;
	v56 =	vor.u32 v37, v9;
	v0 =	vld.idx.msk [tilespmem:v0+s16+$0x0], $0xffff  }
0x2be: {  	v49 =	vmov s0;
	[tilespmem:v48+s31+$0x0] =	vst.idx.msk $0xffff, v3  }
0x2bf: {  	v34 =	vshll.u32 v49, $0x5;
	v55 =	vld [tilespmem:$0x1FF50]  }
0x2c0: {  	s23 =	sor.u32 s17, s11;
	v39 =	vor.u32 v1, v34  }
0x2c1: {  	v58 =	vor.u32 s23, v2;
	v5 =	vor.u32 v39, v5;
	v7 =	vld.idx.msk [tilespmem:v7+s16+$0x0], $0xffff  }
0x2c2: {  	v57 =	vor.u32 v38, v9;
	v33 =	vld.idx.msk [tilespmem:v56+s16+$0x0], $0xffff;
	[tilespmem:v51+s31+$0x0] =	vst.idx.msk $0xffff, v0;
	v0 =	vor.u32 s12, v4;
	_ =	sdelay $0x1  }
0x2c3: {  	v3 =	vor.u32 v40, v9;
	v36 =	vor.u32 s26, v55  }
0x2c4: {  	v59 =	vor.u32 v37, v36  }
0x2c5: {  	v5 =	vld.idx.msk [tilespmem:v5+s16+$0x0], $0xffff;
	[tilespmem:v58+s31+$0x0] =	vst.idx.msk $0xffff, v7  }
0x2c6: {  	s22 =	sor.u32 s17, s0;
	v60 =	vor.u32 s5, v4;
	v35 =	vld.idx.msk [tilespmem:v57+s16+$0x0], $0xffff;
	[tilespmem:v0+s31+$0x0] =	vst.idx.msk $0xffff, v33  }
0x2c7: {  	v48 =	vor.u32 s22, v2;
	v56 =	vld [tilespmem:$0x1FF60]  }
0x2c8: {  	v7 =	vor.u32 s23, v4;
	v3 =	vld.idx.msk [tilespmem:v3+s16+$0x0], $0xffff  }
0x2c9: {  	v49 =	vor.u32 s12, v6;
	v61 =	vor.u32 v38, v36;
	v33 =	vld.idx.msk [tilespmem:v59+s16+$0x0], $0xffff;
	_ =	sdelay $0x1  }
0x2ca: {  	v9 =	vor.u32 v39, v9;
	[tilespmem:v60+s31+$0x0] =	vst.idx.msk $0xffff, v35  }
0x2cb: {  	v0 =	vor.u32 v40, v36;
	[tilespmem:v48+s31+$0x0] =	vst.idx.msk $0xffff, v5;
	v34 =	vor.u32 s26, v56  }
0x2cc: {  	[tilespmem:v7+s31+$0x0] =	vst.idx.msk $0xffff, v3;
	v52 =	vor.u32 v37, v34  }
0x2cd: {  	v51 =	vld.idx.msk [tilespmem:v61+s16+$0x0], $0xffff;
	[tilespmem:v49+s31+$0x0] =	vst.idx.msk $0xffff, v33  }
0x2ce: {  	v54 =	vor.u32 s5, v6;
	v57 =	vld [tilespmem:$0x1FF70]  }
0x2cf: {  	v60 =	vor.u32 s22, v4;
	v9 =	vld.idx.msk [tilespmem:v9+s16+$0x0], $0xffff;
	v5 =	vor.u32 v38, v34  }
0x2d0: {  	v3 =	vor.u32 s23, v6;
	v0 =	vld.idx.msk [tilespmem:v0+s16+$0x0], $0xffff  }
0x2d1: {  	v36 =	vor.u32 v39, v36;
	v61 =	vor.u32 s12, v8;
	v33 =	vld.idx.msk [tilespmem:v52+s16+$0x0], $0xffff;
	_ =	sdelay $0x1  }
0x2d2: {  	v7 =	vor.u32 v40, v34;
	[tilespmem:v54+s31+$0x0] =	vst.idx.msk $0xffff, v51;
	v35 =	vor.u32 s26, v57  }
0x2d3: {  	v49 =	vor.u32 s5, v8;
	[tilespmem:v60+s31+$0x0] =	vst.idx.msk $0xffff, v9;
	v5 =	vld.idx.msk [tilespmem:v5+s16+$0x0], $0xffff;
	v48 =	vor.u32 v37, v35  }
0x2d4: {  	[tilespmem:v3+s31+$0x0] =	vst.idx.msk $0xffff, v0  }
0x2d5: {  	v36 =	vld.idx.msk [tilespmem:v36+s16+$0x0], $0xffff;
	[tilespmem:v61+s31+$0x0] =	vst.idx.msk $0xffff, v33  }
0x2d6: {  	v51 =	vor.u32 s22, v6;
	v58 =	vld [tilespmem:$0x1FF80]  }
0x2d7: {  	v3 =	vor.u32 s23, v8;
	v0 =	vld.idx.msk [tilespmem:v7+s16+$0x0], $0xffff;
	v9 =	vor.u32 v38, v35  }
0x2d8: {  	[tilespmem:v49+s31+$0x0] =	vst.idx.msk $0xffff, v5;
	v5 =	vor.u32 s12, v10;
	v33 =	vld.idx.msk [tilespmem:v48+s16+$0x0], $0xffff;
	_ =	sdelay $0x1  }
0x2d9: {  	v34 =	vor.u32 v39, v34  }
0x2da: {  	v7 =	vor.u32 v40, v35;
	[tilespmem:v51+s31+$0x0] =	vst.idx.msk $0xffff, v36;
	v41 =	vor.u32 s26, v58  }
0x2db: {  	v54 =	vor.u32 s5, v10;
	[tilespmem:v3+s31+$0x0] =	vst.idx.msk $0xffff, v0;
	v9 =	vld.idx.msk [tilespmem:v9+s16+$0x0], $0xffff;
	v52 =	vor.u32 v37, v41  }
0x2dc: {  	v60 =	vor.u32 v38, v41;
	[tilespmem:v5+s31+$0x0] =	vst.idx.msk $0xffff, v33  }
0x2dd: {  	v59 =	vld [tilespmem:$0x1FFA0]  }
0x2de: {  	v61 =	vor.u32 s22, v8;
	v34 =	vld.idx.msk [tilespmem:v34+s16+$0x0], $0xffff  }
0x2df: {  	v3 =	vor.u32 s23, v10;
	v0 =	vld.idx.msk [tilespmem:v7+s16+$0x0], $0xffff  }
0x2e0: {  	v35 =	vor.u32 v39, v35;
	v7 =	vld.idx.msk [tilespmem:v52+s16+$0x0], $0xffff;
	[tilespmem:v54+s31+$0x0] =	vst.idx.msk $0xffff, v9;
	v9 =	vor.u32 s12, v12  }
0x2e1: {  	v49 =	vor.u32 s5, v12;
	v5 =	vor.u32 v40, v41;
	v36 =	vld.idx.msk [tilespmem:v60+s16+$0x0], $0xffff  }
0x2e2: {  	v33 =	vor.u32 s26, v59  }
0x2e3: {  	[tilespmem:v61+s31+$0x0] =	vst.idx.msk $0xffff, v34;
	v48 =	vor.u32 v37, v33  }
0x2e4: {  	[tilespmem:v3+s31+$0x0] =	vst.idx.msk $0xffff, v0;
	v51 =	vor.u32 v38, v33  }
0x2e5: {  	v35 =	vld.idx.msk [tilespmem:v35+s16+$0x0], $0xffff;
	[tilespmem:v9+s31+$0x0] =	vst.idx.msk $0xffff, v7  }
0x2e6: {  	v52 =	vor.u32 s22, v10;
	v0 =	vld.idx.msk [tilespmem:v5+s16+$0x0], $0xffff;
	[tilespmem:v49+s31+$0x0] =	vst.idx.msk $0xffff, v36  }
0x2e7: {  	v41 =	vor.u32 v39, v41;
	v3 =	vor.u32 s23, v12;
	v60 =	vld [tilespmem:$0x1FFB0]  }
0x2e8: {  	v9 =	vor.u32 s12, v14;
	v5 =	vor.u32 v40, v33;
	v7 =	vld.idx.msk [tilespmem:v48+s16+$0x0], $0xffff  }
0x2e9: {  	v61 =	vor.u32 s5, v14;
	v34 =	vld.idx.msk [tilespmem:v51+s16+$0x0], $0xffff;
	_ =	sdelay $0x1  }
0x2ea: {  	[tilespmem:v52+s31+$0x0] =	vst.idx.msk $0xffff, v35  }
0x2eb: {  	v49 =	vor.u32 s22, v12;
	v41 =	vld.idx.msk [tilespmem:v41+s16+$0x0], $0xffff;
	[tilespmem:v3+s31+$0x0] =	vst.idx.msk $0xffff, v0;
	v36 =	vor.u32 s26, v60  }
0x2ec: {  	v3 =	vor.u32 s23, v14;
	v0 =	vld.idx.msk [tilespmem:v5+s16+$0x0], $0xffff;
	v54 =	vor.u32 v37, v36;
	[tilespmem:v9+s31+$0x0] =	vst.idx.msk $0xffff, v7  }
0x2ed: {  	[tilespmem:v61+s31+$0x0] =	vst.idx.msk $0xffff, v34  }
0x2ee: {  	v48 =	vor.u32 v38, v36;
	v19 =	vld [tilespmem:$0x1FFC0]  }
0x2ef: {  	v33 =	vor.u32 v39, v33  }
0x2f0: {  	[tilespmem:v49+s31+$0x0] =	vst.idx.msk $0xffff, v41  }
0x2f1: {  	v5 =	vor.u32 v40, v36;
	[tilespmem:v3+s31+$0x0] =	vst.idx.msk $0xffff, v0;
	v7 =	vld.idx.msk [tilespmem:v54+s16+$0x0], $0xffff  }
0x2f2: {  	v9 =	vor.u32 s12, v17;
	v0 =	vld [tilespmem:$0x1FF90]  }
0x2f3: {  	v52 =	vor.u32 s5, v17;
	v35 =	vld.idx.msk [tilespmem:v48+s16+$0x0], $0xffff;
	v51 =	vor.u32 s26, v19  }
0x2f4: {  	v61 =	vor.u32 s22, v14;
	v33 =	vld.idx.msk [tilespmem:v33+s16+$0x0], $0xffff;
	v42 =	vor.u32 v37, v51  }
0x2f5: {  	s19 =	simm.s32 $0x40;
	v54 =	vor.u32 v38, v51  }
0x2f6: {  	s21 =	sand.u32 $0x40, s19;
	v46 =	vor.u32 s12, v18;
	v47 =	vor.u32 s5, v18;
	v36 =	vor.u32 v39, v36;
	v5 =	vld.idx.msk [tilespmem:v5+s16+$0x0], $0xffff  }
0x2f7: {  	s24 =	sor.u32 $0x10, s21;
	v45 =	vor.u32 v40, v51;
	v0 =	vor.u32 s26, v0;
	v3 =	vor.u32 v39, v51;
	[tilespmem:v9+s31+$0x0] =	vst.idx.msk $0xffff, v7  }
0x2f8: {  	s17 =	sor.u32 $0x30, s21;
	s0 =	simm.s32 $0x0;
	v7 =	vor.u32 s23, v17;
	v9 =	vmov s21;
	v51 =	vmov s24;
	[tilespmem:v52+s31+$0x0] =	vst.idx.msk $0xffff, v35  }
0x2f9: {  	v52 =	vmov s17;
	[tilespmem:v61+s31+$0x0] =	vst.idx.msk $0xffff, v33;
	v61 =	vor.u32 s0, v50;
	v42 =	vld.idx.msk [tilespmem:v42+s16+$0x0], $0xffff  }
0x2fa: {  	s30 =	sor.u32 $0x20, s21;
	v48 =	vor.u32 v38, v0;
	v49 =	vor.u32 v37, v0;
	v34 =	vshll.u32 v51, $0x5;
	v41 =	vld.idx.msk [tilespmem:v54+s16+$0x0], $0xffff  }
0x2fb: {  	v9 =	vshll.u32 v9, $0x5;
	v34 =	vor.u32 v1, v34;
	v54 =	vmov s30  }
0x2fc: {  	v50 =	vld.idx.msk [tilespmem:v36+s16+$0x0], $0xffff;
	v33 =	vor.u32 v1, v9;
	v9 =	vor.u32 v34, v61;
	v54 =	vshll.u32 v54, $0x5  }
0x2fd: {  	v43 =	vor.u32 v33, v61;
	[tilespmem:v7+s31+$0x0] =	vst.idx.msk $0xffff, v5;
	v5 =	vor.u32 s22, v17;
	v36 =	vor.u32 v1, v54  }
0x2fe: {  	v7 =	vshll.u32 v52, $0x5;
	v45 =	vld.idx.msk [tilespmem:v45+s16+$0x0], $0xffff;
	v51 =	vor.u32 v36, v61;
	[tilespmem:v46+s31+$0x0] =	vst.idx.msk $0xffff, v42;
	v42 =	vor.u32 s23, v18  }
0x2ff: {  	s19 =	simm.s32 $0x0;
	v35 =	vor.u32 v1, v7;
	[tilespmem:v47+s31+$0x0] =	vst.idx.msk $0xffff, v41;
	v41 =	vor.u32 s12, v20;
	v7 =	vld.idx.msk [tilespmem:v49+s16+$0x0], $0xffff  }
0x300: {  	v15 =	vmov v31;
	s15 =	sor.u32 s19, s24;
	v44 =	vor.u32 v35, v61;
	v47 =	vor.u32 s5, v20;
	v46 =	vld.idx.msk [tilespmem:v48+s16+$0x0], $0xffff  }
0x301: {  	s10 =	sor.u32 s21, s19;
	v52 =	vor.u32 s15, v2;
	v9 =	vld.idx.msk [tilespmem:v9+s16+$0x0], $0xffff;
	v61 =	vor.u32 v40, v0;
	v48 =	vor.u32 s26, v15  }
0x302: {  	s11 =	sor.u32 s19, s30;
	v53 =	vor.u32 s0, v53;
	v43 =	vld.idx.msk [tilespmem:v43+s16+$0x0], $0xffff;
	[tilespmem:v5+s31+$0x0] =	vst.idx.msk $0xffff, v50;
	v5 =	vor.u32 s10, v2;
	v54 =	vor.u32 v38, v48  }
0x303: {  	v50 =	vor.u32 v34, v53;
	v51 =	vld.idx.msk [tilespmem:v51+s16+$0x0], $0xffff;
	[tilespmem:v42+s31+$0x0] =	vst.idx.msk $0xffff, v45;
	v42 =	vor.u32 s11, v2  }
0x304: {  	s21 =	sor.u32 s19, s17;
	v3 =	vld.idx.msk [tilespmem:v3+s16+$0x0], $0xffff;
	v45 =	vor.u32 v33, v53;
	[tilespmem:v41+s31+$0x0] =	vst.idx.msk $0xffff, v7;
	v7 =	vor.u32 s22, v18  }
0x305: {  	v44 =	vld.idx.msk [tilespmem:v44+s16+$0x0], $0xffff;
	v41 =	vor.u32 v36, v53;
	[tilespmem:v47+s31+$0x0] =	vst.idx.msk $0xffff, v46;
	v46 =	vor.u32 s21, v2  }
0x306: {  	v0 =	vor.u32 v39, v0;
	[tilespmem:v52+s31+$0x0] =	vst.idx.msk $0xffff, v9;
	v9 =	vor.u32 s23, v20;
	v61 =	vld.idx.msk [tilespmem:v61+s16+$0x0], $0xffff  }
0x307: {  	v25 =	vmov v21;
	v49 =	vor.u32 v35, v53;
	[tilespmem:v5+s31+$0x0] =	vst.idx.msk $0xffff, v43;
	v5 =	vor.u32 s5, v22;
	v52 =	vld.idx.msk [tilespmem:v54+s16+$0x0], $0xffff  }
0x308: {  	v43 =	vor.u32 v40, v48;
	v50 =	vld.idx.msk [tilespmem:v50+s16+$0x0], $0xffff;
	v53 =	vor.u32 s26, v25;
	v54 =	vor.u32 s15, v4;
	[tilespmem:v42+s31+$0x0] =	vst.idx.msk $0xffff, v51  }
0x309: {  	v42 =	vld.idx.msk [tilespmem:v45+s16+$0x0], $0xffff;
	v45 =	vor.u32 s0, v55;
	v51 =	vor.u32 v38, v53;
	[tilespmem:v7+s31+$0x0] =	vst.idx.msk $0xffff, v3;
	v3 =	vor.u32 s10, v4  }
0x30a: {  	v7 =	vor.u32 v34, v45;
	v41 =	vld.idx.msk [tilespmem:v41+s16+$0x0], $0xffff;
	[tilespmem:v46+s31+$0x0] =	vst.idx.msk $0xffff, v44;
	v44 =	vor.u32 s11, v4  }
0x30b: {  	v46 =	vor.u32 v33, v45;
	[tilespmem:v9+s31+$0x0] =	vst.idx.msk $0xffff, v61;
	v9 =	vor.u32 s22, v20;
	v0 =	vld.idx.msk [tilespmem:v0+s16+$0x0], $0xffff  }
0x30c: {  	v61 =	vor.u32 v36, v45;
	v49 =	vld.idx.msk [tilespmem:v49+s16+$0x0], $0xffff;
	[tilespmem:v5+s31+$0x0] =	vst.idx.msk $0xffff, v52;
	v5 =	vor.u32 s21, v4  }
0x30d: {  	v52 =	vor.u32 v39, v48;
	v43 =	vld.idx.msk [tilespmem:v43+s16+$0x0], $0xffff;
	[tilespmem:v54+s31+$0x0] =	vst.idx.msk $0xffff, v50;
	v50 =	vor.u32 s23, v22  }
0x30e: {  	v45 =	vor.u32 v35, v45;
	v51 =	vld.idx.msk [tilespmem:v51+s16+$0x0], $0xffff;
	[tilespmem:v3+s31+$0x0] =	vst.idx.msk $0xffff, v42;
	v3 =	vor.u32 s5, v24  }
0x30f: {  	v54 =	vor.u32 s26, v62;
	v42 =	vor.u32 v40, v53;
	v7 =	vld.idx.msk [tilespmem:v7+s16+$0x0], $0xffff;
	[tilespmem:v44+s31+$0x0] =	vst.idx.msk $0xffff, v41;
	v41 =	vor.u32 s15, v6  }
0x310: {  	v44 =	vld.idx.msk [tilespmem:v46+s16+$0x0], $0xffff;
	v46 =	vor.u32 s0, v56;
	[tilespmem:v9+s31+$0x0] =	vst.idx.msk $0xffff, v0;
	v0 =	vor.u32 v38, v54;
	v9 =	vor.u32 s10, v6  }
0x311: {  	[tilespmem:v5+s31+$0x0] =	vst.idx.msk $0xffff, v49;
	v47 =	vld.idx.msk [tilespmem:v61+s16+$0x0], $0xffff;
	v61 =	vor.u32 s11, v6;
	v5 =	vor.u32 v34, v46  }
0x312: {  	[tilespmem:v50+s31+$0x0] =	vst.idx.msk $0xffff, v43;
	v43 =	vor.u32 s22, v22;
	v50 =	vor.u32 v33, v46;
	v52 =	vld.idx.msk [tilespmem:v52+s16+$0x0], $0xffff  }
0x313: {  	v21 =	vmov v56;
	v56 =	vor.u32 s21, v6;
	v45 =	vld.idx.msk [tilespmem:v45+s16+$0x0], $0xffff;
	[tilespmem:v3+s31+$0x0] =	vst.idx.msk $0xffff, v51;
	v3 =	vor.u32 v36, v46  }
0x314: {  	v63 =	vmov v23;
	v48 =	vor.u32 v37, v48;
	v42 =	vld.idx.msk [tilespmem:v42+s16+$0x0], $0xffff;
	[tilespmem:v41+s31+$0x0] =	vst.idx.msk $0xffff, v7;
	v7 =	vor.u32 s23, v24  }
0x315: {  	v27 =	vmov v57;
	v41 =	vor.u32 v35, v46;
	v0 =	vld.idx.msk [tilespmem:v0+s16+$0x0], $0xffff;
	[tilespmem:v9+s31+$0x0] =	vst.idx.msk $0xffff, v44;
	v9 =	vor.u32 s5, v26  }
0x316: {  	v46 =	vor.u32 s26, v63;
	v44 =	vor.u32 v40, v54;
	[tilespmem:v61+s31+$0x0] =	vst.idx.msk $0xffff, v47;
	v61 =	vor.u32 s15, v8;
	v5 =	vld.idx.msk [tilespmem:v5+s16+$0x0], $0xffff  }
0x317: {  	v49 =	vld.idx.msk [tilespmem:v50+s16+$0x0], $0xffff;
	v50 =	vor.u32 s0, v57;
	[tilespmem:v43+s31+$0x0] =	vst.idx.msk $0xffff, v52;
	v43 =	vor.u32 v38, v46;
	v57 =	vor.u32 s10, v8  }
0x318: {  	v51 =	vor.u32 s11, v8;
	[tilespmem:v56+s31+$0x0] =	vst.idx.msk $0xffff, v45;
	v45 =	vor.u32 v34, v50;
	v3 =	vld.idx.msk [tilespmem:v3+s16+$0x0], $0xffff  }
0x319: {  	v48 =	vld.idx.msk [tilespmem:v48+s16+$0x0], $0xffff;
	v56 =	vor.u32 v33, v50;
	[tilespmem:v7+s31+$0x0] =	vst.idx.msk $0xffff, v42;
	v7 =	vor.u32 s12, v22  }
0x31a: {  	[tilespmem:v9+s31+$0x0] =	vst.idx.msk $0xffff, v0;
	v0 =	vor.u32 v36, v50;
	v9 =	vld.idx.msk [tilespmem:v41+s16+$0x0], $0xffff;
	v41 =	vor.u32 s21, v8  }
0x31b: {  	v44 =	vld.idx.msk [tilespmem:v44+s16+$0x0], $0xffff;
	[tilespmem:v61+s31+$0x0] =	vst.idx.msk $0xffff, v5;
	v5 =	vor.u32 v37, v53;
	v61 =	vor.u32 s23, v26  }
0x31c: {  	v53 =	vor.u32 v39, v53;
	v43 =	vld.idx.msk [tilespmem:v43+s16+$0x0], $0xffff;
	[tilespmem:v57+s31+$0x0] =	vst.idx.msk $0xffff, v49  }
0x31d: {  	v50 =	vor.u32 v35, v50;
	v57 =	vor.u32 s5, v28;
	v45 =	vld.idx.msk [tilespmem:v45+s16+$0x0], $0xffff;
	[tilespmem:v51+s31+$0x0] =	vst.idx.msk $0xffff, v3  }
0x31e: {  	v52 =	vor.u32 s15, v10;
	v42 =	vld.idx.msk [tilespmem:v56+s16+$0x0], $0xffff;
	v3 =	vor.u32 v40, v46;
	v51 =	vor.u32 s0, v58;
	[tilespmem:v7+s31+$0x0] =	vst.idx.msk $0xffff, v48  }
0x31f: {  	v7 =	vor.u32 s10, v10;
	v56 =	vor.u32 v34, v51;
	v0 =	vld.idx.msk [tilespmem:v0+s16+$0x0], $0xffff;
	[tilespmem:v41+s31+$0x0] =	vst.idx.msk $0xffff, v9  }
0x320: {  	v9 =	vor.u32 s11, v10;
	[tilespmem:v61+s31+$0x0] =	vst.idx.msk $0xffff, v44;
	v61 =	vor.u32 v33, v51;
	v5 =	vld.idx.msk [tilespmem:v5+s16+$0x0], $0xffff  }
0x321: {  	v41 =	vor.u32 s12, v24;
	v47 =	vor.u32 v36, v51;
	v53 =	vld.idx.msk [tilespmem:v53+s16+$0x0], $0xffff  }
0x322: {  	v49 =	vor.u32 v37, v54;
	[tilespmem:v57+s31+$0x0] =	vst.idx.msk $0xffff, v43;
	v57 =	vor.u32 s22, v24;
	v50 =	vld.idx.msk [tilespmem:v50+s16+$0x0], $0xffff  }
0x323: {  	v23 =	vmov v58;
	v58 =	vor.u32 s21, v10;
	[tilespmem:v52+s31+$0x0] =	vst.idx.msk $0xffff, v45;
	v52 =	vor.u32 v39, v54;
	v3 =	vld.idx.msk [tilespmem:v3+s16+$0x0], $0xffff  }
0x324: {  	[tilespmem:v7+s31+$0x0] =	vst.idx.msk $0xffff, v42;
	v7 =	vor.u32 s23, v28;
	v42 =	vor.u32 v35, v51;
	v51 =	vor.u32 s26, v11;
	v48 =	vld.idx.msk [tilespmem:v56+s16+$0x0], $0xffff  }
0x325: {  	v54 =	vor.u32 s15, v12;
	[tilespmem:v9+s31+$0x0] =	vst.idx.msk $0xffff, v0;
	v9 =	vor.u32 s0, v59;
	v0 =	vld.idx.msk [tilespmem:v61+s16+$0x0], $0xffff;
	v61 =	vor.u32 v40, v51  }
0x326: {  	[tilespmem:v41+s31+$0x0] =	vst.idx.msk $0xffff, v5;
	v5 =	vor.u32 s10, v12;
	v56 =	vor.u32 v34, v9;
	v47 =	vld.idx.msk [tilespmem:v47+s16+$0x0], $0xffff  }
0x327: {  	v43 =	vor.u32 s11, v12;
	[tilespmem:v57+s31+$0x0] =	vst.idx.msk $0xffff, v53;
	v57 =	vor.u32 v33, v9;
	v49 =	vld.idx.msk [tilespmem:v49+s16+$0x0], $0xffff  }
0x328: {  	v53 =	vor.u32 s12, v26;
	[tilespmem:v58+s31+$0x0] =	vst.idx.msk $0xffff, v50;
	v58 =	vor.u32 v36, v9;
	v52 =	vld.idx.msk [tilespmem:v52+s16+$0x0], $0xffff  }
0x329: {  	[tilespmem:v7+s31+$0x0] =	vst.idx.msk $0xffff, v3;
	v3 =	vor.u32 s22, v26;
	v7 =	vor.u32 v37, v46;
	v42 =	vld.idx.msk [tilespmem:v42+s16+$0x0], $0xffff  }
0x32a: {  	v29 =	vmov v59;
	v59 =	vor.u32 s21, v12;
	v46 =	vor.u32 v39, v46;
	[tilespmem:v54+s31+$0x0] =	vst.idx.msk $0xffff, v48;
	v44 =	vld.idx.msk [tilespmem:v61+s16+$0x0], $0xffff  }
0x32b: {  	v9 =	vor.u32 v35, v9;
	[tilespmem:v5+s31+$0x0] =	vst.idx.msk $0xffff, v0;
	v5 =	vld.idx.msk [tilespmem:v56+s16+$0x0], $0xffff;
	v61 =	vor.u32 s23, v30  }
0x32c: {  	v45 =	vor.u32 s15, v14;
	v54 =	vor.u32 s26, v13;
	[tilespmem:v43+s31+$0x0] =	vst.idx.msk $0xffff, v47;
	v47 =	vor.u32 v38, v51;
	v43 =	vld.idx.msk [tilespmem:v57+s16+$0x0], $0xffff  }
0x32d: {  	v40 =	vor.u32 v40, v54;
	[tilespmem:v53+s31+$0x0] =	vst.idx.msk $0xffff, v49;
	v49 =	vor.u32 s10, v14;
	v50 =	vld.idx.msk [tilespmem:v58+s16+$0x0], $0xffff  }
0x32e: {  	v48 =	vor.u32 s11, v14;
	[tilespmem:v3+s31+$0x0] =	vst.idx.msk $0xffff, v52;
	v7 =	vld.idx.msk [tilespmem:v7+s16+$0x0], $0xffff  }
0x32f: {  	v3 =	vor.u32 s12, v28;
	[tilespmem:v59+s31+$0x0] =	vst.idx.msk $0xffff, v42;
	v57 =	vld.idx.msk [tilespmem:v46+s16+$0x0], $0xffff  }
0x330: {  	v58 =	vor.u32 s22, v28;
	v9 =	vld.idx.msk [tilespmem:v9+s16+$0x0], $0xffff;
	[tilespmem:v61+s31+$0x0] =	vst.idx.msk $0xffff, v44  }
0x331: {  	[tilespmem:v45+s31+$0x0] =	vst.idx.msk $0xffff, v5;
	v5 =	vor.u32 s21, v14;
	v46 =	vld.idx.msk [tilespmem:v47+s16+$0x0], $0xffff  }
0x332: {  	v0 =	vor.u32 v37, v51;
	v47 =	vor.u32 s23, v32;
	v61 =	vld.idx.msk [tilespmem:v40+s16+$0x0], $0xffff;
	[tilespmem:v49+s31+$0x0] =	vst.idx.msk $0xffff, v43  }
0x333: {  	[tilespmem:v48+s31+$0x0] =	vst.idx.msk $0xffff, v50  }
0x334: {  	v53 =	vor.u32 s0, v60;
	[tilespmem:v3+s31+$0x0] =	vst.idx.msk $0xffff, v7  }
0x335: {  	v41 =	vor.u32 v38, v54;
	v38 =	vor.u32 v36, v53;
	[tilespmem:v58+s31+$0x0] =	vst.idx.msk $0xffff, v57  }
0x336: {  	v52 =	vor.u32 v33, v53;
	[tilespmem:v5+s31+$0x0] =	vst.idx.msk $0xffff, v9  }
0x337: {  	v59 =	vor.u32 v39, v51;
	v42 =	vor.u32 v37, v54;
	v37 =	vld.idx.msk [tilespmem:v0+s16+$0x0], $0xffff;
	[tilespmem:v47+s31+$0x0] =	vst.idx.msk $0xffff, v61  }
0x338: {  	v31 =	vmov v60;
	v55 =	vor.u32 s10, v17;
	v60 =	vor.u32 v35, v53;
	v0 =	vld [tilespmem:$0x1FF90]  }
0x339: {  	v51 =	vor.u32 v34, v53;
	v39 =	vor.u32 v39, v54;
	v45 =	vor.u32 s12, v30  }
0x33a: {  	v44 =	vor.u32 s5, v32;
	v40 =	vor.u32 s22, v32;
	v56 =	vld.idx.msk [tilespmem:v38+s16+$0x0], $0xffff;
	v3 =	vor.u32 s0, v19  }
0x33b: {  	v48 =	vor.u32 s5, v30;
	v43 =	vor.u32 s12, v32;
	v52 =	vld.idx.msk [tilespmem:v52+s16+$0x0], $0xffff;
	v54 =	vor.u32 v33, v3  }
0x33c: {  	v58 =	vor.u32 s11, v17;
	v57 =	vor.u32 v36, v3;
	v53 =	vor.u32 v35, v3;
	v38 =	vld.idx.msk [tilespmem:v59+s16+$0x0], $0xffff  }
0x33d: {  	v16 =	vmovc v19;
	s5 =	simm.s32 $0x4;
	s12 =	simm.s32 $0x80;
	v50 =	vor.u32 v34, v3;
	v59 =	vld.idx.msk [tilespmem:v60+s16+$0x0], $0xffff;
	v47 =	vor.u32 s22, v30;
	v19 =	vmovc v0;
	v49 =	vor.u32 s0, v0  }
.LBB2_7:
0x33e: {  	_ =	sdelay $0x1  }
0x33f: {  	s2 =	sand.u32 $0x40, s12;
	v0 =	vor.u32 s10, v18;
	v3 =	vld.idx.msk [tilespmem:v51+s16+$0x0], $0xffff;
	[tilespmem:v48+s31+$0x0] =	vst.idx.msk $0xffff, v46;
	v48 =	vor.u32 s21, v17  }
0x340: {  	s5 =	sadd.s32 $0x4, s5;
	v5 =	vor.u32 s11, v18;
	v7 =	vor.u32 v36, v49;
	v9 =	vmov s2;
	s19 =	sor.u32 $0x10, s2;
	s30 =	sor.u32 $0x30, s2;
	[tilespmem:v55+s31+$0x0] =	vst.idx.msk $0xffff, v52;
	v51 =	vld.idx.msk [tilespmem:v41+s16+$0x0], $0xffff  }
0x341: {  	s17 =	sshrl.u32 s5, $0x3;
	v9 =	vshll.u32 v9, $0x5;
	v61 =	vmov s19;
	v60 =	vmov s30;
	v54 =	vld.idx.msk [tilespmem:v54+s16+$0x0], $0xffff;
	[tilespmem:v58+s31+$0x0] =	vst.idx.msk $0xffff, v56  }
0x342: {  	s24 =	sshll.u32 s17, $0x4;
	v46 =	vor.u32 v33, v49;
	v41 =	vshll.u32 v61, $0x5;
	v58 =	vlaneseq.u32;
	[tilespmem:v47+s31+$0x0] =	vst.idx.msk $0xffff, v38;
	v56 =	vld.idx.msk [tilespmem:v57+s16+$0x0], $0xffff  }
0x343: {  	s26 =	sor.u32 $0x20, s2;
	v52 =	vshll.u32 v60, $0x5;
	[tilespmem:v45+s31+$0x0] =	vst.idx.msk $0xffff, v37;
	v60 =	vor.u32 s24, v58;
	v37 =	vor.u32 v1, v41;
	v57 =	vld.idx.msk [tilespmem:v39+s16+$0x0], $0xffff  }
0x344: {  	v61 =	vmov s26;
	v38 =	vor.u32 v1, v9;
	v42 =	vld.idx.msk [tilespmem:v42+s16+$0x0], $0xffff;
	v9 =	vor.u32 v37, v60;
	[tilespmem:v48+s31+$0x0] =	vst.idx.msk $0xffff, v59  }
0x345: {  	v41 =	vor.u32 v1, v52;
	v61 =	vshll.u32 v61, $0x5;
	v58 =	vor.u32 v38, v60;
	v59 =	vld [tilespmem:$0x1FF40];
	[tilespmem:v44+s31+$0x0] =	vst.idx.msk $0xffff, v51  }
0x346: {  	v39 =	vor.u32 v1, v61;
	v45 =	vor.u32 v41, v60;
	v48 =	vld.idx.msk [tilespmem:v53+s16+$0x0], $0xffff;
	[tilespmem:v0+s31+$0x0] =	vst.idx.msk $0xffff, v54  }
0x347: {  	v47 =	vor.u32 v39, v60;
	v0 =	vor.u32 s15, v17;
	v60 =	vld.idx.msk [tilespmem:v46+s16+$0x0], $0xffff;
	[tilespmem:v5+s31+$0x0] =	vst.idx.msk $0xffff, v56  }
0x348: {  	v5 =	vor.u32 s21, v18;
	v7 =	vld.idx.msk [tilespmem:v7+s16+$0x0], $0xffff  }
0x349: {  	s17 =	sshll.u32 s17, $0xB;
	v61 =	vor.u32 s10, v20;
	v9 =	vld.idx.msk [tilespmem:v9+s16+$0x0], $0xffff  }
0x34a: {  	s22 =	sor.u32 s17, s19;
	v51 =	vor.u32 s0, v15;
	v53 =	vor.u32 s11, v20;
	v54 =	vor.u32 v35, v49;
	[tilespmem:v40+s31+$0x0] =	vst.idx.msk $0xffff, v57;
	v40 =	vld.idx.msk [tilespmem:v58+s16+$0x0], $0xffff  }
0x34b: {  	s23 =	sor.u32 s2, s17;
	v55 =	vor.u32 s22, v2;
	v56 =	vor.u32 v36, v51;
	[tilespmem:v43+s31+$0x0] =	vst.idx.msk $0xffff, v42;
	v58 =	vld [tilespmem:$0x1FF50];
	v52 =	vor.u32 s24, v59  }
0x34c: {  	s26 =	sor.u32 s17, s26;
	v42 =	vor.u32 s23, v2;
	v47 =	vld.idx.msk [tilespmem:v47+s16+$0x0], $0xffff;
	v43 =	vor.u32 v37, v52;
	[tilespmem:v0+s31+$0x0] =	vst.idx.msk $0xffff, v3  }
0x34d: {  	v44 =	vor.u32 s15, v18;
	v57 =	vor.u32 s26, v2;
	v0 =	vor.u32 v38, v52;
	v50 =	vld.idx.msk [tilespmem:v50+s16+$0x0], $0xffff;
	[tilespmem:v5+s31+$0x0] =	vst.idx.msk $0xffff, v48  }
0x34e: {  	s30 =	sor.u32 s17, s30;
	v3 =	vor.u32 v41, v52;
	v5 =	vor.u32 v39, v52;
	[tilespmem:v61+s31+$0x0] =	vst.idx.msk $0xffff, v60;
	v45 =	vld.idx.msk [tilespmem:v45+s16+$0x0], $0xffff  }
0x34f: {  	v60 =	vor.u32 s30, v2;
	v61 =	vor.u32 v34, v49;
	[tilespmem:v53+s31+$0x0] =	vst.idx.msk $0xffff, v7;
	v7 =	vld.idx.msk [tilespmem:v54+s16+$0x0], $0xffff  }
0x350: {  	v49 =	vor.u32 s21, v20;
	v52 =	vor.u32 v35, v51;
	[tilespmem:v55+s31+$0x0] =	vst.idx.msk $0xffff, v9;
	v9 =	vld.idx.msk [tilespmem:v56+s16+$0x0], $0xffff  }
0x351: {  	[tilespmem:v42+s31+$0x0] =	vst.idx.msk $0xffff, v40;
	v42 =	vor.u32 v33, v51;
	v53 =	vor.u32 s11, v22;
	v40 =	vld.idx.msk [tilespmem:v43+s16+$0x0], $0xffff;
	v43 =	vor.u32 s0, v25  }
0x352: {  	v54 =	vor.u32 s24, v58;
	v55 =	vor.u32 s22, v4;
	[tilespmem:v57+s31+$0x0] =	vst.idx.msk $0xffff, v47;
	v0 =	vld.idx.msk [tilespmem:v0+s16+$0x0], $0xffff;
	v47 =	vor.u32 v36, v43  }
0x353: {  	v56 =	vor.u32 s23, v4;
	v57 =	vor.u32 v37, v54;
	v5 =	vld.idx.msk [tilespmem:v5+s16+$0x0], $0xffff;
	[tilespmem:v44+s31+$0x0] =	vst.idx.msk $0xffff, v50  }
0x354: {  	v59 =	vor.u32 v38, v54;
	v50 =	vor.u32 s26, v4;
	[tilespmem:v60+s31+$0x0] =	vst.idx.msk $0xffff, v45;
	v45 =	vld.idx.msk [tilespmem:v61+s16+$0x0], $0xffff  }
0x355: {  	v60 =	vor.u32 s15, v20;
	v61 =	vor.u32 v39, v54;
	v3 =	vld.idx.msk [tilespmem:v3+s16+$0x0], $0xffff;
	[tilespmem:v49+s31+$0x0] =	vst.idx.msk $0xffff, v7  }
0x356: {  	v7 =	vor.u32 s30, v4;
	v49 =	vor.u32 v34, v51;
	[tilespmem:v53+s31+$0x0] =	vst.idx.msk $0xffff, v9;
	v9 =	vld.idx.msk [tilespmem:v52+s16+$0x0], $0xffff  }
0x357: {  	v54 =	vor.u32 v41, v54;
	[tilespmem:v55+s31+$0x0] =	vst.idx.msk $0xffff, v40;
	v40 =	vld.idx.msk [tilespmem:v47+s16+$0x0], $0xffff;
	v47 =	vor.u32 s21, v22  }
0x358: {  	v51 =	vor.u32 v35, v43;
	v52 =	vor.u32 s0, v62;
	[tilespmem:v56+s31+$0x0] =	vst.idx.msk $0xffff, v0;
	v55 =	vor.u32 s11, v24;
	v0 =	vld.idx.msk [tilespmem:v57+s16+$0x0], $0xffff  }
0x359: {  	v56 =	vor.u32 s24, v21;
	v44 =	vld.idx.msk [tilespmem:v59+s16+$0x0], $0xffff;
	v57 =	vor.u32 s22, v6;
	[tilespmem:v50+s31+$0x0] =	vst.idx.msk $0xffff, v5;
	v5 =	vor.u32 v36, v52  }
0x35a: {  	v50 =	vor.u32 s23, v6;
	v62 =	vor.u32 v37, v56;
	v48 =	vld.idx.msk [tilespmem:v61+s16+$0x0], $0xffff;
	[tilespmem:v60+s31+$0x0] =	vst.idx.msk $0xffff, v45  }
0x35b: {  	v60 =	vor.u32 v38, v56;
	v61 =	vor.u32 s26, v6;
	[tilespmem:v7+s31+$0x0] =	vst.idx.msk $0xffff, v3;
	v7 =	vld.idx.msk [tilespmem:v49+s16+$0x0], $0xffff  }
0x35c: {  	v45 =	vor.u32 s15, v22;
	v49 =	vor.u32 v39, v56;
	v54 =	vld.idx.msk [tilespmem:v54+s16+$0x0], $0xffff;
	[tilespmem:v47+s31+$0x0] =	vst.idx.msk $0xffff, v9  }
0x35d: {  	v53 =	vor.u32 v34, v43;
	v9 =	vor.u32 s30, v6;
	[tilespmem:v55+s31+$0x0] =	vst.idx.msk $0xffff, v40;
	v40 =	vld.idx.msk [tilespmem:v51+s16+$0x0], $0xffff  }
0x35e: {  	v56 =	vor.u32 v41, v56;
	[tilespmem:v57+s31+$0x0] =	vst.idx.msk $0xffff, v0;
	v0 =	vld.idx.msk [tilespmem:v5+s16+$0x0], $0xffff;
	v5 =	vor.u32 s21, v24  }
0x35f: {  	v47 =	vor.u32 v35, v52;
	[tilespmem:v50+s31+$0x0] =	vst.idx.msk $0xffff, v44;
	v55 =	vor.u32 s11, v26;
	v44 =	vld.idx.msk [tilespmem:v62+s16+$0x0], $0xffff;
	v51 =	vor.u32 s0, v63  }
0x360: {  	v58 =	vor.u32 s22, v8;
	v57 =	vor.u32 s24, v27;
	v46 =	vld.idx.msk [tilespmem:v60+s16+$0x0], $0xffff;
	[tilespmem:v61+s31+$0x0] =	vst.idx.msk $0xffff, v48;
	v48 =	vor.u32 v36, v51  }
0x361: {  	v59 =	vor.u32 s23, v8;
	v60 =	vor.u32 v37, v57;
	v49 =	vld.idx.msk [tilespmem:v49+s16+$0x0], $0xffff;
	[tilespmem:v45+s31+$0x0] =	vst.idx.msk $0xffff, v7  }
0x362: {  	v62 =	vor.u32 s26, v8;
	v7 =	vor.u32 v38, v57;
	[tilespmem:v9+s31+$0x0] =	vst.idx.msk $0xffff, v54;
	v9 =	vld.idx.msk [tilespmem:v42+s16+$0x0], $0xffff  }
0x363: {  	v43 =	vor.u32 v33, v43;
	v3 =	vor.u32 s10, v22;
	v56 =	vld.idx.msk [tilespmem:v56+s16+$0x0], $0xffff;
	[tilespmem:v5+s31+$0x0] =	vst.idx.msk $0xffff, v40  }
0x364: {  	v54 =	vor.u32 v39, v57;
	v5 =	vor.u32 s30, v8;
	[tilespmem:v55+s31+$0x0] =	vst.idx.msk $0xffff, v0;
	v0 =	vld.idx.msk [tilespmem:v47+s16+$0x0], $0xffff  }
0x365: {  	v50 =	vor.u32 v33, v52;
	[tilespmem:v58+s31+$0x0] =	vst.idx.msk $0xffff, v44;
	v47 =	vld.idx.msk [tilespmem:v48+s16+$0x0], $0xffff;
	v48 =	vor.u32 s21, v26  }
0x366: {  	v57 =	vor.u32 v41, v57;
	[tilespmem:v59+s31+$0x0] =	vst.idx.msk $0xffff, v46;
	v55 =	vor.u32 s11, v28;
	v46 =	vld.idx.msk [tilespmem:v60+s16+$0x0], $0xffff  }
0x367: {  	v40 =	vor.u32 v35, v51;
	v58 =	vor.u32 s24, v23;
	v7 =	vld.idx.msk [tilespmem:v7+s16+$0x0], $0xffff;
	v60 =	vor.u32 s22, v10;
	[tilespmem:v62+s31+$0x0] =	vst.idx.msk $0xffff, v49  }
0x368: {  	v61 =	vor.u32 s23, v10;
	v62 =	vor.u32 v37, v58;
	v53 =	vld.idx.msk [tilespmem:v53+s16+$0x0], $0xffff;
	[tilespmem:v3+s31+$0x0] =	vst.idx.msk $0xffff, v9  }
0x369: {  	v42 =	vor.u32 s10, v24;
	v54 =	vld.idx.msk [tilespmem:v54+s16+$0x0], $0xffff;
	v3 =	vor.u32 v38, v58;
	v9 =	vor.u32 s26, v10;
	[tilespmem:v5+s31+$0x0] =	vst.idx.msk $0xffff, v56  }
0x36a: {  	v44 =	vor.u32 v34, v52;
	v5 =	vld.idx.msk [tilespmem:v43+s16+$0x0], $0xffff;
	v56 =	vor.u32 v39, v58;
	[tilespmem:v48+s31+$0x0] =	vst.idx.msk $0xffff, v0  }
0x36b: {  	v52 =	vor.u32 v33, v51;
	v48 =	vor.u32 s15, v24;
	[tilespmem:v55+s31+$0x0] =	vst.idx.msk $0xffff, v47;
	v0 =	vld.idx.msk [tilespmem:v57+s16+$0x0], $0xffff  }
0x36c: {  	v49 =	vor.u32 v34, v51;
	[tilespmem:v60+s31+$0x0] =	vst.idx.msk $0xffff, v46;
	v46 =	vor.u32 s30, v10;
	v40 =	vld.idx.msk [tilespmem:v40+s16+$0x0], $0xffff  }
0x36d: {  	v45 =	vor.u32 s0, v11;
	v58 =	vor.u32 v41, v58;
	[tilespmem:v61+s31+$0x0] =	vst.idx.msk $0xffff, v7;
	v47 =	vor.u32 s21, v28;
	v7 =	vld.idx.msk [tilespmem:v62+s16+$0x0], $0xffff  }
0x36e: {  	v51 =	vor.u32 s24, v29;
	v60 =	vor.u32 s22, v12;
	v3 =	vld.idx.msk [tilespmem:v3+s16+$0x0], $0xffff;
	[tilespmem:v9+s31+$0x0] =	vst.idx.msk $0xffff, v54;
	v9 =	vor.u32 v35, v45  }
0x36f: {  	v61 =	vor.u32 s23, v12;
	v62 =	vor.u32 v37, v51;
	v56 =	vld.idx.msk [tilespmem:v56+s16+$0x0], $0xffff;
	[tilespmem:v42+s31+$0x0] =	vst.idx.msk $0xffff, v5  }
0x370: {  	v5 =	vor.u32 v38, v51;
	v42 =	vor.u32 s26, v12;
	v50 =	vld.idx.msk [tilespmem:v50+s16+$0x0], $0xffff;
	[tilespmem:v48+s31+$0x0] =	vst.idx.msk $0xffff, v53  }
0x371: {  	v43 =	vor.u32 s10, v26;
	v48 =	vor.u32 v39, v51;
	[tilespmem:v46+s31+$0x0] =	vst.idx.msk $0xffff, v0;
	v44 =	vld.idx.msk [tilespmem:v44+s16+$0x0], $0xffff  }
0x372: {  	v0 =	vor.u32 v41, v51;
	v51 =	vor.u32 s15, v26;
	v46 =	vld.idx.msk [tilespmem:v58+s16+$0x0], $0xffff;
	[tilespmem:v47+s31+$0x0] =	vst.idx.msk $0xffff, v40  }
0x373: {  	[tilespmem:v60+s31+$0x0] =	vst.idx.msk $0xffff, v7;
	v7 =	vor.u32 s30, v12;
	v9 =	vld.idx.msk [tilespmem:v9+s16+$0x0], $0xffff  }
0x374: {  	v54 =	vor.u32 s21, v30;
	v53 =	vor.u32 v33, v45;
	[tilespmem:v61+s31+$0x0] =	vst.idx.msk $0xffff, v3;
	v3 =	vld.idx.msk [tilespmem:v62+s16+$0x0], $0xffff  }
0x375: {  	v55 =	vor.u32 s22, v14;
	v40 =	vor.u32 v36, v45;
	v47 =	vor.u32 s0, v13;
	s0 =	smov.u32 s24;
	v5 =	vld.idx.msk [tilespmem:v5+s16+$0x0], $0xffff;
	[tilespmem:v42+s31+$0x0] =	vst.idx.msk $0xffff, v56  }
0x376: {  	v57 =	vor.u32 s23, v14;
	v56 =	vor.u32 v35, v47;
	v42 =	vor.u32 s0, v31;
	v48 =	vld.idx.msk [tilespmem:v48+s16+$0x0], $0xffff;
	[tilespmem:v43+s31+$0x0] =	vst.idx.msk $0xffff, v50  }
0x377: {  	v59 =	vor.u32 s10, v28;
	v43 =	vor.u32 v38, v42;
	v50 =	vor.u32 s26, v14;
	v58 =	vld.idx.msk [tilespmem:v52+s16+$0x0], $0xffff;
	[tilespmem:v51+s31+$0x0] =	vst.idx.msk $0xffff, v44  }
0x378: {  	v60 =	vor.u32 v34, v45;
	v61 =	vor.u32 v39, v42;
	[tilespmem:v7+s31+$0x0] =	vst.idx.msk $0xffff, v46;
	v49 =	vld.idx.msk [tilespmem:v49+s16+$0x0], $0xffff  }
0x379: {  	v35 =	vmov v41;
	v41 =	vor.u32 v36, v47;
	v0 =	vld.idx.msk [tilespmem:v0+s16+$0x0], $0xffff;
	[tilespmem:v54+s31+$0x0] =	vst.idx.msk $0xffff, v9  }
0x37a: {  	v62 =	vor.u32 s15, v28;
	v36 =	vmov v39;
	v39 =	vor.u32 v34, v47;
	v46 =	vld.idx.msk [tilespmem:v40+s16+$0x0], $0xffff;
	[tilespmem:v55+s31+$0x0] =	vst.idx.msk $0xffff, v3  }
0x37b: {  	v51 =	vor.u32 v37, v42;
	v3 =	vor.u32 s30, v14;
	v9 =	vld.idx.msk [tilespmem:v56+s16+$0x0], $0xffff;
	[tilespmem:v57+s31+$0x0] =	vst.idx.msk $0xffff, v5  }
0x37c: {  	p2 =	slt.u32 s5, $0xC;
	v7 =	vor.u32 v35, v42;
	v5 =	vor.u32 s21, v32;
	v52 =	vld.idx.msk [tilespmem:v43+s16+$0x0], $0xffff;
	[tilespmem:v50+s31+$0x0] =	vst.idx.msk $0xffff, v48  }
.Ltmp4:
0x37d: {  	v45 =	vor.u32 s10, v30;
	v44 =	vor.u32 s11, v32;
	v42 =	vor.u32 v33, v47;
	v56 =	vld.idx.msk [tilespmem:v61+s16+$0x0], $0xffff;
	[tilespmem:v59+s31+$0x0] =	vst.idx.msk $0xffff, v58;
	(pc) =	sbr.rel @p2 .LBB2_7-.Ltmp4, $4  }
0x37e: {  	v34 =	vmovc v37;
	v33 =	vmovc v38;
	v40 =	vor.u32 s15, v32;
	v47 =	vor.u32 s0, v16;
	v55 =	vor.u32 s23, v17;
	v37 =	vld.idx.msk [tilespmem:v53+s16+$0x0], $0xffff  }
0x37f: {  	v54 =	vor.u32 v33, v47;
	v57 =	vor.u32 v36, v47;
	v48 =	vor.u32 s11, v30;
	s11 =	smov.u32 s26;
	[tilespmem:v62+s31+$0x0] =	vst.idx.msk $0xffff, v49;
	v62 =	vld [tilespmem:$0x1FF30]  }
0x380: {  	s12 =	sadd.s32 $0x40, s12;
	v43 =	vor.u32 s10, v32;
	v50 =	vor.u32 v34, v47;
	v58 =	vor.u32 s11, v17;
	[tilespmem:v3+s31+$0x0] =	vst.idx.msk $0xffff, v0;
	v38 =	vld.idx.msk [tilespmem:v60+s16+$0x0], $0xffff  }
0x381: {  	s21 =	smov.u32 s30;
	s10 =	smov.u32 s23;
	v53 =	vor.u32 v35, v47;
	v49 =	vor.u32 s0, v19;
	v47 =	vor.u32 s15, v30;
	s15 =	smov.u32 s22;
	v59 =	vld.idx.msk [tilespmem:v7+s16+$0x0], $0xffff;
	[tilespmem:v5+s31+$0x0] =	vst.idx.msk $0xffff, v9  }
0x382: {  	_ =	sdelay $0x1  }
0x383: {  	v0 =	vor.u32 s21, v17;
	_ =	sdelay $0x1  }
0x384: {  	v3 =	vld.idx.msk [tilespmem:v51+s16+$0x0], $0xffff;
	v5 =	vor.u32 s15, v17;
	_ =	sdelay $0x2  }
0x385: {  	[tilespmem:v0+s31+$0x0] =	vst.idx.msk $0xffff, v59  }
0x386: {  	[tilespmem:v58+s31+$0x0] =	vst.idx.msk $0xffff, v56;
	v7 =	vor.u32 s21, v18;
	v0 =	vld.idx.msk [tilespmem:v53+s16+$0x0], $0xffff  }
0x387: {  	v9 =	vor.u32 s11, v18;
	v58 =	vor.u32 v35, v49;
	v57 =	vld.idx.msk [tilespmem:v57+s16+$0x0], $0xffff;
	[tilespmem:v5+s31+$0x0] =	vst.idx.msk $0xffff, v3  }
0x388: {  	[tilespmem:v55+s31+$0x0] =	vst.idx.msk $0xffff, v52;
	v3 =	vor.u32 v36, v49;
	v59 =	vor.u32 s15, v18;
	v5 =	vld.idx.msk [tilespmem:v50+s16+$0x0], $0xffff  }
0x389: {  	v60 =	vor.u32 s10, v18;
	v61 =	vor.u32 v34, v49;
	v54 =	vld.idx.msk [tilespmem:v54+s16+$0x0], $0xffff  }
0x38a: {  	v56 =	vor.u32 v33, v49  }
0x38b: {  	[tilespmem:v7+s31+$0x0] =	vst.idx.msk $0xffff, v0  }
0x38c: {  	[tilespmem:v9+s31+$0x0] =	vst.idx.msk $0xffff, v57;
	v9 =	vor.u32 s21, v20;
	v0 =	vor.u32 s0, v15;
	v7 =	vld.idx.msk [tilespmem:v58+s16+$0x0], $0xffff  }
0x38d: {  	v57 =	vor.u32 s11, v20;
	v3 =	vld.idx.msk [tilespmem:v3+s16+$0x0], $0xffff;
	[tilespmem:v59+s31+$0x0] =	vst.idx.msk $0xffff, v5;
	v58 =	vor.u32 v35, v0  }
0x38e: {  	[tilespmem:v60+s31+$0x0] =	vst.idx.msk $0xffff, v54;
	v59 =	vor.u32 s15, v20;
	v5 =	vor.u32 v36, v0;
	v50 =	vld.idx.msk [tilespmem:v61+s16+$0x0], $0xffff  }
0x38f: {  	v60 =	vor.u32 s10, v20;
	v49 =	vld.idx.msk [tilespmem:v56+s16+$0x0], $0xffff;
	v61 =	vor.u32 v34, v0  }
0x390: {  	v0 =	vor.u32 v33, v0  }
0x391: {  	[tilespmem:v9+s31+$0x0] =	vst.idx.msk $0xffff, v7  }
0x392: {  	[tilespmem:v57+s31+$0x0] =	vst.idx.msk $0xffff, v3;
	v3 =	vor.u32 s0, v25;
	v9 =	vor.u32 s21, v22;
	v7 =	vld.idx.msk [tilespmem:v58+s16+$0x0], $0xffff  }
0x393: {  	v51 =	vor.u32 s11, v22;
	v57 =	vor.u32 v35, v3;
	v5 =	vld.idx.msk [tilespmem:v5+s16+$0x0], $0xffff;
	[tilespmem:v59+s31+$0x0] =	vst.idx.msk $0xffff, v50  }
0x394: {  	[tilespmem:v60+s31+$0x0] =	vst.idx.msk $0xffff, v49;
	v59 =	vor.u32 s15, v22;
	v58 =	vor.u32 v36, v3;
	v52 =	vld.idx.msk [tilespmem:v61+s16+$0x0], $0xffff  }
0x395: {  	v60 =	vor.u32 v34, v3;
	v0 =	vld.idx.msk [tilespmem:v0+s16+$0x0], $0xffff;
	v61 =	vor.u32 s10, v22  }
0x396: {  	v3 =	vor.u32 v33, v3  }
0x397: {  	[tilespmem:v9+s31+$0x0] =	vst.idx.msk $0xffff, v7  }
0x398: {  	[tilespmem:v51+s31+$0x0] =	vst.idx.msk $0xffff, v5;
	v5 =	vor.u32 s0, v62;
	v9 =	vor.u32 s21, v24;
	v7 =	vld.idx.msk [tilespmem:v57+s16+$0x0], $0xffff  }
0x399: {  	v49 =	vld.idx.msk [tilespmem:v58+s16+$0x0], $0xffff;
	v58 =	vor.u32 v35, v5;
	[tilespmem:v59+s31+$0x0] =	vst.idx.msk $0xffff, v52;
	v57 =	vor.u32 s11, v24  }
0x39a: {  	v59 =	vor.u32 v36, v5;
	[tilespmem:v61+s31+$0x0] =	vst.idx.msk $0xffff, v0;
	v52 =	vor.u32 s15, v24;
	v0 =	vld.idx.msk [tilespmem:v60+s16+$0x0], $0xffff  }
0x39b: {  	v61 =	vor.u32 v34, v5;
	v60 =	vor.u32 s10, v24;
	v3 =	vld.idx.msk [tilespmem:v3+s16+$0x0], $0xffff  }
0x39c: {  	v5 =	vor.u32 v33, v5  }
0x39d: {  	[tilespmem:v9+s31+$0x0] =	vst.idx.msk $0xffff, v7  }
0x39e: {  	[tilespmem:v57+s31+$0x0] =	vst.idx.msk $0xffff, v49;
	v7 =	vor.u32 s0, v63;
	v57 =	vor.u32 s21, v26;
	v9 =	vld.idx.msk [tilespmem:v58+s16+$0x0], $0xffff  }
0x39f: {  	[tilespmem:v52+s31+$0x0] =	vst.idx.msk $0xffff, v0;
	v50 =	vld.idx.msk [tilespmem:v59+s16+$0x0], $0xffff;
	v58 =	vor.u32 s11, v26;
	v59 =	vor.u32 v35, v7  }
0x3a0: {  	[tilespmem:v60+s31+$0x0] =	vst.idx.msk $0xffff, v3;
	v52 =	vor.u32 s15, v26;
	v0 =	vor.u32 v36, v7;
	v3 =	vld.idx.msk [tilespmem:v61+s16+$0x0], $0xffff  }
0x3a1: {  	v60 =	vor.u32 v34, v7;
	v61 =	vor.u32 s10, v26;
	v5 =	vld.idx.msk [tilespmem:v5+s16+$0x0], $0xffff  }
0x3a2: {  	v7 =	vor.u32 v33, v7  }
0x3a3: {  	[tilespmem:v57+s31+$0x0] =	vst.idx.msk $0xffff, v9  }
0x3a4: {  	v56 =	vor.u32 s0, v11;
	[tilespmem:v58+s31+$0x0] =	vst.idx.msk $0xffff, v50;
	v57 =	vor.u32 s21, v28;
	v9 =	vld.idx.msk [tilespmem:v59+s16+$0x0], $0xffff  }
0x3a5: {  	v58 =	vor.u32 s11, v28;
	[tilespmem:v52+s31+$0x0] =	vst.idx.msk $0xffff, v3;
	v0 =	vld.idx.msk [tilespmem:v0+s16+$0x0], $0xffff;
	v59 =	vor.u32 v35, v56  }
0x3a6: {  	v3 =	vor.u32 v36, v56;
	[tilespmem:v61+s31+$0x0] =	vst.idx.msk $0xffff, v5;
	v5 =	vld.idx.msk [tilespmem:v60+s16+$0x0], $0xffff;
	v60 =	vor.u32 s15, v28  }
0x3a7: {  	[tilespmem:v48+s31+$0x0] =	vst.idx.msk $0xffff, v46;
	v54 =	vor.u32 v34, v56;
	v61 =	vor.u32 s10, v28;
	v7 =	vld.idx.msk [tilespmem:v7+s16+$0x0], $0xffff  }
0x3a8: {  	[tilespmem:v45+s31+$0x0] =	vst.idx.msk $0xffff, v37;
	v55 =	vor.u32 v33, v56  }
0x3a9: {  	v41 =	vld.idx.msk [tilespmem:v41+s16+$0x0], $0xffff;
	[tilespmem:v57+s31+$0x0] =	vst.idx.msk $0xffff, v9  }
0x3aa: {  	v56 =	vor.u32 s21, v30;
	[tilespmem:v58+s31+$0x0] =	vst.idx.msk $0xffff, v0;
	v9 =	vor.u32 s0, v13;
	v0 =	vld.idx.msk [tilespmem:v59+s16+$0x0], $0xffff  }
0x3ab: {  	v58 =	vor.u32 s11, v30;
	[tilespmem:v60+s31+$0x0] =	vst.idx.msk $0xffff, v5;
	v57 =	vor.u32 v35, v9;
	v3 =	vld.idx.msk [tilespmem:v3+s16+$0x0], $0xffff  }
0x3ac: {  	[tilespmem:v61+s31+$0x0] =	vst.idx.msk $0xffff, v7;
	v5 =	vor.u32 v36, v9;
	v7 =	vld.idx.msk [tilespmem:v54+s16+$0x0], $0xffff;
	v59 =	vor.u32 s15, v30  }
0x3ad: {  	[tilespmem:v47+s31+$0x0] =	vst.idx.msk $0xffff, v38;
	v60 =	vor.u32 s10, v30;
	v61 =	vor.u32 v34, v9;
	v37 =	vld.idx.msk [tilespmem:v55+s16+$0x0], $0xffff  }
0x3ae: {  	v39 =	vld.idx.msk [tilespmem:v39+s16+$0x0], $0xffff;
	[tilespmem:v44+s31+$0x0] =	vst.idx.msk $0xffff, v41;
	v9 =	vor.u32 v33, v9  }
0x3af: {  	v44 =	vld.idx.msk [tilespmem:v42+s16+$0x0], $0xffff;
	[tilespmem:v56+s31+$0x0] =	vst.idx.msk $0xffff, v0  }
0x3b0: {  	v46 =	vor.u32 s21, v32;
	[tilespmem:v58+s31+$0x0] =	vst.idx.msk $0xffff, v3;
	v0 =	vld.idx.msk [tilespmem:v57+s16+$0x0], $0xffff  }
0x3b1: {  	v3 =	vor.u32 s11, v32;
	[tilespmem:v59+s31+$0x0] =	vst.idx.msk $0xffff, v7;
	v5 =	vld.idx.msk [tilespmem:v5+s16+$0x0], $0xffff  }
0x3b2: {  	v7 =	vor.u32 s15, v32;
	[tilespmem:v60+s31+$0x0] =	vst.idx.msk $0xffff, v37;
	v34 =	vld.idx.msk [tilespmem:v61+s16+$0x0], $0xffff  }
0x3b3: {  	v47 =	vor.u32 s10, v32;
	[tilespmem:v40+s31+$0x0] =	vst.idx.msk $0xffff, v39;
	v9 =	vld.idx.msk [tilespmem:v9+s16+$0x0], $0xffff  }
0x3b4: {  	[tilespmem:v43+s31+$0x0] =	vst.idx.msk $0xffff, v44  }
0x3b5: {  	[tilespmem:v46+s31+$0x0] =	vst.idx.msk $0xffff, v0  }
0x3b6: {  	[tilespmem:v3+s31+$0x0] =	vst.idx.msk $0xffff, v5  }
0x3b7: {  	s22 =	sor.u32 $0x100, s29;
	s2 =	rddreg [dreg:$0x1];
	[tilespmem:v7+s31+$0x0] =	vst.idx.msk $0xffff, v34  }
0x3b8: {  	s2 =	sadd.s32 s2, s22;
	[tilespmem:v47+s31+$0x0] =	vst.idx.msk $0xffff, v9  }
0x3b9: {  	[hbm4b:s2+s3] =	stream.linear.scatter [tilespmem:s31], [sflag:$0x7], $0x400, $0x38;
	[tilespmem:$0xE400] =	vst v63  }
0x3ba: {  	s5 =	simm.s32 $0xC800;
	s23 =	sadd.s32 s22, s7  }
0x3bb: {  	[hbm4b:s23+s3] =	stream.linear.scatter [tilespmem:s5], [sflag:$0x7], $0x400, $0x38;
	[tilespmem:$0xE400] =	vst v63  }
0x3bc: {  	s26 =	simm.s32 $0xCC00;
	s24 =	sadd.s32 s22, s8  }
0x3bd: {  	[hbm4b:s24+s3] =	stream.linear.scatter [tilespmem:s26], [sflag:$0x7], $0x400, $0x38;
	[tilespmem:$0xE400] =	vst v63  }
0x3be: {  	s30 =	simm.s32 $0xD000;
	s0 =	sadd.s32 s22, s9  }
0x3bf: {  	[hbm4b:s0+s3] =	stream.linear.scatter [tilespmem:s30], [sflag:$0x7], $0x400, $0x38;
	[tilespmem:$0xE400] =	vst v63  }
0x3c0: {  	s2 =	simm.s32 @!p0 $0x8400;
	s0 =	sadd.s32 @!p0 $0x300, s1;
	s1 =	simm.s32 @!p0 $0x80  }
0x3c1: {  	[tilespmem:s2], [sflag:$0x3] =	stream.indirect.gather @!p0 [hbm4b:s4+s1], $0x20, s0, s1, $0xb8;
	[tilespmem:$0xE400] =	vst v63  }
0x3c2: {  	s0 =	simm.s32 @p1 $0x8  }
0x3c3: {  	_ =	swait.ge @p1 [sflag:s0], $0x1000  }
0x3c4: {  	s5 =	simm.s32 $0x0;
	[sflag:s0] =	ssyncset.done @p1 $0x0  }
0x3c5: {  	[sflag:s0] =	ssyncadd.s32 @p1 $0xFFFFF000;
	s0 =	sand.u32 $0x40, s5  }
0x3c6: {  	v0 =	vmov s0  }
0x3c7: {  	v50 =	vlaneseq.u32;
	s23 =	simm.s32 $0x0;
	s10 =	sor.u32 $0x20, s0;
	v0 =	vshll.u32 v0, $0x5  }
0x3c8: {  	v5 =	vor.u32 s23, v50;
	v3 =	vmov s10;
	v37 =	vor.u32 v1, v0  }
0x3c9: {  	v0 =	vshll.u32 v3, $0x5;
	v3 =	vor.u32 v37, v5  }
0x3ca: {  	s12 =	simm.s32 $0x4  }
0x3cb: {  	_ =	swait.ge [sflag:s12], $0x1000  }
0x3cc: {  	s15 =	simm.s32 $0x0;
	[sflag:s12] =	ssyncset.done $0x0;
	v53 =	vld [tilespmem:$0x1FF40];
	v38 =	vor.u32 v1, v0  }
0x3cd: {  	s11 =	sor.u32 $0x30, s0;
	[sflag:s12] =	ssyncadd.s32 $0xFFFFF000;
	s12 =	sor.u32 s0, s15;
	v0 =	vor.u32 v38, v5  }
0x3ce: {  	v7 =	vmov s11;
	v48 =	vor.u32 s12, v2;
	v3 =	vld.idx.msk [tilespmem:v3+s18+$0x0], $0xffff  }
0x3cf: {  	v7 =	vshll.u32 v7, $0x5  }
0x3d0: {  	v40 =	vor.u32 v1, v7  }
0x3d1: {  	s5 =	sor.u32 s15, s10;
	v7 =	vor.u32 v40, v5;
	v9 =	vor.u32 s23, v53  }
0x3d2: {  	s0 =	sor.u32 $0x10, s0;
	v51 =	vor.u32 s5, v2;
	v56 =	vor.u32 v37, v9;
	v0 =	vld.idx.msk [tilespmem:v0+s18+$0x0], $0xffff  }
0x3d3: {  	v49 =	vmov s0;
	[tilespmem:v48+s6+$0x0] =	vst.idx.msk $0xffff, v3  }
0x3d4: {  	v34 =	vshll.u32 v49, $0x5;
	v55 =	vld [tilespmem:$0x1FF50]  }
0x3d5: {  	s22 =	sor.u32 s15, s11;
	v39 =	vor.u32 v1, v34  }
0x3d6: {  	v58 =	vor.u32 s22, v2;
	v5 =	vor.u32 v39, v5;
	v7 =	vld.idx.msk [tilespmem:v7+s18+$0x0], $0xffff  }
0x3d7: {  	v57 =	vor.u32 v38, v9;
	v33 =	vld.idx.msk [tilespmem:v56+s18+$0x0], $0xffff;
	[tilespmem:v51+s6+$0x0] =	vst.idx.msk $0xffff, v0;
	v0 =	vor.u32 s12, v4;
	_ =	sdelay $0x1  }
0x3d8: {  	v3 =	vor.u32 v40, v9;
	v36 =	vor.u32 s23, v55  }
0x3d9: {  	v59 =	vor.u32 v37, v36  }
0x3da: {  	v5 =	vld.idx.msk [tilespmem:v5+s18+$0x0], $0xffff;
	[tilespmem:v58+s6+$0x0] =	vst.idx.msk $0xffff, v7  }
0x3db: {  	v60 =	vor.u32 s5, v4;
	s21 =	sor.u32 s15, s0;
	v35 =	vld.idx.msk [tilespmem:v57+s18+$0x0], $0xffff;
	[tilespmem:v0+s6+$0x0] =	vst.idx.msk $0xffff, v33  }
0x3dc: {  	v48 =	vor.u32 s21, v2;
	v56 =	vld [tilespmem:$0x1FF60]  }
0x3dd: {  	v7 =	vor.u32 s22, v4;
	v3 =	vld.idx.msk [tilespmem:v3+s18+$0x0], $0xffff  }
0x3de: {  	v49 =	vor.u32 s12, v6;
	v61 =	vor.u32 v38, v36;
	v33 =	vld.idx.msk [tilespmem:v59+s18+$0x0], $0xffff;
	_ =	sdelay $0x1  }
0x3df: {  	v9 =	vor.u32 v39, v9;
	[tilespmem:v60+s6+$0x0] =	vst.idx.msk $0xffff, v35  }
0x3e0: {  	v0 =	vor.u32 v40, v36;
	[tilespmem:v48+s6+$0x0] =	vst.idx.msk $0xffff, v5;
	v34 =	vor.u32 s23, v56  }
0x3e1: {  	[tilespmem:v7+s6+$0x0] =	vst.idx.msk $0xffff, v3;
	v52 =	vor.u32 v37, v34  }
0x3e2: {  	v51 =	vld.idx.msk [tilespmem:v61+s18+$0x0], $0xffff;
	[tilespmem:v49+s6+$0x0] =	vst.idx.msk $0xffff, v33  }
0x3e3: {  	v54 =	vor.u32 s5, v6;
	v57 =	vld [tilespmem:$0x1FF70]  }
0x3e4: {  	v60 =	vor.u32 s21, v4;
	v9 =	vld.idx.msk [tilespmem:v9+s18+$0x0], $0xffff;
	v5 =	vor.u32 v38, v34  }
0x3e5: {  	v3 =	vor.u32 s22, v6;
	v0 =	vld.idx.msk [tilespmem:v0+s18+$0x0], $0xffff  }
0x3e6: {  	v36 =	vor.u32 v39, v36;
	v61 =	vor.u32 s12, v8;
	v33 =	vld.idx.msk [tilespmem:v52+s18+$0x0], $0xffff;
	_ =	sdelay $0x1  }
0x3e7: {  	v7 =	vor.u32 v40, v34;
	[tilespmem:v54+s6+$0x0] =	vst.idx.msk $0xffff, v51;
	v35 =	vor.u32 s23, v57  }
0x3e8: {  	v49 =	vor.u32 s5, v8;
	[tilespmem:v60+s6+$0x0] =	vst.idx.msk $0xffff, v9;
	v5 =	vld.idx.msk [tilespmem:v5+s18+$0x0], $0xffff;
	v48 =	vor.u32 v37, v35  }
0x3e9: {  	[tilespmem:v3+s6+$0x0] =	vst.idx.msk $0xffff, v0  }
0x3ea: {  	v36 =	vld.idx.msk [tilespmem:v36+s18+$0x0], $0xffff;
	[tilespmem:v61+s6+$0x0] =	vst.idx.msk $0xffff, v33  }
0x3eb: {  	v51 =	vor.u32 s21, v6;
	v58 =	vld [tilespmem:$0x1FF80]  }
0x3ec: {  	v3 =	vor.u32 s22, v8;
	v0 =	vld.idx.msk [tilespmem:v7+s18+$0x0], $0xffff;
	v9 =	vor.u32 v38, v35  }
0x3ed: {  	[tilespmem:v49+s6+$0x0] =	vst.idx.msk $0xffff, v5;
	v5 =	vor.u32 s12, v10;
	v33 =	vld.idx.msk [tilespmem:v48+s18+$0x0], $0xffff;
	_ =	sdelay $0x1  }
0x3ee: {  	v34 =	vor.u32 v39, v34  }
0x3ef: {  	v7 =	vor.u32 v40, v35;
	[tilespmem:v51+s6+$0x0] =	vst.idx.msk $0xffff, v36;
	v41 =	vor.u32 s23, v58  }
0x3f0: {  	v54 =	vor.u32 s5, v10;
	[tilespmem:v3+s6+$0x0] =	vst.idx.msk $0xffff, v0;
	v9 =	vld.idx.msk [tilespmem:v9+s18+$0x0], $0xffff;
	v52 =	vor.u32 v37, v41  }
0x3f1: {  	v60 =	vor.u32 v38, v41;
	[tilespmem:v5+s6+$0x0] =	vst.idx.msk $0xffff, v33  }
0x3f2: {  	v59 =	vld [tilespmem:$0x1FFA0]  }
0x3f3: {  	v61 =	vor.u32 s21, v8;
	v34 =	vld.idx.msk [tilespmem:v34+s18+$0x0], $0xffff  }
0x3f4: {  	v3 =	vor.u32 s22, v10;
	v0 =	vld.idx.msk [tilespmem:v7+s18+$0x0], $0xffff  }
0x3f5: {  	v35 =	vor.u32 v39, v35;
	v7 =	vld.idx.msk [tilespmem:v52+s18+$0x0], $0xffff;
	[tilespmem:v54+s6+$0x0] =	vst.idx.msk $0xffff, v9;
	v9 =	vor.u32 s12, v12  }
0x3f6: {  	v49 =	vor.u32 s5, v12;
	v5 =	vor.u32 v40, v41;
	v36 =	vld.idx.msk [tilespmem:v60+s18+$0x0], $0xffff  }
0x3f7: {  	v33 =	vor.u32 s23, v59  }
0x3f8: {  	[tilespmem:v61+s6+$0x0] =	vst.idx.msk $0xffff, v34;
	v48 =	vor.u32 v37, v33  }
0x3f9: {  	[tilespmem:v3+s6+$0x0] =	vst.idx.msk $0xffff, v0;
	v51 =	vor.u32 v38, v33  }
0x3fa: {  	v35 =	vld.idx.msk [tilespmem:v35+s18+$0x0], $0xffff;
	[tilespmem:v9+s6+$0x0] =	vst.idx.msk $0xffff, v7  }
0x3fb: {  	v52 =	vor.u32 s21, v10;
	v0 =	vld.idx.msk [tilespmem:v5+s18+$0x0], $0xffff;
	[tilespmem:v49+s6+$0x0] =	vst.idx.msk $0xffff, v36  }
0x3fc: {  	v41 =	vor.u32 v39, v41;
	v3 =	vor.u32 s22, v12;
	v60 =	vld [tilespmem:$0x1FFB0]  }
0x3fd: {  	v9 =	vor.u32 s12, v14;
	v5 =	vor.u32 v40, v33;
	v7 =	vld.idx.msk [tilespmem:v48+s18+$0x0], $0xffff  }
0x3fe: {  	v61 =	vor.u32 s5, v14;
	v34 =	vld.idx.msk [tilespmem:v51+s18+$0x0], $0xffff;
	_ =	sdelay $0x1  }
0x3ff: {  	[tilespmem:v52+s6+$0x0] =	vst.idx.msk $0xffff, v35  }
0x400: {  	v49 =	vor.u32 s21, v12;
	v41 =	vld.idx.msk [tilespmem:v41+s18+$0x0], $0xffff;
	[tilespmem:v3+s6+$0x0] =	vst.idx.msk $0xffff, v0;
	v36 =	vor.u32 s23, v60  }
0x401: {  	v3 =	vor.u32 s22, v14;
	v0 =	vld.idx.msk [tilespmem:v5+s18+$0x0], $0xffff;
	v54 =	vor.u32 v37, v36;
	[tilespmem:v9+s6+$0x0] =	vst.idx.msk $0xffff, v7  }
0x402: {  	[tilespmem:v61+s6+$0x0] =	vst.idx.msk $0xffff, v34  }
0x403: {  	v48 =	vor.u32 v38, v36;
	v19 =	vld [tilespmem:$0x1FFC0]  }
0x404: {  	v33 =	vor.u32 v39, v33  }
0x405: {  	[tilespmem:v49+s6+$0x0] =	vst.idx.msk $0xffff, v41  }
0x406: {  	v5 =	vor.u32 v40, v36;
	[tilespmem:v3+s6+$0x0] =	vst.idx.msk $0xffff, v0;
	v7 =	vld.idx.msk [tilespmem:v54+s18+$0x0], $0xffff  }
0x407: {  	v9 =	vor.u32 s12, v17;
	v0 =	vld [tilespmem:$0x1FF90]  }
0x408: {  	v52 =	vor.u32 s5, v17;
	v35 =	vld.idx.msk [tilespmem:v48+s18+$0x0], $0xffff;
	v51 =	vor.u32 s23, v19  }
0x409: {  	v61 =	vor.u32 s21, v14;
	v33 =	vld.idx.msk [tilespmem:v33+s18+$0x0], $0xffff;
	v42 =	vor.u32 v37, v51  }
0x40a: {  	s17 =	simm.s32 $0x40;
	v54 =	vor.u32 v38, v51  }
0x40b: {  	s19 =	sand.u32 $0x40, s17;
	v47 =	vor.u32 s5, v18;
	v46 =	vor.u32 s12, v18;
	v36 =	vor.u32 v39, v36;
	v5 =	vld.idx.msk [tilespmem:v5+s18+$0x0], $0xffff  }
0x40c: {  	s24 =	sor.u32 $0x10, s19;
	v45 =	vor.u32 v40, v51;
	v0 =	vor.u32 s23, v0;
	v3 =	vor.u32 v39, v51;
	[tilespmem:v9+s6+$0x0] =	vst.idx.msk $0xffff, v7  }
0x40d: {  	s26 =	sor.u32 $0x30, s19;
	s0 =	simm.s32 $0x0;
	v7 =	vor.u32 s22, v17;
	v9 =	vmov s19;
	v51 =	vmov s24;
	[tilespmem:v52+s6+$0x0] =	vst.idx.msk $0xffff, v35  }
0x40e: {  	v52 =	vmov s26;
	[tilespmem:v61+s6+$0x0] =	vst.idx.msk $0xffff, v33;
	v61 =	vor.u32 s0, v50;
	v42 =	vld.idx.msk [tilespmem:v42+s18+$0x0], $0xffff  }
0x40f: {  	s30 =	sor.u32 $0x20, s19;
	v48 =	vor.u32 v38, v0;
	v49 =	vor.u32 v37, v0;
	v34 =	vshll.u32 v51, $0x5;
	v41 =	vld.idx.msk [tilespmem:v54+s18+$0x0], $0xffff  }
0x410: {  	v9 =	vshll.u32 v9, $0x5;
	v34 =	vor.u32 v1, v34;
	v54 =	vmov s30  }
0x411: {  	v50 =	vld.idx.msk [tilespmem:v36+s18+$0x0], $0xffff;
	v33 =	vor.u32 v1, v9;
	v9 =	vor.u32 v34, v61;
	v54 =	vshll.u32 v54, $0x5  }
0x412: {  	v43 =	vor.u32 v33, v61;
	[tilespmem:v7+s6+$0x0] =	vst.idx.msk $0xffff, v5;
	v5 =	vor.u32 s21, v17;
	v36 =	vor.u32 v1, v54  }
0x413: {  	v7 =	vshll.u32 v52, $0x5;
	v45 =	vld.idx.msk [tilespmem:v45+s18+$0x0], $0xffff;
	v51 =	vor.u32 v36, v61;
	[tilespmem:v46+s6+$0x0] =	vst.idx.msk $0xffff, v42;
	v42 =	vor.u32 s22, v18  }
0x414: {  	s17 =	simm.s32 $0x0;
	v35 =	vor.u32 v1, v7;
	[tilespmem:v47+s6+$0x0] =	vst.idx.msk $0xffff, v41;
	v41 =	vor.u32 s12, v20;
	v7 =	vld.idx.msk [tilespmem:v49+s18+$0x0], $0xffff  }
0x415: {  	s10 =	sor.u32 s17, s24;
	v44 =	vor.u32 v35, v61;
	v47 =	vor.u32 s5, v20;
	v46 =	vld.idx.msk [tilespmem:v48+s18+$0x0], $0xffff  }
0x416: {  	s1 =	sor.u32 s19, s17;
	v52 =	vor.u32 s10, v2;
	v9 =	vld.idx.msk [tilespmem:v9+s18+$0x0], $0xffff;
	v61 =	vor.u32 v40, v0;
	v48 =	vor.u32 s23, v15  }
0x417: {  	s11 =	sor.u32 s17, s30;
	v53 =	vor.u32 s0, v53;
	v43 =	vld.idx.msk [tilespmem:v43+s18+$0x0], $0xffff;
	[tilespmem:v5+s6+$0x0] =	vst.idx.msk $0xffff, v50;
	v5 =	vor.u32 s1, v2;
	v54 =	vor.u32 v38, v48  }
0x418: {  	v50 =	vor.u32 v34, v53;
	v51 =	vld.idx.msk [tilespmem:v51+s18+$0x0], $0xffff;
	[tilespmem:v42+s6+$0x0] =	vst.idx.msk $0xffff, v45;
	v42 =	vor.u32 s11, v2  }
0x419: {  	s15 =	sor.u32 s17, s26;
	v3 =	vld.idx.msk [tilespmem:v3+s18+$0x0], $0xffff;
	v45 =	vor.u32 v33, v53;
	[tilespmem:v41+s6+$0x0] =	vst.idx.msk $0xffff, v7;
	v7 =	vor.u32 s21, v18  }
0x41a: {  	v44 =	vld.idx.msk [tilespmem:v44+s18+$0x0], $0xffff;
	v41 =	vor.u32 v36, v53;
	[tilespmem:v47+s6+$0x0] =	vst.idx.msk $0xffff, v46;
	v46 =	vor.u32 s15, v2  }
0x41b: {  	v0 =	vor.u32 v39, v0;
	[tilespmem:v52+s6+$0x0] =	vst.idx.msk $0xffff, v9;
	v9 =	vor.u32 s22, v20;
	v61 =	vld.idx.msk [tilespmem:v61+s18+$0x0], $0xffff  }
0x41c: {  	v49 =	vor.u32 v35, v53;
	[tilespmem:v5+s6+$0x0] =	vst.idx.msk $0xffff, v43;
	v5 =	vor.u32 s5, v22;
	v52 =	vld.idx.msk [tilespmem:v54+s18+$0x0], $0xffff  }
0x41d: {  	v43 =	vor.u32 v40, v48;
	v50 =	vld.idx.msk [tilespmem:v50+s18+$0x0], $0xffff;
	v53 =	vor.u32 s23, v25;
	v54 =	vor.u32 s10, v4;
	[tilespmem:v42+s6+$0x0] =	vst.idx.msk $0xffff, v51  }
0x41e: {  	v42 =	vld.idx.msk [tilespmem:v45+s18+$0x0], $0xffff;
	v45 =	vor.u32 s0, v55;
	v51 =	vor.u32 v38, v53;
	[tilespmem:v7+s6+$0x0] =	vst.idx.msk $0xffff, v3;
	v3 =	vor.u32 s1, v4  }
0x41f: {  	v7 =	vor.u32 v34, v45;
	v41 =	vld.idx.msk [tilespmem:v41+s18+$0x0], $0xffff;
	[tilespmem:v46+s6+$0x0] =	vst.idx.msk $0xffff, v44;
	v44 =	vor.u32 s11, v4  }
0x420: {  	v46 =	vor.u32 v33, v45;
	[tilespmem:v9+s6+$0x0] =	vst.idx.msk $0xffff, v61;
	v9 =	vor.u32 s21, v20;
	v0 =	vld.idx.msk [tilespmem:v0+s18+$0x0], $0xffff  }
0x421: {  	v61 =	vor.u32 v36, v45;
	v49 =	vld.idx.msk [tilespmem:v49+s18+$0x0], $0xffff;
	[tilespmem:v5+s6+$0x0] =	vst.idx.msk $0xffff, v52;
	v5 =	vor.u32 s15, v4  }
0x422: {  	v52 =	vor.u32 v39, v48;
	v43 =	vld.idx.msk [tilespmem:v43+s18+$0x0], $0xffff;
	[tilespmem:v54+s6+$0x0] =	vst.idx.msk $0xffff, v50;
	v50 =	vor.u32 s22, v22  }
0x423: {  	v45 =	vor.u32 v35, v45;
	v51 =	vld.idx.msk [tilespmem:v51+s18+$0x0], $0xffff;
	[tilespmem:v3+s6+$0x0] =	vst.idx.msk $0xffff, v42;
	v3 =	vor.u32 s5, v24  }
0x424: {  	v54 =	vor.u32 s23, v62;
	v42 =	vor.u32 v40, v53;
	v7 =	vld.idx.msk [tilespmem:v7+s18+$0x0], $0xffff;
	[tilespmem:v44+s6+$0x0] =	vst.idx.msk $0xffff, v41;
	v41 =	vor.u32 s10, v6  }
0x425: {  	v44 =	vld.idx.msk [tilespmem:v46+s18+$0x0], $0xffff;
	v46 =	vor.u32 s0, v56;
	[tilespmem:v9+s6+$0x0] =	vst.idx.msk $0xffff, v0;
	v0 =	vor.u32 v38, v54;
	v9 =	vor.u32 s1, v6  }
0x426: {  	[tilespmem:v5+s6+$0x0] =	vst.idx.msk $0xffff, v49;
	v47 =	vld.idx.msk [tilespmem:v61+s18+$0x0], $0xffff;
	v61 =	vor.u32 s11, v6;
	v5 =	vor.u32 v34, v46  }
0x427: {  	[tilespmem:v50+s6+$0x0] =	vst.idx.msk $0xffff, v43;
	v43 =	vor.u32 s21, v22;
	v50 =	vor.u32 v33, v46;
	v52 =	vld.idx.msk [tilespmem:v52+s18+$0x0], $0xffff  }
0x428: {  	v21 =	vmov v56;
	v56 =	vor.u32 s15, v6;
	v45 =	vld.idx.msk [tilespmem:v45+s18+$0x0], $0xffff;
	[tilespmem:v3+s6+$0x0] =	vst.idx.msk $0xffff, v51;
	v3 =	vor.u32 v36, v46  }
0x429: {  	v48 =	vor.u32 v37, v48;
	v42 =	vld.idx.msk [tilespmem:v42+s18+$0x0], $0xffff;
	[tilespmem:v41+s6+$0x0] =	vst.idx.msk $0xffff, v7;
	v7 =	vor.u32 s22, v24  }
0x42a: {  	v27 =	vmov v57;
	v41 =	vor.u32 v35, v46;
	v0 =	vld.idx.msk [tilespmem:v0+s18+$0x0], $0xffff;
	[tilespmem:v9+s6+$0x0] =	vst.idx.msk $0xffff, v44;
	v9 =	vor.u32 s5, v26  }
0x42b: {  	v46 =	vor.u32 s23, v63;
	v44 =	vor.u32 v40, v54;
	[tilespmem:v61+s6+$0x0] =	vst.idx.msk $0xffff, v47;
	v61 =	vor.u32 s10, v8;
	v5 =	vld.idx.msk [tilespmem:v5+s18+$0x0], $0xffff  }
0x42c: {  	v49 =	vld.idx.msk [tilespmem:v50+s18+$0x0], $0xffff;
	v50 =	vor.u32 s0, v57;
	[tilespmem:v43+s6+$0x0] =	vst.idx.msk $0xffff, v52;
	v43 =	vor.u32 v38, v46;
	v57 =	vor.u32 s1, v8  }
0x42d: {  	v51 =	vor.u32 s11, v8;
	[tilespmem:v56+s6+$0x0] =	vst.idx.msk $0xffff, v45;
	v45 =	vor.u32 v34, v50;
	v3 =	vld.idx.msk [tilespmem:v3+s18+$0x0], $0xffff  }
0x42e: {  	v48 =	vld.idx.msk [tilespmem:v48+s18+$0x0], $0xffff;
	v56 =	vor.u32 v33, v50;
	[tilespmem:v7+s6+$0x0] =	vst.idx.msk $0xffff, v42;
	v7 =	vor.u32 s12, v22  }
0x42f: {  	[tilespmem:v9+s6+$0x0] =	vst.idx.msk $0xffff, v0;
	v0 =	vor.u32 v36, v50;
	v9 =	vld.idx.msk [tilespmem:v41+s18+$0x0], $0xffff;
	v41 =	vor.u32 s15, v8  }
0x430: {  	v44 =	vld.idx.msk [tilespmem:v44+s18+$0x0], $0xffff;
	[tilespmem:v61+s6+$0x0] =	vst.idx.msk $0xffff, v5;
	v5 =	vor.u32 v37, v53;
	v61 =	vor.u32 s22, v26  }
0x431: {  	v53 =	vor.u32 v39, v53;
	v43 =	vld.idx.msk [tilespmem:v43+s18+$0x0], $0xffff;
	[tilespmem:v57+s6+$0x0] =	vst.idx.msk $0xffff, v49  }
0x432: {  	v50 =	vor.u32 v35, v50;
	v57 =	vor.u32 s5, v28;
	v45 =	vld.idx.msk [tilespmem:v45+s18+$0x0], $0xffff;
	[tilespmem:v51+s6+$0x0] =	vst.idx.msk $0xffff, v3  }
0x433: {  	v52 =	vor.u32 s10, v10;
	v42 =	vld.idx.msk [tilespmem:v56+s18+$0x0], $0xffff;
	v3 =	vor.u32 v40, v46;
	v51 =	vor.u32 s0, v58;
	[tilespmem:v7+s6+$0x0] =	vst.idx.msk $0xffff, v48  }
0x434: {  	v7 =	vor.u32 s1, v10;
	v56 =	vor.u32 v34, v51;
	v0 =	vld.idx.msk [tilespmem:v0+s18+$0x0], $0xffff;
	[tilespmem:v41+s6+$0x0] =	vst.idx.msk $0xffff, v9  }
0x435: {  	v9 =	vor.u32 s11, v10;
	[tilespmem:v61+s6+$0x0] =	vst.idx.msk $0xffff, v44;
	v61 =	vor.u32 v33, v51;
	v5 =	vld.idx.msk [tilespmem:v5+s18+$0x0], $0xffff  }
0x436: {  	v41 =	vor.u32 s12, v24;
	v47 =	vor.u32 v36, v51;
	v53 =	vld.idx.msk [tilespmem:v53+s18+$0x0], $0xffff  }
0x437: {  	v49 =	vor.u32 v37, v54;
	[tilespmem:v57+s6+$0x0] =	vst.idx.msk $0xffff, v43;
	v57 =	vor.u32 s21, v24;
	v50 =	vld.idx.msk [tilespmem:v50+s18+$0x0], $0xffff  }
0x438: {  	v23 =	vmov v58;
	v58 =	vor.u32 s15, v10;
	[tilespmem:v52+s6+$0x0] =	vst.idx.msk $0xffff, v45;
	v52 =	vor.u32 v39, v54;
	v3 =	vld.idx.msk [tilespmem:v3+s18+$0x0], $0xffff  }
0x439: {  	[tilespmem:v7+s6+$0x0] =	vst.idx.msk $0xffff, v42;
	v7 =	vor.u32 s22, v28;
	v42 =	vor.u32 v35, v51;
	v51 =	vor.u32 s23, v11;
	v48 =	vld.idx.msk [tilespmem:v56+s18+$0x0], $0xffff  }
0x43a: {  	v54 =	vor.u32 s10, v12;
	[tilespmem:v9+s6+$0x0] =	vst.idx.msk $0xffff, v0;
	v9 =	vor.u32 s0, v59;
	v0 =	vld.idx.msk [tilespmem:v61+s18+$0x0], $0xffff;
	v61 =	vor.u32 v40, v51  }
0x43b: {  	[tilespmem:v41+s6+$0x0] =	vst.idx.msk $0xffff, v5;
	v5 =	vor.u32 s1, v12;
	v56 =	vor.u32 v34, v9;
	v47 =	vld.idx.msk [tilespmem:v47+s18+$0x0], $0xffff  }
0x43c: {  	v43 =	vor.u32 s11, v12;
	[tilespmem:v57+s6+$0x0] =	vst.idx.msk $0xffff, v53;
	v57 =	vor.u32 v33, v9;
	v49 =	vld.idx.msk [tilespmem:v49+s18+$0x0], $0xffff  }
0x43d: {  	v53 =	vor.u32 s12, v26;
	[tilespmem:v58+s6+$0x0] =	vst.idx.msk $0xffff, v50;
	v58 =	vor.u32 v36, v9;
	v52 =	vld.idx.msk [tilespmem:v52+s18+$0x0], $0xffff  }
0x43e: {  	[tilespmem:v7+s6+$0x0] =	vst.idx.msk $0xffff, v3;
	v3 =	vor.u32 s21, v26;
	v7 =	vor.u32 v37, v46;
	v42 =	vld.idx.msk [tilespmem:v42+s18+$0x0], $0xffff  }
0x43f: {  	v29 =	vmov v59;
	v59 =	vor.u32 s15, v12;
	v46 =	vor.u32 v39, v46;
	[tilespmem:v54+s6+$0x0] =	vst.idx.msk $0xffff, v48;
	v44 =	vld.idx.msk [tilespmem:v61+s18+$0x0], $0xffff  }
0x440: {  	v9 =	vor.u32 v35, v9;
	[tilespmem:v5+s6+$0x0] =	vst.idx.msk $0xffff, v0;
	v5 =	vld.idx.msk [tilespmem:v56+s18+$0x0], $0xffff;
	v61 =	vor.u32 s22, v30  }
0x441: {  	v45 =	vor.u32 s10, v14;
	v54 =	vor.u32 s23, v13;
	[tilespmem:v43+s6+$0x0] =	vst.idx.msk $0xffff, v47;
	v47 =	vor.u32 v38, v51;
	v43 =	vld.idx.msk [tilespmem:v57+s18+$0x0], $0xffff  }
0x442: {  	v40 =	vor.u32 v40, v54;
	[tilespmem:v53+s6+$0x0] =	vst.idx.msk $0xffff, v49;
	v49 =	vor.u32 s1, v14;
	v50 =	vld.idx.msk [tilespmem:v58+s18+$0x0], $0xffff  }
0x443: {  	v48 =	vor.u32 s11, v14;
	[tilespmem:v3+s6+$0x0] =	vst.idx.msk $0xffff, v52;
	v7 =	vld.idx.msk [tilespmem:v7+s18+$0x0], $0xffff  }
0x444: {  	v3 =	vor.u32 s12, v28;
	[tilespmem:v59+s6+$0x0] =	vst.idx.msk $0xffff, v42;
	v57 =	vld.idx.msk [tilespmem:v46+s18+$0x0], $0xffff  }
0x445: {  	v58 =	vor.u32 s21, v28;
	v9 =	vld.idx.msk [tilespmem:v9+s18+$0x0], $0xffff;
	[tilespmem:v61+s6+$0x0] =	vst.idx.msk $0xffff, v44  }
0x446: {  	[tilespmem:v45+s6+$0x0] =	vst.idx.msk $0xffff, v5;
	v5 =	vor.u32 s15, v14;
	v46 =	vld.idx.msk [tilespmem:v47+s18+$0x0], $0xffff  }
0x447: {  	v0 =	vor.u32 v37, v51;
	v47 =	vor.u32 s22, v32;
	v61 =	vld.idx.msk [tilespmem:v40+s18+$0x0], $0xffff;
	[tilespmem:v49+s6+$0x0] =	vst.idx.msk $0xffff, v43  }
0x448: {  	[tilespmem:v48+s6+$0x0] =	vst.idx.msk $0xffff, v50  }
0x449: {  	v53 =	vor.u32 s0, v60;
	[tilespmem:v3+s6+$0x0] =	vst.idx.msk $0xffff, v7  }
0x44a: {  	v41 =	vor.u32 v38, v54;
	v38 =	vor.u32 v36, v53;
	[tilespmem:v58+s6+$0x0] =	vst.idx.msk $0xffff, v57  }
0x44b: {  	v52 =	vor.u32 v33, v53;
	[tilespmem:v5+s6+$0x0] =	vst.idx.msk $0xffff, v9  }
0x44c: {  	v59 =	vor.u32 v39, v51;
	v42 =	vor.u32 v37, v54;
	v37 =	vld.idx.msk [tilespmem:v0+s18+$0x0], $0xffff;
	[tilespmem:v47+s6+$0x0] =	vst.idx.msk $0xffff, v61  }
0x44d: {  	v31 =	vmov v60;
	v55 =	vor.u32 s1, v17;
	v60 =	vor.u32 v35, v53;
	v0 =	vld [tilespmem:$0x1FF90]  }
0x44e: {  	v51 =	vor.u32 v34, v53;
	v39 =	vor.u32 v39, v54;
	v45 =	vor.u32 s12, v30  }
0x44f: {  	v44 =	vor.u32 s5, v32;
	v40 =	vor.u32 s21, v32;
	v56 =	vld.idx.msk [tilespmem:v38+s18+$0x0], $0xffff;
	v3 =	vor.u32 s0, v19  }
0x450: {  	v48 =	vor.u32 s5, v30;
	v43 =	vor.u32 s12, v32;
	v52 =	vld.idx.msk [tilespmem:v52+s18+$0x0], $0xffff;
	v54 =	vor.u32 v33, v3  }
0x451: {  	v58 =	vor.u32 s11, v17;
	v57 =	vor.u32 v36, v3;
	v53 =	vor.u32 v35, v3;
	v38 =	vld.idx.msk [tilespmem:v59+s18+$0x0], $0xffff  }
0x452: {  	v16 =	vmovc v19;
	s5 =	simm.s32 $0x4;
	s12 =	simm.s32 $0x80;
	v50 =	vor.u32 v34, v3;
	v59 =	vld.idx.msk [tilespmem:v60+s18+$0x0], $0xffff;
	v47 =	vor.u32 s21, v30;
	v19 =	vmovc v0;
	v49 =	vor.u32 s0, v0  }
.LBB2_9:
0x453: {  	_ =	sdelay $0x1  }
0x454: {  	s2 =	sand.u32 $0x40, s12;
	v0 =	vor.u32 s1, v18;
	v3 =	vld.idx.msk [tilespmem:v51+s18+$0x0], $0xffff;
	[tilespmem:v48+s6+$0x0] =	vst.idx.msk $0xffff, v46;
	v48 =	vor.u32 s15, v17  }
0x455: {  	s5 =	sadd.s32 $0x4, s5;
	v5 =	vor.u32 s11, v18;
	v7 =	vor.u32 v36, v49;
	v9 =	vmov s2;
	s19 =	sor.u32 $0x10, s2;
	s26 =	sor.u32 $0x30, s2;
	[tilespmem:v55+s6+$0x0] =	vst.idx.msk $0xffff, v52;
	v51 =	vld.idx.msk [tilespmem:v41+s18+$0x0], $0xffff  }
0x456: {  	s17 =	sshrl.u32 s5, $0x3;
	v9 =	vshll.u32 v9, $0x5;
	v61 =	vmov s19;
	v60 =	vmov s26;
	v54 =	vld.idx.msk [tilespmem:v54+s18+$0x0], $0xffff;
	[tilespmem:v58+s6+$0x0] =	vst.idx.msk $0xffff, v56  }
0x457: {  	s24 =	sshll.u32 s17, $0x4;
	v46 =	vor.u32 v33, v49;
	v41 =	vshll.u32 v61, $0x5;
	v58 =	vlaneseq.u32;
	[tilespmem:v47+s6+$0x0] =	vst.idx.msk $0xffff, v38;
	v56 =	vld.idx.msk [tilespmem:v57+s18+$0x0], $0xffff  }
0x458: {  	s23 =	sor.u32 $0x20, s2;
	v52 =	vshll.u32 v60, $0x5;
	[tilespmem:v45+s6+$0x0] =	vst.idx.msk $0xffff, v37;
	v60 =	vor.u32 s24, v58;
	v37 =	vor.u32 v1, v41;
	v57 =	vld.idx.msk [tilespmem:v39+s18+$0x0], $0xffff  }
0x459: {  	v61 =	vmov s23;
	v38 =	vor.u32 v1, v9;
	v42 =	vld.idx.msk [tilespmem:v42+s18+$0x0], $0xffff;
	v9 =	vor.u32 v37, v60;
	[tilespmem:v48+s6+$0x0] =	vst.idx.msk $0xffff, v59  }
0x45a: {  	v41 =	vor.u32 v1, v52;
	v61 =	vshll.u32 v61, $0x5;
	v58 =	vor.u32 v38, v60;
	v59 =	vld [tilespmem:$0x1FF40];
	[tilespmem:v44+s6+$0x0] =	vst.idx.msk $0xffff, v51  }
0x45b: {  	v39 =	vor.u32 v1, v61;
	v45 =	vor.u32 v41, v60;
	v48 =	vld.idx.msk [tilespmem:v53+s18+$0x0], $0xffff;
	[tilespmem:v0+s6+$0x0] =	vst.idx.msk $0xffff, v54  }
0x45c: {  	v47 =	vor.u32 v39, v60;
	v0 =	vor.u32 s10, v17;
	v60 =	vld.idx.msk [tilespmem:v46+s18+$0x0], $0xffff;
	[tilespmem:v5+s6+$0x0] =	vst.idx.msk $0xffff, v56  }
0x45d: {  	v5 =	vor.u32 s15, v18;
	v7 =	vld.idx.msk [tilespmem:v7+s18+$0x0], $0xffff  }
0x45e: {  	s17 =	sshll.u32 s17, $0xB;
	v61 =	vor.u32 s1, v20;
	v9 =	vld.idx.msk [tilespmem:v9+s18+$0x0], $0xffff  }
0x45f: {  	s21 =	sor.u32 s17, s19;
	v51 =	vor.u32 s0, v15;
	v53 =	vor.u32 s11, v20;
	v54 =	vor.u32 v35, v49;
	[tilespmem:v40+s6+$0x0] =	vst.idx.msk $0xffff, v57;
	v40 =	vld.idx.msk [tilespmem:v58+s18+$0x0], $0xffff  }
0x460: {  	s22 =	sor.u32 s2, s17;
	v55 =	vor.u32 s21, v2;
	v56 =	vor.u32 v36, v51;
	[tilespmem:v43+s6+$0x0] =	vst.idx.msk $0xffff, v42;
	v58 =	vld [tilespmem:$0x1FF50];
	v52 =	vor.u32 s24, v59  }
0x461: {  	s23 =	sor.u32 s17, s23;
	v42 =	vor.u32 s22, v2;
	v47 =	vld.idx.msk [tilespmem:v47+s18+$0x0], $0xffff;
	v43 =	vor.u32 v37, v52;
	[tilespmem:v0+s6+$0x0] =	vst.idx.msk $0xffff, v3  }
0x462: {  	v44 =	vor.u32 s10, v18;
	v57 =	vor.u32 s23, v2;
	v0 =	vor.u32 v38, v52;
	v50 =	vld.idx.msk [tilespmem:v50+s18+$0x0], $0xffff;
	[tilespmem:v5+s6+$0x0] =	vst.idx.msk $0xffff, v48  }
0x463: {  	s30 =	sor.u32 s17, s26;
	v3 =	vor.u32 v41, v52;
	v5 =	vor.u32 v39, v52;
	[tilespmem:v61+s6+$0x0] =	vst.idx.msk $0xffff, v60;
	v45 =	vld.idx.msk [tilespmem:v45+s18+$0x0], $0xffff  }
0x464: {  	v60 =	vor.u32 s30, v2;
	v61 =	vor.u32 v34, v49;
	[tilespmem:v53+s6+$0x0] =	vst.idx.msk $0xffff, v7;
	v7 =	vld.idx.msk [tilespmem:v54+s18+$0x0], $0xffff  }
0x465: {  	v49 =	vor.u32 s15, v20;
	v52 =	vor.u32 v35, v51;
	[tilespmem:v55+s6+$0x0] =	vst.idx.msk $0xffff, v9;
	v9 =	vld.idx.msk [tilespmem:v56+s18+$0x0], $0xffff  }
0x466: {  	[tilespmem:v42+s6+$0x0] =	vst.idx.msk $0xffff, v40;
	v42 =	vor.u32 v33, v51;
	v53 =	vor.u32 s11, v22;
	v40 =	vld.idx.msk [tilespmem:v43+s18+$0x0], $0xffff;
	v43 =	vor.u32 s0, v25  }
0x467: {  	v54 =	vor.u32 s24, v58;
	v55 =	vor.u32 s21, v4;
	[tilespmem:v57+s6+$0x0] =	vst.idx.msk $0xffff, v47;
	v0 =	vld.idx.msk [tilespmem:v0+s18+$0x0], $0xffff;
	v47 =	vor.u32 v36, v43  }
0x468: {  	v56 =	vor.u32 s22, v4;
	v57 =	vor.u32 v37, v54;
	v5 =	vld.idx.msk [tilespmem:v5+s18+$0x0], $0xffff;
	[tilespmem:v44+s6+$0x0] =	vst.idx.msk $0xffff, v50  }
0x469: {  	v59 =	vor.u32 v38, v54;
	v50 =	vor.u32 s23, v4;
	[tilespmem:v60+s6+$0x0] =	vst.idx.msk $0xffff, v45;
	v45 =	vld.idx.msk [tilespmem:v61+s18+$0x0], $0xffff  }
0x46a: {  	v60 =	vor.u32 s10, v20;
	v61 =	vor.u32 v39, v54;
	v3 =	vld.idx.msk [tilespmem:v3+s18+$0x0], $0xffff;
	[tilespmem:v49+s6+$0x0] =	vst.idx.msk $0xffff, v7  }
0x46b: {  	v7 =	vor.u32 s30, v4;
	v49 =	vor.u32 v34, v51;
	[tilespmem:v53+s6+$0x0] =	vst.idx.msk $0xffff, v9;
	v9 =	vld.idx.msk [tilespmem:v52+s18+$0x0], $0xffff  }
0x46c: {  	v54 =	vor.u32 v41, v54;
	[tilespmem:v55+s6+$0x0] =	vst.idx.msk $0xffff, v40;
	v40 =	vld.idx.msk [tilespmem:v47+s18+$0x0], $0xffff;
	v47 =	vor.u32 s15, v22  }
0x46d: {  	v51 =	vor.u32 v35, v43;
	v52 =	vor.u32 s0, v62;
	[tilespmem:v56+s6+$0x0] =	vst.idx.msk $0xffff, v0;
	v55 =	vor.u32 s11, v24;
	v0 =	vld.idx.msk [tilespmem:v57+s18+$0x0], $0xffff  }
0x46e: {  	v56 =	vor.u32 s24, v21;
	v44 =	vld.idx.msk [tilespmem:v59+s18+$0x0], $0xffff;
	v57 =	vor.u32 s21, v6;
	[tilespmem:v50+s6+$0x0] =	vst.idx.msk $0xffff, v5;
	v5 =	vor.u32 v36, v52  }
0x46f: {  	v50 =	vor.u32 s22, v6;
	v62 =	vor.u32 v37, v56;
	v48 =	vld.idx.msk [tilespmem:v61+s18+$0x0], $0xffff;
	[tilespmem:v60+s6+$0x0] =	vst.idx.msk $0xffff, v45  }
0x470: {  	v60 =	vor.u32 v38, v56;
	v61 =	vor.u32 s23, v6;
	[tilespmem:v7+s6+$0x0] =	vst.idx.msk $0xffff, v3;
	v7 =	vld.idx.msk [tilespmem:v49+s18+$0x0], $0xffff  }
0x471: {  	v45 =	vor.u32 s10, v22;
	v49 =	vor.u32 v39, v56;
	v54 =	vld.idx.msk [tilespmem:v54+s18+$0x0], $0xffff;
	[tilespmem:v47+s6+$0x0] =	vst.idx.msk $0xffff, v9  }
0x472: {  	v53 =	vor.u32 v34, v43;
	v9 =	vor.u32 s30, v6;
	[tilespmem:v55+s6+$0x0] =	vst.idx.msk $0xffff, v40;
	v40 =	vld.idx.msk [tilespmem:v51+s18+$0x0], $0xffff  }
0x473: {  	v56 =	vor.u32 v41, v56;
	[tilespmem:v57+s6+$0x0] =	vst.idx.msk $0xffff, v0;
	v0 =	vld.idx.msk [tilespmem:v5+s18+$0x0], $0xffff;
	v5 =	vor.u32 s15, v24  }
0x474: {  	v47 =	vor.u32 v35, v52;
	[tilespmem:v50+s6+$0x0] =	vst.idx.msk $0xffff, v44;
	v55 =	vor.u32 s11, v26;
	v44 =	vld.idx.msk [tilespmem:v62+s18+$0x0], $0xffff;
	v51 =	vor.u32 s0, v63  }
0x475: {  	v58 =	vor.u32 s21, v8;
	v57 =	vor.u32 s24, v27;
	v46 =	vld.idx.msk [tilespmem:v60+s18+$0x0], $0xffff;
	[tilespmem:v61+s6+$0x0] =	vst.idx.msk $0xffff, v48;
	v48 =	vor.u32 v36, v51  }
0x476: {  	v59 =	vor.u32 s22, v8;
	v60 =	vor.u32 v37, v57;
	v49 =	vld.idx.msk [tilespmem:v49+s18+$0x0], $0xffff;
	[tilespmem:v45+s6+$0x0] =	vst.idx.msk $0xffff, v7  }
0x477: {  	v62 =	vor.u32 s23, v8;
	v7 =	vor.u32 v38, v57;
	[tilespmem:v9+s6+$0x0] =	vst.idx.msk $0xffff, v54;
	v9 =	vld.idx.msk [tilespmem:v42+s18+$0x0], $0xffff  }
0x478: {  	v43 =	vor.u32 v33, v43;
	v3 =	vor.u32 s1, v22;
	v56 =	vld.idx.msk [tilespmem:v56+s18+$0x0], $0xffff;
	[tilespmem:v5+s6+$0x0] =	vst.idx.msk $0xffff, v40  }
0x479: {  	v54 =	vor.u32 v39, v57;
	v5 =	vor.u32 s30, v8;
	[tilespmem:v55+s6+$0x0] =	vst.idx.msk $0xffff, v0;
	v0 =	vld.idx.msk [tilespmem:v47+s18+$0x0], $0xffff  }
0x47a: {  	v50 =	vor.u32 v33, v52;
	[tilespmem:v58+s6+$0x0] =	vst.idx.msk $0xffff, v44;
	v47 =	vld.idx.msk [tilespmem:v48+s18+$0x0], $0xffff;
	v48 =	vor.u32 s15, v26  }
0x47b: {  	v57 =	vor.u32 v41, v57;
	[tilespmem:v59+s6+$0x0] =	vst.idx.msk $0xffff, v46;
	v55 =	vor.u32 s11, v28;
	v46 =	vld.idx.msk [tilespmem:v60+s18+$0x0], $0xffff  }
0x47c: {  	v40 =	vor.u32 v35, v51;
	v58 =	vor.u32 s24, v23;
	v7 =	vld.idx.msk [tilespmem:v7+s18+$0x0], $0xffff;
	v60 =	vor.u32 s21, v10;
	[tilespmem:v62+s6+$0x0] =	vst.idx.msk $0xffff, v49  }
0x47d: {  	v61 =	vor.u32 s22, v10;
	v62 =	vor.u32 v37, v58;
	v53 =	vld.idx.msk [tilespmem:v53+s18+$0x0], $0xffff;
	[tilespmem:v3+s6+$0x0] =	vst.idx.msk $0xffff, v9  }
0x47e: {  	v42 =	vor.u32 s1, v24;
	v54 =	vld.idx.msk [tilespmem:v54+s18+$0x0], $0xffff;
	v3 =	vor.u32 v38, v58;
	v9 =	vor.u32 s23, v10;
	[tilespmem:v5+s6+$0x0] =	vst.idx.msk $0xffff, v56  }
0x47f: {  	v44 =	vor.u32 v34, v52;
	v5 =	vld.idx.msk [tilespmem:v43+s18+$0x0], $0xffff;
	v56 =	vor.u32 v39, v58;
	[tilespmem:v48+s6+$0x0] =	vst.idx.msk $0xffff, v0  }
0x480: {  	v52 =	vor.u32 v33, v51;
	v48 =	vor.u32 s10, v24;
	[tilespmem:v55+s6+$0x0] =	vst.idx.msk $0xffff, v47;
	v0 =	vld.idx.msk [tilespmem:v57+s18+$0x0], $0xffff  }
0x481: {  	v49 =	vor.u32 v34, v51;
	[tilespmem:v60+s6+$0x0] =	vst.idx.msk $0xffff, v46;
	v46 =	vor.u32 s30, v10;
	v40 =	vld.idx.msk [tilespmem:v40+s18+$0x0], $0xffff  }
0x482: {  	v45 =	vor.u32 s0, v11;
	v58 =	vor.u32 v41, v58;
	[tilespmem:v61+s6+$0x0] =	vst.idx.msk $0xffff, v7;
	v47 =	vor.u32 s15, v28;
	v7 =	vld.idx.msk [tilespmem:v62+s18+$0x0], $0xffff  }
0x483: {  	v51 =	vor.u32 s24, v29;
	v60 =	vor.u32 s21, v12;
	v3 =	vld.idx.msk [tilespmem:v3+s18+$0x0], $0xffff;
	[tilespmem:v9+s6+$0x0] =	vst.idx.msk $0xffff, v54;
	v9 =	vor.u32 v35, v45  }
0x484: {  	v61 =	vor.u32 s22, v12;
	v62 =	vor.u32 v37, v51;
	v56 =	vld.idx.msk [tilespmem:v56+s18+$0x0], $0xffff;
	[tilespmem:v42+s6+$0x0] =	vst.idx.msk $0xffff, v5  }
0x485: {  	v5 =	vor.u32 v38, v51;
	v42 =	vor.u32 s23, v12;
	v50 =	vld.idx.msk [tilespmem:v50+s18+$0x0], $0xffff;
	[tilespmem:v48+s6+$0x0] =	vst.idx.msk $0xffff, v53  }
0x486: {  	v43 =	vor.u32 s1, v26;
	v48 =	vor.u32 v39, v51;
	[tilespmem:v46+s6+$0x0] =	vst.idx.msk $0xffff, v0;
	v44 =	vld.idx.msk [tilespmem:v44+s18+$0x0], $0xffff  }
0x487: {  	v0 =	vor.u32 v41, v51;
	v51 =	vor.u32 s10, v26;
	v46 =	vld.idx.msk [tilespmem:v58+s18+$0x0], $0xffff;
	[tilespmem:v47+s6+$0x0] =	vst.idx.msk $0xffff, v40  }
0x488: {  	[tilespmem:v60+s6+$0x0] =	vst.idx.msk $0xffff, v7;
	v7 =	vor.u32 s30, v12;
	v9 =	vld.idx.msk [tilespmem:v9+s18+$0x0], $0xffff  }
0x489: {  	v54 =	vor.u32 s15, v30;
	v53 =	vor.u32 v33, v45;
	[tilespmem:v61+s6+$0x0] =	vst.idx.msk $0xffff, v3;
	v3 =	vld.idx.msk [tilespmem:v62+s18+$0x0], $0xffff  }
0x48a: {  	v55 =	vor.u32 s21, v14;
	v40 =	vor.u32 v36, v45;
	v47 =	vor.u32 s0, v13;
	s0 =	smov.u32 s24;
	v5 =	vld.idx.msk [tilespmem:v5+s18+$0x0], $0xffff;
	[tilespmem:v42+s6+$0x0] =	vst.idx.msk $0xffff, v56  }
0x48b: {  	v57 =	vor.u32 s22, v14;
	v56 =	vor.u32 v35, v47;
	v42 =	vor.u32 s0, v31;
	v48 =	vld.idx.msk [tilespmem:v48+s18+$0x0], $0xffff;
	[tilespmem:v43+s6+$0x0] =	vst.idx.msk $0xffff, v50  }
0x48c: {  	v59 =	vor.u32 s1, v28;
	v43 =	vor.u32 v38, v42;
	v50 =	vor.u32 s23, v14;
	v58 =	vld.idx.msk [tilespmem:v52+s18+$0x0], $0xffff;
	[tilespmem:v51+s6+$0x0] =	vst.idx.msk $0xffff, v44  }
0x48d: {  	v60 =	vor.u32 v34, v45;
	v61 =	vor.u32 v39, v42;
	[tilespmem:v7+s6+$0x0] =	vst.idx.msk $0xffff, v46;
	v49 =	vld.idx.msk [tilespmem:v49+s18+$0x0], $0xffff  }
0x48e: {  	v35 =	vmov v41;
	v41 =	vor.u32 v36, v47;
	v0 =	vld.idx.msk [tilespmem:v0+s18+$0x0], $0xffff;
	[tilespmem:v54+s6+$0x0] =	vst.idx.msk $0xffff, v9  }
0x48f: {  	v62 =	vor.u32 s10, v28;
	v36 =	vmov v39;
	v39 =	vor.u32 v34, v47;
	v46 =	vld.idx.msk [tilespmem:v40+s18+$0x0], $0xffff;
	[tilespmem:v55+s6+$0x0] =	vst.idx.msk $0xffff, v3  }
0x490: {  	v51 =	vor.u32 v37, v42;
	v3 =	vor.u32 s30, v14;
	v9 =	vld.idx.msk [tilespmem:v56+s18+$0x0], $0xffff;
	[tilespmem:v57+s6+$0x0] =	vst.idx.msk $0xffff, v5  }
0x491: {  	p1 =	slt.u32 s5, $0xC;
	v7 =	vor.u32 v35, v42;
	v5 =	vor.u32 s15, v32;
	v52 =	vld.idx.msk [tilespmem:v43+s18+$0x0], $0xffff;
	[tilespmem:v50+s6+$0x0] =	vst.idx.msk $0xffff, v48  }
.Ltmp5:
0x492: {  	v45 =	vor.u32 s1, v30;
	v44 =	vor.u32 s11, v32;
	v42 =	vor.u32 v33, v47;
	v56 =	vld.idx.msk [tilespmem:v61+s18+$0x0], $0xffff;
	[tilespmem:v59+s6+$0x0] =	vst.idx.msk $0xffff, v58;
	(pc) =	sbr.rel @p1 .LBB2_9-.Ltmp5, $4  }
0x493: {  	v34 =	vmovc v37;
	v33 =	vmovc v38;
	v40 =	vor.u32 s10, v32;
	v47 =	vor.u32 s0, v16;
	v55 =	vor.u32 s22, v17;
	v37 =	vld.idx.msk [tilespmem:v53+s18+$0x0], $0xffff  }
0x494: {  	v54 =	vor.u32 v33, v47;
	v57 =	vor.u32 v36, v47;
	v48 =	vor.u32 s11, v30;
	s11 =	smov.u32 s23;
	[tilespmem:v62+s6+$0x0] =	vst.idx.msk $0xffff, v49;
	v62 =	vld [tilespmem:$0x1FF30]  }
0x495: {  	s12 =	sadd.s32 $0x40, s12;
	v43 =	vor.u32 s1, v32;
	v50 =	vor.u32 v34, v47;
	v58 =	vor.u32 s11, v17;
	[tilespmem:v3+s6+$0x0] =	vst.idx.msk $0xffff, v0;
	v38 =	vld.idx.msk [tilespmem:v60+s18+$0x0], $0xffff  }
0x496: {  	s15 =	smov.u32 s30;
	s1 =	smov.u32 s22;
	v53 =	vor.u32 v35, v47;
	v49 =	vor.u32 s0, v19;
	v47 =	vor.u32 s10, v30;
	s10 =	smov.u32 s21;
	v59 =	vld.idx.msk [tilespmem:v7+s18+$0x0], $0xffff;
	[tilespmem:v5+s6+$0x0] =	vst.idx.msk $0xffff, v9  }
0x497: {  	_ =	sdelay $0x1  }
0x498: {  	v0 =	vor.u32 s15, v17;
	_ =	sdelay $0x1  }
0x499: {  	v3 =	vld.idx.msk [tilespmem:v51+s18+$0x0], $0xffff;
	v5 =	vor.u32 s10, v17;
	_ =	sdelay $0x2  }
0x49a: {  	[tilespmem:v0+s6+$0x0] =	vst.idx.msk $0xffff, v59  }
0x49b: {  	[tilespmem:v58+s6+$0x0] =	vst.idx.msk $0xffff, v56;
	v7 =	vor.u32 s15, v18;
	v0 =	vld.idx.msk [tilespmem:v53+s18+$0x0], $0xffff  }
0x49c: {  	v9 =	vor.u32 s11, v18;
	v58 =	vor.u32 v35, v49;
	v57 =	vld.idx.msk [tilespmem:v57+s18+$0x0], $0xffff;
	[tilespmem:v5+s6+$0x0] =	vst.idx.msk $0xffff, v3  }
0x49d: {  	[tilespmem:v55+s6+$0x0] =	vst.idx.msk $0xffff, v52;
	v3 =	vor.u32 v36, v49;
	v59 =	vor.u32 s10, v18;
	v5 =	vld.idx.msk [tilespmem:v50+s18+$0x0], $0xffff  }
0x49e: {  	v60 =	vor.u32 s1, v18;
	v61 =	vor.u32 v34, v49;
	v54 =	vld.idx.msk [tilespmem:v54+s18+$0x0], $0xffff  }
0x49f: {  	v56 =	vor.u32 v33, v49  }
0x4a0: {  	[tilespmem:v7+s6+$0x0] =	vst.idx.msk $0xffff, v0  }
0x4a1: {  	[tilespmem:v9+s6+$0x0] =	vst.idx.msk $0xffff, v57;
	v9 =	vor.u32 s15, v20;
	v0 =	vor.u32 s0, v15;
	v7 =	vld.idx.msk [tilespmem:v58+s18+$0x0], $0xffff  }
0x4a2: {  	v57 =	vor.u32 s11, v20;
	v3 =	vld.idx.msk [tilespmem:v3+s18+$0x0], $0xffff;
	[tilespmem:v59+s6+$0x0] =	vst.idx.msk $0xffff, v5;
	v58 =	vor.u32 v35, v0  }
0x4a3: {  	[tilespmem:v60+s6+$0x0] =	vst.idx.msk $0xffff, v54;
	v59 =	vor.u32 s10, v20;
	v5 =	vor.u32 v36, v0;
	v50 =	vld.idx.msk [tilespmem:v61+s18+$0x0], $0xffff  }
0x4a4: {  	v60 =	vor.u32 s1, v20;
	v49 =	vld.idx.msk [tilespmem:v56+s18+$0x0], $0xffff;
	v61 =	vor.u32 v34, v0  }
0x4a5: {  	v0 =	vor.u32 v33, v0  }
0x4a6: {  	[tilespmem:v9+s6+$0x0] =	vst.idx.msk $0xffff, v7  }
0x4a7: {  	[tilespmem:v57+s6+$0x0] =	vst.idx.msk $0xffff, v3;
	v3 =	vor.u32 s0, v25;
	v9 =	vor.u32 s15, v22;
	v7 =	vld.idx.msk [tilespmem:v58+s18+$0x0], $0xffff  }
0x4a8: {  	v51 =	vor.u32 s11, v22;
	v57 =	vor.u32 v35, v3;
	v5 =	vld.idx.msk [tilespmem:v5+s18+$0x0], $0xffff;
	[tilespmem:v59+s6+$0x0] =	vst.idx.msk $0xffff, v50  }
0x4a9: {  	[tilespmem:v60+s6+$0x0] =	vst.idx.msk $0xffff, v49;
	v59 =	vor.u32 s10, v22;
	v58 =	vor.u32 v36, v3;
	v52 =	vld.idx.msk [tilespmem:v61+s18+$0x0], $0xffff  }
0x4aa: {  	v60 =	vor.u32 v34, v3;
	v0 =	vld.idx.msk [tilespmem:v0+s18+$0x0], $0xffff;
	v61 =	vor.u32 s1, v22  }
0x4ab: {  	v3 =	vor.u32 v33, v3  }
0x4ac: {  	[tilespmem:v9+s6+$0x0] =	vst.idx.msk $0xffff, v7  }
0x4ad: {  	[tilespmem:v51+s6+$0x0] =	vst.idx.msk $0xffff, v5;
	v5 =	vor.u32 s0, v62;
	v9 =	vor.u32 s15, v24;
	v7 =	vld.idx.msk [tilespmem:v57+s18+$0x0], $0xffff  }
0x4ae: {  	v62 =	vor.u32 s11, v24;
	v49 =	vld.idx.msk [tilespmem:v58+s18+$0x0], $0xffff;
	[tilespmem:v59+s6+$0x0] =	vst.idx.msk $0xffff, v52;
	v57 =	vor.u32 v35, v5  }
0x4af: {  	v58 =	vor.u32 v36, v5;
	[tilespmem:v61+s6+$0x0] =	vst.idx.msk $0xffff, v0;
	v59 =	vor.u32 s10, v24;
	v0 =	vld.idx.msk [tilespmem:v60+s18+$0x0], $0xffff  }
0x4b0: {  	v61 =	vor.u32 v34, v5;
	v60 =	vor.u32 s1, v24;
	v3 =	vld.idx.msk [tilespmem:v3+s18+$0x0], $0xffff  }
0x4b1: {  	v5 =	vor.u32 v33, v5  }
0x4b2: {  	[tilespmem:v9+s6+$0x0] =	vst.idx.msk $0xffff, v7  }
0x4b3: {  	[tilespmem:v62+s6+$0x0] =	vst.idx.msk $0xffff, v49;
	v62 =	vor.u32 s15, v26;
	v7 =	vor.u32 s0, v63;
	v9 =	vld.idx.msk [tilespmem:v57+s18+$0x0], $0xffff  }
0x4b4: {  	v50 =	vld.idx.msk [tilespmem:v58+s18+$0x0], $0xffff;
	[tilespmem:v59+s6+$0x0] =	vst.idx.msk $0xffff, v0;
	v57 =	vor.u32 s11, v26;
	v58 =	vor.u32 v35, v7  }
0x4b5: {  	[tilespmem:v60+s6+$0x0] =	vst.idx.msk $0xffff, v3;
	v59 =	vor.u32 s10, v26;
	v0 =	vor.u32 v36, v7;
	v3 =	vld.idx.msk [tilespmem:v61+s18+$0x0], $0xffff  }
0x4b6: {  	v60 =	vor.u32 v34, v7;
	v61 =	vor.u32 s1, v26;
	v5 =	vld.idx.msk [tilespmem:v5+s18+$0x0], $0xffff  }
0x4b7: {  	v7 =	vor.u32 v33, v7  }
0x4b8: {  	[tilespmem:v62+s6+$0x0] =	vst.idx.msk $0xffff, v9  }
0x4b9: {  	v56 =	vor.u32 s15, v28;
	[tilespmem:v57+s6+$0x0] =	vst.idx.msk $0xffff, v50;
	v62 =	vor.u32 s0, v11;
	v9 =	vld.idx.msk [tilespmem:v58+s18+$0x0], $0xffff  }
0x4ba: {  	v57 =	vor.u32 s11, v28;
	[tilespmem:v59+s6+$0x0] =	vst.idx.msk $0xffff, v3;
	v0 =	vld.idx.msk [tilespmem:v0+s18+$0x0], $0xffff;
	v58 =	vor.u32 v35, v62  }
0x4bb: {  	[tilespmem:v61+s6+$0x0] =	vst.idx.msk $0xffff, v5;
	v59 =	vor.u32 s10, v28;
	v3 =	vor.u32 v36, v62;
	v5 =	vld.idx.msk [tilespmem:v60+s18+$0x0], $0xffff  }
0x4bc: {  	[tilespmem:v48+s6+$0x0] =	vst.idx.msk $0xffff, v46;
	v60 =	vor.u32 s1, v28;
	v61 =	vor.u32 v34, v62;
	v7 =	vld.idx.msk [tilespmem:v7+s18+$0x0], $0xffff  }
0x4bd: {  	[tilespmem:v45+s6+$0x0] =	vst.idx.msk $0xffff, v37;
	v62 =	vor.u32 v33, v62  }
0x4be: {  	v41 =	vld.idx.msk [tilespmem:v41+s18+$0x0], $0xffff;
	[tilespmem:v56+s6+$0x0] =	vst.idx.msk $0xffff, v9  }
0x4bf: {  	v54 =	vor.u32 s15, v30;
	[tilespmem:v57+s6+$0x0] =	vst.idx.msk $0xffff, v0;
	v9 =	vor.u32 s0, v13;
	v0 =	vld.idx.msk [tilespmem:v58+s18+$0x0], $0xffff  }
0x4c0: {  	v56 =	vor.u32 s11, v30;
	[tilespmem:v59+s6+$0x0] =	vst.idx.msk $0xffff, v5;
	v55 =	vor.u32 v35, v9;
	v3 =	vld.idx.msk [tilespmem:v3+s18+$0x0], $0xffff  }
0x4c1: {  	[tilespmem:v60+s6+$0x0] =	vst.idx.msk $0xffff, v7;
	v57 =	vor.u32 s10, v30;
	v5 =	vor.u32 v36, v9;
	v7 =	vld.idx.msk [tilespmem:v61+s18+$0x0], $0xffff  }
0x4c2: {  	[tilespmem:v47+s6+$0x0] =	vst.idx.msk $0xffff, v38;
	v58 =	vor.u32 s1, v30;
	v59 =	vor.u32 v34, v9;
	v37 =	vld.idx.msk [tilespmem:v62+s18+$0x0], $0xffff  }
0x4c3: {  	v39 =	vld.idx.msk [tilespmem:v39+s18+$0x0], $0xffff;
	[tilespmem:v44+s6+$0x0] =	vst.idx.msk $0xffff, v41;
	v9 =	vor.u32 v33, v9  }
0x4c4: {  	v60 =	vld.idx.msk [tilespmem:v42+s18+$0x0], $0xffff;
	[tilespmem:v54+s6+$0x0] =	vst.idx.msk $0xffff, v0  }
0x4c5: {  	v61 =	vor.u32 s15, v32;
	[tilespmem:v56+s6+$0x0] =	vst.idx.msk $0xffff, v3;
	v0 =	vld.idx.msk [tilespmem:v55+s18+$0x0], $0xffff  }
0x4c6: {  	v3 =	vor.u32 s11, v32;
	[tilespmem:v57+s6+$0x0] =	vst.idx.msk $0xffff, v7;
	v5 =	vld.idx.msk [tilespmem:v5+s18+$0x0], $0xffff  }
0x4c7: {  	v7 =	vor.u32 s10, v32;
	[tilespmem:v58+s6+$0x0] =	vst.idx.msk $0xffff, v37;
	v34 =	vld.idx.msk [tilespmem:v59+s18+$0x0], $0xffff  }
0x4c8: {  	[tilespmem:v40+s6+$0x0] =	vst.idx.msk $0xffff, v39;
	v62 =	vor.u32 s1, v32;
	v9 =	vld.idx.msk [tilespmem:v9+s18+$0x0], $0xffff  }
0x4c9: {  	[tilespmem:v43+s6+$0x0] =	vst.idx.msk $0xffff, v60  }
0x4ca: {  	[tilespmem:v61+s6+$0x0] =	vst.idx.msk $0xffff, v0  }
0x4cb: {  	[tilespmem:v3+s6+$0x0] =	vst.idx.msk $0xffff, v5  }
0x4cc: {  	s22 =	sor.u32 $0x180, s29;
	s23 =	rddreg [dreg:$0x1];
	[tilespmem:v7+s6+$0x0] =	vst.idx.msk $0xffff, v34  }
0x4cd: {  	s1 =	sadd.s32 s23, s22;
	[tilespmem:v62+s6+$0x0] =	vst.idx.msk $0xffff, v9  }
0x4ce: {  	[hbm4b:s1+s3] =	stream.linear.scatter [tilespmem:s6], [sflag:$0x8], $0x400, $0x38;
	[tilespmem:$0xE400] =	vst v63  }
0x4cf: {  	s2 =	simm.s32 $0xD800;
	s24 =	sadd.s32 s22, s7  }
0x4d0: {  	[hbm4b:s24+s3] =	stream.linear.scatter [tilespmem:s2], [sflag:$0x8], $0x400, $0x38;
	[tilespmem:$0xE400] =	vst v63  }
.Ltmp6:
0x4d1: {  	_ = 	snop;
	(pc) =	sbr.rel @p0 .LBB2_12-.Ltmp6, $4  }
0x4d2: {  	s29 =	simm.s32 $0xDC00;
	s26 =	sadd.s32 s22, s8  }
0x4d3: {  	[hbm4b:s26+s3] =	stream.linear.scatter [tilespmem:s29], [sflag:$0x8], $0x400, $0x38;
	[tilespmem:$0xE400] =	vst v63  }
0x4d4: {  	s30 =	simm.s32 $0xE000;
	s0 =	sadd.s32 s22, s9  }
0x4d5: {  	v29 =	vmov v25;
	[hbm4b:s0+s3] =	stream.linear.scatter [tilespmem:s30], [sflag:$0x8], $0x400, $0x38;
	[tilespmem:$0xE400] =	vst v63  }
0x4d6: {  	v37 =	vld [tilespmem:$0x1FF40]  }
0x4d7: {  	v61 =	vld [tilespmem:$0x1FF50]  }
0x4d8: {  	v5 =	vld [tilespmem:$0x1FF60]  }
0x4d9: {  	v16 =	vld [tilespmem:$0x1FF70]  }
.Ltmp7:
0x4da: {  	v19 =	vld [tilespmem:$0x1FF80];
	(pc) =	sbr.rel .LBB2_2-.Ltmp7, $4  }
0x4db: {  	s0 =	sshll.u32 s28, $0xB;
	v21 =	vld [tilespmem:$0x1FFA0]  }
0x4dc: {  	v9 =	vld [tilespmem:$0x1FFB0];
	s0 =	sshra.s32 s0, $0x2  }
0x4dd: {  	s1 =	simm.s32 $0x80;
	s28 =	sadd.s32 $0x1, s28;
	v23 =	vld [tilespmem:$0x1FFC0];
	s0 =	sadd.s32 $0x380, s0  }
0x4de: {  	v56 =	vlaneseq.u32;
	v27 =	vld [tilespmem:$0x1FF90];
	[tilespmem:s18], [sflag:$0x4] =	stream.indirect.gather [hbm4b:s4+s1], $0x20, s0, s1, $0xb8  }
.LBB2_13:
0x4df: {  	_ =	sfence.sel $0x180000  }
0x4e0: {  	[bflag:$0x0] =	sbarrier.arrive $0xFFFF  }
0x4e1: {  	_ =	strace $0x90000047  }
0x4e2: {  	s0 =	stileid.u32;
	[bflag:$0x2] =	sbarrier.arrive $0xFFFF  }
0x4e3: {  	p0 =	sne.s32 s0, $0x0;
	s0 =	rddreg [dreg:$0x2]  }
0x4e4: {  	s0 =	sadd.s32 @!p0 $0x100000, s0  }
0x4e5: {  	[sflag:s0] =	ssyncadd.tile.s32 @!p0 $0x1;
	_ =	shalt  }
.Lfunc_end2:
_tile_overlayer_lowered:
.L_overlay_start_2:
0x4e6: {  	(tag) =	ssettag $0x2  }
0x4e7: {  	s0 =	rddreg [dreg:$0x0];
	s2 =	stileid.u32  }
0x4e8: {  	s1 =	rddreg [dreg:$0x1];
	p0 =	sne.s32 s2, $0x0  }
0x4e9: {  	s3 =	rddreg [dreg:$0x2];
	[bflag:$0x3] =	sbarrier.arrive $0xFFFF;
	s2 =	simm.s32 @!p0 $0x1C09  }
0x4ea: {  	[timem:s3], [sflag:s2] =	dma.local @!p0 [hbm:s0], s1  }
0x4eb: {  	s0 =	simm.s32 @!p0 $0x9  }
0x4ec: {  	_ =	swait.ge @!p0 [sflag:s0], s1  }
0x4ed: {  	s1 =	ssub.s32 @!p0 $0x0, s1;
	[sflag:s0] =	ssyncset.done @!p0 $0x0  }
0x4ee: {  	[sflag:s0] =	ssyncadd.s32 @!p0 s1  }
0x4ef: {  	[bflag:$0x3] =	sbarrier.arrive $0xFFFF  }
0x4f0: {  	_ =	shalt  }

</sc_bundles>
